<compile_context>
chip_gen: v7x
topology: tpu7x:2x2x1
jax: 0.10.2.dev20260603
libtpu: 0.0.44.dev20260713+nightly
codegen_flags: <defaults>
</compile_context>

<pallas_src>
import numpy as np
import jax
import jax.numpy as jnp
from jax import lax
from jax.experimental import pallas as pl
from jax.experimental.pallas import tpu as pltpu
from jax.experimental.pallas import tpu_sc as plsc

R = 6
H, W = 64, 128
Hh, Ww = 32, 64
NCH = R * 5
NIMG = 8 * 32
NTASK = NIMG * NCH
NWORK = 32
TPW = NTASK // NWORK
NOUT = Hh * Ww
CHW = H * W
IMW = NCH * CHW
TAB = 7 * NOUT
BUF = 8448

_RUNA = 8192
_LEFT = 8256
_CORNER = 8320
_COLB = 8384


def _gather_table() -> np.ndarray:
    hg, wg = np.meshgrid(np.arange(Hh), np.arange(Ww), indexing="ij")
    dh = np.array([0, 1, 1, 0, -1, -1, 0])
    dw = np.array([0, 0, 1, 1, 0, -1, -1])
    nh = 1 + 2 * hg[..., None] + dh
    nw = 1 + 2 * wg[..., None] + dw
    off = np.empty((Hh, Ww, 7), np.int64)
    m = (nh >= 1) & (nw >= 1)
    off[m] = (nh[m] - 1) * W + (nw[m] - 1)
    m = (nw == 0) & (nh >= 1)
    off[m] = _CORNER - nh[m]
    m = (nh == 0) & (nw == 0)
    off[m] = _CORNER
    m = (nh == 0) & (nw >= 1) & (nw <= 64)
    off[m] = _RUNA + nw[m] - 1
    m = (nh == 0) & (nw >= 65)
    off[m] = (_COLB + 128) - nw[m]
    colb = (np.arange(64, dtype=np.int32) * W + (W - 1))
    misc = np.empty((32,), np.int32)
    misc[0:16] = 127
    misc[0:4] = (127, 8064, _COLB, _LEFT)
    misc[16:32] = 63
    misc[16:18] = (63, 1984)
    bnd = [(0, j) for j in range(Ww)] + [(i, 0) for i in range(1, Hh)]
    bnd.append((Hh - 1, 0))
    bnd_off = np.stack([off[i, j] for (i, j) in bnd])
    bnd_pos = np.array([i * Ww + j for (i, j) in bnd], np.int32)
    return np.concatenate(
        [colb, misc, bnd_off.T.astype(np.int32).ravel(), bnd_pos]
    )


_IDX_TAB = _gather_table()
_COLB_OFF = 0
_MISC_OFF = 64
_BND_OFF = 96
_BNDPOS_OFF = 96 + 7 * 96
_TABLEN = _BNDPOS_OFF + 96
_DELTAS = (1, 128, 129, 130, 257, 258)


def _body(
    x_hbm, idx_hbm, out_hbm, idxv, buf0, buf1, buf2, buf3,
    cidx0, cidx1, cidx2, cidx3, ob0, ob1, ob2, ob3,
    sem0, sem1, sem2, sem3, osem0, osem1, osem2, osem3,
):
    wid = lax.axis_index("s") * 2 + lax.axis_index("c")
    pltpu.sync_copy(idx_hbm, idxv)
    zeros = jnp.zeros((16,), jnp.float32)
    sc_idx = idxv[pl.ds(_MISC_OFF, 16)]
    oc_idx = idxv[pl.ds(_MISC_OFF + 16, 16)]
    two_iota = lax.iota(jnp.int32, 16) * 2
    dvecs = [jnp.full((16,), d, jnp.int32) for d in _DELTAS]
    tbase = wid * TPW

    def neighbors(t):
        n = t // NCH
        ch = t - n * NCH
        r = ch // 5
        f = ch - r * 5
        fm1 = (f + 4) % 5
        base = n * NCH
        c_a = base + r * 5 + fm1
        c_b = base + ((r + 1) % R) * 5 + fm1
        c_l = base + ((r + 5) % R) * 5 + fm1
        return n, c_a, c_b, c_l

    def wait_descs(buf, cidx, sem):
        for d in [
            pltpu.make_async_copy(
                x_hbm.at[pl.ds(0, CHW)], buf.at[pl.ds(0, CHW)], sem
            ),
            pltpu.make_async_copy(
                x_hbm.at[pl.ds(0, Ww)], buf.at[pl.ds(_RUNA, Ww)], sem
            ),
            pltpu.make_async_copy(
                x_hbm.at[pl.ds(0, Ww)], buf.at[pl.ds(_LEFT, Ww)], sem
            ),
            pltpu.make_async_copy(
                x_hbm.at[pl.ds(0, 8)], buf.at[pl.ds(_CORNER, 8)], sem
            ),
            pltpu.make_async_copy(x_hbm.at[cidx], buf.at[pl.ds(_COLB, 64)], sem),
        ]:
            d.wait()

    def fetch_descs(t, buf, cidx, sem):
        n, c_a, c_b, c_l = neighbors(t)
        return [
            pltpu.make_async_copy(
                x_hbm.at[pl.ds(t * CHW, CHW)], buf.at[pl.ds(0, CHW)], sem
            ),
            pltpu.make_async_copy(
                x_hbm.at[pl.ds(c_a * CHW + (H - 1) * W + Ww, Ww)],
                buf.at[pl.ds(_RUNA, Ww)],
                sem,
            ),
            pltpu.make_async_copy(
                x_hbm.at[pl.ds(c_l * CHW + (H - 1) * W, Ww)],
                buf.at[pl.ds(_LEFT, Ww)],
                sem,
            ),
            pltpu.make_async_copy(
                x_hbm.at[pl.ds(n * IMW, 8)], buf.at[pl.ds(_CORNER, 8)], sem
            ),
            pltpu.make_async_copy(x_hbm.at[cidx], buf.at[pl.ds(_COLB, 64)], sem),
        ]

    def issue(t, buf, cidx, sem):
        _, _, c_b, _ = neighbors(t)
        for q in range(4):
            cidx[pl.ds(q * 16, 16)] = (
                idxv[pl.ds(_COLB_OFF + q * 16, 16)] + c_b * CHW
            )
        for d in fetch_descs(t, buf, cidx, sem):
            d.start()

    def out_desc(t, ob, osem):
        return pltpu.make_async_copy(ob, out_hbm.at[pl.ds(t * NOUT, NOUT)], osem)

    def compute(k, t, buf, ob, osem):
        plsc.store_scatter(buf, [sc_idx], zeros)

        @pl.when(k > 0)
        def _():
            out_desc(0, ob, osem).wait()

        @plsc.parallel_loop(0, NOUT // 16, unroll=8)
        def vb(v):
            i = v >> 2
            q = v & 3
            base = lax.max((2 * i - 1) * W + 32 * q - 1, 0)
            b0 = base + two_iota
            g = [plsc.load_gather(buf, [b0])]
            for d in dvecs:
                g.append(plsc.load_gather(buf, [b0 + d]))
            acc = ((g[0] + g[1]) + (g[2] + g[3])) + ((g[4] + g[5]) + g[6])
            ob[pl.ds(v * 16, 16)] = acc * np.float32(1.0 / 7.0)

        for b in range(6):
            g = []
            for kk in range(7):
                fi = idxv[pl.ds(_BND_OFF + kk * 96 + b * 16, 16)]
                g.append(plsc.load_gather(buf, [fi]))
            acc = ((g[0] + g[1]) + (g[2] + g[3])) + ((g[4] + g[5]) + g[6])
            pos = idxv[pl.ds(_BNDPOS_OFF + b * 16, 16)]
            plsc.store_scatter(ob, [pos], acc * np.float32(1.0 / 7.0))
        plsc.store_scatter(ob, [oc_idx], zeros)
        out_desc(t, ob, osem).start()

    bufs = (buf0, buf1, buf2, buf3)
    cidxs = (cidx0, cidx1, cidx2, cidx3)
    obs = (ob0, ob1, ob2, ob3)
    sems = (sem0, sem1, sem2, sem3)
    osems = (osem0, osem1, osem2, osem3)
    D = 4

    for s in range(D - 1):
        issue(tbase + s, bufs[s], cidxs[s], sems[s])

    def ring(k, carry):
        t0 = tbase + D * k
        issue(t0 + D - 1, bufs[D - 1], cidxs[D - 1], sems[D - 1])
        for s in range(D):
            t = t0 + s
            wait_descs(bufs[s], cidxs[s], sems[s])
            compute(k, t, bufs[s], obs[s], osems[s])
            if s < D - 1:

                @pl.when(k < TPW // D - 1)
                def _(s=s, t=t):
                    issue(t + D, bufs[s], cidxs[s], sems[s])
        return carry

    lax.fori_loop(0, TPW // D, ring, 0)
    for s in range(D):
        out_desc(0, obs[s], osems[s]).wait()


@jax.jit
def kernel(x):
    x1 = x.reshape(NTASK * CHW)
    idx = jnp.asarray(_IDX_TAB)
    run = pl.kernel(
        _body,
        out_type=jax.ShapeDtypeStruct((NTASK * NOUT,), jnp.float32),
        mesh=plsc.VectorSubcoreMesh(core_axis_name="c", subcore_axis_name="s"),
        compiler_params=pltpu.CompilerParams(
            use_tc_tiling_on_sc=False, needs_layout_passes=False
        ),
        scratch_types=(
            [pltpu.VMEM((_TABLEN,), jnp.int32)]
            + [pltpu.VMEM((BUF,), jnp.float32)] * 4
            + [pltpu.VMEM((64,), jnp.int32)] * 4
            + [pltpu.VMEM((NOUT,), jnp.float32)] * 4
            + [pltpu.SemaphoreType.DMA] * 8
        ),
    )
    out = run(x1, idx)
    return out.reshape(8, 32, R, 5, Hh, Ww)

# --- scband reference (transcript-rebuilt; emitter-appended) ---
"""Pipeline reference for scband-flat-pool-ico-34411277976431 (READ-ONLY COPY).

The authoritative reference and input builder live on the scoring server;
editing this copy changes nothing except your own understanding.
"""

import jax, jax.numpy as jnp
import numpy as np

r_ = 6
R_ = 6
H_ = 2 ** r_
W_ = 2 ** (r_ + 1)


def _pad_indices(r, R):
    H, W = 2 ** r, 2 ** (r + 1)
    idx_in = np.arange(R * 5 * H * W, dtype=np.int64).reshape(R, 5, H, W)
    idx_out = np.zeros((R, 5, H + 2, W + 2), dtype=np.int64)
    idx_out[..., 1:-1, 1:-1] = idx_in
    idx_out[..., 0, 1:2 ** r + 1] = np.roll(idx_in, 1, axis=-3)[..., -1, 2 ** r:]
    idx_out[..., 0, 2 ** r + 1:-1] = np.roll(np.roll(idx_in, 1, axis=-3), -1, axis=-4)[..., :, -1][..., ::-1]
    idx_out[..., -1, 2:2 ** r + 2] = np.roll(np.roll(idx_in, -1, axis=-3), -1, axis=-4)[..., :, 0][..., ::-1]
    idx_out[..., -1, 2 ** r + 1:-1] = np.roll(idx_in, -1, axis=-3)[..., 0, 0:2 ** r]
    idx_out[..., 1:-1, 0] = np.roll(np.roll(idx_in, 1, axis=-3), 1, axis=-4)[..., -1, 0:2 ** r][..., ::-1]
    idx_out[..., 2:, -1] = np.roll(np.roll(idx_in, -1, axis=-3), 1, axis=-4)[..., 0, 2 ** r:][..., ::-1]
    return idx_out


def _neighbors(r):
    Hh, Ww = 2 ** (r - 1), 2 ** r
    hg, wg = np.meshgrid(np.arange(Hh), np.arange(Ww), indexing='ij')
    dh = np.array([0, 1, 1, 0, -1, -1, 0], dtype=np.int64)
    dw = np.array([0, 0, 1, 1, 0, -1, -1], dtype=np.int64)
    nh = 1 + 2 * hg[..., None] + dh
    nw = 1 + 2 * wg[..., None] + dw
    return nh.astype(np.int64), nw.astype(np.int64)


def _clean_mask(r):
    m = np.ones((2 ** r, 2 ** (r + 1)), dtype=np.float32)
    m[-1, 0] = 0.0
    m[0, -1] = 0.0
    return m


def setup_inputs(seed: int = 0) -> dict:
    key = jax.random.key(seed)
    x = jax.random.normal(key, (8, 32, R_, 5, H_, W_), dtype=jnp.float32)
    return {"x": x}


def reference(x):
    idx_out = jnp.asarray(_pad_indices(r_, R_))
    nh_np, nw_np = _neighbors(r_)
    nh = jnp.asarray(nh_np)
    nw = jnp.asarray(nw_np)
    mask_r = jnp.asarray(_clean_mask(r_))
    mask_rm1 = jnp.asarray(_clean_mask(r_ - 1))
    # CleanVertices(r): zero the two icosahedron vertices of each chart
    x = x * mask_r
    # FlatPadIco: gather-based padding via precomputed flat indices
    flat = x.reshape(x.shape[:-4] + (R_ * 5 * H_ * W_,))
    padded = flat[..., idx_out]  # (..., R, 5, H+2, W+2)
    # 7-neighbor hexagonal receptive field gather
    rf = padded[..., nh, nw]  # (..., R, 5, H/2, W/2, 7)
    y = jnp.mean(rf, axis=-1)
    # CleanVertices(r-1)
    return y * mask_rm1

if __name__ == "__main__":
    import jax
    _d = setup_inputs()
    print(jax.jit(kernel)(*tuple(_d.values())))

</pallas_src>

<mosaic_0001>
#map = affine_map<(d0, d1) -> (0)>
module attributes {stable_mosaic.version = 14 : i64} {
  func.func @_body(%arg0: i32, %arg1: i32, %arg2: memref<62914560xf32, #tpu.memory_space<hbm>>, %arg3: memref<864xi32, #tpu.memory_space<hbm>>, %arg4: memref<15728640xf32, #tpu.memory_space<hbm>>, %arg5: memref<864xi32, #tpu.memory_space<vmem>>, %arg6: memref<8448xf32, #tpu.memory_space<vmem>>, %arg7: memref<8448xf32, #tpu.memory_space<vmem>>, %arg8: memref<8448xf32, #tpu.memory_space<vmem>>, %arg9: memref<8448xf32, #tpu.memory_space<vmem>>, %arg10: memref<64xi32, #tpu.memory_space<vmem>>, %arg11: memref<64xi32, #tpu.memory_space<vmem>>, %arg12: memref<64xi32, #tpu.memory_space<vmem>>, %arg13: memref<64xi32, #tpu.memory_space<vmem>>, %arg14: memref<2048xf32, #tpu.memory_space<vmem>>, %arg15: memref<2048xf32, #tpu.memory_space<vmem>>, %arg16: memref<2048xf32, #tpu.memory_space<vmem>>, %arg17: memref<2048xf32, #tpu.memory_space<vmem>>, %arg18: memref<!tpu.dma_semaphore, #tpu.memory_space<semaphore_mem>>, %arg19: memref<!tpu.dma_semaphore, #tpu.memory_space<semaphore_mem>>, %arg20: memref<!tpu.dma_semaphore, #tpu.memory_space<semaphore_mem>>, %arg21: memref<!tpu.dma_semaphore, #tpu.memory_space<semaphore_mem>>, %arg22: memref<!tpu.dma_semaphore, #tpu.memory_space<semaphore_mem>>, %arg23: memref<!tpu.dma_semaphore, #tpu.memory_space<semaphore_mem>>, %arg24: memref<!tpu.dma_semaphore, #tpu.memory_space<semaphore_mem>>, %arg25: memref<!tpu.dma_semaphore, #tpu.memory_space<semaphore_mem>>) attributes {dimension_semantics = [#tpu.dimension_semantics<core_parallel>, #tpu.dimension_semantics<subcore_parallel>], iteration_bounds = array<i64: 2, 16>, scalar_prefetch = 0 : i64, scratch_operands = 21 : i64, tpu.core_type = #tpu.core_type<sc_vector_subcore>, window_params = [{transform_indices = #map}, {transform_indices = #map}, {transform_indices = #map}]} {
    %mul3A = arith.constant 2 : i32
    %mul3A_0 = arith.muli %arg1, %mul3A : i32
    %add3A = arith.addi %mul3A_0, %arg0 : i32
    "tpu.region"() ({
      %run_scoped3A = tpu.sem_alloc : memref<!tpu.dma_semaphore, #tpu.memory_space<semaphore_mem>>
      tpu.enqueue_dma source(%arg3 : memref<864xi32, #tpu.memory_space<hbm>>) target(%arg5 : memref<864xi32, #tpu.memory_space<vmem>>) target_semaphore(%run_scoped3A : memref<!tpu.dma_semaphore, #tpu.memory_space<semaphore_mem>>)
      tpu.wait_dma2 semaphore(%run_scoped3A : memref<!tpu.dma_semaphore, #tpu.memory_space<semaphore_mem>>) src(%arg3 : memref<864xi32, #tpu.memory_space<hbm>>) dst(%arg5 : memref<864xi32, #tpu.memory_space<vmem>>)
      tpu.yield
    }) : () -> ()
    %broadcast_in_dim3A = arith.constant 0.000000e+00 : f32
    %broadcast_in_dim3A_1 = vector.broadcast %broadcast_in_dim3A : f32 to vector<16xf32>
    %get3A = arith.constant 64 : index
    %get3A_2 = tpu.vector_load %arg5[%get3A] {strides = array<i32>} : memref<864xi32, #tpu.memory_space<vmem>>, vector<16xi32>,
    %get3A_3 = arith.constant 80 : index
    %get3A_4 = tpu.vector_load %arg5[%get3A_3] {strides = array<i32>} : memref<864xi32, #tpu.memory_space<vmem>>, vector<16xi32>,
    %iota3A = tpu.iota {dimensions = array<i32: 0>} : vector<16xi32>
    %mul3A_5 = arith.constant 2 : i32
    %mul3A_6 = vector.broadcast %mul3A_5 : i32 to vector<16xi32>
    %mul3A_7 = arith.muli %iota3A, %mul3A_6 : vector<16xi32>
    %broadcast_in_dim3A_8 = arith.constant 1 : i32
    %broadcast_in_dim3A_9 = vector.broadcast %broadcast_in_dim3A_8 : i32 to vector<16xi32>
    %broadcast_in_dim3A_10 = arith.constant 128 : i32
    %broadcast_in_dim3A_11 = vector.broadcast %broadcast_in_dim3A_10 : i32 to vector<16xi32>
    %broadcast_in_dim3A_12 = arith.constant 129 : i32
    %broadcast_in_dim3A_13 = vector.broadcast %broadcast_in_dim3A_12 : i32 to vector<16xi32>
    %broadcast_in_dim3A_14 = arith.constant 130 : i32
    %broadcast_in_dim3A_15 = vector.broadcast %broadcast_in_dim3A_14 : i32 to vector<16xi32>
    %broadcast_in_dim3A_16 = arith.constant 257 : i32
    %broadcast_in_dim3A_17 = vector.broadcast %broadcast_in_dim3A_16 : i32 to vector<16xi32>
    %broadcast_in_dim3A_18 = arith.constant 258 : i32
    %broadcast_in_dim3A_19 = vector.broadcast %broadcast_in_dim3A_18 : i32 to vector<16xi32>
    %mul3A_20 = arith.constant 240 : i32
    %mul3A_21 = arith.muli %add3A, %mul3A_20 : i32
    %add3A_22 = arith.constant 0 : i32
    %add3A_23 = arith.addi %mul3A_21, %add3A_22 : i32
    %jit3A = arith.constant 30 : i32
    %div3A = arith.divsi %add3A_23, %jit3A : i32
    %sign3A = arith.constant 0 : i32
    %sign3A_24 = arith.cmpi sgt, %add3A_23, %sign3A : i32
    %sign3A_25 = arith.extui %sign3A_24 : i1 to i32
    %sign3A_26 = arith.constant 0 : i32
    %sign3A_27 = arith.cmpi slt, %add3A_23, %sign3A_26 : i32
    %sign3A_28 = arith.extui %sign3A_27 : i1 to i32
    %sign3A_29 = arith.subi %sign3A_25, %sign3A_28 : i32
    %sign3A_30 = arith.constant 0 : i32
    %sign3A_31 = arith.cmpi sgt, %jit3A, %sign3A_30 : i32
    %sign3A_32 = arith.extui %sign3A_31 : i1 to i32
    %sign3A_33 = arith.constant 0 : i32
    %sign3A_34 = arith.cmpi slt, %jit3A, %sign3A_33 : i32
    %sign3A_35 = arith.extui %sign3A_34 : i1 to i32
    %sign3A_36 = arith.subi %sign3A_32, %sign3A_35 : i32
    %ne3A = arith.cmpi ne, %sign3A_29, %sign3A_36 : i32
    %rem3A = arith.remsi %add3A_23, %jit3A : i32
    %ne3A_37 = arith.constant 0 : i32
    %ne3A_38 = arith.cmpi ne, %rem3A, %ne3A_37 : i32
    %and3A = arith.andi %ne3A, %ne3A_38 : i1
    %sub3A = arith.constant 1 : i32
    %sub3A_39 = arith.subi %div3A, %sub3A : i32
    %select_n3A = arith.select %and3A, %sub3A_39, %div3A : i32
    %mul3A_40 = arith.constant 30 : i32
    %mul3A_41 = arith.muli %select_n3A, %mul3A_40 : i32
    %sub3A_42 = arith.subi %add3A_23, %mul3A_41 : i32
    %jit3A_43 = arith.constant 5 : i32
    %div3A_44 = arith.divsi %sub3A_42, %jit3A_43 : i32
    %sign3A_45 = arith.constant 0 : i32
    %sign3A_46 = arith.cmpi sgt, %sub3A_42, %sign3A_45 : i32
    %sign3A_47 = arith.extui %sign3A_46 : i1 to i32
    %sign3A_48 = arith.constant 0 : i32
    %sign3A_49 = arith.cmpi slt, %sub3A_42, %sign3A_48 : i32
    %sign3A_50 = arith.extui %sign3A_49 : i1 to i32
    %sign3A_51 = arith.subi %sign3A_47, %sign3A_50 : i32
    %sign3A_52 = arith.constant 0 : i32
    %sign3A_53 = arith.cmpi sgt, %jit3A_43, %sign3A_52 : i32
    %sign3A_54 = arith.extui %sign3A_53 : i1 to i32
    %sign3A_55 = arith.constant 0 : i32
    %sign3A_56 = arith.cmpi slt, %jit3A_43, %sign3A_55 : i32
    %sign3A_57 = arith.extui %sign3A_56 : i1 to i32
    %sign3A_58 = arith.subi %sign3A_54, %sign3A_57 : i32
    %ne3A_59 = arith.cmpi ne, %sign3A_51, %sign3A_58 : i32
    %rem3A_60 = arith.remsi %sub3A_42, %jit3A_43 : i32
    %ne3A_61 = arith.constant 0 : i32
    %ne3A_62 = arith.cmpi ne, %rem3A_60, %ne3A_61 : i32
    %and3A_63 = arith.andi %ne3A_59, %ne3A_62 : i1
    %sub3A_64 = arith.constant 1 : i32
    %sub3A_65 = arith.subi %div3A_44, %sub3A_64 : i32
    %select_n3A_66 = arith.select %and3A_63, %sub3A_65, %div3A_44 : i32
    %mul3A_67 = arith.constant 5 : i32
    %mul3A_68 = arith.muli %select_n3A_66, %mul3A_67 : i32
    %sub3A_69 = arith.subi %sub3A_42, %mul3A_68 : i32
    %add3A_70 = arith.constant 4 : i32
    %add3A_71 = arith.addi %sub3A_69, %add3A_70 : i32
    %jit3A_72 = arith.constant 5 : i32
    %eq3A = arith.constant 0 : i32
    %eq3A_73 = arith.cmpi eq, %jit3A_72, %eq3A : i32
    %jit3A_74 = arith.constant 1 : i32
    %select_n3A_75 = arith.select %eq3A_73, %jit3A_74, %jit3A_72 : i32
    %rem3A_76 = arith.remsi %add3A_71, %select_n3A_75 : i32
    %ne3A_77 = arith.constant 0 : i32
    %ne3A_78 = arith.cmpi ne, %rem3A_76, %ne3A_77 : i32
    %lt3A = arith.constant 0 : i32
    %lt3A_79 = arith.cmpi slt, %rem3A_76, %lt3A : i32
    %lt3A_80 = arith.constant 0 : i32
    %lt3A_81 = arith.cmpi slt, %select_n3A_75, %lt3A_80 : i32
    %ne3A_82 = arith.xori %lt3A_79, %lt3A_81 : i1
    %and3A_83 = arith.andi %ne3A_82, %ne3A_78 : i1
    %add3A_84 = arith.addi %rem3A_76, %select_n3A_75 : i32
    %select_n3A_85 = arith.select %and3A_83, %add3A_84, %rem3A_76 : i32
    %mul3A_86 = arith.constant 30 : i32
    %mul3A_87 = arith.muli %select_n3A, %mul3A_86 : i32
    %mul3A_88 = arith.constant 5 : i32
    %mul3A_89 = arith.muli %select_n3A_66, %mul3A_88 : i32
    %add3A_90 = arith.addi %mul3A_87, %mul3A_89 : i32
    %add3A_91 = arith.addi %add3A_90, %select_n3A_85 : i32
    %add3A_92 = arith.constant 1 : i32
    %add3A_93 = arith.addi %select_n3A_66, %add3A_92 : i32
    %jit3A_94 = arith.constant 6 : i32
    %eq3A_95 = arith.constant 0 : i32
    %eq3A_96 = arith.cmpi eq, %jit3A_94, %eq3A_95 : i32
    %jit3A_97 = arith.constant 1 : i32
    %select_n3A_98 = arith.select %eq3A_96, %jit3A_97, %jit3A_94 : i32
    %rem3A_99 = arith.remsi %add3A_93, %select_n3A_98 : i32
    %ne3A_100 = arith.constant 0 : i32
    %ne3A_101 = arith.cmpi ne, %rem3A_99, %ne3A_100 : i32
    %lt3A_102 = arith.constant 0 : i32
    %lt3A_103 = arith.cmpi slt, %rem3A_99, %lt3A_102 : i32
    %lt3A_104 = arith.constant 0 : i32
    %lt3A_105 = arith.cmpi slt, %select_n3A_98, %lt3A_104 : i32
    %ne3A_106 = arith.xori %lt3A_103, %lt3A_105 : i1
    %and3A_107 = arith.andi %ne3A_106, %ne3A_101 : i1
    %add3A_108 = arith.addi %rem3A_99, %select_n3A_98 : i32
    %select_n3A_109 = arith.select %and3A_107, %add3A_108, %rem3A_99 : i32
    %mul3A_110 = arith.constant 5 : i32
    %mul3A_111 = arith.muli %select_n3A_109, %mul3A_110 : i32
    %add3A_112 = arith.addi %mul3A_87, %mul3A_111 : i32
    %add3A_113 = arith.addi %add3A_112, %select_n3A_85 : i32
    %add3A_114 = arith.constant 5 : i32
    %add3A_115 = arith.addi %select_n3A_66, %add3A_114 : i32
    %jit3A_116 = arith.constant 6 : i32
    %eq3A_117 = arith.constant 0 : i32
    %eq3A_118 = arith.cmpi eq, %jit3A_116, %eq3A_117 : i32
    %jit3A_119 = arith.constant 1 : i32
    %select_n3A_120 = arith.select %eq3A_118, %jit3A_119, %jit3A_116 : i32
    %rem3A_121 = arith.remsi %add3A_115, %select_n3A_120 : i32
    %ne3A_122 = arith.constant 0 : i32
    %ne3A_123 = arith.cmpi ne, %rem3A_121, %ne3A_122 : i32
    %lt3A_124 = arith.constant 0 : i32
    %lt3A_125 = arith.cmpi slt, %rem3A_121, %lt3A_124 : i32
    %lt3A_126 = arith.constant 0 : i32
    %lt3A_127 = arith.cmpi slt, %select_n3A_120, %lt3A_126 : i32
    %ne3A_128 = arith.xori %lt3A_125, %lt3A_127 : i1
    %and3A_129 = arith.andi %ne3A_128, %ne3A_123 : i1
    %add3A_130 = arith.addi %rem3A_121, %select_n3A_120 : i32
    %select_n3A_131 = arith.select %and3A_129, %add3A_130, %rem3A_121 : i32
    %mul3A_132 = arith.constant 5 : i32
    %mul3A_133 = arith.muli %select_n3A_131, %mul3A_132 : i32
    %add3A_134 = arith.addi %mul3A_87, %mul3A_133 : i32
    %add3A_135 = arith.addi %add3A_134, %select_n3A_85 : i32
    %get3A_136 = arith.constant 0 : index
    %get3A_137 = tpu.vector_load %arg5[%get3A_136] {strides = array<i32>} : memref<864xi32, #tpu.memory_space<vmem>>, vector<16xi32>,
    %mul3A_138 = arith.constant 8192 : i32
    %mul3A_139 = arith.muli %add3A_113, %mul3A_138 : i32
    %add3A_140 = vector.broadcast %mul3A_139 : i32 to vector<16xi32>
    %add3A_141 = arith.addi %get3A_137, %add3A_140 : vector<16xi32>
    %swap3A = arith.constant 0 : index
    %swap3A_142 = tpu.vector_load %arg10[%swap3A] {strides = array<i32>} : memref<64xi32, #tpu.memory_space<vmem>>, vector<16xi32>,
    tpu.vector_store %arg10[%swap3A], %add3A_141 {strides = array<i32>} : memref<64xi32, #tpu.memory_space<vmem>>, vector<16xi32>,
    %get3A_143 = arith.constant 16 : index
    %get3A_144 = tpu.vector_load %arg5[%get3A_143] {strides = array<i32>} : memref<864xi32, #tpu.memory_space<vmem>>, vector<16xi32>,
    %mul3A_145 = arith.constant 8192 : i32
    %mul3A_146 = arith.muli %add3A_113, %mul3A_145 : i32
    %add3A_147 = vector.broadcast %mul3A_146 : i32 to vector<16xi32>
    %add3A_148 = arith.addi %get3A_144, %add3A_147 : vector<16xi32>
    %swap3A_149 = arith.constant 16 : index
    %swap3A_150 = tpu.vector_load %arg10[%swap3A_149] {strides = array<i32>} : memref<64xi32, #tpu.memory_space<vmem>>, vector<16xi32>,
    tpu.vector_store %arg10[%swap3A_149], %add3A_148 {strides = array<i32>} : memref<64xi32, #tpu.memory_space<vmem>>, vector<16xi32>,
    %get3A_151 = arith.constant 32 : index
    %get3A_152 = tpu.vector_load %arg5[%get3A_151] {strides = array<i32>} : memref<864xi32, #tpu.memory_space<vmem>>, vector<16xi32>,
    %mul3A_153 = arith.constant 8192 : i32
    %mul3A_154 = arith.muli %add3A_113, %mul3A_153 : i32
    %add3A_155 = vector.broadcast %mul3A_154 : i32 to vector<16xi32>
    %add3A_156 = arith.addi %get3A_152, %add3A_155 : vector<16xi32>
    %swap3A_157 = arith.constant 32 : index
    %swap3A_158 = tpu.vector_load %arg10[%swap3A_157] {strides = array<i32>} : memref<64xi32, #tpu.memory_space<vmem>>, vector<16xi32>,
    tpu.vector_store %arg10[%swap3A_157], %add3A_156 {strides = array<i32>} : memref<64xi32, #tpu.memory_space<vmem>>, vector<16xi32>,
    %get3A_159 = arith.constant 48 : index
    %get3A_160 = tpu.vector_load %arg5[%get3A_159] {strides = array<i32>} : memref<864xi32, #tpu.memory_space<vmem>>, vector<16xi32>,
    %mul3A_161 = arith.constant 8192 : i32
    %mul3A_162 = arith.muli %add3A_113, %mul3A_161 : i32
    %add3A_163 = vector.broadcast %mul3A_162 : i32 to vector<16xi32>
    %add3A_164 = arith.addi %get3A_160, %add3A_163 : vector<16xi32>
    %swap3A_165 = arith.constant 48 : index
    %swap3A_166 = tpu.vector_load %arg10[%swap3A_165] {strides = array<i32>} : memref<64xi32, #tpu.memory_space<vmem>>, vector<16xi32>,
    tpu.vector_store %arg10[%swap3A_165], %add3A_164 {strides = array<i32>} : memref<64xi32, #tpu.memory_space<vmem>>, vector<16xi32>,
    %jit3A_167 = arith.constant 30 : i32
    %div3A_168 = arith.divsi %add3A_23, %jit3A_167 : i32
    %sign3A_169 = arith.constant 0 : i32
    %sign3A_170 = arith.cmpi sgt, %add3A_23, %sign3A_169 : i32
    %sign3A_171 = arith.extui %sign3A_170 : i1 to i32
    %sign3A_172 = arith.constant 0 : i32
    %sign3A_173 = arith.cmpi slt, %add3A_23, %sign3A_172 : i32
    %sign3A_174 = arith.extui %sign3A_173 : i1 to i32
    %sign3A_175 = arith.subi %sign3A_171, %sign3A_174 : i32
    %sign3A_176 = arith.constant 0 : i32
    %sign3A_177 = arith.cmpi sgt, %jit3A_167, %sign3A_176 : i32
    %sign3A_178 = arith.extui %sign3A_177 : i1 to i32
    %sign3A_179 = arith.constant 0 : i32
    %sign3A_180 = arith.cmpi slt, %jit3A_167, %sign3A_179 : i32
    %sign3A_181 = arith.extui %sign3A_180 : i1 to i32
    %sign3A_182 = arith.subi %sign3A_178, %sign3A_181 : i32
    %ne3A_183 = arith.cmpi ne, %sign3A_175, %sign3A_182 : i32
    %rem3A_184 = arith.remsi %add3A_23, %jit3A_167 : i32
    %ne3A_185 = arith.constant 0 : i32
    %ne3A_186 = arith.cmpi ne, %rem3A_184, %ne3A_185 : i32
    %and3A_187 = arith.andi %ne3A_183, %ne3A_186 : i1
    %sub3A_188 = arith.constant 1 : i32
    %sub3A_189 = arith.subi %div3A_168, %sub3A_188 : i32
    %select_n3A_190 = arith.select %and3A_187, %sub3A_189, %div3A_168 : i32
    %mul3A_191 = arith.constant 30 : i32
    %mul3A_192 = arith.muli %select_n3A_190, %mul3A_191 : i32
    %sub3A_193 = arith.subi %add3A_23, %mul3A_192 : i32
    %jit3A_194 = arith.constant 5 : i32
    %div3A_195 = arith.divsi %sub3A_193, %jit3A_194 : i32
    %sign3A_196 = arith.constant 0 : i32
    %sign3A_197 = arith.cmpi sgt, %sub3A_193, %sign3A_196 : i32
    %sign3A_198 = arith.extui %sign3A_197 : i1 to i32
    %sign3A_199 = arith.constant 0 : i32
    %sign3A_200 = arith.cmpi slt, %sub3A_193, %sign3A_199 : i32
    %sign3A_201 = arith.extui %sign3A_200 : i1 to i32
    %sign3A_202 = arith.subi %sign3A_198, %sign3A_201 : i32
    %sign3A_203 = arith.constant 0 : i32
    %sign3A_204 = arith.cmpi sgt, %jit3A_194, %sign3A_203 : i32
    %sign3A_205 = arith.extui %sign3A_204 : i1 to i32
    %sign3A_206 = arith.constant 0 : i32
    %sign3A_207 = arith.cmpi slt, %jit3A_194, %sign3A_206 : i32
    %sign3A_208 = arith.extui %sign3A_207 : i1 to i32
    %sign3A_209 = arith.subi %sign3A_205, %sign3A_208 : i32
    %ne3A_210 = arith.cmpi ne, %sign3A_202, %sign3A_209 : i32
    %rem3A_211 = arith.remsi %sub3A_193, %jit3A_194 : i32
    %ne3A_212 = arith.constant 0 : i32
    %ne3A_213 = arith.cmpi ne, %rem3A_211, %ne3A_212 : i32
    %and3A_214 = arith.andi %ne3A_210, %ne3A_213 : i1
    %sub3A_215 = arith.constant 1 : i32
    %sub3A_216 = arith.subi %div3A_195, %sub3A_215 : i32
    %select_n3A_217 = arith.select %and3A_214, %sub3A_216, %div3A_195 : i32
    %mul3A_218 = arith.constant 5 : i32
    %mul3A_219 = arith.muli %select_n3A_217, %mul3A_218 : i32
    %sub3A_220 = arith.subi %sub3A_193, %mul3A_219 : i32
    %add3A_221 = arith.constant 4 : i32
    %add3A_222 = arith.addi %sub3A_220, %add3A_221 : i32
    %jit3A_223 = arith.constant 5 : i32
    %eq3A_224 = arith.constant 0 : i32
    %eq3A_225 = arith.cmpi eq, %jit3A_223, %eq3A_224 : i32
    %jit3A_226 = arith.constant 1 : i32
    %select_n3A_227 = arith.select %eq3A_225, %jit3A_226, %jit3A_223 : i32
    %rem3A_228 = arith.remsi %add3A_222, %select_n3A_227 : i32
    %ne3A_229 = arith.constant 0 : i32
    %ne3A_230 = arith.cmpi ne, %rem3A_228, %ne3A_229 : i32
    %lt3A_231 = arith.constant 0 : i32
    %lt3A_232 = arith.cmpi slt, %rem3A_228, %lt3A_231 : i32
    %lt3A_233 = arith.constant 0 : i32
    %lt3A_234 = arith.cmpi slt, %select_n3A_227, %lt3A_233 : i32
    %ne3A_235 = arith.xori %lt3A_232, %lt3A_234 : i1
    %and3A_236 = arith.andi %ne3A_235, %ne3A_230 : i1
    %add3A_237 = arith.addi %rem3A_228, %select_n3A_227 : i32
    %select_n3A_238 = arith.select %and3A_236, %add3A_237, %rem3A_228 : i32
    %mul3A_239 = arith.constant 30 : i32
    %mul3A_240 = arith.muli %select_n3A_190, %mul3A_239 : i32
    %mul3A_241 = arith.constant 5 : i32
    %mul3A_242 = arith.muli %select_n3A_217, %mul3A_241 : i32
    %add3A_243 = arith.addi %mul3A_240, %mul3A_242 : i32
    %add3A_244 = arith.addi %add3A_243, %select_n3A_238 : i32
    %add3A_245 = arith.constant 1 : i32
    %add3A_246 = arith.addi %select_n3A_217, %add3A_245 : i32
    %jit3A_247 = arith.constant 6 : i32
    %eq3A_248 = arith.constant 0 : i32
    %eq3A_249 = arith.cmpi eq, %jit3A_247, %eq3A_248 : i32
    %jit3A_250 = arith.constant 1 : i32
    %select_n3A_251 = arith.select %eq3A_249, %jit3A_250, %jit3A_247 : i32
    %rem3A_252 = arith.remsi %add3A_246, %select_n3A_251 : i32
    %ne3A_253 = arith.constant 0 : i32
    %ne3A_254 = arith.cmpi ne, %rem3A_252, %ne3A_253 : i32
    %lt3A_255 = arith.constant 0 : i32
    %lt3A_256 = arith.cmpi slt, %rem3A_252, %lt3A_255 : i32
    %lt3A_257 = arith.constant 0 : i32
    %lt3A_258 = arith.cmpi slt, %select_n3A_251, %lt3A_257 : i32
    %ne3A_259 = arith.xori %lt3A_256, %lt3A_258 : i1
    %and3A_260 = arith.andi %ne3A_259, %ne3A_254 : i1
    %add3A_261 = arith.addi %rem3A_252, %select_n3A_251 : i32
    %select_n3A_262 = arith.select %and3A_260, %add3A_261, %rem3A_252 : i32
    %mul3A_263 = arith.constant 5 : i32
    %mul3A_264 = arith.muli %select_n3A_262, %mul3A_263 : i32
    %add3A_265 = arith.addi %mul3A_240, %mul3A_264 : i32
    %add3A_266 = arith.addi %add3A_265, %select_n3A_238 : i32
    %add3A_267 = arith.constant 5 : i32
    %add3A_268 = arith.addi %select_n3A_217, %add3A_267 : i32
    %jit3A_269 = arith.constant 6 : i32
    %eq3A_270 = arith.constant 0 : i32
    %eq3A_271 = arith.cmpi eq, %jit3A_269, %eq3A_270 : i32
    %jit3A_272 = arith.constant 1 : i32
    %select_n3A_273 = arith.select %eq3A_271, %jit3A_272, %jit3A_269 : i32
    %rem3A_274 = arith.remsi %add3A_268, %select_n3A_273 : i32
    %ne3A_275 = arith.constant 0 : i32
    %ne3A_276 = arith.cmpi ne, %rem3A_274, %ne3A_275 : i32
    %lt3A_277 = arith.constant 0 : i32
    %lt3A_278 = arith.cmpi slt, %rem3A_274, %lt3A_277 : i32
    %lt3A_279 = arith.constant 0 : i32
    %lt3A_280 = arith.cmpi slt, %select_n3A_273, %lt3A_279 : i32
    %ne3A_281 = arith.xori %lt3A_278, %lt3A_280 : i1
    %and3A_282 = arith.andi %ne3A_281, %ne3A_276 : i1
    %add3A_283 = arith.addi %rem3A_274, %select_n3A_273 : i32
    %select_n3A_284 = arith.select %and3A_282, %add3A_283, %rem3A_274 : i32
    %mul3A_285 = arith.constant 5 : i32
    %mul3A_286 = arith.muli %select_n3A_284, %mul3A_285 : i32
    %add3A_287 = arith.addi %mul3A_240, %mul3A_286 : i32
    %add3A_288 = arith.addi %add3A_287, %select_n3A_238 : i32
    %mul3A_289 = arith.constant 8192 : i32
    %mul3A_290 = arith.muli %add3A_23, %mul3A_289 : i32
    %mul3A_291 = arith.constant 8192 : i32
    %mul3A_292 = arith.muli %add3A_244, %mul3A_291 : i32
    %add3A_293 = arith.constant 8064 : i32
    %add3A_294 = arith.addi %mul3A_292, %add3A_293 : i32
    %add3A_295 = arith.constant 64 : i32
    %add3A_296 = arith.addi %add3A_294, %add3A_295 : i32
    %mul3A_297 = arith.constant 8192 : i32
    %mul3A_298 = arith.muli %add3A_288, %mul3A_297 : i32
    %add3A_299 = arith.constant 8064 : i32
    %add3A_300 = arith.addi %mul3A_298, %add3A_299 : i32
    %mul3A_301 = arith.constant 245760 : i32
    %mul3A_302 = arith.muli %select_n3A_190, %mul3A_301 : i32
    %dma_start3A = arith.constant 0 : i32
    %dma_start3A_303 = tpu.memref_slice %arg6[%dma_start3A] : memref<8448xf32, #tpu.memory_space<vmem>> -> memref<8192xf32, #tpu.memory_space<vmem>>
    %dma_start3A_304 = tpu.memref_slice %arg2[%mul3A_290] : memref<62914560xf32, #tpu.memory_space<hbm>> -> memref<8192xf32, #tpu.memory_space<hbm>>
    %dma_start3A_305 = arith.constant 0 : i32
    %dma_start3A_306 = tpu.memref_slice %arg6[%dma_start3A_305] : memref<8448xf32, #tpu.memory_space<vmem>> -> memref<8192xf32, #tpu.memory_space<vmem>>
    %dma_start3A_307 = tpu.memref_slice %arg2[%mul3A_290] : memref<62914560xf32, #tpu.memory_space<hbm>> -> memref<8192xf32, #tpu.memory_space<hbm>>
    tpu.enqueue_dma source(%dma_start3A_307 : memref<8192xf32, #tpu.memory_space<hbm>>) target(%dma_start3A_306 : memref<8192xf32, #tpu.memory_space<vmem>>) target_semaphore(%arg18 : memref<!tpu.dma_semaphore, #tpu.memory_space<semaphore_mem>>)
    %dma_start3A_308 = arith.constant 8192 : i32
    %dma_start3A_309 = tpu.memref_slice %arg6[%dma_start3A_308] : memref<8448xf32, #tpu.memory_space<vmem>> -> memref<64xf32, #tpu.memory_space<vmem>>
    %dma_start3A_310 = tpu.memref_slice %arg2[%add3A_296] : memref<62914560xf32, #tpu.memory_space<hbm>> -> memref<64xf32, #tpu.memory_space<hbm>>
    %dma_start3A_311 = arith.constant 8192 : i32
    %dma_start3A_312 = tpu.memref_slice %arg6[%dma_start3A_311] : memref<8448xf32, #tpu.memory_space<vmem>> -> memref<64xf32, #tpu.memory_space<vmem>>
    %dma_start3A_313 = tpu.memref_slice %arg2[%add3A_296] : memref<62914560xf32, #tpu.memory_space<hbm>> -> memref<64xf32, #tpu.memory_space<hbm>>
    tpu.enqueue_dma source(%dma_start3A_313 : memref<64xf32, #tpu.memory_space<hbm>>) target(%dma_start3A_312 : memref<64xf32, #tpu.memory_space<vmem>>) target_semaphore(%arg18 : memref<!tpu.dma_semaphore, #tpu.memory_space<semaphore_mem>>)
    %dma_start3A_314 = arith.constant 8256 : i32
    %dma_start3A_315 = tpu.memref_slice %arg6[%dma_start3A_314] : memref<8448xf32, #tpu.memory_space<vmem>> -> memref<64xf32, #tpu.memory_space<vmem>>
    %dma_start3A_316 = tpu.memref_slice %arg2[%add3A_300] : memref<62914560xf32, #tpu.memory_space<hbm>> -> memref<64xf32, #tpu.memory_space<hbm>>
    %dma_start3A_317 = arith.constant 8256 : i32
    %dma_start3A_318 = tpu.memref_slice %arg6[%dma_start3A_317] : memref<8448xf32, #tpu.memory_space<vmem>> -> memref<64xf32, #tpu.memory_space<vmem>>
    %dma_start3A_319 = tpu.memref_slice %arg2[%add3A_300] : memref<62914560xf32, #tpu.memory_space<hbm>> -> memref<64xf32, #tpu.memory_space<hbm>>
    tpu.enqueue_dma source(%dma_start3A_319 : memref<64xf32, #tpu.memory_space<hbm>>) target(%dma_start3A_318 : memref<64xf32, #tpu.memory_space<vmem>>) target_semaphore(%arg18 : memref<!tpu.dma_semaphore, #tpu.memory_space<semaphore_mem>>)
    %dma_start3A_320 = arith.constant 8320 : i32
    %dma_start3A_321 = tpu.memref_slice %arg6[%dma_start3A_320] : memref<8448xf32, #tpu.memory_space<vmem>> -> memref<8xf32, #tpu.memory_space<vmem>>
    %dma_start3A_322 = tpu.memref_slice %arg2[%mul3A_302] : memref<62914560xf32, #tpu.memory_space<hbm>> -> memref<8xf32, #tpu.memory_space<hbm>>
    %dma_start3A_323 = arith.constant 8320 : i32
    %dma_start3A_324 = tpu.memref_slice %arg6[%dma_start3A_323] : memref<8448xf32, #tpu.memory_space<vmem>> -> memref<8xf32, #tpu.memory_space<vmem>>
    %dma_start3A_325 = tpu.memref_slice %arg2[%mul3A_302] : memref<62914560xf32, #tpu.memory_space<hbm>> -> memref<8xf32, #tpu.memory_space<hbm>>
    tpu.enqueue_dma source(%dma_start3A_325 : memref<8xf32, #tpu.memory_space<hbm>>) target(%dma_start3A_324 : memref<8xf32, #tpu.memory_space<vmem>>) target_semaphore(%arg18 : memref<!tpu.dma_semaphore, #tpu.memory_space<semaphore_mem>>)
    %dma_start3A_326 = arith.constant 8384 : i32
    %dma_start3A_327 = tpu.memref_slice %arg6[%dma_start3A_326] : memref<8448xf32, #tpu.memory_space<vmem>> -> memref<64xf32, #tpu.memory_space<vmem>>
    %dma_start3A_328 = arith.constant 0 : i32
    %dma_start3A_329 = tpu.memref_slice %arg2[%dma_start3A_328] : memref<62914560xf32, #tpu.memory_space<hbm>> -> memref<62914560xf32, #tpu.memory_space<hbm>>
    tpu.enqueue_indirect_dma source(%dma_start3A_329 : memref<62914560xf32, #tpu.memory_space<hbm>>) target(%dma_start3A_327 : memref<64xf32, #tpu.memory_space<vmem>>) offsets(%arg10 : memref<64xi32, #tpu.memory_space<vmem>>) semaphore(%arg18 : memref<!tpu.dma_semaphore, #tpu.memory_space<semaphore_mem>>)
    %add3A_330 = arith.constant 1 : i32
    %add3A_331 = arith.addi %mul3A_21, %add3A_330 : i32
    %jit3A_332 = arith.constant 30 : i32
    %div3A_333 = arith.divsi %add3A_331, %jit3A_332 : i32
    %sign3A_334 = arith.constant 0 : i32
    %sign3A_335 = arith.cmpi sgt, %add3A_331, %sign3A_334 : i32
    %sign3A_336 = arith.extui %sign3A_335 : i1 to i32
    %sign3A_337 = arith.constant 0 : i32
    %sign3A_338 = arith.cmpi slt, %add3A_331, %sign3A_337 : i32
    %sign3A_339 = arith.extui %sign3A_338 : i1 to i32
    %sign3A_340 = arith.subi %sign3A_336, %sign3A_339 : i32
    %sign3A_341 = arith.constant 0 : i32
    %sign3A_342 = arith.cmpi sgt, %jit3A_332, %sign3A_341 : i32
    %sign3A_343 = arith.extui %sign3A_342 : i1 to i32
    %sign3A_344 = arith.constant 0 : i32
    %sign3A_345 = arith.cmpi slt, %jit3A_332, %sign3A_344 : i32
    %sign3A_346 = arith.extui %sign3A_345 : i1 to i32
    %sign3A_347 = arith.subi %sign3A_343, %sign3A_346 : i32
    %ne3A_348 = arith.cmpi ne, %sign3A_340, %sign3A_347 : i32
    %rem3A_349 = arith.remsi %add3A_331, %jit3A_332 : i32
    %ne3A_350 = arith.constant 0 : i32
    %ne3A_351 = arith.cmpi ne, %rem3A_349, %ne3A_350 : i32
    %and3A_352 = arith.andi %ne3A_348, %ne3A_351 : i1
    %sub3A_353 = arith.constant 1 : i32
    %sub3A_354 = arith.subi %div3A_333, %sub3A_353 : i32
    %select_n3A_355 = arith.select %and3A_352, %sub3A_354, %div3A_333 : i32
    %mul3A_356 = arith.constant 30 : i32
    %mul3A_357 = arith.muli %select_n3A_355, %mul3A_356 : i32
    %sub3A_358 = arith.subi %add3A_331, %mul3A_357 : i32
    %jit3A_359 = arith.constant 5 : i32
    %div3A_360 = arith.divsi %sub3A_358, %jit3A_359 : i32
    %sign3A_361 = arith.constant 0 : i32
    %sign3A_362 = arith.cmpi sgt, %sub3A_358, %sign3A_361 : i32
    %sign3A_363 = arith.extui %sign3A_362 : i1 to i32
    %sign3A_364 = arith.constant 0 : i32
    %sign3A_365 = arith.cmpi slt, %sub3A_358, %sign3A_364 : i32
    %sign3A_366 = arith.extui %sign3A_365 : i1 to i32
    %sign3A_367 = arith.subi %sign3A_363, %sign3A_366 : i32
    %sign3A_368 = arith.constant 0 : i32
    %sign3A_369 = arith.cmpi sgt, %jit3A_359, %sign3A_368 : i32
    %sign3A_370 = arith.extui %sign3A_369 : i1 to i32
    %sign3A_371 = arith.constant 0 : i32
    %sign3A_372 = arith.cmpi slt, %jit3A_359, %sign3A_371 : i32
    %sign3A_373 = arith.extui %sign3A_372 : i1 to i32
    %sign3A_374 = arith.subi %sign3A_370, %sign3A_373 : i32
    %ne3A_375 = arith.cmpi ne, %sign3A_367, %sign3A_374 : i32
    %rem3A_376 = arith.remsi %sub3A_358, %jit3A_359 : i32
    %ne3A_377 = arith.constant 0 : i32
    %ne3A_378 = arith.cmpi ne, %rem3A_376, %ne3A_377 : i32
    %and3A_379 = arith.andi %ne3A_375, %ne3A_378 : i1
    %sub3A_380 = arith.constant 1 : i32
    %sub3A_381 = arith.subi %div3A_360, %sub3A_380 : i32
    %select_n3A_382 = arith.select %and3A_379, %sub3A_381, %div3A_360 : i32
    %mul3A_383 = arith.constant 5 : i32
    %mul3A_384 = arith.muli %select_n3A_382, %mul3A_383 : i32
    %sub3A_385 = arith.subi %sub3A_358, %mul3A_384 : i32
    %add3A_386 = arith.constant 4 : i32
    %add3A_387 = arith.addi %sub3A_385, %add3A_386 : i32
    %jit3A_388 = arith.constant 5 : i32
    %eq3A_389 = arith.constant 0 : i32
    %eq3A_390 = arith.cmpi eq, %jit3A_388, %eq3A_389 : i32
    %jit3A_391 = arith.constant 1 : i32
    %select_n3A_392 = arith.select %eq3A_390, %jit3A_391, %jit3A_388 : i32
    %rem3A_393 = arith.remsi %add3A_387, %select_n3A_392 : i32
    %ne3A_394 = arith.constant 0 : i32
    %ne3A_395 = arith.cmpi ne, %rem3A_393, %ne3A_394 : i32
    %lt3A_396 = arith.constant 0 : i32
    %lt3A_397 = arith.cmpi slt, %rem3A_393, %lt3A_396 : i32
    %lt3A_398 = arith.constant 0 : i32
    %lt3A_399 = arith.cmpi slt, %select_n3A_392, %lt3A_398 : i32
    %ne3A_400 = arith.xori %lt3A_397, %lt3A_399 : i1
    %and3A_401 = arith.andi %ne3A_400, %ne3A_395 : i1
    %add3A_402 = arith.addi %rem3A_393, %select_n3A_392 : i32
    %select_n3A_403 = arith.select %and3A_401, %add3A_402, %rem3A_393 : i32
    %mul3A_404 = arith.constant 30 : i32
    %mul3A_405 = arith.muli %select_n3A_355, %mul3A_404 : i32
    %mul3A_406 = arith.constant 5 : i32
    %mul3A_407 = arith.muli %select_n3A_382, %mul3A_406 : i32
    %add3A_408 = arith.addi %mul3A_405, %mul3A_407 : i32
    %add3A_409 = arith.addi %add3A_408, %select_n3A_403 : i32
    %add3A_410 = arith.constant 1 : i32
    %add3A_411 = arith.addi %select_n3A_382, %add3A_410 : i32
    %jit3A_412 = arith.constant 6 : i32
    %eq3A_413 = arith.constant 0 : i32
    %eq3A_414 = arith.cmpi eq, %jit3A_412, %eq3A_413 : i32
    %jit3A_415 = arith.constant 1 : i32
    %select_n3A_416 = arith.select %eq3A_414, %jit3A_415, %jit3A_412 : i32
    %rem3A_417 = arith.remsi %add3A_411, %select_n3A_416 : i32
    %ne3A_418 = arith.constant 0 : i32
    %ne3A_419 = arith.cmpi ne, %rem3A_417, %ne3A_418 : i32
    %lt3A_420 = arith.constant 0 : i32
    %lt3A_421 = arith.cmpi slt, %rem3A_417, %lt3A_420 : i32
    %lt3A_422 = arith.constant 0 : i32
    %lt3A_423 = arith.cmpi slt, %select_n3A_416, %lt3A_422 : i32
    %ne3A_424 = arith.xori %lt3A_421, %lt3A_423 : i1
    %and3A_425 = arith.andi %ne3A_424, %ne3A_419 : i1
    %add3A_426 = arith.addi %rem3A_417, %select_n3A_416 : i32
    %select_n3A_427 = arith.select %and3A_425, %add3A_426, %rem3A_417 : i32
    %mul3A_428 = arith.constant 5 : i32
    %mul3A_429 = arith.muli %select_n3A_427, %mul3A_428 : i32
    %add3A_430 = arith.addi %mul3A_405, %mul3A_429 : i32
    %add3A_431 = arith.addi %add3A_430, %select_n3A_403 : i32
    %add3A_432 = arith.constant 5 : i32
    %add3A_433 = arith.addi %select_n3A_382, %add3A_432 : i32
    %jit3A_434 = arith.constant 6 : i32
    %eq3A_435 = arith.constant 0 : i32
    %eq3A_436 = arith.cmpi eq, %jit3A_434, %eq3A_435 : i32
    %jit3A_437 = arith.constant 1 : i32
    %select_n3A_438 = arith.select %eq3A_436, %jit3A_437, %jit3A_434 : i32
    %rem3A_439 = arith.remsi %add3A_433, %select_n3A_438 : i32
    %ne3A_440 = arith.constant 0 : i32
    %ne3A_441 = arith.cmpi ne, %rem3A_439, %ne3A_440 : i32
    %lt3A_442 = arith.constant 0 : i32
    %lt3A_443 = arith.cmpi slt, %rem3A_439, %lt3A_442 : i32
    %lt3A_444 = arith.constant 0 : i32
    %lt3A_445 = arith.cmpi slt, %select_n3A_438, %lt3A_444 : i32
    %ne3A_446 = arith.xori %lt3A_443, %lt3A_445 : i1
    %and3A_447 = arith.andi %ne3A_446, %ne3A_441 : i1
    %add3A_448 = arith.addi %rem3A_439, %select_n3A_438 : i32
    %select_n3A_449 = arith.select %and3A_447, %add3A_448, %rem3A_439 : i32
    %mul3A_450 = arith.constant 5 : i32
    %mul3A_451 = arith.muli %select_n3A_449, %mul3A_450 : i32
    %add3A_452 = arith.addi %mul3A_405, %mul3A_451 : i32
    %add3A_453 = arith.addi %add3A_452, %select_n3A_403 : i32
    %get3A_454 = arith.constant 0 : index
    %get3A_455 = tpu.vector_load %arg5[%get3A_454] {strides = array<i32>} : memref<864xi32, #tpu.memory_space<vmem>>, vector<16xi32>,
    %mul3A_456 = arith.constant 8192 : i32
    %mul3A_457 = arith.muli %add3A_431, %mul3A_456 : i32
    %add3A_458 = vector.broadcast %mul3A_457 : i32 to vector<16xi32>
    %add3A_459 = arith.addi %get3A_455, %add3A_458 : vector<16xi32>
    %swap3A_460 = arith.constant 0 : index
    %swap3A_461 = tpu.vector_load %arg11[%swap3A_460] {strides = array<i32>} : memref<64xi32, #tpu.memory_space<vmem>>, vector<16xi32>,
    tpu.vector_store %arg11[%swap3A_460], %add3A_459 {strides = array<i32>} : memref<64xi32, #tpu.memory_space<vmem>>, vector<16xi32>,
    %get3A_462 = arith.constant 16 : index
    %get3A_463 = tpu.vector_load %arg5[%get3A_462] {strides = array<i32>} : memref<864xi32, #tpu.memory_space<vmem>>, vector<16xi32>,
    %mul3A_464 = arith.constant 8192 : i32
    %mul3A_465 = arith.muli %add3A_431, %mul3A_464 : i32
    %add3A_466 = vector.broadcast %mul3A_465 : i32 to vector<16xi32>
    %add3A_467 = arith.addi %get3A_463, %add3A_466 : vector<16xi32>
    %swap3A_468 = arith.constant 16 : index
    %swap3A_469 = tpu.vector_load %arg11[%swap3A_468] {strides = array<i32>} : memref<64xi32, #tpu.memory_space<vmem>>, vector<16xi32>,
    tpu.vector_store %arg11[%swap3A_468], %add3A_467 {strides = array<i32>} : memref<64xi32, #tpu.memory_space<vmem>>, vector<16xi32>,
    %get3A_470 = arith.constant 32 : index
    %get3A_471 = tpu.vector_load %arg5[%get3A_470] {strides = array<i32>} : memref<864xi32, #tpu.memory_space<vmem>>, vector<16xi32>,
    %mul3A_472 = arith.constant 8192 : i32
    %mul3A_473 = arith.muli %add3A_431, %mul3A_472 : i32
    %add3A_474 = vector.broadcast %mul3A_473 : i32 to vector<16xi32>
    %add3A_475 = arith.addi %get3A_471, %add3A_474 : vector<16xi32>
    %swap3A_476 = arith.constant 32 : index
    %swap3A_477 = tpu.vector_load %arg11[%swap3A_476] {strides = array<i32>} : memref<64xi32, #tpu.memory_space<vmem>>, vector<16xi32>,
    tpu.vector_store %arg11[%swap3A_476], %add3A_475 {strides = array<i32>} : memref<64xi32, #tpu.memory_space<vmem>>, vector<16xi32>,
    %get3A_478 = arith.constant 48 : index
    %get3A_479 = tpu.vector_load %arg5[%get3A_478] {strides = array<i32>} : memref<864xi32, #tpu.memory_space<vmem>>, vector<16xi32>,
    %mul3A_480 = arith.constant 8192 : i32
    %mul3A_481 = arith.muli %add3A_431, %mul3A_480 : i32
    %add3A_482 = vector.broadcast %mul3A_481 : i32 to vector<16xi32>
    %add3A_483 = arith.addi %get3A_479, %add3A_482 : vector<16xi32>
    %swap3A_484 = arith.constant 48 : index
    %swap3A_485 = tpu.vector_load %arg11[%swap3A_484] {strides = array<i32>} : memref<64xi32, #tpu.memory_space<vmem>>, vector<16xi32>,
    tpu.vector_store %arg11[%swap3A_484], %add3A_483 {strides = array<i32>} : memref<64xi32, #tpu.memory_space<vmem>>, vector<16xi32>,
    %jit3A_486 = arith.constant 30 : i32
    %div3A_487 = arith.divsi %add3A_331, %jit3A_486 : i32
    %sign3A_488 = arith.constant 0 : i32
    %sign3A_489 = arith.cmpi sgt, %add3A_331, %sign3A_488 : i32
    %sign3A_490 = arith.extui %sign3A_489 : i1 to i32
    %sign3A_491 = arith.constant 0 : i32
    %sign3A_492 = arith.cmpi slt, %add3A_331, %sign3A_491 : i32
    %sign3A_493 = arith.extui %sign3A_492 : i1 to i32
    %sign3A_494 = arith.subi %sign3A_490, %sign3A_493 : i32
    %sign3A_495 = arith.constant 0 : i32
    %sign3A_496 = arith.cmpi sgt, %jit3A_486, %sign3A_495 : i32
    %sign3A_497 = arith.extui %sign3A_496 : i1 to i32
    %sign3A_498 = arith.constant 0 : i32
    %sign3A_499 = arith.cmpi slt, %jit3A_486, %sign3A_498 : i32
    %sign3A_500 = arith.extui %sign3A_499 : i1 to i32
    %sign3A_501 = arith.subi %sign3A_497, %sign3A_500 : i32
    %ne3A_502 = arith.cmpi ne, %sign3A_494, %sign3A_501 : i32
    %rem3A_503 = arith.remsi %add3A_331, %jit3A_486 : i32
    %ne3A_504 = arith.constant 0 : i32
    %ne3A_505 = arith.cmpi ne, %rem3A_503, %ne3A_504 : i32
    %and3A_506 = arith.andi %ne3A_502, %ne3A_505 : i1
    %sub3A_507 = arith.constant 1 : i32
    %sub3A_508 = arith.subi %div3A_487, %sub3A_507 : i32
    %select_n3A_509 = arith.select %and3A_506, %sub3A_508, %div3A_487 : i32
    %mul3A_510 = arith.constant 30 : i32
    %mul3A_511 = arith.muli %select_n3A_509, %mul3A_510 : i32
    %sub3A_512 = arith.subi %add3A_331, %mul3A_511 : i32
    %jit3A_513 = arith.constant 5 : i32
    %div3A_514 = arith.divsi %sub3A_512, %jit3A_513 : i32
    %sign3A_515 = arith.constant 0 : i32
    %sign3A_516 = arith.cmpi sgt, %sub3A_512, %sign3A_515 : i32
    %sign3A_517 = arith.extui %sign3A_516 : i1 to i32
    %sign3A_518 = arith.constant 0 : i32
    %sign3A_519 = arith.cmpi slt, %sub3A_512, %sign3A_518 : i32
    %sign3A_520 = arith.extui %sign3A_519 : i1 to i32
    %sign3A_521 = arith.subi %sign3A_517, %sign3A_520 : i32
    %sign3A_522 = arith.constant 0 : i32
    %sign3A_523 = arith.cmpi sgt, %jit3A_513, %sign3A_522 : i32
    %sign3A_524 = arith.extui %sign3A_523 : i1 to i32
    %sign3A_525 = arith.constant 0 : i32
    %sign3A_526 = arith.cmpi slt, %jit3A_513, %sign3A_525 : i32
    %sign3A_527 = arith.extui %sign3A_526 : i1 to i32
    %sign3A_528 = arith.subi %sign3A_524, %sign3A_527 : i32
    %ne3A_529 = arith.cmpi ne, %sign3A_521, %sign3A_528 : i32
    %rem3A_530 = arith.remsi %sub3A_512, %jit3A_513 : i32
    %ne3A_531 = arith.constant 0 : i32
    %ne3A_532 = arith.cmpi ne, %rem3A_530, %ne3A_531 : i32
    %and3A_533 = arith.andi %ne3A_529, %ne3A_532 : i1
    %sub3A_534 = arith.constant 1 : i32
    %sub3A_535 = arith.subi %div3A_514, %sub3A_534 : i32
    %select_n3A_536 = arith.select %and3A_533, %sub3A_535, %div3A_514 : i32
    %mul3A_537 = arith.constant 5 : i32
    %mul3A_538 = arith.muli %select_n3A_536, %mul3A_537 : i32
    %sub3A_539 = arith.subi %sub3A_512, %mul3A_538 : i32
    %add3A_540 = arith.constant 4 : i32
    %add3A_541 = arith.addi %sub3A_539, %add3A_540 : i32
    %jit3A_542 = arith.constant 5 : i32
    %eq3A_543 = arith.constant 0 : i32
    %eq3A_544 = arith.cmpi eq, %jit3A_542, %eq3A_543 : i32
    %jit3A_545 = arith.constant 1 : i32
    %select_n3A_546 = arith.select %eq3A_544, %jit3A_545, %jit3A_542 : i32
    %rem3A_547 = arith.remsi %add3A_541, %select_n3A_546 : i32
    %ne3A_548 = arith.constant 0 : i32
    %ne3A_549 = arith.cmpi ne, %rem3A_547, %ne3A_548 : i32
    %lt3A_550 = arith.constant 0 : i32
    %lt3A_551 = arith.cmpi slt, %rem3A_547, %lt3A_550 : i32
    %lt3A_552 = arith.constant 0 : i32
    %lt3A_553 = arith.cmpi slt, %select_n3A_546, %lt3A_552 : i32
    %ne3A_554 = arith.xori %lt3A_551, %lt3A_553 : i1
    %and3A_555 = arith.andi %ne3A_554, %ne3A_549 : i1
    %add3A_556 = arith.addi %rem3A_547, %select_n3A_546 : i32
    %select_n3A_557 = arith.select %and3A_555, %add3A_556, %rem3A_547 : i32
    %mul3A_558 = arith.constant 30 : i32
    %mul3A_559 = arith.muli %select_n3A_509, %mul3A_558 : i32
    %mul3A_560 = arith.constant 5 : i32
    %mul3A_561 = arith.muli %select_n3A_536, %mul3A_560 : i32
    %add3A_562 = arith.addi %mul3A_559, %mul3A_561 : i32
    %add3A_563 = arith.addi %add3A_562, %select_n3A_557 : i32
    %add3A_564 = arith.constant 1 : i32
    %add3A_565 = arith.addi %select_n3A_536, %add3A_564 : i32
    %jit3A_566 = arith.constant 6 : i32
    %eq3A_567 = arith.constant 0 : i32
    %eq3A_568 = arith.cmpi eq, %jit3A_566, %eq3A_567 : i32
    %jit3A_569 = arith.constant 1 : i32
    %select_n3A_570 = arith.select %eq3A_568, %jit3A_569, %jit3A_566 : i32
    %rem3A_571 = arith.remsi %add3A_565, %select_n3A_570 : i32
    %ne3A_572 = arith.constant 0 : i32
    %ne3A_573 = arith.cmpi ne, %rem3A_571, %ne3A_572 : i32
    %lt3A_574 = arith.constant 0 : i32
    %lt3A_575 = arith.cmpi slt, %rem3A_571, %lt3A_574 : i32
    %lt3A_576 = arith.constant 0 : i32
    %lt3A_577 = arith.cmpi slt, %select_n3A_570, %lt3A_576 : i32
    %ne3A_578 = arith.xori %lt3A_575, %lt3A_577 : i1
    %and3A_579 = arith.andi %ne3A_578, %ne3A_573 : i1
    %add3A_580 = arith.addi %rem3A_571, %select_n3A_570 : i32
    %select_n3A_581 = arith.select %and3A_579, %add3A_580, %rem3A_571 : i32
    %mul3A_582 = arith.constant 5 : i32
    %mul3A_583 = arith.muli %select_n3A_581, %mul3A_582 : i32
    %add3A_584 = arith.addi %mul3A_559, %mul3A_583 : i32
    %add3A_585 = arith.addi %add3A_584, %select_n3A_557 : i32
    %add3A_586 = arith.constant 5 : i32
    %add3A_587 = arith.addi %select_n3A_536, %add3A_586 : i32
    %jit3A_588 = arith.constant 6 : i32
    %eq3A_589 = arith.constant 0 : i32
    %eq3A_590 = arith.cmpi eq, %jit3A_588, %eq3A_589 : i32
    %jit3A_591 = arith.constant 1 : i32
    %select_n3A_592 = arith.select %eq3A_590, %jit3A_591, %jit3A_588 : i32
    %rem3A_593 = arith.remsi %add3A_587, %select_n3A_592 : i32
    %ne3A_594 = arith.constant 0 : i32
    %ne3A_595 = arith.cmpi ne, %rem3A_593, %ne3A_594 : i32
    %lt3A_596 = arith.constant 0 : i32
    %lt3A_597 = arith.cmpi slt, %rem3A_593, %lt3A_596 : i32
    %lt3A_598 = arith.constant 0 : i32
    %lt3A_599 = arith.cmpi slt, %select_n3A_592, %lt3A_598 : i32
    %ne3A_600 = arith.xori %lt3A_597, %lt3A_599 : i1
    %and3A_601 = arith.andi %ne3A_600, %ne3A_595 : i1
    %add3A_602 = arith.addi %rem3A_593, %select_n3A_592 : i32
    %select_n3A_603 = arith.select %and3A_601, %add3A_602, %rem3A_593 : i32
    %mul3A_604 = arith.constant 5 : i32
    %mul3A_605 = arith.muli %select_n3A_603, %mul3A_604 : i32
    %add3A_606 = arith.addi %mul3A_559, %mul3A_605 : i32
    %add3A_607 = arith.addi %add3A_606, %select_n3A_557 : i32
    %mul3A_608 = arith.constant 8192 : i32
    %mul3A_609 = arith.muli %add3A_331, %mul3A_608 : i32
    %mul3A_610 = arith.constant 8192 : i32
    %mul3A_611 = arith.muli %add3A_563, %mul3A_610 : i32
    %add3A_612 = arith.constant 8064 : i32
    %add3A_613 = arith.addi %mul3A_611, %add3A_612 : i32
    %add3A_614 = arith.constant 64 : i32
    %add3A_615 = arith.addi %add3A_613, %add3A_614 : i32
    %mul3A_616 = arith.constant 8192 : i32
    %mul3A_617 = arith.muli %add3A_607, %mul3A_616 : i32
    %add3A_618 = arith.constant 8064 : i32
    %add3A_619 = arith.addi %mul3A_617, %add3A_618 : i32
    %mul3A_620 = arith.constant 245760 : i32
    %mul3A_621 = arith.muli %select_n3A_509, %mul3A_620 : i32
    %dma_start3A_622 = arith.constant 0 : i32
    %dma_start3A_623 = tpu.memref_slice %arg7[%dma_start3A_622] : memref<8448xf32, #tpu.memory_space<vmem>> -> memref<8192xf32, #tpu.memory_space<vmem>>
    %dma_start3A_624 = tpu.memref_slice %arg2[%mul3A_609] : memref<62914560xf32, #tpu.memory_space<hbm>> -> memref<8192xf32, #tpu.memory_space<hbm>>
    %dma_start3A_625 = arith.constant 0 : i32
    %dma_start3A_626 = tpu.memref_slice %arg7[%dma_start3A_625] : memref<8448xf32, #tpu.memory_space<vmem>> -> memref<8192xf32, #tpu.memory_space<vmem>>
    %dma_start3A_627 = tpu.memref_slice %arg2[%mul3A_609] : memref<62914560xf32, #tpu.memory_space<hbm>> -> memref<8192xf32, #tpu.memory_space<hbm>>
    tpu.enqueue_dma source(%dma_start3A_627 : memref<8192xf32, #tpu.memory_space<hbm>>) target(%dma_start3A_626 : memref<8192xf32, #tpu.memory_space<vmem>>) target_semaphore(%arg19 : memref<!tpu.dma_semaphore, #tpu.memory_space<semaphore_mem>>)
    %dma_start3A_628 = arith.constant 8192 : i32
    %dma_start3A_629 = tpu.memref_slice %arg7[%dma_start3A_628] : memref<8448xf32, #tpu.memory_space<vmem>> -> memref<64xf32, #tpu.memory_space<vmem>>
    %dma_start3A_630 = tpu.memref_slice %arg2[%add3A_615] : memref<62914560xf32, #tpu.memory_space<hbm>> -> memref<64xf32, #tpu.memory_space<hbm>>
    %dma_start3A_631 = arith.constant 8192 : i32
    %dma_start3A_632 = tpu.memref_slice %arg7[%dma_start3A_631] : memref<8448xf32, #tpu.memory_space<vmem>> -> memref<64xf32, #tpu.memory_space<vmem>>
    %dma_start3A_633 = tpu.memref_slice %arg2[%add3A_615] : memref<62914560xf32, #tpu.memory_space<hbm>> -> memref<64xf32, #tpu.memory_space<hbm>>
    tpu.enqueue_dma source(%dma_start3A_633 : memref<64xf32, #tpu.memory_space<hbm>>) target(%dma_start3A_632 : memref<64xf32, #tpu.memory_space<vmem>>) target_semaphore(%arg19 : memref<!tpu.dma_semaphore, #tpu.memory_space<semaphore_mem>>)
    %dma_start3A_634 = arith.constant 8256 : i32
    %dma_start3A_635 = tpu.memref_slice %arg7[%dma_start3A_634] : memref<8448xf32, #tpu.memory_space<vmem>> -> memref<64xf32, #tpu.memory_space<vmem>>
    %dma_start3A_636 = tpu.memref_slice %arg2[%add3A_619] : memref<62914560xf32, #tpu.memory_space<hbm>> -> memref<64xf32, #tpu.memory_space<hbm>>
    %dma_start3A_637 = arith.constant 8256 : i32
    %dma_start3A_638 = tpu.memref_slice %arg7[%dma_start3A_637] : memref<8448xf32, #tpu.memory_space<vmem>> -> memref<64xf32, #tpu.memory_space<vmem>>
    %dma_start3A_639 = tpu.memref_slice %arg2[%add3A_619] : memref<62914560xf32, #tpu.memory_space<hbm>> -> memref<64xf32, #tpu.memory_space<hbm>>
    tpu.enqueue_dma source(%dma_start3A_639 : memref<64xf32, #tpu.memory_space<hbm>>) target(%dma_start3A_638 : memref<64xf32, #tpu.memory_space<vmem>>) target_semaphore(%arg19 : memref<!tpu.dma_semaphore, #tpu.memory_space<semaphore_mem>>)
    %dma_start3A_640 = arith.constant 8320 : i32
    %dma_start3A_641 = tpu.memref_slice %arg7[%dma_start3A_640] : memref<8448xf32, #tpu.memory_space<vmem>> -> memref<8xf32, #tpu.memory_space<vmem>>
    %dma_start3A_642 = tpu.memref_slice %arg2[%mul3A_621] : memref<62914560xf32, #tpu.memory_space<hbm>> -> memref<8xf32, #tpu.memory_space<hbm>>
    %dma_start3A_643 = arith.constant 8320 : i32
    %dma_start3A_644 = tpu.memref_slice %arg7[%dma_start3A_643] : memref<8448xf32, #tpu.memory_space<vmem>> -> memref<8xf32, #tpu.memory_space<vmem>>
    %dma_start3A_645 = tpu.memref_slice %arg2[%mul3A_621] : memref<62914560xf32, #tpu.memory_space<hbm>> -> memref<8xf32, #tpu.memory_space<hbm>>
    tpu.enqueue_dma source(%dma_start3A_645 : memref<8xf32, #tpu.memory_space<hbm>>) target(%dma_start3A_644 : memref<8xf32, #tpu.memory_space<vmem>>) target_semaphore(%arg19 : memref<!tpu.dma_semaphore, #tpu.memory_space<semaphore_mem>>)
    %dma_start3A_646 = arith.constant 8384 : i32
    %dma_start3A_647 = tpu.memref_slice %arg7[%dma_start3A_646] : memref<8448xf32, #tpu.memory_space<vmem>> -> memref<64xf32, #tpu.memory_space<vmem>>
    %dma_start3A_648 = arith.constant 0 : i32
    %dma_start3A_649 = tpu.memref_slice %arg2[%dma_start3A_648] : memref<62914560xf32, #tpu.memory_space<hbm>> -> memref<62914560xf32, #tpu.memory_space<hbm>>
    tpu.enqueue_indirect_dma source(%dma_start3A_649 : memref<62914560xf32, #tpu.memory_space<hbm>>) target(%dma_start3A_647 : memref<64xf32, #tpu.memory_space<vmem>>) offsets(%arg11 : memref<64xi32, #tpu.memory_space<vmem>>) semaphore(%arg19 : memref<!tpu.dma_semaphore, #tpu.memory_space<semaphore_mem>>)
    %add3A_650 = arith.constant 2 : i32
    %add3A_651 = arith.addi %mul3A_21, %add3A_650 : i32
    %jit3A_652 = arith.constant 30 : i32
    %div3A_653 = arith.divsi %add3A_651, %jit3A_652 : i32
    %sign3A_654 = arith.constant 0 : i32
    %sign3A_655 = arith.cmpi sgt, %add3A_651, %sign3A_654 : i32
    %sign3A_656 = arith.extui %sign3A_655 : i1 to i32
    %sign3A_657 = arith.constant 0 : i32
    %sign3A_658 = arith.cmpi slt, %add3A_651, %sign3A_657 : i32
    %sign3A_659 = arith.extui %sign3A_658 : i1 to i32
    %sign3A_660 = arith.subi %sign3A_656, %sign3A_659 : i32
    %sign3A_661 = arith.constant 0 : i32
    %sign3A_662 = arith.cmpi sgt, %jit3A_652, %sign3A_661 : i32
    %sign3A_663 = arith.extui %sign3A_662 : i1 to i32
    %sign3A_664 = arith.constant 0 : i32
    %sign3A_665 = arith.cmpi slt, %jit3A_652, %sign3A_664 : i32
    %sign3A_666 = arith.extui %sign3A_665 : i1 to i32
    %sign3A_667 = arith.subi %sign3A_663, %sign3A_666 : i32
    %ne3A_668 = arith.cmpi ne, %sign3A_660, %sign3A_667 : i32
    %rem3A_669 = arith.remsi %add3A_651, %jit3A_652 : i32
    %ne3A_670 = arith.constant 0 : i32
    %ne3A_671 = arith.cmpi ne, %rem3A_669, %ne3A_670 : i32
    %and3A_672 = arith.andi %ne3A_668, %ne3A_671 : i1
    %sub3A_673 = arith.constant 1 : i32
    %sub3A_674 = arith.subi %div3A_653, %sub3A_673 : i32
    %select_n3A_675 = arith.select %and3A_672, %sub3A_674, %div3A_653 : i32
    %mul3A_676 = arith.constant 30 : i32
    %mul3A_677 = arith.muli %select_n3A_675, %mul3A_676 : i32
    %sub3A_678 = arith.subi %add3A_651, %mul3A_677 : i32
    %jit3A_679 = arith.constant 5 : i32
    %div3A_680 = arith.divsi %sub3A_678, %jit3A_679 : i32
    %sign3A_681 = arith.constant 0 : i32
    %sign3A_682 = arith.cmpi sgt, %sub3A_678, %sign3A_681 : i32
    %sign3A_683 = arith.extui %sign3A_682 : i1 to i32
    %sign3A_684 = arith.constant 0 : i32
    %sign3A_685 = arith.cmpi slt, %sub3A_678, %sign3A_684 : i32
    %sign3A_686 = arith.extui %sign3A_685 : i1 to i32
    %sign3A_687 = arith.subi %sign3A_683, %sign3A_686 : i32
    %sign3A_688 = arith.constant 0 : i32
    %sign3A_689 = arith.cmpi sgt, %jit3A_679, %sign3A_688 : i32
    %sign3A_690 = arith.extui %sign3A_689 : i1 to i32
    %sign3A_691 = arith.constant 0 : i32
    %sign3A_692 = arith.cmpi slt, %jit3A_679, %sign3A_691 : i32
    %sign3A_693 = arith.extui %sign3A_692 : i1 to i32
    %sign3A_694 = arith.subi %sign3A_690, %sign3A_693 : i32
    %ne3A_695 = arith.cmpi ne, %sign3A_687, %sign3A_694 : i32
    %rem3A_696 = arith.remsi %sub3A_678, %jit3A_679 : i32
    %ne3A_697 = arith.constant 0 : i32
    %ne3A_698 = arith.cmpi ne, %rem3A_696, %ne3A_697 : i32
    %and3A_699 = arith.andi %ne3A_695, %ne3A_698 : i1
    %sub3A_700 = arith.constant 1 : i32
    %sub3A_701 = arith.subi %div3A_680, %sub3A_700 : i32
    %select_n3A_702 = arith.select %and3A_699, %sub3A_701, %div3A_680 : i32
    %mul3A_703 = arith.constant 5 : i32
    %mul3A_704 = arith.muli %select_n3A_702, %mul3A_703 : i32
    %sub3A_705 = arith.subi %sub3A_678, %mul3A_704 : i32
    %add3A_706 = arith.constant 4 : i32
    %add3A_707 = arith.addi %sub3A_705, %add3A_706 : i32
    %jit3A_708 = arith.constant 5 : i32
    %eq3A_709 = arith.constant 0 : i32
    %eq3A_710 = arith.cmpi eq, %jit3A_708, %eq3A_709 : i32
    %jit3A_711 = arith.constant 1 : i32
    %select_n3A_712 = arith.select %eq3A_710, %jit3A_711, %jit3A_708 : i32
    %rem3A_713 = arith.remsi %add3A_707, %select_n3A_712 : i32
    %ne3A_714 = arith.constant 0 : i32
    %ne3A_715 = arith.cmpi ne, %rem3A_713, %ne3A_714 : i32
    %lt3A_716 = arith.constant 0 : i32
    %lt3A_717 = arith.cmpi slt, %rem3A_713, %lt3A_716 : i32
    %lt3A_718 = arith.constant 0 : i32
    %lt3A_719 = arith.cmpi slt, %select_n3A_712, %lt3A_718 : i32
    %ne3A_720 = arith.xori %lt3A_717, %lt3A_719 : i1
    %and3A_721 = arith.andi %ne3A_720, %ne3A_715 : i1
    %add3A_722 = arith.addi %rem3A_713, %select_n3A_712 : i32
    %select_n3A_723 = arith.select %and3A_721, %add3A_722, %rem3A_713 : i32
    %mul3A_724 = arith.constant 30 : i32
    %mul3A_725 = arith.muli %select_n3A_675, %mul3A_724 : i32
    %mul3A_726 = arith.constant 5 : i32
    %mul3A_727 = arith.muli %select_n3A_702, %mul3A_726 : i32
    %add3A_728 = arith.addi %mul3A_725, %mul3A_727 : i32
    %add3A_729 = arith.addi %add3A_728, %select_n3A_723 : i32
    %add3A_730 = arith.constant 1 : i32
    %add3A_731 = arith.addi %select_n3A_702, %add3A_730 : i32
    %jit3A_732 = arith.constant 6 : i32
    %eq3A_733 = arith.constant 0 : i32
    %eq3A_734 = arith.cmpi eq, %jit3A_732, %eq3A_733 : i32
    %jit3A_735 = arith.constant 1 : i32
    %select_n3A_736 = arith.select %eq3A_734, %jit3A_735, %jit3A_732 : i32
    %rem3A_737 = arith.remsi %add3A_731, %select_n3A_736 : i32
    %ne3A_738 = arith.constant 0 : i32
    %ne3A_739 = arith.cmpi ne, %rem3A_737, %ne3A_738 : i32
    %lt3A_740 = arith.constant 0 : i32
    %lt3A_741 = arith.cmpi slt, %rem3A_737, %lt3A_740 : i32
    %lt3A_742 = arith.constant 0 : i32
    %lt3A_743 = arith.cmpi slt, %select_n3A_736, %lt3A_742 : i32
    %ne3A_744 = arith.xori %lt3A_741, %lt3A_743 : i1
    %and3A_745 = arith.andi %ne3A_744, %ne3A_739 : i1
    %add3A_746 = arith.addi %rem3A_737, %select_n3A_736 : i32
    %select_n3A_747 = arith.select %and3A_745, %add3A_746, %rem3A_737 : i32
    %mul3A_748 = arith.constant 5 : i32
    %mul3A_749 = arith.muli %select_n3A_747, %mul3A_748 : i32
    %add3A_750 = arith.addi %mul3A_725, %mul3A_749 : i32
    %add3A_751 = arith.addi %add3A_750, %select_n3A_723 : i32
    %add3A_752 = arith.constant 5 : i32
    %add3A_753 = arith.addi %select_n3A_702, %add3A_752 : i32
    %jit3A_754 = arith.constant 6 : i32
    %eq3A_755 = arith.constant 0 : i32
    %eq3A_756 = arith.cmpi eq, %jit3A_754, %eq3A_755 : i32
    %jit3A_757 = arith.constant 1 : i32
    %select_n3A_758 = arith.select %eq3A_756, %jit3A_757, %jit3A_754 : i32
    %rem3A_759 = arith.remsi %add3A_753, %select_n3A_758 : i32
    %ne3A_760 = arith.constant 0 : i32
    %ne3A_761 = arith.cmpi ne, %rem3A_759, %ne3A_760 : i32
    %lt3A_762 = arith.constant 0 : i32
    %lt3A_763 = arith.cmpi slt, %rem3A_759, %lt3A_762 : i32
    %lt3A_764 = arith.constant 0 : i32
    %lt3A_765 = arith.cmpi slt, %select_n3A_758, %lt3A_764 : i32
    %ne3A_766 = arith.xori %lt3A_763, %lt3A_765 : i1
    %and3A_767 = arith.andi %ne3A_766, %ne3A_761 : i1
    %add3A_768 = arith.addi %rem3A_759, %select_n3A_758 : i32
    %select_n3A_769 = arith.select %and3A_767, %add3A_768, %rem3A_759 : i32
    %mul3A_770 = arith.constant 5 : i32
    %mul3A_771 = arith.muli %select_n3A_769, %mul3A_770 : i32
    %add3A_772 = arith.addi %mul3A_725, %mul3A_771 : i32
    %add3A_773 = arith.addi %add3A_772, %select_n3A_723 : i32
    %get3A_774 = arith.constant 0 : index
    %get3A_775 = tpu.vector_load %arg5[%get3A_774] {strides = array<i32>} : memref<864xi32, #tpu.memory_space<vmem>>, vector<16xi32>,
    %mul3A_776 = arith.constant 8192 : i32
    %mul3A_777 = arith.muli %add3A_751, %mul3A_776 : i32
    %add3A_778 = vector.broadcast %mul3A_777 : i32 to vector<16xi32>
    %add3A_779 = arith.addi %get3A_775, %add3A_778 : vector<16xi32>
    %swap3A_780 = arith.constant 0 : index
    %swap3A_781 = tpu.vector_load %arg12[%swap3A_780] {strides = array<i32>} : memref<64xi32, #tpu.memory_space<vmem>>, vector<16xi32>,
    tpu.vector_store %arg12[%swap3A_780], %add3A_779 {strides = array<i32>} : memref<64xi32, #tpu.memory_space<vmem>>, vector<16xi32>,
    %get3A_782 = arith.constant 16 : index
    %get3A_783 = tpu.vector_load %arg5[%get3A_782] {strides = array<i32>} : memref<864xi32, #tpu.memory_space<vmem>>, vector<16xi32>,
    %mul3A_784 = arith.constant 8192 : i32
    %mul3A_785 = arith.muli %add3A_751, %mul3A_784 : i32
    %add3A_786 = vector.broadcast %mul3A_785 : i32 to vector<16xi32>
    %add3A_787 = arith.addi %get3A_783, %add3A_786 : vector<16xi32>
    %swap3A_788 = arith.constant 16 : index
    %swap3A_789 = tpu.vector_load %arg12[%swap3A_788] {strides = array<i32>} : memref<64xi32, #tpu.memory_space<vmem>>, vector<16xi32>,
    tpu.vector_store %arg12[%swap3A_788], %add3A_787 {strides = array<i32>} : memref<64xi32, #tpu.memory_space<vmem>>, vector<16xi32>,
    %get3A_790 = arith.constant 32 : index
    %get3A_791 = tpu.vector_load %arg5[%get3A_790] {strides = array<i32>} : memref<864xi32, #tpu.memory_space<vmem>>, vector<16xi32>,
    %mul3A_792 = arith.constant 8192 : i32
    %mul3A_793 = arith.muli %add3A_751, %mul3A_792 : i32
    %add3A_794 = vector.broadcast %mul3A_793 : i32 to vector<16xi32>
    %add3A_795 = arith.addi %get3A_791, %add3A_794 : vector<16xi32>
    %swap3A_796 = arith.constant 32 : index
    %swap3A_797 = tpu.vector_load %arg12[%swap3A_796] {strides = array<i32>} : memref<64xi32, #tpu.memory_space<vmem>>, vector<16xi32>,
    tpu.vector_store %arg12[%swap3A_796], %add3A_795 {strides = array<i32>} : memref<64xi32, #tpu.memory_space<vmem>>, vector<16xi32>,
    %get3A_798 = arith.constant 48 : index
    %get3A_799 = tpu.vector_load %arg5[%get3A_798] {strides = array<i32>} : memref<864xi32, #tpu.memory_space<vmem>>, vector<16xi32>,
    %mul3A_800 = arith.constant 8192 : i32
    %mul3A_801 = arith.muli %add3A_751, %mul3A_800 : i32
    %add3A_802 = vector.broadcast %mul3A_801 : i32 to vector<16xi32>
    %add3A_803 = arith.addi %get3A_799, %add3A_802 : vector<16xi32>
    %swap3A_804 = arith.constant 48 : index
    %swap3A_805 = tpu.vector_load %arg12[%swap3A_804] {strides = array<i32>} : memref<64xi32, #tpu.memory_space<vmem>>, vector<16xi32>,
    tpu.vector_store %arg12[%swap3A_804], %add3A_803 {strides = array<i32>} : memref<64xi32, #tpu.memory_space<vmem>>, vector<16xi32>,
    %jit3A_806 = arith.constant 30 : i32
    %div3A_807 = arith.divsi %add3A_651, %jit3A_806 : i32
    %sign3A_808 = arith.constant 0 : i32
    %sign3A_809 = arith.cmpi sgt, %add3A_651, %sign3A_808 : i32
    %sign3A_810 = arith.extui %sign3A_809 : i1 to i32
    %sign3A_811 = arith.constant 0 : i32
    %sign3A_812 = arith.cmpi slt, %add3A_651, %sign3A_811 : i32
    %sign3A_813 = arith.extui %sign3A_812 : i1 to i32
    %sign3A_814 = arith.subi %sign3A_810, %sign3A_813 : i32
    %sign3A_815 = arith.constant 0 : i32
    %sign3A_816 = arith.cmpi sgt, %jit3A_806, %sign3A_815 : i32
    %sign3A_817 = arith.extui %sign3A_816 : i1 to i32
    %sign3A_818 = arith.constant 0 : i32
    %sign3A_819 = arith.cmpi slt, %jit3A_806, %sign3A_818 : i32
    %sign3A_820 = arith.extui %sign3A_819 : i1 to i32
    %sign3A_821 = arith.subi %sign3A_817, %sign3A_820 : i32
    %ne3A_822 = arith.cmpi ne, %sign3A_814, %sign3A_821 : i32
    %rem3A_823 = arith.remsi %add3A_651, %jit3A_806 : i32
    %ne3A_824 = arith.constant 0 : i32
    %ne3A_825 = arith.cmpi ne, %rem3A_823, %ne3A_824 : i32
    %and3A_826 = arith.andi %ne3A_822, %ne3A_825 : i1
    %sub3A_827 = arith.constant 1 : i32
    %sub3A_828 = arith.subi %div3A_807, %sub3A_827 : i32
    %select_n3A_829 = arith.select %and3A_826, %sub3A_828, %div3A_807 : i32
    %mul3A_830 = arith.constant 30 : i32
    %mul3A_831 = arith.muli %select_n3A_829, %mul3A_830 : i32
    %sub3A_832 = arith.subi %add3A_651, %mul3A_831 : i32
    %jit3A_833 = arith.constant 5 : i32
    %div3A_834 = arith.divsi %sub3A_832, %jit3A_833 : i32
    %sign3A_835 = arith.constant 0 : i32
    %sign3A_836 = arith.cmpi sgt, %sub3A_832, %sign3A_835 : i32
    %sign3A_837 = arith.extui %sign3A_836 : i1 to i32
    %sign3A_838 = arith.constant 0 : i32
    %sign3A_839 = arith.cmpi slt, %sub3A_832, %sign3A_838 : i32
    %sign3A_840 = arith.extui %sign3A_839 : i1 to i32
    %sign3A_841 = arith.subi %sign3A_837, %sign3A_840 : i32
    %sign3A_842 = arith.constant 0 : i32
    %sign3A_843 = arith.cmpi sgt, %jit3A_833, %sign3A_842 : i32
    %sign3A_844 = arith.extui %sign3A_843 : i1 to i32
    %sign3A_845 = arith.constant 0 : i32
    %sign3A_846 = arith.cmpi slt, %jit3A_833, %sign3A_845 : i32
    %sign3A_847 = arith.extui %sign3A_846 : i1 to i32
    %sign3A_848 = arith.subi %sign3A_844, %sign3A_847 : i32
    %ne3A_849 = arith.cmpi ne, %sign3A_841, %sign3A_848 : i32
    %rem3A_850 = arith.remsi %sub3A_832, %jit3A_833 : i32
    %ne3A_851 = arith.constant 0 : i32
    %ne3A_852 = arith.cmpi ne, %rem3A_850, %ne3A_851 : i32
    %and3A_853 = arith.andi %ne3A_849, %ne3A_852 : i1
    %sub3A_854 = arith.constant 1 : i32
    %sub3A_855 = arith.subi %div3A_834, %sub3A_854 : i32
    %select_n3A_856 = arith.select %and3A_853, %sub3A_855, %div3A_834 : i32
    %mul3A_857 = arith.constant 5 : i32
    %mul3A_858 = arith.muli %select_n3A_856, %mul3A_857 : i32
    %sub3A_859 = arith.subi %sub3A_832, %mul3A_858 : i32
    %add3A_860 = arith.constant 4 : i32
    %add3A_861 = arith.addi %sub3A_859, %add3A_860 : i32
    %jit3A_862 = arith.constant 5 : i32
    %eq3A_863 = arith.constant 0 : i32
    %eq3A_864 = arith.cmpi eq, %jit3A_862, %eq3A_863 : i32
    %jit3A_865 = arith.constant 1 : i32
    %select_n3A_866 = arith.select %eq3A_864, %jit3A_865, %jit3A_862 : i32
    %rem3A_867 = arith.remsi %add3A_861, %select_n3A_866 : i32
    %ne3A_868 = arith.constant 0 : i32
    %ne3A_869 = arith.cmpi ne, %rem3A_867, %ne3A_868 : i32
    %lt3A_870 = arith.constant 0 : i32
    %lt3A_871 = arith.cmpi slt, %rem3A_867, %lt3A_870 : i32
    %lt3A_872 = arith.constant 0 : i32
    %lt3A_873 = arith.cmpi slt, %select_n3A_866, %lt3A_872 : i32
    %ne3A_874 = arith.xori %lt3A_871, %lt3A_873 : i1
    %and3A_875 = arith.andi %ne3A_874, %ne3A_869 : i1
    %add3A_876 = arith.addi %rem3A_867, %select_n3A_866 : i32
    %select_n3A_877 = arith.select %and3A_875, %add3A_876, %rem3A_867 : i32
    %mul3A_878 = arith.constant 30 : i32
    %mul3A_879 = arith.muli %select_n3A_829, %mul3A_878 : i32
    %mul3A_880 = arith.constant 5 : i32
    %mul3A_881 = arith.muli %select_n3A_856, %mul3A_880 : i32
    %add3A_882 = arith.addi %mul3A_879, %mul3A_881 : i32
    %add3A_883 = arith.addi %add3A_882, %select_n3A_877 : i32
    %add3A_884 = arith.constant 1 : i32
    %add3A_885 = arith.addi %select_n3A_856, %add3A_884 : i32
    %jit3A_886 = arith.constant 6 : i32
    %eq3A_887 = arith.constant 0 : i32
    %eq3A_888 = arith.cmpi eq, %jit3A_886, %eq3A_887 : i32
    %jit3A_889 = arith.constant 1 : i32
    %select_n3A_890 = arith.select %eq3A_888, %jit3A_889, %jit3A_886 : i32
    %rem3A_891 = arith.remsi %add3A_885, %select_n3A_890 : i32
    %ne3A_892 = arith.constant 0 : i32
    %ne3A_893 = arith.cmpi ne, %rem3A_891, %ne3A_892 : i32
    %lt3A_894 = arith.constant 0 : i32
    %lt3A_895 = arith.cmpi slt, %rem3A_891, %lt3A_894 : i32
    %lt3A_896 = arith.constant 0 : i32
    %lt3A_897 = arith.cmpi slt, %select_n3A_890, %lt3A_896 : i32
    %ne3A_898 = arith.xori %lt3A_895, %lt3A_897 : i1
    %and3A_899 = arith.andi %ne3A_898, %ne3A_893 : i1
    %add3A_900 = arith.addi %rem3A_891, %select_n3A_890 : i32
    %select_n3A_901 = arith.select %and3A_899, %add3A_900, %rem3A_891 : i32
    %mul3A_902 = arith.constant 5 : i32
    %mul3A_903 = arith.muli %select_n3A_901, %mul3A_902 : i32
    %add3A_904 = arith.addi %mul3A_879, %mul3A_903 : i32
    %add3A_905 = arith.addi %add3A_904, %select_n3A_877 : i32
    %add3A_906 = arith.constant 5 : i32
    %add3A_907 = arith.addi %select_n3A_856, %add3A_906 : i32
    %jit3A_908 = arith.constant 6 : i32
    %eq3A_909 = arith.constant 0 : i32
    %eq3A_910 = arith.cmpi eq, %jit3A_908, %eq3A_909 : i32
    %jit3A_911 = arith.constant 1 : i32
    %select_n3A_912 = arith.select %eq3A_910, %jit3A_911, %jit3A_908 : i32
    %rem3A_913 = arith.remsi %add3A_907, %select_n3A_912 : i32
    %ne3A_914 = arith.constant 0 : i32
    %ne3A_915 = arith.cmpi ne, %rem3A_913, %ne3A_914 : i32
    %lt3A_916 = arith.constant 0 : i32
    %lt3A_917 = arith.cmpi slt, %rem3A_913, %lt3A_916 : i32
    %lt3A_918 = arith.constant 0 : i32
    %lt3A_919 = arith.cmpi slt, %select_n3A_912, %lt3A_918 : i32
    %ne3A_920 = arith.xori %lt3A_917, %lt3A_919 : i1
    %and3A_921 = arith.andi %ne3A_920, %ne3A_915 : i1
    %add3A_922 = arith.addi %rem3A_913, %select_n3A_912 : i32
    %select_n3A_923 = arith.select %and3A_921, %add3A_922, %rem3A_913 : i32
    %mul3A_924 = arith.constant 5 : i32
    %mul3A_925 = arith.muli %select_n3A_923, %mul3A_924 : i32
    %add3A_926 = arith.addi %mul3A_879, %mul3A_925 : i32
    %add3A_927 = arith.addi %add3A_926, %select_n3A_877 : i32
    %mul3A_928 = arith.constant 8192 : i32
    %mul3A_929 = arith.muli %add3A_651, %mul3A_928 : i32
    %mul3A_930 = arith.constant 8192 : i32
    %mul3A_931 = arith.muli %add3A_883, %mul3A_930 : i32
    %add3A_932 = arith.constant 8064 : i32
    %add3A_933 = arith.addi %mul3A_931, %add3A_932 : i32
    %add3A_934 = arith.constant 64 : i32
    %add3A_935 = arith.addi %add3A_933, %add3A_934 : i32
    %mul3A_936 = arith.constant 8192 : i32
    %mul3A_937 = arith.muli %add3A_927, %mul3A_936 : i32
    %add3A_938 = arith.constant 8064 : i32
    %add3A_939 = arith.addi %mul3A_937, %add3A_938 : i32
    %mul3A_940 = arith.constant 245760 : i32
    %mul3A_941 = arith.muli %select_n3A_829, %mul3A_940 : i32
    %dma_start3A_942 = arith.constant 0 : i32
    %dma_start3A_943 = tpu.memref_slice %arg8[%dma_start3A_942] : memref<8448xf32, #tpu.memory_space<vmem>> -> memref<8192xf32, #tpu.memory_space<vmem>>
    %dma_start3A_944 = tpu.memref_slice %arg2[%mul3A_929] : memref<62914560xf32, #tpu.memory_space<hbm>> -> memref<8192xf32, #tpu.memory_space<hbm>>
    %dma_start3A_945 = arith.constant 0 : i32
    %dma_start3A_946 = tpu.memref_slice %arg8[%dma_start3A_945] : memref<8448xf32, #tpu.memory_space<vmem>> -> memref<8192xf32, #tpu.memory_space<vmem>>
    %dma_start3A_947 = tpu.memref_slice %arg2[%mul3A_929] : memref<62914560xf32, #tpu.memory_space<hbm>> -> memref<8192xf32, #tpu.memory_space<hbm>>
    tpu.enqueue_dma source(%dma_start3A_947 : memref<8192xf32, #tpu.memory_space<hbm>>) target(%dma_start3A_946 : memref<8192xf32, #tpu.memory_space<vmem>>) target_semaphore(%arg20 : memref<!tpu.dma_semaphore, #tpu.memory_space<semaphore_mem>>)
    %dma_start3A_948 = arith.constant 8192 : i32
    %dma_start3A_949 = tpu.memref_slice %arg8[%dma_start3A_948] : memref<8448xf32, #tpu.memory_space<vmem>> -> memref<64xf32, #tpu.memory_space<vmem>>
    %dma_start3A_950 = tpu.memref_slice %arg2[%add3A_935] : memref<62914560xf32, #tpu.memory_space<hbm>> -> memref<64xf32, #tpu.memory_space<hbm>>
    %dma_start3A_951 = arith.constant 8192 : i32
    %dma_start3A_952 = tpu.memref_slice %arg8[%dma_start3A_951] : memref<8448xf32, #tpu.memory_space<vmem>> -> memref<64xf32, #tpu.memory_space<vmem>>
    %dma_start3A_953 = tpu.memref_slice %arg2[%add3A_935] : memref<62914560xf32, #tpu.memory_space<hbm>> -> memref<64xf32, #tpu.memory_space<hbm>>
    tpu.enqueue_dma source(%dma_start3A_953 : memref<64xf32, #tpu.memory_space<hbm>>) target(%dma_start3A_952 : memref<64xf32, #tpu.memory_space<vmem>>) target_semaphore(%arg20 : memref<!tpu.dma_semaphore, #tpu.memory_space<semaphore_mem>>)
    %dma_start3A_954 = arith.constant 8256 : i32
    %dma_start3A_955 = tpu.memref_slice %arg8[%dma_start3A_954] : memref<8448xf32, #tpu.memory_space<vmem>> -> memref<64xf32, #tpu.memory_space<vmem>>
    %dma_start3A_956 = tpu.memref_slice %arg2[%add3A_939] : memref<62914560xf32, #tpu.memory_space<hbm>> -> memref<64xf32, #tpu.memory_space<hbm>>
    %dma_start3A_957 = arith.constant 8256 : i32
    %dma_start3A_958 = tpu.memref_slice %arg8[%dma_start3A_957] : memref<8448xf32, #tpu.memory_space<vmem>> -> memref<64xf32, #tpu.memory_space<vmem>>
    %dma_start3A_959 = tpu.memref_slice %arg2[%add3A_939] : memref<62914560xf32, #tpu.memory_space<hbm>> -> memref<64xf32, #tpu.memory_space<hbm>>
    tpu.enqueue_dma source(%dma_start3A_959 : memref<64xf32, #tpu.memory_space<hbm>>) target(%dma_start3A_958 : memref<64xf32, #tpu.memory_space<vmem>>) target_semaphore(%arg20 : memref<!tpu.dma_semaphore, #tpu.memory_space<semaphore_mem>>)
    %dma_start3A_960 = arith.constant 8320 : i32
    %dma_start3A_961 = tpu.memref_slice %arg8[%dma_start3A_960] : memref<8448xf32, #tpu.memory_space<vmem>> -> memref<8xf32, #tpu.memory_space<vmem>>
    %dma_start3A_962 = tpu.memref_slice %arg2[%mul3A_941] : memref<62914560xf32, #tpu.memory_space<hbm>> -> memref<8xf32, #tpu.memory_space<hbm>>
    %dma_start3A_963 = arith.constant 8320 : i32
    %dma_start3A_964 = tpu.memref_slice %arg8[%dma_start3A_963] : memref<8448xf32, #tpu.memory_space<vmem>> -> memref<8xf32, #tpu.memory_space<vmem>>
    %dma_start3A_965 = tpu.memref_slice %arg2[%mul3A_941] : memref<62914560xf32, #tpu.memory_space<hbm>> -> memref<8xf32, #tpu.memory_space<hbm>>
    tpu.enqueue_dma source(%dma_start3A_965 : memref<8xf32, #tpu.memory_space<hbm>>) target(%dma_start3A_964 : memref<8xf32, #tpu.memory_space<vmem>>) target_semaphore(%arg20 : memref<!tpu.dma_semaphore, #tpu.memory_space<semaphore_mem>>)
    %dma_start3A_966 = arith.constant 8384 : i32
    %dma_start3A_967 = tpu.memref_slice %arg8[%dma_start3A_966] : memref<8448xf32, #tpu.memory_space<vmem>> -> memref<64xf32, #tpu.memory_space<vmem>>
    %dma_start3A_968 = arith.constant 0 : i32
    %dma_start3A_969 = tpu.memref_slice %arg2[%dma_start3A_968] : memref<62914560xf32, #tpu.memory_space<hbm>> -> memref<62914560xf32, #tpu.memory_space<hbm>>
    tpu.enqueue_indirect_dma source(%dma_start3A_969 : memref<62914560xf32, #tpu.memory_space<hbm>>) target(%dma_start3A_967 : memref<64xf32, #tpu.memory_space<vmem>>) offsets(%arg12 : memref<64xi32, #tpu.memory_space<vmem>>) semaphore(%arg20 : memref<!tpu.dma_semaphore, #tpu.memory_space<semaphore_mem>>)
    %scan3A = arith.constant 0 : i32
    %scan3A_970 = arith.constant 0 : i32
    %scan3A_971 = arith.constant 60 : i32
    %scan3A_972 = arith.addi %scan3A_970, %scan3A_971 : i32
    %scan3A_973 = arith.constant 1 : i32
    scf.for %scan3A_990 = %scan3A_970 to %scan3A_972 step %scan3A_973  : i32 {
      %mul3A_991 = arith.constant 4 : i32
      %mul3A_992 = arith.muli %mul3A_991, %scan3A_990 : i32
      %add3A_993 = arith.addi %mul3A_21, %mul3A_992 : i32
      %add3A_994 = arith.constant 4 : i32
      %add3A_995 = arith.addi %add3A_993, %add3A_994 : i32
      %sub3A_996 = arith.constant 1 : i32
      %sub3A_997 = arith.subi %add3A_995, %sub3A_996 : i32
      %jit3A_998 = arith.constant 30 : i32
      %div3A_999 = arith.divsi %sub3A_997, %jit3A_998 : i32
      %sign3A_1000 = arith.constant 0 : i32
      %sign3A_1001 = arith.cmpi sgt, %sub3A_997, %sign3A_1000 : i32
      %sign3A_1002 = arith.extui %sign3A_1001 : i1 to i32
      %sign3A_1003 = arith.constant 0 : i32
      %sign3A_1004 = arith.cmpi slt, %sub3A_997, %sign3A_1003 : i32
      %sign3A_1005 = arith.extui %sign3A_1004 : i1 to i32
      %sign3A_1006 = arith.subi %sign3A_1002, %sign3A_1005 : i32
      %sign3A_1007 = arith.constant 0 : i32
      %sign3A_1008 = arith.cmpi sgt, %jit3A_998, %sign3A_1007 : i32
      %sign3A_1009 = arith.extui %sign3A_1008 : i1 to i32
      %sign3A_1010 = arith.constant 0 : i32
      %sign3A_1011 = arith.cmpi slt, %jit3A_998, %sign3A_1010 : i32
      %sign3A_1012 = arith.extui %sign3A_1011 : i1 to i32
      %sign3A_1013 = arith.subi %sign3A_1009, %sign3A_1012 : i32
      %ne3A_1014 = arith.cmpi ne, %sign3A_1006, %sign3A_1013 : i32
      %rem3A_1015 = arith.remsi %sub3A_997, %jit3A_998 : i32
      %ne3A_1016 = arith.constant 0 : i32
      %ne3A_1017 = arith.cmpi ne, %rem3A_1015, %ne3A_1016 : i32
      %and3A_1018 = arith.andi %ne3A_1014, %ne3A_1017 : i1
      %sub3A_1019 = arith.constant 1 : i32
      %sub3A_1020 = arith.subi %div3A_999, %sub3A_1019 : i32
      %select_n3A_1021 = arith.select %and3A_1018, %sub3A_1020, %div3A_999 : i32
      %mul3A_1022 = arith.constant 30 : i32
      %mul3A_1023 = arith.muli %select_n3A_1021, %mul3A_1022 : i32
      %sub3A_1024 = arith.subi %sub3A_997, %mul3A_1023 : i32
      %jit3A_1025 = arith.constant 5 : i32
      %div3A_1026 = arith.divsi %sub3A_1024, %jit3A_1025 : i32
      %sign3A_1027 = arith.constant 0 : i32
      %sign3A_1028 = arith.cmpi sgt, %sub3A_1024, %sign3A_1027 : i32
      %sign3A_1029 = arith.extui %sign3A_1028 : i1 to i32
      %sign3A_1030 = arith.constant 0 : i32
      %sign3A_1031 = arith.cmpi slt, %sub3A_1024, %sign3A_1030 : i32
      %sign3A_1032 = arith.extui %sign3A_1031 : i1 to i32
      %sign3A_1033 = arith.subi %sign3A_1029, %sign3A_1032 : i32
      %sign3A_1034 = arith.constant 0 : i32
      %sign3A_1035 = arith.cmpi sgt, %jit3A_1025, %sign3A_1034 : i32
      %sign3A_1036 = arith.extui %sign3A_1035 : i1 to i32
      %sign3A_1037 = arith.constant 0 : i32
      %sign3A_1038 = arith.cmpi slt, %jit3A_1025, %sign3A_1037 : i32
      %sign3A_1039 = arith.extui %sign3A_1038 : i1 to i32
      %sign3A_1040 = arith.subi %sign3A_1036, %sign3A_1039 : i32
      %ne3A_1041 = arith.cmpi ne, %sign3A_1033, %sign3A_1040 : i32
      %rem3A_1042 = arith.remsi %sub3A_1024, %jit3A_1025 : i32
      %ne3A_1043 = arith.constant 0 : i32
      %ne3A_1044 = arith.cmpi ne, %rem3A_1042, %ne3A_1043 : i32
      %and3A_1045 = arith.andi %ne3A_1041, %ne3A_1044 : i1
      %sub3A_1046 = arith.constant 1 : i32
      %sub3A_1047 = arith.subi %div3A_1026, %sub3A_1046 : i32
      %select_n3A_1048 = arith.select %and3A_1045, %sub3A_1047, %div3A_1026 : i32
      %mul3A_1049 = arith.constant 5 : i32
      %mul3A_1050 = arith.muli %select_n3A_1048, %mul3A_1049 : i32
      %sub3A_1051 = arith.subi %sub3A_1024, %mul3A_1050 : i32
      %add3A_1052 = arith.constant 4 : i32
      %add3A_1053 = arith.addi %sub3A_1051, %add3A_1052 : i32
      %jit3A_1054 = arith.constant 5 : i32
      %eq3A_1055 = arith.constant 0 : i32
      %eq3A_1056 = arith.cmpi eq, %jit3A_1054, %eq3A_1055 : i32
      %jit3A_1057 = arith.constant 1 : i32
      %select_n3A_1058 = arith.select %eq3A_1056, %jit3A_1057, %jit3A_1054 : i32
      %rem3A_1059 = arith.remsi %add3A_1053, %select_n3A_1058 : i32
      %ne3A_1060 = arith.constant 0 : i32
      %ne3A_1061 = arith.cmpi ne, %rem3A_1059, %ne3A_1060 : i32
      %lt3A_1062 = arith.constant 0 : i32
      %lt3A_1063 = arith.cmpi slt, %rem3A_1059, %lt3A_1062 : i32
      %lt3A_1064 = arith.constant 0 : i32
      %lt3A_1065 = arith.cmpi slt, %select_n3A_1058, %lt3A_1064 : i32
      %ne3A_1066 = arith.xori %lt3A_1063, %lt3A_1065 : i1
      %and3A_1067 = arith.andi %ne3A_1066, %ne3A_1061 : i1
      %add3A_1068 = arith.addi %rem3A_1059, %select_n3A_1058 : i32
      %select_n3A_1069 = arith.select %and3A_1067, %add3A_1068, %rem3A_1059 : i32
      %mul3A_1070 = arith.constant 30 : i32
      %mul3A_1071 = arith.muli %select_n3A_1021, %mul3A_1070 : i32
      %mul3A_1072 = arith.constant 5 : i32
      %mul3A_1073 = arith.muli %select_n3A_1048, %mul3A_1072 : i32
      %add3A_1074 = arith.addi %mul3A_1071, %mul3A_1073 : i32
      %add3A_1075 = arith.addi %add3A_1074, %select_n3A_1069 : i32
      %add3A_1076 = arith.constant 1 : i32
      %add3A_1077 = arith.addi %select_n3A_1048, %add3A_1076 : i32
      %jit3A_1078 = arith.constant 6 : i32
      %eq3A_1079 = arith.constant 0 : i32
      %eq3A_1080 = arith.cmpi eq, %jit3A_1078, %eq3A_1079 : i32
      %jit3A_1081 = arith.constant 1 : i32
      %select_n3A_1082 = arith.select %eq3A_1080, %jit3A_1081, %jit3A_1078 : i32
      %rem3A_1083 = arith.remsi %add3A_1077, %select_n3A_1082 : i32
      %ne3A_1084 = arith.constant 0 : i32
      %ne3A_1085 = arith.cmpi ne, %rem3A_1083, %ne3A_1084 : i32
      %lt3A_1086 = arith.constant 0 : i32
      %lt3A_1087 = arith.cmpi slt, %rem3A_1083, %lt3A_1086 : i32
      %lt3A_1088 = arith.constant 0 : i32
      %lt3A_1089 = arith.cmpi slt, %select_n3A_1082, %lt3A_1088 : i32
      %ne3A_1090 = arith.xori %lt3A_1087, %lt3A_1089 : i1
      %and3A_1091 = arith.andi %ne3A_1090, %ne3A_1085 : i1
      %add3A_1092 = arith.addi %rem3A_1083, %select_n3A_1082 : i32
      %select_n3A_1093 = arith.select %and3A_1091, %add3A_1092, %rem3A_1083 : i32
      %mul3A_1094 = arith.constant 5 : i32
      %mul3A_1095 = arith.muli %select_n3A_1093, %mul3A_1094 : i32
      %add3A_1096 = arith.addi %mul3A_1071, %mul3A_1095 : i32
      %add3A_1097 = arith.addi %add3A_1096, %select_n3A_1069 : i32
      %add3A_1098 = arith.constant 5 : i32
      %add3A_1099 = arith.addi %select_n3A_1048, %add3A_1098 : i32
      %jit3A_1100 = arith.constant 6 : i32
      %eq3A_1101 = arith.constant 0 : i32
      %eq3A_1102 = arith.cmpi eq, %jit3A_1100, %eq3A_1101 : i32
      %jit3A_1103 = arith.constant 1 : i32
      %select_n3A_1104 = arith.select %eq3A_1102, %jit3A_1103, %jit3A_1100 : i32
      %rem3A_1105 = arith.remsi %add3A_1099, %select_n3A_1104 : i32
      %ne3A_1106 = arith.constant 0 : i32
      %ne3A_1107 = arith.cmpi ne, %rem3A_1105, %ne3A_1106 : i32
      %lt3A_1108 = arith.constant 0 : i32
      %lt3A_1109 = arith.cmpi slt, %rem3A_1105, %lt3A_1108 : i32
      %lt3A_1110 = arith.constant 0 : i32
      %lt3A_1111 = arith.cmpi slt, %select_n3A_1104, %lt3A_1110 : i32
      %ne3A_1112 = arith.xori %lt3A_1109, %lt3A_1111 : i1
      %and3A_1113 = arith.andi %ne3A_1112, %ne3A_1107 : i1
      %add3A_1114 = arith.addi %rem3A_1105, %select_n3A_1104 : i32
      %select_n3A_1115 = arith.select %and3A_1113, %add3A_1114, %rem3A_1105 : i32
      %mul3A_1116 = arith.constant 5 : i32
      %mul3A_1117 = arith.muli %select_n3A_1115, %mul3A_1116 : i32
      %add3A_1118 = arith.addi %mul3A_1071, %mul3A_1117 : i32
      %add3A_1119 = arith.addi %add3A_1118, %select_n3A_1069 : i32
      %get3A_1120 = arith.constant 0 : index
      %get3A_1121 = tpu.vector_load %arg5[%get3A_1120] {strides = array<i32>} : memref<864xi32, #tpu.memory_space<vmem>>, vector<16xi32>,
      %mul3A_1122 = arith.constant 8192 : i32
      %mul3A_1123 = arith.muli %add3A_1097, %mul3A_1122 : i32
      %add3A_1124 = vector.broadcast %mul3A_1123 : i32 to vector<16xi32>
      %add3A_1125 = arith.addi %get3A_1121, %add3A_1124 : vector<16xi32>
      %swap3A_1126 = arith.constant 0 : index
      %swap3A_1127 = tpu.vector_load %arg13[%swap3A_1126] {strides = array<i32>} : memref<64xi32, #tpu.memory_space<vmem>>, vector<16xi32>,
      tpu.vector_store %arg13[%swap3A_1126], %add3A_1125 {strides = array<i32>} : memref<64xi32, #tpu.memory_space<vmem>>, vector<16xi32>,
      %get3A_1128 = arith.constant 16 : index
      %get3A_1129 = tpu.vector_load %arg5[%get3A_1128] {strides = array<i32>} : memref<864xi32, #tpu.memory_space<vmem>>, vector<16xi32>,
      %mul3A_1130 = arith.constant 8192 : i32
      %mul3A_1131 = arith.muli %add3A_1097, %mul3A_1130 : i32
      %add3A_1132 = vector.broadcast %mul3A_1131 : i32 to vector<16xi32>
      %add3A_1133 = arith.addi %get3A_1129, %add3A_1132 : vector<16xi32>
      %swap3A_1134 = arith.constant 16 : index
      %swap3A_1135 = tpu.vector_load %arg13[%swap3A_1134] {strides = array<i32>} : memref<64xi32, #tpu.memory_space<vmem>>, vector<16xi32>,
      tpu.vector_store %arg13[%swap3A_1134], %add3A_1133 {strides = array<i32>} : memref<64xi32, #tpu.memory_space<vmem>>, vector<16xi32>,
      %get3A_1136 = arith.constant 32 : index
      %get3A_1137 = tpu.vector_load %arg5[%get3A_1136] {strides = array<i32>} : memref<864xi32, #tpu.memory_space<vmem>>, vector<16xi32>,
      %mul3A_1138 = arith.constant 8192 : i32
      %mul3A_1139 = arith.muli %add3A_1097, %mul3A_1138 : i32
      %add3A_1140 = vector.broadcast %mul3A_1139 : i32 to vector<16xi32>
      %add3A_1141 = arith.addi %get3A_1137, %add3A_1140 : vector<16xi32>
      %swap3A_1142 = arith.constant 32 : index
      %swap3A_1143 = tpu.vector_load %arg13[%swap3A_1142] {strides = array<i32>} : memref<64xi32, #tpu.memory_space<vmem>>, vector<16xi32>,
      tpu.vector_store %arg13[%swap3A_1142], %add3A_1141 {strides = array<i32>} : memref<64xi32, #tpu.memory_space<vmem>>, vector<16xi32>,
      %get3A_1144 = arith.constant 48 : index
      %get3A_1145 = tpu.vector_load %arg5[%get3A_1144] {strides = array<i32>} : memref<864xi32, #tpu.memory_space<vmem>>, vector<16xi32>,
      %mul3A_1146 = arith.constant 8192 : i32
      %mul3A_1147 = arith.muli %add3A_1097, %mul3A_1146 : i32
      %add3A_1148 = vector.broadcast %mul3A_1147 : i32 to vector<16xi32>
      %add3A_1149 = arith.addi %get3A_1145, %add3A_1148 : vector<16xi32>
      %swap3A_1150 = arith.constant 48 : index
      %swap3A_1151 = tpu.vector_load %arg13[%swap3A_1150] {strides = array<i32>} : memref<64xi32, #tpu.memory_space<vmem>>, vector<16xi32>,
      tpu.vector_store %arg13[%swap3A_1150], %add3A_1149 {strides = array<i32>} : memref<64xi32, #tpu.memory_space<vmem>>, vector<16xi32>,
      %jit3A_1152 = arith.constant 30 : i32
      %div3A_1153 = arith.divsi %sub3A_997, %jit3A_1152 : i32
      %sign3A_1154 = arith.constant 0 : i32
      %sign3A_1155 = arith.cmpi sgt, %sub3A_997, %sign3A_1154 : i32
      %sign3A_1156 = arith.extui %sign3A_1155 : i1 to i32
      %sign3A_1157 = arith.constant 0 : i32
      %sign3A_1158 = arith.cmpi slt, %sub3A_997, %sign3A_1157 : i32
      %sign3A_1159 = arith.extui %sign3A_1158 : i1 to i32
      %sign3A_1160 = arith.subi %sign3A_1156, %sign3A_1159 : i32
      %sign3A_1161 = arith.constant 0 : i32
      %sign3A_1162 = arith.cmpi sgt, %jit3A_1152, %sign3A_1161 : i32
      %sign3A_1163 = arith.extui %sign3A_1162 : i1 to i32
      %sign3A_1164 = arith.constant 0 : i32
      %sign3A_1165 = arith.cmpi slt, %jit3A_1152, %sign3A_1164 : i32
      %sign3A_1166 = arith.extui %sign3A_1165 : i1 to i32
      %sign3A_1167 = arith.subi %sign3A_1163, %sign3A_1166 : i32
      %ne3A_1168 = arith.cmpi ne, %sign3A_1160, %sign3A_1167 : i32
      %rem3A_1169 = arith.remsi %sub3A_997, %jit3A_1152 : i32
      %ne3A_1170 = arith.constant 0 : i32
      %ne3A_1171 = arith.cmpi ne, %rem3A_1169, %ne3A_1170 : i32
      %and3A_1172 = arith.andi %ne3A_1168, %ne3A_1171 : i1
      %sub3A_1173 = arith.constant 1 : i32
      %sub3A_1174 = arith.subi %div3A_1153, %sub3A_1173 : i32
      %select_n3A_1175 = arith.select %and3A_1172, %sub3A_1174, %div3A_1153 : i32
      %mul3A_1176 = arith.constant 30 : i32
      %mul3A_1177 = arith.muli %select_n3A_1175, %mul3A_1176 : i32
      %sub3A_1178 = arith.subi %sub3A_997, %mul3A_1177 : i32
      %jit3A_1179 = arith.constant 5 : i32
      %div3A_1180 = arith.divsi %sub3A_1178, %jit3A_1179 : i32
      %sign3A_1181 = arith.constant 0 : i32
      %sign3A_1182 = arith.cmpi sgt, %sub3A_1178, %sign3A_1181 : i32
      %sign3A_1183 = arith.extui %sign3A_1182 : i1 to i32
      %sign3A_1184 = arith.constant 0 : i32
      %sign3A_1185 = arith.cmpi slt, %sub3A_1178, %sign3A_1184 : i32
      %sign3A_1186 = arith.extui %sign3A_1185 : i1 to i32
      %sign3A_1187 = arith.subi %sign3A_1183, %sign3A_1186 : i32
      %sign3A_1188 = arith.constant 0 : i32
      %sign3A_1189 = arith.cmpi sgt, %jit3A_1179, %sign3A_1188 : i32
      %sign3A_1190 = arith.extui %sign3A_1189 : i1 to i32
      %sign3A_1191 = arith.constant 0 : i32
      %sign3A_1192 = arith.cmpi slt, %jit3A_1179, %sign3A_1191 : i32
      %sign3A_1193 = arith.extui %sign3A_1192 : i1 to i32
      %sign3A_1194 = arith.subi %sign3A_1190, %sign3A_1193 : i32
      %ne3A_1195 = arith.cmpi ne, %sign3A_1187, %sign3A_1194 : i32
      %rem3A_1196 = arith.remsi %sub3A_1178, %jit3A_1179 : i32
      %ne3A_1197 = arith.constant 0 : i32
      %ne3A_1198 = arith.cmpi ne, %rem3A_1196, %ne3A_1197 : i32
      %and3A_1199 = arith.andi %ne3A_1195, %ne3A_1198 : i1
      %sub3A_1200 = arith.constant 1 : i32
      %sub3A_1201 = arith.subi %div3A_1180, %sub3A_1200 : i32
      %select_n3A_1202 = arith.select %and3A_1199, %sub3A_1201, %div3A_1180 : i32
      %mul3A_1203 = arith.constant 5 : i32
      %mul3A_1204 = arith.muli %select_n3A_1202, %mul3A_1203 : i32
      %sub3A_1205 = arith.subi %sub3A_1178, %mul3A_1204 : i32
      %add3A_1206 = arith.constant 4 : i32
      %add3A_1207 = arith.addi %sub3A_1205, %add3A_1206 : i32
      %jit3A_1208 = arith.constant 5 : i32
      %eq3A_1209 = arith.constant 0 : i32
      %eq3A_1210 = arith.cmpi eq, %jit3A_1208, %eq3A_1209 : i32
      %jit3A_1211 = arith.constant 1 : i32
      %select_n3A_1212 = arith.select %eq3A_1210, %jit3A_1211, %jit3A_1208 : i32
      %rem3A_1213 = arith.remsi %add3A_1207, %select_n3A_1212 : i32
      %ne3A_1214 = arith.constant 0 : i32
      %ne3A_1215 = arith.cmpi ne, %rem3A_1213, %ne3A_1214 : i32
      %lt3A_1216 = arith.constant 0 : i32
      %lt3A_1217 = arith.cmpi slt, %rem3A_1213, %lt3A_1216 : i32
      %lt3A_1218 = arith.constant 0 : i32
      %lt3A_1219 = arith.cmpi slt, %select_n3A_1212, %lt3A_1218 : i32
      %ne3A_1220 = arith.xori %lt3A_1217, %lt3A_1219 : i1
      %and3A_1221 = arith.andi %ne3A_1220, %ne3A_1215 : i1
      %add3A_1222 = arith.addi %rem3A_1213, %select_n3A_1212 : i32
      %select_n3A_1223 = arith.select %and3A_1221, %add3A_1222, %rem3A_1213 : i32
      %mul3A_1224 = arith.constant 30 : i32
      %mul3A_1225 = arith.muli %select_n3A_1175, %mul3A_1224 : i32
      %mul3A_1226 = arith.constant 5 : i32
      %mul3A_1227 = arith.muli %select_n3A_1202, %mul3A_1226 : i32
      %add3A_1228 = arith.addi %mul3A_1225, %mul3A_1227 : i32
      %add3A_1229 = arith.addi %add3A_1228, %select_n3A_1223 : i32
      %add3A_1230 = arith.constant 1 : i32
      %add3A_1231 = arith.addi %select_n3A_1202, %add3A_1230 : i32
      %jit3A_1232 = arith.constant 6 : i32
      %eq3A_1233 = arith.constant 0 : i32
      %eq3A_1234 = arith.cmpi eq, %jit3A_1232, %eq3A_1233 : i32
      %jit3A_1235 = arith.constant 1 : i32
      %select_n3A_1236 = arith.select %eq3A_1234, %jit3A_1235, %jit3A_1232 : i32
      %rem3A_1237 = arith.remsi %add3A_1231, %select_n3A_1236 : i32
      %ne3A_1238 = arith.constant 0 : i32
      %ne3A_1239 = arith.cmpi ne, %rem3A_1237, %ne3A_1238 : i32
      %lt3A_1240 = arith.constant 0 : i32
      %lt3A_1241 = arith.cmpi slt, %rem3A_1237, %lt3A_1240 : i32
      %lt3A_1242 = arith.constant 0 : i32
      %lt3A_1243 = arith.cmpi slt, %select_n3A_1236, %lt3A_1242 : i32
      %ne3A_1244 = arith.xori %lt3A_1241, %lt3A_1243 : i1
      %and3A_1245 = arith.andi %ne3A_1244, %ne3A_1239 : i1
      %add3A_1246 = arith.addi %rem3A_1237, %select_n3A_1236 : i32
      %select_n3A_1247 = arith.select %and3A_1245, %add3A_1246, %rem3A_1237 : i32
      %mul3A_1248 = arith.constant 5 : i32
      %mul3A_1249 = arith.muli %select_n3A_1247, %mul3A_1248 : i32
      %add3A_1250 = arith.addi %mul3A_1225, %mul3A_1249 : i32
      %add3A_1251 = arith.addi %add3A_1250, %select_n3A_1223 : i32
      %add3A_1252 = arith.constant 5 : i32
      %add3A_1253 = arith.addi %select_n3A_1202, %add3A_1252 : i32
      %jit3A_1254 = arith.constant 6 : i32
      %eq3A_1255 = arith.constant 0 : i32
      %eq3A_1256 = arith.cmpi eq, %jit3A_1254, %eq3A_1255 : i32
      %jit3A_1257 = arith.constant 1 : i32
      %select_n3A_1258 = arith.select %eq3A_1256, %jit3A_1257, %jit3A_1254 : i32
      %rem3A_1259 = arith.remsi %add3A_1253, %select_n3A_1258 : i32
      %ne3A_1260 = arith.constant 0 : i32
      %ne3A_1261 = arith.cmpi ne, %rem3A_1259, %ne3A_1260 : i32
      %lt3A_1262 = arith.constant 0 : i32
      %lt3A_1263 = arith.cmpi slt, %rem3A_1259, %lt3A_1262 : i32
      %lt3A_1264 = arith.constant 0 : i32
      %lt3A_1265 = arith.cmpi slt, %select_n3A_1258, %lt3A_1264 : i32
      %ne3A_1266 = arith.xori %lt3A_1263, %lt3A_1265 : i1
      %and3A_1267 = arith.andi %ne3A_1266, %ne3A_1261 : i1
      %add3A_1268 = arith.addi %rem3A_1259, %select_n3A_1258 : i32
      %select_n3A_1269 = arith.select %and3A_1267, %add3A_1268, %rem3A_1259 : i32
      %mul3A_1270 = arith.constant 5 : i32
      %mul3A_1271 = arith.muli %select_n3A_1269, %mul3A_1270 : i32
      %add3A_1272 = arith.addi %mul3A_1225, %mul3A_1271 : i32
      %add3A_1273 = arith.addi %add3A_1272, %select_n3A_1223 : i32
      %mul3A_1274 = arith.constant 8192 : i32
      %mul3A_1275 = arith.muli %sub3A_997, %mul3A_1274 : i32
      %mul3A_1276 = arith.constant 8192 : i32
      %mul3A_1277 = arith.muli %add3A_1229, %mul3A_1276 : i32
      %add3A_1278 = arith.constant 8064 : i32
      %add3A_1279 = arith.addi %mul3A_1277, %add3A_1278 : i32
      %add3A_1280 = arith.constant 64 : i32
      %add3A_1281 = arith.addi %add3A_1279, %add3A_1280 : i32
      %mul3A_1282 = arith.constant 8192 : i32
      %mul3A_1283 = arith.muli %add3A_1273, %mul3A_1282 : i32
      %add3A_1284 = arith.constant 8064 : i32
      %add3A_1285 = arith.addi %mul3A_1283, %add3A_1284 : i32
      %mul3A_1286 = arith.constant 245760 : i32
      %mul3A_1287 = arith.muli %select_n3A_1175, %mul3A_1286 : i32
      %dma_start3A_1288 = arith.constant 0 : i32
      %dma_start3A_1289 = tpu.memref_slice %arg9[%dma_start3A_1288] : memref<8448xf32, #tpu.memory_space<vmem>> -> memref<8192xf32, #tpu.memory_space<vmem>>
      %dma_start3A_1290 = tpu.memref_slice %arg2[%mul3A_1275] : memref<62914560xf32, #tpu.memory_space<hbm>> -> memref<8192xf32, #tpu.memory_space<hbm>>
      %dma_start3A_1291 = arith.constant 0 : i32
      %dma_start3A_1292 = tpu.memref_slice %arg9[%dma_start3A_1291] : memref<8448xf32, #tpu.memory_space<vmem>> -> memref<8192xf32, #tpu.memory_space<vmem>>
      %dma_start3A_1293 = tpu.memref_slice %arg2[%mul3A_1275] : memref<62914560xf32, #tpu.memory_space<hbm>> -> memref<8192xf32, #tpu.memory_space<hbm>>
      tpu.enqueue_dma source(%dma_start3A_1293 : memref<8192xf32, #tpu.memory_space<hbm>>) target(%dma_start3A_1292 : memref<8192xf32, #tpu.memory_space<vmem>>) target_semaphore(%arg21 : memref<!tpu.dma_semaphore, #tpu.memory_space<semaphore_mem>>)
      %dma_start3A_1294 = arith.constant 8192 : i32
      %dma_start3A_1295 = tpu.memref_slice %arg9[%dma_start3A_1294] : memref<8448xf32, #tpu.memory_space<vmem>> -> memref<64xf32, #tpu.memory_space<vmem>>
      %dma_start3A_1296 = tpu.memref_slice %arg2[%add3A_1281] : memref<62914560xf32, #tpu.memory_space<hbm>> -> memref<64xf32, #tpu.memory_space<hbm>>
      %dma_start3A_1297 = arith.constant 8192 : i32
      %dma_start3A_1298 = tpu.memref_slice %arg9[%dma_start3A_1297] : memref<8448xf32, #tpu.memory_space<vmem>> -> memref<64xf32, #tpu.memory_space<vmem>>
      %dma_start3A_1299 = tpu.memref_slice %arg2[%add3A_1281] : memref<62914560xf32, #tpu.memory_space<hbm>> -> memref<64xf32, #tpu.memory_space<hbm>>
      tpu.enqueue_dma source(%dma_start3A_1299 : memref<64xf32, #tpu.memory_space<hbm>>) target(%dma_start3A_1298 : memref<64xf32, #tpu.memory_space<vmem>>) target_semaphore(%arg21 : memref<!tpu.dma_semaphore, #tpu.memory_space<semaphore_mem>>)
      %dma_start3A_1300 = arith.constant 8256 : i32
      %dma_start3A_1301 = tpu.memref_slice %arg9[%dma_start3A_1300] : memref<8448xf32, #tpu.memory_space<vmem>> -> memref<64xf32, #tpu.memory_space<vmem>>
      %dma_start3A_1302 = tpu.memref_slice %arg2[%add3A_1285] : memref<62914560xf32, #tpu.memory_space<hbm>> -> memref<64xf32, #tpu.memory_space<hbm>>
      %dma_start3A_1303 = arith.constant 8256 : i32
      %dma_start3A_1304 = tpu.memref_slice %arg9[%dma_start3A_1303] : memref<8448xf32, #tpu.memory_space<vmem>> -> memref<64xf32, #tpu.memory_space<vmem>>
      %dma_start3A_1305 = tpu.memref_slice %arg2[%add3A_1285] : memref<62914560xf32, #tpu.memory_space<hbm>> -> memref<64xf32, #tpu.memory_space<hbm>>
      tpu.enqueue_dma source(%dma_start3A_1305 : memref<64xf32, #tpu.memory_space<hbm>>) target(%dma_start3A_1304 : memref<64xf32, #tpu.memory_space<vmem>>) target_semaphore(%arg21 : memref<!tpu.dma_semaphore, #tpu.memory_space<semaphore_mem>>)
      %dma_start3A_1306 = arith.constant 8320 : i32
      %dma_start3A_1307 = tpu.memref_slice %arg9[%dma_start3A_1306] : memref<8448xf32, #tpu.memory_space<vmem>> -> memref<8xf32, #tpu.memory_space<vmem>>
      %dma_start3A_1308 = tpu.memref_slice %arg2[%mul3A_1287] : memref<62914560xf32, #tpu.memory_space<hbm>> -> memref<8xf32, #tpu.memory_space<hbm>>
      %dma_start3A_1309 = arith.constant 8320 : i32
      %dma_start3A_1310 = tpu.memref_slice %arg9[%dma_start3A_1309] : memref<8448xf32, #tpu.memory_space<vmem>> -> memref<8xf32, #tpu.memory_space<vmem>>
      %dma_start3A_1311 = tpu.memref_slice %arg2[%mul3A_1287] : memref<62914560xf32, #tpu.memory_space<hbm>> -> memref<8xf32, #tpu.memory_space<hbm>>
      tpu.enqueue_dma source(%dma_start3A_1311 : memref<8xf32, #tpu.memory_space<hbm>>) target(%dma_start3A_1310 : memref<8xf32, #tpu.memory_space<vmem>>) target_semaphore(%arg21 : memref<!tpu.dma_semaphore, #tpu.memory_space<semaphore_mem>>)
      %dma_start3A_1312 = arith.constant 8384 : i32
      %dma_start3A_1313 = tpu.memref_slice %arg9[%dma_start3A_1312] : memref<8448xf32, #tpu.memory_space<vmem>> -> memref<64xf32, #tpu.memory_space<vmem>>
      %dma_start3A_1314 = arith.constant 0 : i32
      %dma_start3A_1315 = tpu.memref_slice %arg2[%dma_start3A_1314] : memref<62914560xf32, #tpu.memory_space<hbm>> -> memref<62914560xf32, #tpu.memory_space<hbm>>
      tpu.enqueue_indirect_dma source(%dma_start3A_1315 : memref<62914560xf32, #tpu.memory_space<hbm>>) target(%dma_start3A_1313 : memref<64xf32, #tpu.memory_space<vmem>>) offsets(%arg13 : memref<64xi32, #tpu.memory_space<vmem>>) semaphore(%arg21 : memref<!tpu.dma_semaphore, #tpu.memory_space<semaphore_mem>>)
      %add3A_1316 = arith.constant 0 : i32
      %add3A_1317 = arith.addi %add3A_993, %add3A_1316 : i32
      %dma_wait3A_1318 = arith.constant 0 : i32
      %dma_wait3A_1319 = tpu.memref_slice %arg6[%dma_wait3A_1318] : memref<8448xf32, #tpu.memory_space<vmem>> -> memref<8192xf32, #tpu.memory_space<vmem>>
      %dma_wait3A_1320 = arith.constant 0 : i32
      %dma_wait3A_1321 = tpu.memref_slice %arg2[%dma_wait3A_1320] : memref<62914560xf32, #tpu.memory_space<hbm>> -> memref<8192xf32, #tpu.memory_space<hbm>>
      %dma_wait3A_1322 = arith.constant 0 : i32
      %dma_wait3A_1323 = tpu.memref_slice %arg6[%dma_wait3A_1322] : memref<8448xf32, #tpu.memory_space<vmem>> -> memref<8192xf32, #tpu.memory_space<vmem>>
      %dma_wait3A_1324 = arith.constant 0 : i32
      %dma_wait3A_1325 = tpu.memref_slice %arg2[%dma_wait3A_1324] : memref<62914560xf32, #tpu.memory_space<hbm>> -> memref<8192xf32, #tpu.memory_space<hbm>>
      tpu.wait_dma2 semaphore(%arg18 : memref<!tpu.dma_semaphore, #tpu.memory_space<semaphore_mem>>) src(%dma_wait3A_1325 : memref<8192xf32, #tpu.memory_space<hbm>>) dst(%dma_wait3A_1323 : memref<8192xf32, #tpu.memory_space<vmem>>)
      %dma_wait3A_1326 = arith.constant 8192 : i32
      %dma_wait3A_1327 = tpu.memref_slice %arg6[%dma_wait3A_1326] : memref<8448xf32, #tpu.memory_space<vmem>> -> memref<64xf32, #tpu.memory_space<vmem>>
      %dma_wait3A_1328 = arith.constant 0 : i32
      %dma_wait3A_1329 = tpu.memref_slice %arg2[%dma_wait3A_1328] : memref<62914560xf32, #tpu.memory_space<hbm>> -> memref<64xf32, #tpu.memory_space<hbm>>
      %dma_wait3A_1330 = arith.constant 8192 : i32
      %dma_wait3A_1331 = tpu.memref_slice %arg6[%dma_wait3A_1330] : memref<8448xf32, #tpu.memory_space<vmem>> -> memref<64xf32, #tpu.memory_space<vmem>>
      %dma_wait3A_1332 = arith.constant 0 : i32
      %dma_wait3A_1333 = tpu.memref_slice %arg2[%dma_wait3A_1332] : memref<62914560xf32, #tpu.memory_space<hbm>> -> memref<64xf32, #tpu.memory_space<hbm>>
      tpu.wait_dma2 semaphore(%arg18 : memref<!tpu.dma_semaphore, #tpu.memory_space<semaphore_mem>>) src(%dma_wait3A_1333 : memref<64xf32, #tpu.memory_space<hbm>>) dst(%dma_wait3A_1331 : memref<64xf32, #tpu.memory_space<vmem>>)
      %dma_wait3A_1334 = arith.constant 8256 : i32
      %dma_wait3A_1335 = tpu.memref_slice %arg6[%dma_wait3A_1334] : memref<8448xf32, #tpu.memory_space<vmem>> -> memref<64xf32, #tpu.memory_space<vmem>>
      %dma_wait3A_1336 = arith.constant 0 : i32
      %dma_wait3A_1337 = tpu.memref_slice %arg2[%dma_wait3A_1336] : memref<62914560xf32, #tpu.memory_space<hbm>> -> memref<64xf32, #tpu.memory_space<hbm>>
      %dma_wait3A_1338 = arith.constant 8256 : i32
      %dma_wait3A_1339 = tpu.memref_slice %arg6[%dma_wait3A_1338] : memref<8448xf32, #tpu.memory_space<vmem>> -> memref<64xf32, #tpu.memory_space<vmem>>
      %dma_wait3A_1340 = arith.constant 0 : i32
      %dma_wait3A_1341 = tpu.memref_slice %arg2[%dma_wait3A_1340] : memref<62914560xf32, #tpu.memory_space<hbm>> -> memref<64xf32, #tpu.memory_space<hbm>>
      tpu.wait_dma2 semaphore(%arg18 : memref<!tpu.dma_semaphore, #tpu.memory_space<semaphore_mem>>) src(%dma_wait3A_1341 : memref<64xf32, #tpu.memory_space<hbm>>) dst(%dma_wait3A_1339 : memref<64xf32, #tpu.memory_space<vmem>>)
      %dma_wait3A_1342 = arith.constant 8320 : i32
      %dma_wait3A_1343 = tpu.memref_slice %arg6[%dma_wait3A_1342] : memref<8448xf32, #tpu.memory_space<vmem>> -> memref<8xf32, #tpu.memory_space<vmem>>
      %dma_wait3A_1344 = arith.constant 0 : i32
      %dma_wait3A_1345 = tpu.memref_slice %arg2[%dma_wait3A_1344] : memref<62914560xf32, #tpu.memory_space<hbm>> -> memref<8xf32, #tpu.memory_space<hbm>>
      %dma_wait3A_1346 = arith.constant 8320 : i32
      %dma_wait3A_1347 = tpu.memref_slice %arg6[%dma_wait3A_1346] : memref<8448xf32, #tpu.memory_space<vmem>> -> memref<8xf32, #tpu.memory_space<vmem>>
      %dma_wait3A_1348 = arith.constant 0 : i32
      %dma_wait3A_1349 = tpu.memref_slice %arg2[%dma_wait3A_1348] : memref<62914560xf32, #tpu.memory_space<hbm>> -> memref<8xf32, #tpu.memory_space<hbm>>
      tpu.wait_dma2 semaphore(%arg18 : memref<!tpu.dma_semaphore, #tpu.memory_space<semaphore_mem>>) src(%dma_wait3A_1349 : memref<8xf32, #tpu.memory_space<hbm>>) dst(%dma_wait3A_1347 : memref<8xf32, #tpu.memory_space<vmem>>)
      %dma_wait3A_1350 = arith.constant 8384 : i32
      %dma_wait3A_1351 = tpu.memref_slice %arg6[%dma_wait3A_1350] : memref<8448xf32, #tpu.memory_space<vmem>> -> memref<64xf32, #tpu.memory_space<vmem>>
      %dma_wait3A_1352 = arith.constant 0 : i32
      %dma_wait3A_1353 = tpu.memref_slice %arg2[%dma_wait3A_1352] : memref<62914560xf32, #tpu.memory_space<hbm>> -> memref<62914560xf32, #tpu.memory_space<hbm>>
      tpu.wait_indirect_dma semaphore(%arg18 : memref<!tpu.dma_semaphore, #tpu.memory_space<semaphore_mem>>) src(%dma_wait3A_1353 : memref<62914560xf32, #tpu.memory_space<hbm>>) dst(%dma_wait3A_1351 : memref<64xf32, #tpu.memory_space<vmem>>)
      tpu.vector_store_idx %arg6[%get3A_2], %broadcast_in_dim3A_1 : memref<8448xf32, #tpu.memory_space<vmem>>[vector<16xi32>], vector<16xf32>,
      %gt3A = arith.constant 0 : i32
      %gt3A_1354 = arith.cmpi sgt, %scan3A_990, %gt3A : i32
      %convert_element_type3A = arith.extui %gt3A_1354 : i1 to i32
      %cond3A = arith.constant 0 : i32
      %cond3A_1355 = arith.cmpi ne, %convert_element_type3A, %cond3A : i32
      scf.if %cond3A_1355 {
        %dma_wait3A_2294 = arith.constant 0 : i32
        %dma_wait3A_2295 = tpu.memref_slice %arg4[%dma_wait3A_2294] : memref<15728640xf32, #tpu.memory_space<hbm>> -> memref<2048xf32, #tpu.memory_space<hbm>>
        %dma_wait3A_2296 = arith.constant 0 : i32
        %dma_wait3A_2297 = tpu.memref_slice %arg4[%dma_wait3A_2296] : memref<15728640xf32, #tpu.memory_space<hbm>> -> memref<2048xf32, #tpu.memory_space<hbm>>
        tpu.wait_dma2 semaphore(%arg22 : memref<!tpu.dma_semaphore, #tpu.memory_space<semaphore_mem>>) src(%arg14 : memref<2048xf32, #tpu.memory_space<vmem>>) dst(%dma_wait3A_2297 : memref<2048xf32, #tpu.memory_space<hbm>>)
      } else {
      }
      %parallel_loop3A = arith.constant 0 : i32
      %parallel_loop3A_1356 = arith.constant 128 : i32
      %parallel_loop3A_1357 = arith.constant 1 : i32
      scf.for %parallel_loop3A_2294 = %parallel_loop3A to %parallel_loop3A_1356 step %parallel_loop3A_1357  : i32 {
        %parallel_loop3A_2295 = arith.constant 2 : i32
        %parallel_loop3A_2296 = arith.shrsi %parallel_loop3A_2294, %parallel_loop3A_2295 : i32
        %parallel_loop3A_2297 = arith.constant 3 : i32
        %parallel_loop3A_2298 = arith.andi %parallel_loop3A_2294, %parallel_loop3A_2297 : i32
        %parallel_loop3A_2299 = arith.constant 2 : i32
        %parallel_loop3A_2300 = arith.muli %parallel_loop3A_2299, %parallel_loop3A_2296 : i32
        %parallel_loop3A_2301 = arith.constant 1 : i32
        %parallel_loop3A_2302 = arith.subi %parallel_loop3A_2300, %parallel_loop3A_2301 : i32
        %parallel_loop3A_2303 = arith.constant 128 : i32
        %parallel_loop3A_2304 = arith.muli %parallel_loop3A_2302, %parallel_loop3A_2303 : i32
        %parallel_loop3A_2305 = arith.constant 32 : i32
        %parallel_loop3A_2306 = arith.muli %parallel_loop3A_2305, %parallel_loop3A_2298 : i32
        %parallel_loop3A_2307 = arith.addi %parallel_loop3A_2304, %parallel_loop3A_2306 : i32
        %parallel_loop3A_2308 = arith.constant 1 : i32
        %parallel_loop3A_2309 = arith.subi %parallel_loop3A_2307, %parallel_loop3A_2308 : i32
        %parallel_loop3A_2310 = arith.constant 0 : i32
        %parallel_loop3A_2311 = arith.maxsi %parallel_loop3A_2309, %parallel_loop3A_2310 : i32
        %parallel_loop3A_2312 = vector.broadcast %parallel_loop3A_2311 : i32 to vector<16xi32>
        %parallel_loop3A_2313 = arith.addi %parallel_loop3A_2312, %mul3A_7 : vector<16xi32>
        %parallel_loop3A_2314 = tpu.vector_load_idx %arg6[%parallel_loop3A_2313] : memref<8448xf32, #tpu.memory_space<vmem>>[vector<16xi32>], vector<16xf32>,
        %parallel_loop3A_2315 = arith.addi %parallel_loop3A_2313, %broadcast_in_dim3A_9 : vector<16xi32>
        %parallel_loop3A_2316 = tpu.vector_load_idx %arg6[%parallel_loop3A_2315] : memref<8448xf32, #tpu.memory_space<vmem>>[vector<16xi32>], vector<16xf32>,
        %parallel_loop3A_2317 = arith.addi %parallel_loop3A_2313, %broadcast_in_dim3A_11 : vector<16xi32>
        %parallel_loop3A_2318 = tpu.vector_load_idx %arg6[%parallel_loop3A_2317] : memref<8448xf32, #tpu.memory_space<vmem>>[vector<16xi32>], vector<16xf32>,
        %parallel_loop3A_2319 = arith.addi %parallel_loop3A_2313, %broadcast_in_dim3A_13 : vector<16xi32>
        %parallel_loop3A_2320 = tpu.vector_load_idx %arg6[%parallel_loop3A_2319] : memref<8448xf32, #tpu.memory_space<vmem>>[vector<16xi32>], vector<16xf32>,
        %parallel_loop3A_2321 = arith.addi %parallel_loop3A_2313, %broadcast_in_dim3A_15 : vector<16xi32>
        %parallel_loop3A_2322 = tpu.vector_load_idx %arg6[%parallel_loop3A_2321] : memref<8448xf32, #tpu.memory_space<vmem>>[vector<16xi32>], vector<16xf32>,
        %parallel_loop3A_2323 = arith.addi %parallel_loop3A_2313, %broadcast_in_dim3A_17 : vector<16xi32>
        %parallel_loop3A_2324 = tpu.vector_load_idx %arg6[%parallel_loop3A_2323] : memref<8448xf32, #tpu.memory_space<vmem>>[vector<16xi32>], vector<16xf32>,
        %parallel_loop3A_2325 = arith.addi %parallel_loop3A_2313, %broadcast_in_dim3A_19 : vector<16xi32>
        %parallel_loop3A_2326 = tpu.vector_load_idx %arg6[%parallel_loop3A_2325] : memref<8448xf32, #tpu.memory_space<vmem>>[vector<16xi32>], vector<16xf32>,
        %parallel_loop3A_2327 = arith.addf %parallel_loop3A_2314, %parallel_loop3A_2316 : vector<16xf32>
        %parallel_loop3A_2328 = arith.addf %parallel_loop3A_2318, %parallel_loop3A_2320 : vector<16xf32>
        %parallel_loop3A_2329 = arith.addf %parallel_loop3A_2327, %parallel_loop3A_2328 : vector<16xf32>
        %parallel_loop3A_2330 = arith.addf %parallel_loop3A_2322, %parallel_loop3A_2324 : vector<16xf32>
        %parallel_loop3A_2331 = arith.addf %parallel_loop3A_2330, %parallel_loop3A_2326 : vector<16xf32>
        %parallel_loop3A_2332 = arith.addf %parallel_loop3A_2329, %parallel_loop3A_2331 : vector<16xf32>
        %parallel_loop3A_2333 = arith.constant 0.142857149 : f32
        %parallel_loop3A_2334 = vector.broadcast %parallel_loop3A_2333 : f32 to vector<16xf32>
        %parallel_loop3A_2335 = arith.mulf %parallel_loop3A_2332, %parallel_loop3A_2334 : vector<16xf32>
        %parallel_loop3A_2336 = arith.constant 16 : i32
        %parallel_loop3A_2337 = arith.muli %parallel_loop3A_2294, %parallel_loop3A_2336 : i32
        %parallel_loop3A_2338 = arith.index_cast %parallel_loop3A_2337 : i32 to index
        %parallel_loop3A_2339 = tpu.vector_load %arg14[%parallel_loop3A_2338] {strides = array<i32>} : memref<2048xf32, #tpu.memory_space<vmem>>, vector<16xf32>,
        tpu.vector_store %arg14[%parallel_loop3A_2338], %parallel_loop3A_2335 {strides = array<i32>} : memref<2048xf32, #tpu.memory_space<vmem>>, vector<16xf32>,
      } {sc.loop_unroll_factor = 8 : i64, sc.parallel_access}
      %get3A_1358 = arith.constant 96 : index
      %get3A_1359 = tpu.vector_load %arg5[%get3A_1358] {strides = array<i32>} : memref<864xi32, #tpu.memory_space<vmem>>, vector<16xi32>,
      %gather3A = tpu.vector_load_idx %arg6[%get3A_1359] : memref<8448xf32, #tpu.memory_space<vmem>>[vector<16xi32>], vector<16xf32>,
      %get3A_1360 = arith.constant 192 : index
      %get3A_1361 = tpu.vector_load %arg5[%get3A_1360] {strides = array<i32>} : memref<864xi32, #tpu.memory_space<vmem>>, vector<16xi32>,
      %gather3A_1362 = tpu.vector_load_idx %arg6[%get3A_1361] : memref<8448xf32, #tpu.memory_space<vmem>>[vector<16xi32>], vector<16xf32>,
      %get3A_1363 = arith.constant 288 : index
      %get3A_1364 = tpu.vector_load %arg5[%get3A_1363] {strides = array<i32>} : memref<864xi32, #tpu.memory_space<vmem>>, vector<16xi32>,
      %gather3A_1365 = tpu.vector_load_idx %arg6[%get3A_1364] : memref<8448xf32, #tpu.memory_space<vmem>>[vector<16xi32>], vector<16xf32>,
      %get3A_1366 = arith.constant 384 : index
      %get3A_1367 = tpu.vector_load %arg5[%get3A_1366] {strides = array<i32>} : memref<864xi32, #tpu.memory_space<vmem>>, vector<16xi32>,
      %gather3A_1368 = tpu.vector_load_idx %arg6[%get3A_1367] : memref<8448xf32, #tpu.memory_space<vmem>>[vector<16xi32>], vector<16xf32>,
      %get3A_1369 = arith.constant 480 : index
      %get3A_1370 = tpu.vector_load %arg5[%get3A_1369] {strides = array<i32>} : memref<864xi32, #tpu.memory_space<vmem>>, vector<16xi32>,
      %gather3A_1371 = tpu.vector_load_idx %arg6[%get3A_1370] : memref<8448xf32, #tpu.memory_space<vmem>>[vector<16xi32>], vector<16xf32>,
      %get3A_1372 = arith.constant 576 : index
      %get3A_1373 = tpu.vector_load %arg5[%get3A_1372] {strides = array<i32>} : memref<864xi32, #tpu.memory_space<vmem>>, vector<16xi32>,
      %gather3A_1374 = tpu.vector_load_idx %arg6[%get3A_1373] : memref<8448xf32, #tpu.memory_space<vmem>>[vector<16xi32>], vector<16xf32>,
      %get3A_1375 = arith.constant 672 : index
      %get3A_1376 = tpu.vector_load %arg5[%get3A_1375] {strides = array<i32>} : memref<864xi32, #tpu.memory_space<vmem>>, vector<16xi32>,
      %gather3A_1377 = tpu.vector_load_idx %arg6[%get3A_1376] : memref<8448xf32, #tpu.memory_space<vmem>>[vector<16xi32>], vector<16xf32>,
      %add3A_1378 = arith.addf %gather3A, %gather3A_1362 : vector<16xf32>
      %add3A_1379 = arith.addf %gather3A_1365, %gather3A_1368 : vector<16xf32>
      %add3A_1380 = arith.addf %add3A_1378, %add3A_1379 : vector<16xf32>
      %add3A_1381 = arith.addf %gather3A_1371, %gather3A_1374 : vector<16xf32>
      %add3A_1382 = arith.addf %add3A_1381, %gather3A_1377 : vector<16xf32>
      %add3A_1383 = arith.addf %add3A_1380, %add3A_1382 : vector<16xf32>
      %get3A_1384 = arith.constant 768 : index
      %get3A_1385 = tpu.vector_load %arg5[%get3A_1384] {strides = array<i32>} : memref<864xi32, #tpu.memory_space<vmem>>, vector<16xi32>,
      %mul3A_1386 = arith.constant 0.142857149 : f32
      %mul3A_1387 = vector.broadcast %mul3A_1386 : f32 to vector<16xf32>
      %mul3A_1388 = arith.mulf %add3A_1383, %mul3A_1387 : vector<16xf32>
      tpu.vector_store_idx %arg14[%get3A_1385], %mul3A_1388 : memref<2048xf32, #tpu.memory_space<vmem>>[vector<16xi32>], vector<16xf32>,
      %get3A_1389 = arith.constant 112 : index
      %get3A_1390 = tpu.vector_load %arg5[%get3A_1389] {strides = array<i32>} : memref<864xi32, #tpu.memory_space<vmem>>, vector<16xi32>,
      %gather3A_1391 = tpu.vector_load_idx %arg6[%get3A_1390] : memref<8448xf32, #tpu.memory_space<vmem>>[vector<16xi32>], vector<16xf32>,
      %get3A_1392 = arith.constant 208 : index
      %get3A_1393 = tpu.vector_load %arg5[%get3A_1392] {strides = array<i32>} : memref<864xi32, #tpu.memory_space<vmem>>, vector<16xi32>,
      %gather3A_1394 = tpu.vector_load_idx %arg6[%get3A_1393] : memref<8448xf32, #tpu.memory_space<vmem>>[vector<16xi32>], vector<16xf32>,
      %get3A_1395 = arith.constant 304 : index
      %get3A_1396 = tpu.vector_load %arg5[%get3A_1395] {strides = array<i32>} : memref<864xi32, #tpu.memory_space<vmem>>, vector<16xi32>,
      %gather3A_1397 = tpu.vector_load_idx %arg6[%get3A_1396] : memref<8448xf32, #tpu.memory_space<vmem>>[vector<16xi32>], vector<16xf32>,
      %get3A_1398 = arith.constant 400 : index
      %get3A_1399 = tpu.vector_load %arg5[%get3A_1398] {strides = array<i32>} : memref<864xi32, #tpu.memory_space<vmem>>, vector<16xi32>,
      %gather3A_1400 = tpu.vector_load_idx %arg6[%get3A_1399] : memref<8448xf32, #tpu.memory_space<vmem>>[vector<16xi32>], vector<16xf32>,
      %get3A_1401 = arith.constant 496 : index
      %get3A_1402 = tpu.vector_load %arg5[%get3A_1401] {strides = array<i32>} : memref<864xi32, #tpu.memory_space<vmem>>, vector<16xi32>,
      %gather3A_1403 = tpu.vector_load_idx %arg6[%get3A_1402] : memref<8448xf32, #tpu.memory_space<vmem>>[vector<16xi32>], vector<16xf32>,
      %get3A_1404 = arith.constant 592 : index
      %get3A_1405 = tpu.vector_load %arg5[%get3A_1404] {strides = array<i32>} : memref<864xi32, #tpu.memory_space<vmem>>, vector<16xi32>,
      %gather3A_1406 = tpu.vector_load_idx %arg6[%get3A_1405] : memref<8448xf32, #tpu.memory_space<vmem>>[vector<16xi32>], vector<16xf32>,
      %get3A_1407 = arith.constant 688 : index
      %get3A_1408 = tpu.vector_load %arg5[%get3A_1407] {strides = array<i32>} : memref<864xi32, #tpu.memory_space<vmem>>, vector<16xi32>,
      %gather3A_1409 = tpu.vector_load_idx %arg6[%get3A_1408] : memref<8448xf32, #tpu.memory_space<vmem>>[vector<16xi32>], vector<16xf32>,
      %add3A_1410 = arith.addf %gather3A_1391, %gather3A_1394 : vector<16xf32>
      %add3A_1411 = arith.addf %gather3A_1397, %gather3A_1400 : vector<16xf32>
      %add3A_1412 = arith.addf %add3A_1410, %add3A_1411 : vector<16xf32>
      %add3A_1413 = arith.addf %gather3A_1403, %gather3A_1406 : vector<16xf32>
      %add3A_1414 = arith.addf %add3A_1413, %gather3A_1409 : vector<16xf32>
      %add3A_1415 = arith.addf %add3A_1412, %add3A_1414 : vector<16xf32>
      %get3A_1416 = arith.constant 784 : index
      %get3A_1417 = tpu.vector_load %arg5[%get3A_1416] {strides = array<i32>} : memref<864xi32, #tpu.memory_space<vmem>>, vector<16xi32>,
      %mul3A_1418 = arith.constant 0.142857149 : f32
      %mul3A_1419 = vector.broadcast %mul3A_1418 : f32 to vector<16xf32>
      %mul3A_1420 = arith.mulf %add3A_1415, %mul3A_1419 : vector<16xf32>
      tpu.vector_store_idx %arg14[%get3A_1417], %mul3A_1420 : memref<2048xf32, #tpu.memory_space<vmem>>[vector<16xi32>], vector<16xf32>,
      %get3A_1421 = arith.constant 128 : index
      %get3A_1422 = tpu.vector_load %arg5[%get3A_1421] {strides = array<i32>} : memref<864xi32, #tpu.memory_space<vmem>>, vector<16xi32>,
      %gather3A_1423 = tpu.vector_load_idx %arg6[%get3A_1422] : memref<8448xf32, #tpu.memory_space<vmem>>[vector<16xi32>], vector<16xf32>,
      %get3A_1424 = arith.constant 224 : index
      %get3A_1425 = tpu.vector_load %arg5[%get3A_1424] {strides = array<i32>} : memref<864xi32, #tpu.memory_space<vmem>>, vector<16xi32>,
      %gather3A_1426 = tpu.vector_load_idx %arg6[%get3A_1425] : memref<8448xf32, #tpu.memory_space<vmem>>[vector<16xi32>], vector<16xf32>,
      %get3A_1427 = arith.constant 320 : index
      %get3A_1428 = tpu.vector_load %arg5[%get3A_1427] {strides = array<i32>} : memref<864xi32, #tpu.memory_space<vmem>>, vector<16xi32>,
      %gather3A_1429 = tpu.vector_load_idx %arg6[%get3A_1428] : memref<8448xf32, #tpu.memory_space<vmem>>[vector<16xi32>], vector<16xf32>,
      %get3A_1430 = arith.constant 416 : index
      %get3A_1431 = tpu.vector_load %arg5[%get3A_1430] {strides = array<i32>} : memref<864xi32, #tpu.memory_space<vmem>>, vector<16xi32>,
      %gather3A_1432 = tpu.vector_load_idx %arg6[%get3A_1431] : memref<8448xf32, #tpu.memory_space<vmem>>[vector<16xi32>], vector<16xf32>,
      %get3A_1433 = arith.constant 512 : index
      %get3A_1434 = tpu.vector_load %arg5[%get3A_1433] {strides = array<i32>} : memref<864xi32, #tpu.memory_space<vmem>>, vector<16xi32>,
      %gather3A_1435 = tpu.vector_load_idx %arg6[%get3A_1434] : memref<8448xf32, #tpu.memory_space<vmem>>[vector<16xi32>], vector<16xf32>,
      %get3A_1436 = arith.constant 608 : index
      %get3A_1437 = tpu.vector_load %arg5[%get3A_1436] {strides = array<i32>} : memref<864xi32, #tpu.memory_space<vmem>>, vector<16xi32>,
      %gather3A_1438 = tpu.vector_load_idx %arg6[%get3A_1437] : memref<8448xf32, #tpu.memory_space<vmem>>[vector<16xi32>], vector<16xf32>,
      %get3A_1439 = arith.constant 704 : index
      %get3A_1440 = tpu.vector_load %arg5[%get3A_1439] {strides = array<i32>} : memref<864xi32, #tpu.memory_space<vmem>>, vector<16xi32>,
      %gather3A_1441 = tpu.vector_load_idx %arg6[%get3A_1440] : memref<8448xf32, #tpu.memory_space<vmem>>[vector<16xi32>], vector<16xf32>,
      %add3A_1442 = arith.addf %gather3A_1423, %gather3A_1426 : vector<16xf32>
      %add3A_1443 = arith.addf %gather3A_1429, %gather3A_1432 : vector<16xf32>
      %add3A_1444 = arith.addf %add3A_1442, %add3A_1443 : vector<16xf32>
      %add3A_1445 = arith.addf %gather3A_1435, %gather3A_1438 : vector<16xf32>
      %add3A_1446 = arith.addf %add3A_1445, %gather3A_1441 : vector<16xf32>
      %add3A_1447 = arith.addf %add3A_1444, %add3A_1446 : vector<16xf32>
      %get3A_1448 = arith.constant 800 : index
      %get3A_1449 = tpu.vector_load %arg5[%get3A_1448] {strides = array<i32>} : memref<864xi32, #tpu.memory_space<vmem>>, vector<16xi32>,
      %mul3A_1450 = arith.constant 0.142857149 : f32
      %mul3A_1451 = vector.broadcast %mul3A_1450 : f32 to vector<16xf32>
      %mul3A_1452 = arith.mulf %add3A_1447, %mul3A_1451 : vector<16xf32>
      tpu.vector_store_idx %arg14[%get3A_1449], %mul3A_1452 : memref<2048xf32, #tpu.memory_space<vmem>>[vector<16xi32>], vector<16xf32>,
      %get3A_1453 = arith.constant 144 : index
      %get3A_1454 = tpu.vector_load %arg5[%get3A_1453] {strides = array<i32>} : memref<864xi32, #tpu.memory_space<vmem>>, vector<16xi32>,
      %gather3A_1455 = tpu.vector_load_idx %arg6[%get3A_1454] : memref<8448xf32, #tpu.memory_space<vmem>>[vector<16xi32>], vector<16xf32>,
      %get3A_1456 = arith.constant 240 : index
      %get3A_1457 = tpu.vector_load %arg5[%get3A_1456] {strides = array<i32>} : memref<864xi32, #tpu.memory_space<vmem>>, vector<16xi32>,
      %gather3A_1458 = tpu.vector_load_idx %arg6[%get3A_1457] : memref<8448xf32, #tpu.memory_space<vmem>>[vector<16xi32>], vector<16xf32>,
      %get3A_1459 = arith.constant 336 : index
      %get3A_1460 = tpu.vector_load %arg5[%get3A_1459] {strides = array<i32>} : memref<864xi32, #tpu.memory_space<vmem>>, vector<16xi32>,
      %gather3A_1461 = tpu.vector_load_idx %arg6[%get3A_1460] : memref<8448xf32, #tpu.memory_space<vmem>>[vector<16xi32>], vector<16xf32>,
      %get3A_1462 = arith.constant 432 : index
      %get3A_1463 = tpu.vector_load %arg5[%get3A_1462] {strides = array<i32>} : memref<864xi32, #tpu.memory_space<vmem>>, vector<16xi32>,
      %gather3A_1464 = tpu.vector_load_idx %arg6[%get3A_1463] : memref<8448xf32, #tpu.memory_space<vmem>>[vector<16xi32>], vector<16xf32>,
      %get3A_1465 = arith.constant 528 : index
      %get3A_1466 = tpu.vector_load %arg5[%get3A_1465] {strides = array<i32>} : memref<864xi32, #tpu.memory_space<vmem>>, vector<16xi32>,
      %gather3A_1467 = tpu.vector_load_idx %arg6[%get3A_1466] : memref<8448xf32, #tpu.memory_space<vmem>>[vector<16xi32>], vector<16xf32>,
      %get3A_1468 = arith.constant 624 : index
      %get3A_1469 = tpu.vector_load %arg5[%get3A_1468] {strides = array<i32>} : memref<864xi32, #tpu.memory_space<vmem>>, vector<16xi32>,
      %gather3A_1470 = tpu.vector_load_idx %arg6[%get3A_1469] : memref<8448xf32, #tpu.memory_space<vmem>>[vector<16xi32>], vector<16xf32>,
      %get3A_1471 = arith.constant 720 : index
      %get3A_1472 = tpu.vector_load %arg5[%get3A_1471] {strides = array<i32>} : memref<864xi32, #tpu.memory_space<vmem>>, vector<16xi32>,
      %gather3A_1473 = tpu.vector_load_idx %arg6[%get3A_1472] : memref<8448xf32, #tpu.memory_space<vmem>>[vector<16xi32>], vector<16xf32>,
      %add3A_1474 = arith.addf %gather3A_1455, %gather3A_1458 : vector<16xf32>
      %add3A_1475 = arith.addf %gather3A_1461, %gather3A_1464 : vector<16xf32>
      %add3A_1476 = arith.addf %add3A_1474, %add3A_1475 : vector<16xf32>
      %add3A_1477 = arith.addf %gather3A_1467, %gather3A_1470 : vector<16xf32>
      %add3A_1478 = arith.addf %add3A_1477, %gather3A_1473 : vector<16xf32>
      %add3A_1479 = arith.addf %add3A_1476, %add3A_1478 : vector<16xf32>
      %get3A_1480 = arith.constant 816 : index
      %get3A_1481 = tpu.vector_load %arg5[%get3A_1480] {strides = array<i32>} : memref<864xi32, #tpu.memory_space<vmem>>, vector<16xi32>,
      %mul3A_1482 = arith.constant 0.142857149 : f32
      %mul3A_1483 = vector.broadcast %mul3A_1482 : f32 to vector<16xf32>
      %mul3A_1484 = arith.mulf %add3A_1479, %mul3A_1483 : vector<16xf32>
      tpu.vector_store_idx %arg14[%get3A_1481], %mul3A_1484 : memref<2048xf32, #tpu.memory_space<vmem>>[vector<16xi32>], vector<16xf32>,
      %get3A_1485 = arith.constant 160 : index
      %get3A_1486 = tpu.vector_load %arg5[%get3A_1485] {strides = array<i32>} : memref<864xi32, #tpu.memory_space<vmem>>, vector<16xi32>,
      %gather3A_1487 = tpu.vector_load_idx %arg6[%get3A_1486] : memref<8448xf32, #tpu.memory_space<vmem>>[vector<16xi32>], vector<16xf32>,
      %get3A_1488 = arith.constant 256 : index
      %get3A_1489 = tpu.vector_load %arg5[%get3A_1488] {strides = array<i32>} : memref<864xi32, #tpu.memory_space<vmem>>, vector<16xi32>,
      %gather3A_1490 = tpu.vector_load_idx %arg6[%get3A_1489] : memref<8448xf32, #tpu.memory_space<vmem>>[vector<16xi32>], vector<16xf32>,
      %get3A_1491 = arith.constant 352 : index
      %get3A_1492 = tpu.vector_load %arg5[%get3A_1491] {strides = array<i32>} : memref<864xi32, #tpu.memory_space<vmem>>, vector<16xi32>,
      %gather3A_1493 = tpu.vector_load_idx %arg6[%get3A_1492] : memref<8448xf32, #tpu.memory_space<vmem>>[vector<16xi32>], vector<16xf32>,
      %get3A_1494 = arith.constant 448 : index
      %get3A_1495 = tpu.vector_load %arg5[%get3A_1494] {strides = array<i32>} : memref<864xi32, #tpu.memory_space<vmem>>, vector<16xi32>,
      %gather3A_1496 = tpu.vector_load_idx %arg6[%get3A_1495] : memref<8448xf32, #tpu.memory_space<vmem>>[vector<16xi32>], vector<16xf32>,
      %get3A_1497 = arith.constant 544 : index
      %get3A_1498 = tpu.vector_load %arg5[%get3A_1497] {strides = array<i32>} : memref<864xi32, #tpu.memory_space<vmem>>, vector<16xi32>,
      %gather3A_1499 = tpu.vector_load_idx %arg6[%get3A_1498] : memref<8448xf32, #tpu.memory_space<vmem>>[vector<16xi32>], vector<16xf32>,
      %get3A_1500 = arith.constant 640 : index
      %get3A_1501 = tpu.vector_load %arg5[%get3A_1500] {strides = array<i32>} : memref<864xi32, #tpu.memory_space<vmem>>, vector<16xi32>,
      %gather3A_1502 = tpu.vector_load_idx %arg6[%get3A_1501] : memref<8448xf32, #tpu.memory_space<vmem>>[vector<16xi32>], vector<16xf32>,
      %get3A_1503 = arith.constant 736 : index
      %get3A_1504 = tpu.vector_load %arg5[%get3A_1503] {strides = array<i32>} : memref<864xi32, #tpu.memory_space<vmem>>, vector<16xi32>,
      %gather3A_1505 = tpu.vector_load_idx %arg6[%get3A_1504] : memref<8448xf32, #tpu.memory_space<vmem>>[vector<16xi32>], vector<16xf32>,
      %add3A_1506 = arith.addf %gather3A_1487, %gather3A_1490 : vector<16xf32>
      %add3A_1507 = arith.addf %gather3A_1493, %gather3A_1496 : vector<16xf32>
      %add3A_1508 = arith.addf %add3A_1506, %add3A_1507 : vector<16xf32>
      %add3A_1509 = arith.addf %gather3A_1499, %gather3A_1502 : vector<16xf32>
      %add3A_1510 = arith.addf %add3A_1509, %gather3A_1505 : vector<16xf32>
      %add3A_1511 = arith.addf %add3A_1508, %add3A_1510 : vector<16xf32>
      %get3A_1512 = arith.constant 832 : index
      %get3A_1513 = tpu.vector_load %arg5[%get3A_1512] {strides = array<i32>} : memref<864xi32, #tpu.memory_space<vmem>>, vector<16xi32>,
      %mul3A_1514 = arith.constant 0.142857149 : f32
      %mul3A_1515 = vector.broadcast %mul3A_1514 : f32 to vector<16xf32>
      %mul3A_1516 = arith.mulf %add3A_1511, %mul3A_1515 : vector<16xf32>
      tpu.vector_store_idx %arg14[%get3A_1513], %mul3A_1516 : memref<2048xf32, #tpu.memory_space<vmem>>[vector<16xi32>], vector<16xf32>,
      %get3A_1517 = arith.constant 176 : index
      %get3A_1518 = tpu.vector_load %arg5[%get3A_1517] {strides = array<i32>} : memref<864xi32, #tpu.memory_space<vmem>>, vector<16xi32>,
      %gather3A_1519 = tpu.vector_load_idx %arg6[%get3A_1518] : memref<8448xf32, #tpu.memory_space<vmem>>[vector<16xi32>], vector<16xf32>,
      %get3A_1520 = arith.constant 272 : index
      %get3A_1521 = tpu.vector_load %arg5[%get3A_1520] {strides = array<i32>} : memref<864xi32, #tpu.memory_space<vmem>>, vector<16xi32>,
      %gather3A_1522 = tpu.vector_load_idx %arg6[%get3A_1521] : memref<8448xf32, #tpu.memory_space<vmem>>[vector<16xi32>], vector<16xf32>,
      %get3A_1523 = arith.constant 368 : index
      %get3A_1524 = tpu.vector_load %arg5[%get3A_1523] {strides = array<i32>} : memref<864xi32, #tpu.memory_space<vmem>>, vector<16xi32>,
      %gather3A_1525 = tpu.vector_load_idx %arg6[%get3A_1524] : memref<8448xf32, #tpu.memory_space<vmem>>[vector<16xi32>], vector<16xf32>,
      %get3A_1526 = arith.constant 464 : index
      %get3A_1527 = tpu.vector_load %arg5[%get3A_1526] {strides = array<i32>} : memref<864xi32, #tpu.memory_space<vmem>>, vector<16xi32>,
      %gather3A_1528 = tpu.vector_load_idx %arg6[%get3A_1527] : memref<8448xf32, #tpu.memory_space<vmem>>[vector<16xi32>], vector<16xf32>,
      %get3A_1529 = arith.constant 560 : index
      %get3A_1530 = tpu.vector_load %arg5[%get3A_1529] {strides = array<i32>} : memref<864xi32, #tpu.memory_space<vmem>>, vector<16xi32>,
      %gather3A_1531 = tpu.vector_load_idx %arg6[%get3A_1530] : memref<8448xf32, #tpu.memory_space<vmem>>[vector<16xi32>], vector<16xf32>,
      %get3A_1532 = arith.constant 656 : index
      %get3A_1533 = tpu.vector_load %arg5[%get3A_1532] {strides = array<i32>} : memref<864xi32, #tpu.memory_space<vmem>>, vector<16xi32>,
      %gather3A_1534 = tpu.vector_load_idx %arg6[%get3A_1533] : memref<8448xf32, #tpu.memory_space<vmem>>[vector<16xi32>], vector<16xf32>,
      %get3A_1535 = arith.constant 752 : index
      %get3A_1536 = tpu.vector_load %arg5[%get3A_1535] {strides = array<i32>} : memref<864xi32, #tpu.memory_space<vmem>>, vector<16xi32>,
      %gather3A_1537 = tpu.vector_load_idx %arg6[%get3A_1536] : memref<8448xf32, #tpu.memory_space<vmem>>[vector<16xi32>], vector<16xf32>,
      %add3A_1538 = arith.addf %gather3A_1519, %gather3A_1522 : vector<16xf32>
      %add3A_1539 = arith.addf %gather3A_1525, %gather3A_1528 : vector<16xf32>
      %add3A_1540 = arith.addf %add3A_1538, %add3A_1539 : vector<16xf32>
      %add3A_1541 = arith.addf %gather3A_1531, %gather3A_1534 : vector<16xf32>
      %add3A_1542 = arith.addf %add3A_1541, %gather3A_1537 : vector<16xf32>
      %add3A_1543 = arith.addf %add3A_1540, %add3A_1542 : vector<16xf32>
      %get3A_1544 = arith.constant 848 : index
      %get3A_1545 = tpu.vector_load %arg5[%get3A_1544] {strides = array<i32>} : memref<864xi32, #tpu.memory_space<vmem>>, vector<16xi32>,
      %mul3A_1546 = arith.constant 0.142857149 : f32
      %mul3A_1547 = vector.broadcast %mul3A_1546 : f32 to vector<16xf32>
      %mul3A_1548 = arith.mulf %add3A_1543, %mul3A_1547 : vector<16xf32>
      tpu.vector_store_idx %arg14[%get3A_1545], %mul3A_1548 : memref<2048xf32, #tpu.memory_space<vmem>>[vector<16xi32>], vector<16xf32>,
      tpu.vector_store_idx %arg14[%get3A_4], %broadcast_in_dim3A_1 : memref<2048xf32, #tpu.memory_space<vmem>>[vector<16xi32>], vector<16xf32>,
      %mul3A_1549 = arith.constant 2048 : i32
      %mul3A_1550 = arith.muli %add3A_1317, %mul3A_1549 : i32
      %dma_start3A_1551 = tpu.memref_slice %arg4[%mul3A_1550] : memref<15728640xf32, #tpu.memory_space<hbm>> -> memref<2048xf32, #tpu.memory_space<hbm>>
      %dma_start3A_1552 = tpu.memref_slice %arg4[%mul3A_1550] : memref<15728640xf32, #tpu.memory_space<hbm>> -> memref<2048xf32, #tpu.memory_space<hbm>>
      tpu.enqueue_dma source(%arg14 : memref<2048xf32, #tpu.memory_space<vmem>>) target(%dma_start3A_1552 : memref<2048xf32, #tpu.memory_space<hbm>>) target_semaphore(%arg22 : memref<!tpu.dma_semaphore, #tpu.memory_space<semaphore_mem>>)
      %lt3A_1553 = arith.constant 59 : i32
      %lt3A_1554 = arith.cmpi slt, %scan3A_990, %lt3A_1553 : i32
      %convert_element_type3A_1555 = arith.extui %lt3A_1554 : i1 to i32
      %cond3A_1556 = arith.constant 0 : i32
      %cond3A_1557 = arith.cmpi ne, %convert_element_type3A_1555, %cond3A_1556 : i32
      scf.if %cond3A_1557 {
        %add3A_2294 = arith.constant 4 : i32
        %add3A_2295 = arith.addi %add3A_1317, %add3A_2294 : i32
        %jit3A_2296 = arith.constant 30 : i32
        %div3A_2297 = arith.divsi %add3A_2295, %jit3A_2296 : i32
        %sign3A_2298 = arith.constant 0 : i32
        %sign3A_2299 = arith.cmpi sgt, %add3A_2295, %sign3A_2298 : i32
        %sign3A_2300 = arith.extui %sign3A_2299 : i1 to i32
        %sign3A_2301 = arith.constant 0 : i32
        %sign3A_2302 = arith.cmpi slt, %add3A_2295, %sign3A_2301 : i32
        %sign3A_2303 = arith.extui %sign3A_2302 : i1 to i32
        %sign3A_2304 = arith.subi %sign3A_2300, %sign3A_2303 : i32
        %sign3A_2305 = arith.constant 0 : i32
        %sign3A_2306 = arith.cmpi sgt, %jit3A_2296, %sign3A_2305 : i32
        %sign3A_2307 = arith.extui %sign3A_2306 : i1 to i32
        %sign3A_2308 = arith.constant 0 : i32
        %sign3A_2309 = arith.cmpi slt, %jit3A_2296, %sign3A_2308 : i32
        %sign3A_2310 = arith.extui %sign3A_2309 : i1 to i32
        %sign3A_2311 = arith.subi %sign3A_2307, %sign3A_2310 : i32
        %ne3A_2312 = arith.cmpi ne, %sign3A_2304, %sign3A_2311 : i32
        %rem3A_2313 = arith.remsi %add3A_2295, %jit3A_2296 : i32
        %ne3A_2314 = arith.constant 0 : i32
        %ne3A_2315 = arith.cmpi ne, %rem3A_2313, %ne3A_2314 : i32
        %and3A_2316 = arith.andi %ne3A_2312, %ne3A_2315 : i1
        %sub3A_2317 = arith.constant 1 : i32
        %sub3A_2318 = arith.subi %div3A_2297, %sub3A_2317 : i32
        %select_n3A_2319 = arith.select %and3A_2316, %sub3A_2318, %div3A_2297 : i32
        %mul3A_2320 = arith.constant 30 : i32
        %mul3A_2321 = arith.muli %select_n3A_2319, %mul3A_2320 : i32
        %sub3A_2322 = arith.subi %add3A_2295, %mul3A_2321 : i32
        %jit3A_2323 = arith.constant 5 : i32
        %div3A_2324 = arith.divsi %sub3A_2322, %jit3A_2323 : i32
        %sign3A_2325 = arith.constant 0 : i32
        %sign3A_2326 = arith.cmpi sgt, %sub3A_2322, %sign3A_2325 : i32
        %sign3A_2327 = arith.extui %sign3A_2326 : i1 to i32
        %sign3A_2328 = arith.constant 0 : i32
        %sign3A_2329 = arith.cmpi slt, %sub3A_2322, %sign3A_2328 : i32
        %sign3A_2330 = arith.extui %sign3A_2329 : i1 to i32
        %sign3A_2331 = arith.subi %sign3A_2327, %sign3A_2330 : i32
        %sign3A_2332 = arith.constant 0 : i32
        %sign3A_2333 = arith.cmpi sgt, %jit3A_2323, %sign3A_2332 : i32
        %sign3A_2334 = arith.extui %sign3A_2333 : i1 to i32
        %sign3A_2335 = arith.constant 0 : i32
        %sign3A_2336 = arith.cmpi slt, %jit3A_2323, %sign3A_2335 : i32
        %sign3A_2337 = arith.extui %sign3A_2336 : i1 to i32
        %sign3A_2338 = arith.subi %sign3A_2334, %sign3A_2337 : i32
        %ne3A_2339 = arith.cmpi ne, %sign3A_2331, %sign3A_2338 : i32
        %rem3A_2340 = arith.remsi %sub3A_2322, %jit3A_2323 : i32
        %ne3A_2341 = arith.constant 0 : i32
        %ne3A_2342 = arith.cmpi ne, %rem3A_2340, %ne3A_2341 : i32
        %and3A_2343 = arith.andi %ne3A_2339, %ne3A_2342 : i1
        %sub3A_2344 = arith.constant 1 : i32
        %sub3A_2345 = arith.subi %div3A_2324, %sub3A_2344 : i32
        %select_n3A_2346 = arith.select %and3A_2343, %sub3A_2345, %div3A_2324 : i32
        %mul3A_2347 = arith.constant 5 : i32
        %mul3A_2348 = arith.muli %select_n3A_2346, %mul3A_2347 : i32
        %sub3A_2349 = arith.subi %sub3A_2322, %mul3A_2348 : i32
        %add3A_2350 = arith.constant 4 : i32
        %add3A_2351 = arith.addi %sub3A_2349, %add3A_2350 : i32
        %jit3A_2352 = arith.constant 5 : i32
        %eq3A_2353 = arith.constant 0 : i32
        %eq3A_2354 = arith.cmpi eq, %jit3A_2352, %eq3A_2353 : i32
        %jit3A_2355 = arith.constant 1 : i32
        %select_n3A_2356 = arith.select %eq3A_2354, %jit3A_2355, %jit3A_2352 : i32
        %rem3A_2357 = arith.remsi %add3A_2351, %select_n3A_2356 : i32
        %ne3A_2358 = arith.constant 0 : i32
        %ne3A_2359 = arith.cmpi ne, %rem3A_2357, %ne3A_2358 : i32
        %lt3A_2360 = arith.constant 0 : i32
        %lt3A_2361 = arith.cmpi slt, %rem3A_2357, %lt3A_2360 : i32
        %lt3A_2362 = arith.constant 0 : i32
        %lt3A_2363 = arith.cmpi slt, %select_n3A_2356, %lt3A_2362 : i32
        %ne3A_2364 = arith.xori %lt3A_2361, %lt3A_2363 : i1
        %and3A_2365 = arith.andi %ne3A_2364, %ne3A_2359 : i1
        %add3A_2366 = arith.addi %rem3A_2357, %select_n3A_2356 : i32
        %select_n3A_2367 = arith.select %and3A_2365, %add3A_2366, %rem3A_2357 : i32
        %mul3A_2368 = arith.constant 30 : i32
        %mul3A_2369 = arith.muli %select_n3A_2319, %mul3A_2368 : i32
        %mul3A_2370 = arith.constant 5 : i32
        %mul3A_2371 = arith.muli %select_n3A_2346, %mul3A_2370 : i32
        %add3A_2372 = arith.addi %mul3A_2369, %mul3A_2371 : i32
        %add3A_2373 = arith.addi %add3A_2372, %select_n3A_2367 : i32
        %add3A_2374 = arith.constant 1 : i32
        %add3A_2375 = arith.addi %select_n3A_2346, %add3A_2374 : i32
        %jit3A_2376 = arith.constant 6 : i32
        %eq3A_2377 = arith.constant 0 : i32
        %eq3A_2378 = arith.cmpi eq, %jit3A_2376, %eq3A_2377 : i32
        %jit3A_2379 = arith.constant 1 : i32
        %select_n3A_2380 = arith.select %eq3A_2378, %jit3A_2379, %jit3A_2376 : i32
        %rem3A_2381 = arith.remsi %add3A_2375, %select_n3A_2380 : i32
        %ne3A_2382 = arith.constant 0 : i32
        %ne3A_2383 = arith.cmpi ne, %rem3A_2381, %ne3A_2382 : i32
        %lt3A_2384 = arith.constant 0 : i32
        %lt3A_2385 = arith.cmpi slt, %rem3A_2381, %lt3A_2384 : i32
        %lt3A_2386 = arith.constant 0 : i32
        %lt3A_2387 = arith.cmpi slt, %select_n3A_2380, %lt3A_2386 : i32
        %ne3A_2388 = arith.xori %lt3A_2385, %lt3A_2387 : i1
        %and3A_2389 = arith.andi %ne3A_2388, %ne3A_2383 : i1
        %add3A_2390 = arith.addi %rem3A_2381, %select_n3A_2380 : i32
        %select_n3A_2391 = arith.select %and3A_2389, %add3A_2390, %rem3A_2381 : i32
        %mul3A_2392 = arith.constant 5 : i32
        %mul3A_2393 = arith.muli %select_n3A_2391, %mul3A_2392 : i32
        %add3A_2394 = arith.addi %mul3A_2369, %mul3A_2393 : i32
        %add3A_2395 = arith.addi %add3A_2394, %select_n3A_2367 : i32
        %add3A_2396 = arith.constant 5 : i32
        %add3A_2397 = arith.addi %select_n3A_2346, %add3A_2396 : i32
        %jit3A_2398 = arith.constant 6 : i32
        %eq3A_2399 = arith.constant 0 : i32
        %eq3A_2400 = arith.cmpi eq, %jit3A_2398, %eq3A_2399 : i32
        %jit3A_2401 = arith.constant 1 : i32
        %select_n3A_2402 = arith.select %eq3A_2400, %jit3A_2401, %jit3A_2398 : i32
        %rem3A_2403 = arith.remsi %add3A_2397, %select_n3A_2402 : i32
        %ne3A_2404 = arith.constant 0 : i32
        %ne3A_2405 = arith.cmpi ne, %rem3A_2403, %ne3A_2404 : i32
        %lt3A_2406 = arith.constant 0 : i32
        %lt3A_2407 = arith.cmpi slt, %rem3A_2403, %lt3A_2406 : i32
        %lt3A_2408 = arith.constant 0 : i32
        %lt3A_2409 = arith.cmpi slt, %select_n3A_2402, %lt3A_2408 : i32
        %ne3A_2410 = arith.xori %lt3A_2407, %lt3A_2409 : i1
        %and3A_2411 = arith.andi %ne3A_2410, %ne3A_2405 : i1
        %add3A_2412 = arith.addi %rem3A_2403, %select_n3A_2402 : i32
        %select_n3A_2413 = arith.select %and3A_2411, %add3A_2412, %rem3A_2403 : i32
        %mul3A_2414 = arith.constant 5 : i32
        %mul3A_2415 = arith.muli %select_n3A_2413, %mul3A_2414 : i32
        %add3A_2416 = arith.addi %mul3A_2369, %mul3A_2415 : i32
        %add3A_2417 = arith.addi %add3A_2416, %select_n3A_2367 : i32
        %get3A_2418 = arith.constant 0 : index
        %get3A_2419 = tpu.vector_load %arg5[%get3A_2418] {strides = array<i32>} : memref<864xi32, #tpu.memory_space<vmem>>, vector<16xi32>,
        %mul3A_2420 = arith.constant 8192 : i32
        %mul3A_2421 = arith.muli %add3A_2395, %mul3A_2420 : i32
        %add3A_2422 = vector.broadcast %mul3A_2421 : i32 to vector<16xi32>
        %add3A_2423 = arith.addi %get3A_2419, %add3A_2422 : vector<16xi32>
        %swap3A_2424 = arith.constant 0 : index
        %swap3A_2425 = tpu.vector_load %arg10[%swap3A_2424] {strides = array<i32>} : memref<64xi32, #tpu.memory_space<vmem>>, vector<16xi32>,
        tpu.vector_store %arg10[%swap3A_2424], %add3A_2423 {strides = array<i32>} : memref<64xi32, #tpu.memory_space<vmem>>, vector<16xi32>,
        %get3A_2426 = arith.constant 16 : index
        %get3A_2427 = tpu.vector_load %arg5[%get3A_2426] {strides = array<i32>} : memref<864xi32, #tpu.memory_space<vmem>>, vector<16xi32>,
        %mul3A_2428 = arith.constant 8192 : i32
        %mul3A_2429 = arith.muli %add3A_2395, %mul3A_2428 : i32
        %add3A_2430 = vector.broadcast %mul3A_2429 : i32 to vector<16xi32>
        %add3A_2431 = arith.addi %get3A_2427, %add3A_2430 : vector<16xi32>
        %swap3A_2432 = arith.constant 16 : index
        %swap3A_2433 = tpu.vector_load %arg10[%swap3A_2432] {strides = array<i32>} : memref<64xi32, #tpu.memory_space<vmem>>, vector<16xi32>,
        tpu.vector_store %arg10[%swap3A_2432], %add3A_2431 {strides = array<i32>} : memref<64xi32, #tpu.memory_space<vmem>>, vector<16xi32>,
        %get3A_2434 = arith.constant 32 : index
        %get3A_2435 = tpu.vector_load %arg5[%get3A_2434] {strides = array<i32>} : memref<864xi32, #tpu.memory_space<vmem>>, vector<16xi32>,
        %mul3A_2436 = arith.constant 8192 : i32
        %mul3A_2437 = arith.muli %add3A_2395, %mul3A_2436 : i32
        %add3A_2438 = vector.broadcast %mul3A_2437 : i32 to vector<16xi32>
        %add3A_2439 = arith.addi %get3A_2435, %add3A_2438 : vector<16xi32>
        %swap3A_2440 = arith.constant 32 : index
        %swap3A_2441 = tpu.vector_load %arg10[%swap3A_2440] {strides = array<i32>} : memref<64xi32, #tpu.memory_space<vmem>>, vector<16xi32>,
        tpu.vector_store %arg10[%swap3A_2440], %add3A_2439 {strides = array<i32>} : memref<64xi32, #tpu.memory_space<vmem>>, vector<16xi32>,
        %get3A_2442 = arith.constant 48 : index
        %get3A_2443 = tpu.vector_load %arg5[%get3A_2442] {strides = array<i32>} : memref<864xi32, #tpu.memory_space<vmem>>, vector<16xi32>,
        %mul3A_2444 = arith.constant 8192 : i32
        %mul3A_2445 = arith.muli %add3A_2395, %mul3A_2444 : i32
        %add3A_2446 = vector.broadcast %mul3A_2445 : i32 to vector<16xi32>
        %add3A_2447 = arith.addi %get3A_2443, %add3A_2446 : vector<16xi32>
        %swap3A_2448 = arith.constant 48 : index
        %swap3A_2449 = tpu.vector_load %arg10[%swap3A_2448] {strides = array<i32>} : memref<64xi32, #tpu.memory_space<vmem>>, vector<16xi32>,
        tpu.vector_store %arg10[%swap3A_2448], %add3A_2447 {strides = array<i32>} : memref<64xi32, #tpu.memory_space<vmem>>, vector<16xi32>,
        %jit3A_2450 = arith.constant 30 : i32
        %div3A_2451 = arith.divsi %add3A_2295, %jit3A_2450 : i32
        %sign3A_2452 = arith.constant 0 : i32
        %sign3A_2453 = arith.cmpi sgt, %add3A_2295, %sign3A_2452 : i32
        %sign3A_2454 = arith.extui %sign3A_2453 : i1 to i32
        %sign3A_2455 = arith.constant 0 : i32
        %sign3A_2456 = arith.cmpi slt, %add3A_2295, %sign3A_2455 : i32
        %sign3A_2457 = arith.extui %sign3A_2456 : i1 to i32
        %sign3A_2458 = arith.subi %sign3A_2454, %sign3A_2457 : i32
        %sign3A_2459 = arith.constant 0 : i32
        %sign3A_2460 = arith.cmpi sgt, %jit3A_2450, %sign3A_2459 : i32
        %sign3A_2461 = arith.extui %sign3A_2460 : i1 to i32
        %sign3A_2462 = arith.constant 0 : i32
        %sign3A_2463 = arith.cmpi slt, %jit3A_2450, %sign3A_2462 : i32
        %sign3A_2464 = arith.extui %sign3A_2463 : i1 to i32
        %sign3A_2465 = arith.subi %sign3A_2461, %sign3A_2464 : i32
        %ne3A_2466 = arith.cmpi ne, %sign3A_2458, %sign3A_2465 : i32
        %rem3A_2467 = arith.remsi %add3A_2295, %jit3A_2450 : i32
        %ne3A_2468 = arith.constant 0 : i32
        %ne3A_2469 = arith.cmpi ne, %rem3A_2467, %ne3A_2468 : i32
        %and3A_2470 = arith.andi %ne3A_2466, %ne3A_2469 : i1
        %sub3A_2471 = arith.constant 1 : i32
        %sub3A_2472 = arith.subi %div3A_2451, %sub3A_2471 : i32
        %select_n3A_2473 = arith.select %and3A_2470, %sub3A_2472, %div3A_2451 : i32
        %mul3A_2474 = arith.constant 30 : i32
        %mul3A_2475 = arith.muli %select_n3A_2473, %mul3A_2474 : i32
        %sub3A_2476 = arith.subi %add3A_2295, %mul3A_2475 : i32
        %jit3A_2477 = arith.constant 5 : i32
        %div3A_2478 = arith.divsi %sub3A_2476, %jit3A_2477 : i32
        %sign3A_2479 = arith.constant 0 : i32
        %sign3A_2480 = arith.cmpi sgt, %sub3A_2476, %sign3A_2479 : i32
        %sign3A_2481 = arith.extui %sign3A_2480 : i1 to i32
        %sign3A_2482 = arith.constant 0 : i32
        %sign3A_2483 = arith.cmpi slt, %sub3A_2476, %sign3A_2482 : i32
        %sign3A_2484 = arith.extui %sign3A_2483 : i1 to i32
        %sign3A_2485 = arith.subi %sign3A_2481, %sign3A_2484 : i32
        %sign3A_2486 = arith.constant 0 : i32
        %sign3A_2487 = arith.cmpi sgt, %jit3A_2477, %sign3A_2486 : i32
        %sign3A_2488 = arith.extui %sign3A_2487 : i1 to i32
        %sign3A_2489 = arith.constant 0 : i32
        %sign3A_2490 = arith.cmpi slt, %jit3A_2477, %sign3A_2489 : i32
        %sign3A_2491 = arith.extui %sign3A_2490 : i1 to i32
        %sign3A_2492 = arith.subi %sign3A_2488, %sign3A_2491 : i32
        %ne3A_2493 = arith.cmpi ne, %sign3A_2485, %sign3A_2492 : i32
        %rem3A_2494 = arith.remsi %sub3A_2476, %jit3A_2477 : i32
        %ne3A_2495 = arith.constant 0 : i32
        %ne3A_2496 = arith.cmpi ne, %rem3A_2494, %ne3A_2495 : i32
        %and3A_2497 = arith.andi %ne3A_2493, %ne3A_2496 : i1
        %sub3A_2498 = arith.constant 1 : i32
        %sub3A_2499 = arith.subi %div3A_2478, %sub3A_2498 : i32
        %select_n3A_2500 = arith.select %and3A_2497, %sub3A_2499, %div3A_2478 : i32
        %mul3A_2501 = arith.constant 5 : i32
        %mul3A_2502 = arith.muli %select_n3A_2500, %mul3A_2501 : i32
        %sub3A_2503 = arith.subi %sub3A_2476, %mul3A_2502 : i32
        %add3A_2504 = arith.constant 4 : i32
        %add3A_2505 = arith.addi %sub3A_2503, %add3A_2504 : i32
        %jit3A_2506 = arith.constant 5 : i32
        %eq3A_2507 = arith.constant 0 : i32
        %eq3A_2508 = arith.cmpi eq, %jit3A_2506, %eq3A_2507 : i32
        %jit3A_2509 = arith.constant 1 : i32
        %select_n3A_2510 = arith.select %eq3A_2508, %jit3A_2509, %jit3A_2506 : i32
        %rem3A_2511 = arith.remsi %add3A_2505, %select_n3A_2510 : i32
        %ne3A_2512 = arith.constant 0 : i32
        %ne3A_2513 = arith.cmpi ne, %rem3A_2511, %ne3A_2512 : i32
        %lt3A_2514 = arith.constant 0 : i32
        %lt3A_2515 = arith.cmpi slt, %rem3A_2511, %lt3A_2514 : i32
        %lt3A_2516 = arith.constant 0 : i32
        %lt3A_2517 = arith.cmpi slt, %select_n3A_2510, %lt3A_2516 : i32
        %ne3A_2518 = arith.xori %lt3A_2515, %lt3A_2517 : i1
        %and3A_2519 = arith.andi %ne3A_2518, %ne3A_2513 : i1
        %add3A_2520 = arith.addi %rem3A_2511, %select_n3A_2510 : i32
        %select_n3A_2521 = arith.select %and3A_2519, %add3A_2520, %rem3A_2511 : i32
        %mul3A_2522 = arith.constant 30 : i32
        %mul3A_2523 = arith.muli %select_n3A_2473, %mul3A_2522 : i32
        %mul3A_2524 = arith.constant 5 : i32
        %mul3A_2525 = arith.muli %select_n3A_2500, %mul3A_2524 : i32
        %add3A_2526 = arith.addi %mul3A_2523, %mul3A_2525 : i32
        %add3A_2527 = arith.addi %add3A_2526, %select_n3A_2521 : i32
        %add3A_2528 = arith.constant 1 : i32
        %add3A_2529 = arith.addi %select_n3A_2500, %add3A_2528 : i32
        %jit3A_2530 = arith.constant 6 : i32
        %eq3A_2531 = arith.constant 0 : i32
        %eq3A_2532 = arith.cmpi eq, %jit3A_2530, %eq3A_2531 : i32
        %jit3A_2533 = arith.constant 1 : i32
        %select_n3A_2534 = arith.select %eq3A_2532, %jit3A_2533, %jit3A_2530 : i32
        %rem3A_2535 = arith.remsi %add3A_2529, %select_n3A_2534 : i32
        %ne3A_2536 = arith.constant 0 : i32
        %ne3A_2537 = arith.cmpi ne, %rem3A_2535, %ne3A_2536 : i32
        %lt3A_2538 = arith.constant 0 : i32
        %lt3A_2539 = arith.cmpi slt, %rem3A_2535, %lt3A_2538 : i32
        %lt3A_2540 = arith.constant 0 : i32
        %lt3A_2541 = arith.cmpi slt, %select_n3A_2534, %lt3A_2540 : i32
        %ne3A_2542 = arith.xori %lt3A_2539, %lt3A_2541 : i1
        %and3A_2543 = arith.andi %ne3A_2542, %ne3A_2537 : i1
        %add3A_2544 = arith.addi %rem3A_2535, %select_n3A_2534 : i32
        %select_n3A_2545 = arith.select %and3A_2543, %add3A_2544, %rem3A_2535 : i32
        %mul3A_2546 = arith.constant 5 : i32
        %mul3A_2547 = arith.muli %select_n3A_2545, %mul3A_2546 : i32
        %add3A_2548 = arith.addi %mul3A_2523, %mul3A_2547 : i32
        %add3A_2549 = arith.addi %add3A_2548, %select_n3A_2521 : i32
        %add3A_2550 = arith.constant 5 : i32
        %add3A_2551 = arith.addi %select_n3A_2500, %add3A_2550 : i32
        %jit3A_2552 = arith.constant 6 : i32
        %eq3A_2553 = arith.constant 0 : i32
        %eq3A_2554 = arith.cmpi eq, %jit3A_2552, %eq3A_2553 : i32
        %jit3A_2555 = arith.constant 1 : i32
        %select_n3A_2556 = arith.select %eq3A_2554, %jit3A_2555, %jit3A_2552 : i32
        %rem3A_2557 = arith.remsi %add3A_2551, %select_n3A_2556 : i32
        %ne3A_2558 = arith.constant 0 : i32
        %ne3A_2559 = arith.cmpi ne, %rem3A_2557, %ne3A_2558 : i32
        %lt3A_2560 = arith.constant 0 : i32
        %lt3A_2561 = arith.cmpi slt, %rem3A_2557, %lt3A_2560 : i32
        %lt3A_2562 = arith.constant 0 : i32
        %lt3A_2563 = arith.cmpi slt, %select_n3A_2556, %lt3A_2562 : i32
        %ne3A_2564 = arith.xori %lt3A_2561, %lt3A_2563 : i1
        %and3A_2565 = arith.andi %ne3A_2564, %ne3A_2559 : i1
        %add3A_2566 = arith.addi %rem3A_2557, %select_n3A_2556 : i32
        %select_n3A_2567 = arith.select %and3A_2565, %add3A_2566, %rem3A_2557 : i32
        %mul3A_2568 = arith.constant 5 : i32
        %mul3A_2569 = arith.muli %select_n3A_2567, %mul3A_2568 : i32
        %add3A_2570 = arith.addi %mul3A_2523, %mul3A_2569 : i32
        %add3A_2571 = arith.addi %add3A_2570, %select_n3A_2521 : i32
        %mul3A_2572 = arith.constant 8192 : i32
        %mul3A_2573 = arith.muli %add3A_2295, %mul3A_2572 : i32
        %mul3A_2574 = arith.constant 8192 : i32
        %mul3A_2575 = arith.muli %add3A_2527, %mul3A_2574 : i32
        %add3A_2576 = arith.constant 8064 : i32
        %add3A_2577 = arith.addi %mul3A_2575, %add3A_2576 : i32
        %add3A_2578 = arith.constant 64 : i32
        %add3A_2579 = arith.addi %add3A_2577, %add3A_2578 : i32
        %mul3A_2580 = arith.constant 8192 : i32
        %mul3A_2581 = arith.muli %add3A_2571, %mul3A_2580 : i32
        %add3A_2582 = arith.constant 8064 : i32
        %add3A_2583 = arith.addi %mul3A_2581, %add3A_2582 : i32
        %mul3A_2584 = arith.constant 245760 : i32
        %mul3A_2585 = arith.muli %select_n3A_2473, %mul3A_2584 : i32
        %dma_start3A_2586 = arith.constant 0 : i32
        %dma_start3A_2587 = tpu.memref_slice %arg6[%dma_start3A_2586] : memref<8448xf32, #tpu.memory_space<vmem>> -> memref<8192xf32, #tpu.memory_space<vmem>>
        %dma_start3A_2588 = tpu.memref_slice %arg2[%mul3A_2573] : memref<62914560xf32, #tpu.memory_space<hbm>> -> memref<8192xf32, #tpu.memory_space<hbm>>
        %dma_start3A_2589 = arith.constant 0 : i32
        %dma_start3A_2590 = tpu.memref_slice %arg6[%dma_start3A_2589] : memref<8448xf32, #tpu.memory_space<vmem>> -> memref<8192xf32, #tpu.memory_space<vmem>>
        %dma_start3A_2591 = tpu.memref_slice %arg2[%mul3A_2573] : memref<62914560xf32, #tpu.memory_space<hbm>> -> memref<8192xf32, #tpu.memory_space<hbm>>
        tpu.enqueue_dma source(%dma_start3A_2591 : memref<8192xf32, #tpu.memory_space<hbm>>) target(%dma_start3A_2590 : memref<8192xf32, #tpu.memory_space<vmem>>) target_semaphore(%arg18 : memref<!tpu.dma_semaphore, #tpu.memory_space<semaphore_mem>>)
        %dma_start3A_2592 = arith.constant 8192 : i32
        %dma_start3A_2593 = tpu.memref_slice %arg6[%dma_start3A_2592] : memref<8448xf32, #tpu.memory_space<vmem>> -> memref<64xf32, #tpu.memory_space<vmem>>
        %dma_start3A_2594 = tpu.memref_slice %arg2[%add3A_2579] : memref<62914560xf32, #tpu.memory_space<hbm>> -> memref<64xf32, #tpu.memory_space<hbm>>
        %dma_start3A_2595 = arith.constant 8192 : i32
        %dma_start3A_2596 = tpu.memref_slice %arg6[%dma_start3A_2595] : memref<8448xf32, #tpu.memory_space<vmem>> -> memref<64xf32, #tpu.memory_space<vmem>>
        %dma_start3A_2597 = tpu.memref_slice %arg2[%add3A_2579] : memref<62914560xf32, #tpu.memory_space<hbm>> -> memref<64xf32, #tpu.memory_space<hbm>>
        tpu.enqueue_dma source(%dma_start3A_2597 : memref<64xf32, #tpu.memory_space<hbm>>) target(%dma_start3A_2596 : memref<64xf32, #tpu.memory_space<vmem>>) target_semaphore(%arg18 : memref<!tpu.dma_semaphore, #tpu.memory_space<semaphore_mem>>)
        %dma_start3A_2598 = arith.constant 8256 : i32
        %dma_start3A_2599 = tpu.memref_slice %arg6[%dma_start3A_2598] : memref<8448xf32, #tpu.memory_space<vmem>> -> memref<64xf32, #tpu.memory_space<vmem>>
        %dma_start3A_2600 = tpu.memref_slice %arg2[%add3A_2583] : memref<62914560xf32, #tpu.memory_space<hbm>> -> memref<64xf32, #tpu.memory_space<hbm>>
        %dma_start3A_2601 = arith.constant 8256 : i32
        %dma_start3A_2602 = tpu.memref_slice %arg6[%dma_start3A_2601] : memref<8448xf32, #tpu.memory_space<vmem>> -> memref<64xf32, #tpu.memory_space<vmem>>
        %dma_start3A_2603 = tpu.memref_slice %arg2[%add3A_2583] : memref<62914560xf32, #tpu.memory_space<hbm>> -> memref<64xf32, #tpu.memory_space<hbm>>
        tpu.enqueue_dma source(%dma_start3A_2603 : memref<64xf32, #tpu.memory_space<hbm>>) target(%dma_start3A_2602 : memref<64xf32, #tpu.memory_space<vmem>>) target_semaphore(%arg18 : memref<!tpu.dma_semaphore, #tpu.memory_space<semaphore_mem>>)
        %dma_start3A_2604 = arith.constant 8320 : i32
        %dma_start3A_2605 = tpu.memref_slice %arg6[%dma_start3A_2604] : memref<8448xf32, #tpu.memory_space<vmem>> -> memref<8xf32, #tpu.memory_space<vmem>>
        %dma_start3A_2606 = tpu.memref_slice %arg2[%mul3A_2585] : memref<62914560xf32, #tpu.memory_space<hbm>> -> memref<8xf32, #tpu.memory_space<hbm>>
        %dma_start3A_2607 = arith.constant 8320 : i32
        %dma_start3A_2608 = tpu.memref_slice %arg6[%dma_start3A_2607] : memref<8448xf32, #tpu.memory_space<vmem>> -> memref<8xf32, #tpu.memory_space<vmem>>
        %dma_start3A_2609 = tpu.memref_slice %arg2[%mul3A_2585] : memref<62914560xf32, #tpu.memory_space<hbm>> -> memref<8xf32, #tpu.memory_space<hbm>>
        tpu.enqueue_dma source(%dma_start3A_2609 : memref<8xf32, #tpu.memory_space<hbm>>) target(%dma_start3A_2608 : memref<8xf32, #tpu.memory_space<vmem>>) target_semaphore(%arg18 : memref<!tpu.dma_semaphore, #tpu.memory_space<semaphore_mem>>)
        %dma_start3A_2610 = arith.constant 8384 : i32
        %dma_start3A_2611 = tpu.memref_slice %arg6[%dma_start3A_2610] : memref<8448xf32, #tpu.memory_space<vmem>> -> memref<64xf32, #tpu.memory_space<vmem>>
        %dma_start3A_2612 = arith.constant 0 : i32
        %dma_start3A_2613 = tpu.memref_slice %arg2[%dma_start3A_2612] : memref<62914560xf32, #tpu.memory_space<hbm>> -> memref<62914560xf32, #tpu.memory_space<hbm>>
        tpu.enqueue_indirect_dma source(%dma_start3A_2613 : memref<62914560xf32, #tpu.memory_space<hbm>>) target(%dma_start3A_2611 : memref<64xf32, #tpu.memory_space<vmem>>) offsets(%arg10 : memref<64xi32, #tpu.memory_space<vmem>>) semaphore(%arg18 : memref<!tpu.dma_semaphore, #tpu.memory_space<semaphore_mem>>)
      } else {
      }
      %add3A_1558 = arith.constant 1 : i32
      %add3A_1559 = arith.addi %add3A_993, %add3A_1558 : i32
      %dma_wait3A_1560 = arith.constant 0 : i32
      %dma_wait3A_1561 = tpu.memref_slice %arg7[%dma_wait3A_1560] : memref<8448xf32, #tpu.memory_space<vmem>> -> memref<8192xf32, #tpu.memory_space<vmem>>
      %dma_wait3A_1562 = arith.constant 0 : i32
      %dma_wait3A_1563 = tpu.memref_slice %arg2[%dma_wait3A_1562] : memref<62914560xf32, #tpu.memory_space<hbm>> -> memref<8192xf32, #tpu.memory_space<hbm>>
      %dma_wait3A_1564 = arith.constant 0 : i32
      %dma_wait3A_1565 = tpu.memref_slice %arg7[%dma_wait3A_1564] : memref<8448xf32, #tpu.memory_space<vmem>> -> memref<8192xf32, #tpu.memory_space<vmem>>
      %dma_wait3A_1566 = arith.constant 0 : i32
      %dma_wait3A_1567 = tpu.memref_slice %arg2[%dma_wait3A_1566] : memref<62914560xf32, #tpu.memory_space<hbm>> -> memref<8192xf32, #tpu.memory_space<hbm>>
      tpu.wait_dma2 semaphore(%arg19 : memref<!tpu.dma_semaphore, #tpu.memory_space<semaphore_mem>>) src(%dma_wait3A_1567 : memref<8192xf32, #tpu.memory_space<hbm>>) dst(%dma_wait3A_1565 : memref<8192xf32, #tpu.memory_space<vmem>>)
      %dma_wait3A_1568 = arith.constant 8192 : i32
      %dma_wait3A_1569 = tpu.memref_slice %arg7[%dma_wait3A_1568] : memref<8448xf32, #tpu.memory_space<vmem>> -> memref<64xf32, #tpu.memory_space<vmem>>
      %dma_wait3A_1570 = arith.constant 0 : i32
      %dma_wait3A_1571 = tpu.memref_slice %arg2[%dma_wait3A_1570] : memref<62914560xf32, #tpu.memory_space<hbm>> -> memref<64xf32, #tpu.memory_space<hbm>>
      %dma_wait3A_1572 = arith.constant 8192 : i32
      %dma_wait3A_1573 = tpu.memref_slice %arg7[%dma_wait3A_1572] : memref<8448xf32, #tpu.memory_space<vmem>> -> memref<64xf32, #tpu.memory_space<vmem>>
      %dma_wait3A_1574 = arith.constant 0 : i32
      %dma_wait3A_1575 = tpu.memref_slice %arg2[%dma_wait3A_1574] : memref<62914560xf32, #tpu.memory_space<hbm>> -> memref<64xf32, #tpu.memory_space<hbm>>
      tpu.wait_dma2 semaphore(%arg19 : memref<!tpu.dma_semaphore, #tpu.memory_space<semaphore_mem>>) src(%dma_wait3A_1575 : memref<64xf32, #tpu.memory_space<hbm>>) dst(%dma_wait3A_1573 : memref<64xf32, #tpu.memory_space<vmem>>)
      %dma_wait3A_1576 = arith.constant 8256 : i32
      %dma_wait3A_1577 = tpu.memref_slice %arg7[%dma_wait3A_1576] : memref<8448xf32, #tpu.memory_space<vmem>> -> memref<64xf32, #tpu.memory_space<vmem>>
      %dma_wait3A_1578 = arith.constant 0 : i32
      %dma_wait3A_1579 = tpu.memref_slice %arg2[%dma_wait3A_1578] : memref<62914560xf32, #tpu.memory_space<hbm>> -> memref<64xf32, #tpu.memory_space<hbm>>
      %dma_wait3A_1580 = arith.constant 8256 : i32
      %dma_wait3A_1581 = tpu.memref_slice %arg7[%dma_wait3A_1580] : memref<8448xf32, #tpu.memory_space<vmem>> -> memref<64xf32, #tpu.memory_space<vmem>>
      %dma_wait3A_1582 = arith.constant 0 : i32
      %dma_wait3A_1583 = tpu.memref_slice %arg2[%dma_wait3A_1582] : memref<62914560xf32, #tpu.memory_space<hbm>> -> memref<64xf32, #tpu.memory_space<hbm>>
      tpu.wait_dma2 semaphore(%arg19 : memref<!tpu.dma_semaphore, #tpu.memory_space<semaphore_mem>>) src(%dma_wait3A_1583 : memref<64xf32, #tpu.memory_space<hbm>>) dst(%dma_wait3A_1581 : memref<64xf32, #tpu.memory_space<vmem>>)
      %dma_wait3A_1584 = arith.constant 8320 : i32
      %dma_wait3A_1585 = tpu.memref_slice %arg7[%dma_wait3A_1584] : memref<8448xf32, #tpu.memory_space<vmem>> -> memref<8xf32, #tpu.memory_space<vmem>>
      %dma_wait3A_1586 = arith.constant 0 : i32
      %dma_wait3A_1587 = tpu.memref_slice %arg2[%dma_wait3A_1586] : memref<62914560xf32, #tpu.memory_space<hbm>> -> memref<8xf32, #tpu.memory_space<hbm>>
      %dma_wait3A_1588 = arith.constant 8320 : i32
      %dma_wait3A_1589 = tpu.memref_slice %arg7[%dma_wait3A_1588] : memref<8448xf32, #tpu.memory_space<vmem>> -> memref<8xf32, #tpu.memory_space<vmem>>
      %dma_wait3A_1590 = arith.constant 0 : i32
      %dma_wait3A_1591 = tpu.memref_slice %arg2[%dma_wait3A_1590] : memref<62914560xf32, #tpu.memory_space<hbm>> -> memref<8xf32, #tpu.memory_space<hbm>>
      tpu.wait_dma2 semaphore(%arg19 : memref<!tpu.dma_semaphore, #tpu.memory_space<semaphore_mem>>) src(%dma_wait3A_1591 : memref<8xf32, #tpu.memory_space<hbm>>) dst(%dma_wait3A_1589 : memref<8xf32, #tpu.memory_space<vmem>>)
      %dma_wait3A_1592 = arith.constant 8384 : i32
      %dma_wait3A_1593 = tpu.memref_slice %arg7[%dma_wait3A_1592] : memref<8448xf32, #tpu.memory_space<vmem>> -> memref<64xf32, #tpu.memory_space<vmem>>
      %dma_wait3A_1594 = arith.constant 0 : i32
      %dma_wait3A_1595 = tpu.memref_slice %arg2[%dma_wait3A_1594] : memref<62914560xf32, #tpu.memory_space<hbm>> -> memref<62914560xf32, #tpu.memory_space<hbm>>
      tpu.wait_indirect_dma semaphore(%arg19 : memref<!tpu.dma_semaphore, #tpu.memory_space<semaphore_mem>>) src(%dma_wait3A_1595 : memref<62914560xf32, #tpu.memory_space<hbm>>) dst(%dma_wait3A_1593 : memref<64xf32, #tpu.memory_space<vmem>>)
      tpu.vector_store_idx %arg7[%get3A_2], %broadcast_in_dim3A_1 : memref<8448xf32, #tpu.memory_space<vmem>>[vector<16xi32>], vector<16xf32>,
      %gt3A_1596 = arith.constant 0 : i32
      %gt3A_1597 = arith.cmpi sgt, %scan3A_990, %gt3A_1596 : i32
      %convert_element_type3A_1598 = arith.extui %gt3A_1597 : i1 to i32
      %cond3A_1599 = arith.constant 0 : i32
      %cond3A_1600 = arith.cmpi ne, %convert_element_type3A_1598, %cond3A_1599 : i32
      scf.if %cond3A_1600 {
        %dma_wait3A_2294 = arith.constant 0 : i32
        %dma_wait3A_2295 = tpu.memref_slice %arg4[%dma_wait3A_2294] : memref<15728640xf32, #tpu.memory_space<hbm>> -> memref<2048xf32, #tpu.memory_space<hbm>>
        %dma_wait3A_2296 = arith.constant 0 : i32
        %dma_wait3A_2297 = tpu.memref_slice %arg4[%dma_wait3A_2296] : memref<15728640xf32, #tpu.memory_space<hbm>> -> memref<2048xf32, #tpu.memory_space<hbm>>
        tpu.wait_dma2 semaphore(%arg23 : memref<!tpu.dma_semaphore, #tpu.memory_space<semaphore_mem>>) src(%arg15 : memref<2048xf32, #tpu.memory_space<vmem>>) dst(%dma_wait3A_2297 : memref<2048xf32, #tpu.memory_space<hbm>>)
      } else {
      }
      %parallel_loop3A_1601 = arith.constant 0 : i32
      %parallel_loop3A_1602 = arith.constant 128 : i32
      %parallel_loop3A_1603 = arith.constant 1 : i32
      scf.for %parallel_loop3A_2294 = %parallel_loop3A_1601 to %parallel_loop3A_1602 step %parallel_loop3A_1603  : i32 {
        %parallel_loop3A_2295 = arith.constant 2 : i32
        %parallel_loop3A_2296 = arith.shrsi %parallel_loop3A_2294, %parallel_loop3A_2295 : i32
        %parallel_loop3A_2297 = arith.constant 3 : i32
        %parallel_loop3A_2298 = arith.andi %parallel_loop3A_2294, %parallel_loop3A_2297 : i32
        %parallel_loop3A_2299 = arith.constant 2 : i32
        %parallel_loop3A_2300 = arith.muli %parallel_loop3A_2299, %parallel_loop3A_2296 : i32
        %parallel_loop3A_2301 = arith.constant 1 : i32
        %parallel_loop3A_2302 = arith.subi %parallel_loop3A_2300, %parallel_loop3A_2301 : i32
        %parallel_loop3A_2303 = arith.constant 128 : i32
        %parallel_loop3A_2304 = arith.muli %parallel_loop3A_2302, %parallel_loop3A_2303 : i32
        %parallel_loop3A_2305 = arith.constant 32 : i32
        %parallel_loop3A_2306 = arith.muli %parallel_loop3A_2305, %parallel_loop3A_2298 : i32
        %parallel_loop3A_2307 = arith.addi %parallel_loop3A_2304, %parallel_loop3A_2306 : i32
        %parallel_loop3A_2308 = arith.constant 1 : i32
        %parallel_loop3A_2309 = arith.subi %parallel_loop3A_2307, %parallel_loop3A_2308 : i32
        %parallel_loop3A_2310 = arith.constant 0 : i32
        %parallel_loop3A_2311 = arith.maxsi %parallel_loop3A_2309, %parallel_loop3A_2310 : i32
        %parallel_loop3A_2312 = vector.broadcast %parallel_loop3A_2311 : i32 to vector<16xi32>
        %parallel_loop3A_2313 = arith.addi %parallel_loop3A_2312, %mul3A_7 : vector<16xi32>
        %parallel_loop3A_2314 = tpu.vector_load_idx %arg7[%parallel_loop3A_2313] : memref<8448xf32, #tpu.memory_space<vmem>>[vector<16xi32>], vector<16xf32>,
        %parallel_loop3A_2315 = arith.addi %parallel_loop3A_2313, %broadcast_in_dim3A_9 : vector<16xi32>
        %parallel_loop3A_2316 = tpu.vector_load_idx %arg7[%parallel_loop3A_2315] : memref<8448xf32, #tpu.memory_space<vmem>>[vector<16xi32>], vector<16xf32>,
        %parallel_loop3A_2317 = arith.addi %parallel_loop3A_2313, %broadcast_in_dim3A_11 : vector<16xi32>
        %parallel_loop3A_2318 = tpu.vector_load_idx %arg7[%parallel_loop3A_2317] : memref<8448xf32, #tpu.memory_space<vmem>>[vector<16xi32>], vector<16xf32>,
        %parallel_loop3A_2319 = arith.addi %parallel_loop3A_2313, %broadcast_in_dim3A_13 : vector<16xi32>
        %parallel_loop3A_2320 = tpu.vector_load_idx %arg7[%parallel_loop3A_2319] : memref<8448xf32, #tpu.memory_space<vmem>>[vector<16xi32>], vector<16xf32>,
        %parallel_loop3A_2321 = arith.addi %parallel_loop3A_2313, %broadcast_in_dim3A_15 : vector<16xi32>
        %parallel_loop3A_2322 = tpu.vector_load_idx %arg7[%parallel_loop3A_2321] : memref<8448xf32, #tpu.memory_space<vmem>>[vector<16xi32>], vector<16xf32>,
        %parallel_loop3A_2323 = arith.addi %parallel_loop3A_2313, %broadcast_in_dim3A_17 : vector<16xi32>
        %parallel_loop3A_2324 = tpu.vector_load_idx %arg7[%parallel_loop3A_2323] : memref<8448xf32, #tpu.memory_space<vmem>>[vector<16xi32>], vector<16xf32>,
        %parallel_loop3A_2325 = arith.addi %parallel_loop3A_2313, %broadcast_in_dim3A_19 : vector<16xi32>
        %parallel_loop3A_2326 = tpu.vector_load_idx %arg7[%parallel_loop3A_2325] : memref<8448xf32, #tpu.memory_space<vmem>>[vector<16xi32>], vector<16xf32>,
        %parallel_loop3A_2327 = arith.addf %parallel_loop3A_2314, %parallel_loop3A_2316 : vector<16xf32>
        %parallel_loop3A_2328 = arith.addf %parallel_loop3A_2318, %parallel_loop3A_2320 : vector<16xf32>
        %parallel_loop3A_2329 = arith.addf %parallel_loop3A_2327, %parallel_loop3A_2328 : vector<16xf32>
        %parallel_loop3A_2330 = arith.addf %parallel_loop3A_2322, %parallel_loop3A_2324 : vector<16xf32>
        %parallel_loop3A_2331 = arith.addf %parallel_loop3A_2330, %parallel_loop3A_2326 : vector<16xf32>
        %parallel_loop3A_2332 = arith.addf %parallel_loop3A_2329, %parallel_loop3A_2331 : vector<16xf32>
        %parallel_loop3A_2333 = arith.constant 0.142857149 : f32
        %parallel_loop3A_2334 = vector.broadcast %parallel_loop3A_2333 : f32 to vector<16xf32>
        %parallel_loop3A_2335 = arith.mulf %parallel_loop3A_2332, %parallel_loop3A_2334 : vector<16xf32>
        %parallel_loop3A_2336 = arith.constant 16 : i32
        %parallel_loop3A_2337 = arith.muli %parallel_loop3A_2294, %parallel_loop3A_2336 : i32
        %parallel_loop3A_2338 = arith.index_cast %parallel_loop3A_2337 : i32 to index
        %parallel_loop3A_2339 = tpu.vector_load %arg15[%parallel_loop3A_2338] {strides = array<i32>} : memref<2048xf32, #tpu.memory_space<vmem>>, vector<16xf32>,
        tpu.vector_store %arg15[%parallel_loop3A_2338], %parallel_loop3A_2335 {strides = array<i32>} : memref<2048xf32, #tpu.memory_space<vmem>>, vector<16xf32>,
      } {sc.loop_unroll_factor = 8 : i64, sc.parallel_access}
      %get3A_1604 = arith.constant 96 : index
      %get3A_1605 = tpu.vector_load %arg5[%get3A_1604] {strides = array<i32>} : memref<864xi32, #tpu.memory_space<vmem>>, vector<16xi32>,
      %gather3A_1606 = tpu.vector_load_idx %arg7[%get3A_1605] : memref<8448xf32, #tpu.memory_space<vmem>>[vector<16xi32>], vector<16xf32>,
      %get3A_1607 = arith.constant 192 : index
      %get3A_1608 = tpu.vector_load %arg5[%get3A_1607] {strides = array<i32>} : memref<864xi32, #tpu.memory_space<vmem>>, vector<16xi32>,
      %gather3A_1609 = tpu.vector_load_idx %arg7[%get3A_1608] : memref<8448xf32, #tpu.memory_space<vmem>>[vector<16xi32>], vector<16xf32>,
      %get3A_1610 = arith.constant 288 : index
      %get3A_1611 = tpu.vector_load %arg5[%get3A_1610] {strides = array<i32>} : memref<864xi32, #tpu.memory_space<vmem>>, vector<16xi32>,
      %gather3A_1612 = tpu.vector_load_idx %arg7[%get3A_1611] : memref<8448xf32, #tpu.memory_space<vmem>>[vector<16xi32>], vector<16xf32>,
      %get3A_1613 = arith.constant 384 : index
      %get3A_1614 = tpu.vector_load %arg5[%get3A_1613] {strides = array<i32>} : memref<864xi32, #tpu.memory_space<vmem>>, vector<16xi32>,
      %gather3A_1615 = tpu.vector_load_idx %arg7[%get3A_1614] : memref<8448xf32, #tpu.memory_space<vmem>>[vector<16xi32>], vector<16xf32>,
      %get3A_1616 = arith.constant 480 : index
      %get3A_1617 = tpu.vector_load %arg5[%get3A_1616] {strides = array<i32>} : memref<864xi32, #tpu.memory_space<vmem>>, vector<16xi32>,
      %gather3A_1618 = tpu.vector_load_idx %arg7[%get3A_1617] : memref<8448xf32, #tpu.memory_space<vmem>>[vector<16xi32>], vector<16xf32>,
      %get3A_1619 = arith.constant 576 : index
      %get3A_1620 = tpu.vector_load %arg5[%get3A_1619] {strides = array<i32>} : memref<864xi32, #tpu.memory_space<vmem>>, vector<16xi32>,
      %gather3A_1621 = tpu.vector_load_idx %arg7[%get3A_1620] : memref<8448xf32, #tpu.memory_space<vmem>>[vector<16xi32>], vector<16xf32>,
      %get3A_1622 = arith.constant 672 : index
      %get3A_1623 = tpu.vector_load %arg5[%get3A_1622] {strides = array<i32>} : memref<864xi32, #tpu.memory_space<vmem>>, vector<16xi32>,
      %gather3A_1624 = tpu.vector_load_idx %arg7[%get3A_1623] : memref<8448xf32, #tpu.memory_space<vmem>>[vector<16xi32>], vector<16xf32>,
      %add3A_1625 = arith.addf %gather3A_1606, %gather3A_1609 : vector<16xf32>
      %add3A_1626 = arith.addf %gather3A_1612, %gather3A_1615 : vector<16xf32>
      %add3A_1627 = arith.addf %add3A_1625, %add3A_1626 : vector<16xf32>
      %add3A_1628 = arith.addf %gather3A_1618, %gather3A_1621 : vector<16xf32>
      %add3A_1629 = arith.addf %add3A_1628, %gather3A_1624 : vector<16xf32>
      %add3A_1630 = arith.addf %add3A_1627, %add3A_1629 : vector<16xf32>
      %get3A_1631 = arith.constant 768 : index
      %get3A_1632 = tpu.vector_load %arg5[%get3A_1631] {strides = array<i32>} : memref<864xi32, #tpu.memory_space<vmem>>, vector<16xi32>,
      %mul3A_1633 = arith.constant 0.142857149 : f32
      %mul3A_1634 = vector.broadcast %mul3A_1633 : f32 to vector<16xf32>
      %mul3A_1635 = arith.mulf %add3A_1630, %mul3A_1634 : vector<16xf32>
      tpu.vector_store_idx %arg15[%get3A_1632], %mul3A_1635 : memref<2048xf32, #tpu.memory_space<vmem>>[vector<16xi32>], vector<16xf32>,
      %get3A_1636 = arith.constant 112 : index
      %get3A_1637 = tpu.vector_load %arg5[%get3A_1636] {strides = array<i32>} : memref<864xi32, #tpu.memory_space<vmem>>, vector<16xi32>,
      %gather3A_1638 = tpu.vector_load_idx %arg7[%get3A_1637] : memref<8448xf32, #tpu.memory_space<vmem>>[vector<16xi32>], vector<16xf32>,
      %get3A_1639 = arith.constant 208 : index
      %get3A_1640 = tpu.vector_load %arg5[%get3A_1639] {strides = array<i32>} : memref<864xi32, #tpu.memory_space<vmem>>, vector<16xi32>,
      %gather3A_1641 = tpu.vector_load_idx %arg7[%get3A_1640] : memref<8448xf32, #tpu.memory_space<vmem>>[vector<16xi32>], vector<16xf32>,
      %get3A_1642 = arith.constant 304 : index
      %get3A_1643 = tpu.vector_load %arg5[%get3A_1642] {strides = array<i32>} : memref<864xi32, #tpu.memory_space<vmem>>, vector<16xi32>,
      %gather3A_1644 = tpu.vector_load_idx %arg7[%get3A_1643] : memref<8448xf32, #tpu.memory_space<vmem>>[vector<16xi32>], vector<16xf32>,
      %get3A_1645 = arith.constant 400 : index
      %get3A_1646 = tpu.vector_load %arg5[%get3A_1645] {strides = array<i32>} : memref<864xi32, #tpu.memory_space<vmem>>, vector<16xi32>,
      %gather3A_1647 = tpu.vector_load_idx %arg7[%get3A_1646] : memref<8448xf32, #tpu.memory_space<vmem>>[vector<16xi32>], vector<16xf32>,
      %get3A_1648 = arith.constant 496 : index
      %get3A_1649 = tpu.vector_load %arg5[%get3A_1648] {strides = array<i32>} : memref<864xi32, #tpu.memory_space<vmem>>, vector<16xi32>,
      %gather3A_1650 = tpu.vector_load_idx %arg7[%get3A_1649] : memref<8448xf32, #tpu.memory_space<vmem>>[vector<16xi32>], vector<16xf32>,
      %get3A_1651 = arith.constant 592 : index
      %get3A_1652 = tpu.vector_load %arg5[%get3A_1651] {strides = array<i32>} : memref<864xi32, #tpu.memory_space<vmem>>, vector<16xi32>,
      %gather3A_1653 = tpu.vector_load_idx %arg7[%get3A_1652] : memref<8448xf32, #tpu.memory_space<vmem>>[vector<16xi32>], vector<16xf32>,
      %get3A_1654 = arith.constant 688 : index
      %get3A_1655 = tpu.vector_load %arg5[%get3A_1654] {strides = array<i32>} : memref<864xi32, #tpu.memory_space<vmem>>, vector<16xi32>,
      %gather3A_1656 = tpu.vector_load_idx %arg7[%get3A_1655] : memref<8448xf32, #tpu.memory_space<vmem>>[vector<16xi32>], vector<16xf32>,
      %add3A_1657 = arith.addf %gather3A_1638, %gather3A_1641 : vector<16xf32>
      %add3A_1658 = arith.addf %gather3A_1644, %gather3A_1647 : vector<16xf32>
      %add3A_1659 = arith.addf %add3A_1657, %add3A_1658 : vector<16xf32>
      %add3A_1660 = arith.addf %gather3A_1650, %gather3A_1653 : vector<16xf32>
      %add3A_1661 = arith.addf %add3A_1660, %gather3A_1656 : vector<16xf32>
      %add3A_1662 = arith.addf %add3A_1659, %add3A_1661 : vector<16xf32>
      %get3A_1663 = arith.constant 784 : index
      %get3A_1664 = tpu.vector_load %arg5[%get3A_1663] {strides = array<i32>} : memref<864xi32, #tpu.memory_space<vmem>>, vector<16xi32>,
      %mul3A_1665 = arith.constant 0.142857149 : f32
      %mul3A_1666 = vector.broadcast %mul3A_1665 : f32 to vector<16xf32>
      %mul3A_1667 = arith.mulf %add3A_1662, %mul3A_1666 : vector<16xf32>
      tpu.vector_store_idx %arg15[%get3A_1664], %mul3A_1667 : memref<2048xf32, #tpu.memory_space<vmem>>[vector<16xi32>], vector<16xf32>,
      %get3A_1668 = arith.constant 128 : index
      %get3A_1669 = tpu.vector_load %arg5[%get3A_1668] {strides = array<i32>} : memref<864xi32, #tpu.memory_space<vmem>>, vector<16xi32>,
      %gather3A_1670 = tpu.vector_load_idx %arg7[%get3A_1669] : memref<8448xf32, #tpu.memory_space<vmem>>[vector<16xi32>], vector<16xf32>,
      %get3A_1671 = arith.constant 224 : index
      %get3A_1672 = tpu.vector_load %arg5[%get3A_1671] {strides = array<i32>} : memref<864xi32, #tpu.memory_space<vmem>>, vector<16xi32>,
      %gather3A_1673 = tpu.vector_load_idx %arg7[%get3A_1672] : memref<8448xf32, #tpu.memory_space<vmem>>[vector<16xi32>], vector<16xf32>,
      %get3A_1674 = arith.constant 320 : index
      %get3A_1675 = tpu.vector_load %arg5[%get3A_1674] {strides = array<i32>} : memref<864xi32, #tpu.memory_space<vmem>>, vector<16xi32>,
      %gather3A_1676 = tpu.vector_load_idx %arg7[%get3A_1675] : memref<8448xf32, #tpu.memory_space<vmem>>[vector<16xi32>], vector<16xf32>,
      %get3A_1677 = arith.constant 416 : index
      %get3A_1678 = tpu.vector_load %arg5[%get3A_1677] {strides = array<i32>} : memref<864xi32, #tpu.memory_space<vmem>>, vector<16xi32>,
      %gather3A_1679 = tpu.vector_load_idx %arg7[%get3A_1678] : memref<8448xf32, #tpu.memory_space<vmem>>[vector<16xi32>], vector<16xf32>,
      %get3A_1680 = arith.constant 512 : index
      %get3A_1681 = tpu.vector_load %arg5[%get3A_1680] {strides = array<i32>} : memref<864xi32, #tpu.memory_space<vmem>>, vector<16xi32>,
      %gather3A_1682 = tpu.vector_load_idx %arg7[%get3A_1681] : memref<8448xf32, #tpu.memory_space<vmem>>[vector<16xi32>], vector<16xf32>,
      %get3A_1683 = arith.constant 608 : index
      %get3A_1684 = tpu.vector_load %arg5[%get3A_1683] {strides = array<i32>} : memref<864xi32, #tpu.memory_space<vmem>>, vector<16xi32>,
      %gather3A_1685 = tpu.vector_load_idx %arg7[%get3A_1684] : memref<8448xf32, #tpu.memory_space<vmem>>[vector<16xi32>], vector<16xf32>,
      %get3A_1686 = arith.constant 704 : index
      %get3A_1687 = tpu.vector_load %arg5[%get3A_1686] {strides = array<i32>} : memref<864xi32, #tpu.memory_space<vmem>>, vector<16xi32>,
      %gather3A_1688 = tpu.vector_load_idx %arg7[%get3A_1687] : memref<8448xf32, #tpu.memory_space<vmem>>[vector<16xi32>], vector<16xf32>,
      %add3A_1689 = arith.addf %gather3A_1670, %gather3A_1673 : vector<16xf32>
      %add3A_1690 = arith.addf %gather3A_1676, %gather3A_1679 : vector<16xf32>
      %add3A_1691 = arith.addf %add3A_1689, %add3A_1690 : vector<16xf32>
      %add3A_1692 = arith.addf %gather3A_1682, %gather3A_1685 : vector<16xf32>
      %add3A_1693 = arith.addf %add3A_1692, %gather3A_1688 : vector<16xf32>
      %add3A_1694 = arith.addf %add3A_1691, %add3A_1693 : vector<16xf32>
      %get3A_1695 = arith.constant 800 : index
      %get3A_1696 = tpu.vector_load %arg5[%get3A_1695] {strides = array<i32>} : memref<864xi32, #tpu.memory_space<vmem>>, vector<16xi32>,
      %mul3A_1697 = arith.constant 0.142857149 : f32
      %mul3A_1698 = vector.broadcast %mul3A_1697 : f32 to vector<16xf32>
      %mul3A_1699 = arith.mulf %add3A_1694, %mul3A_1698 : vector<16xf32>
      tpu.vector_store_idx %arg15[%get3A_1696], %mul3A_1699 : memref<2048xf32, #tpu.memory_space<vmem>>[vector<16xi32>], vector<16xf32>,
      %get3A_1700 = arith.constant 144 : index
      %get3A_1701 = tpu.vector_load %arg5[%get3A_1700] {strides = array<i32>} : memref<864xi32, #tpu.memory_space<vmem>>, vector<16xi32>,
      %gather3A_1702 = tpu.vector_load_idx %arg7[%get3A_1701] : memref<8448xf32, #tpu.memory_space<vmem>>[vector<16xi32>], vector<16xf32>,
      %get3A_1703 = arith.constant 240 : index
      %get3A_1704 = tpu.vector_load %arg5[%get3A_1703] {strides = array<i32>} : memref<864xi32, #tpu.memory_space<vmem>>, vector<16xi32>,
      %gather3A_1705 = tpu.vector_load_idx %arg7[%get3A_1704] : memref<8448xf32, #tpu.memory_space<vmem>>[vector<16xi32>], vector<16xf32>,
      %get3A_1706 = arith.constant 336 : index
      %get3A_1707 = tpu.vector_load %arg5[%get3A_1706] {strides = array<i32>} : memref<864xi32, #tpu.memory_space<vmem>>, vector<16xi32>,
      %gather3A_1708 = tpu.vector_load_idx %arg7[%get3A_1707] : memref<8448xf32, #tpu.memory_space<vmem>>[vector<16xi32>], vector<16xf32>,
      %get3A_1709 = arith.constant 432 : index
      %get3A_1710 = tpu.vector_load %arg5[%get3A_1709] {strides = array<i32>} : memref<864xi32, #tpu.memory_space<vmem>>, vector<16xi32>,
      %gather3A_1711 = tpu.vector_load_idx %arg7[%get3A_1710] : memref<8448xf32, #tpu.memory_space<vmem>>[vector<16xi32>], vector<16xf32>,
      %get3A_1712 = arith.constant 528 : index
      %get3A_1713 = tpu.vector_load %arg5[%get3A_1712] {strides = array<i32>} : memref<864xi32, #tpu.memory_space<vmem>>, vector<16xi32>,
      %gather3A_1714 = tpu.vector_load_idx %arg7[%get3A_1713] : memref<8448xf32, #tpu.memory_space<vmem>>[vector<16xi32>], vector<16xf32>,
      %get3A_1715 = arith.constant 624 : index
      %get3A_1716 = tpu.vector_load %arg5[%get3A_1715] {strides = array<i32>} : memref<864xi32, #tpu.memory_space<vmem>>, vector<16xi32>,
      %gather3A_1717 = tpu.vector_load_idx %arg7[%get3A_1716] : memref<8448xf32, #tpu.memory_space<vmem>>[vector<16xi32>], vector<16xf32>,
      %get3A_1718 = arith.constant 720 : index
      %get3A_1719 = tpu.vector_load %arg5[%get3A_1718] {strides = array<i32>} : memref<864xi32, #tpu.memory_space<vmem>>, vector<16xi32>,
      %gather3A_1720 = tpu.vector_load_idx %arg7[%get3A_1719] : memref<8448xf32, #tpu.memory_space<vmem>>[vector<16xi32>], vector<16xf32>,
      %add3A_1721 = arith.addf %gather3A_1702, %gather3A_1705 : vector<16xf32>
      %add3A_1722 = arith.addf %gather3A_1708, %gather3A_1711 : vector<16xf32>
      %add3A_1723 = arith.addf %add3A_1721, %add3A_1722 : vector<16xf32>
      %add3A_1724 = arith.addf %gather3A_1714, %gather3A_1717 : vector<16xf32>
      %add3A_1725 = arith.addf %add3A_1724, %gather3A_1720 : vector<16xf32>
      %add3A_1726 = arith.addf %add3A_1723, %add3A_1725 : vector<16xf32>
      %get3A_1727 = arith.constant 816 : index
      %get3A_1728 = tpu.vector_load %arg5[%get3A_1727] {strides = array<i32>} : memref<864xi32, #tpu.memory_space<vmem>>, vector<16xi32>,
      %mul3A_1729 = arith.constant 0.142857149 : f32
      %mul3A_1730 = vector.broadcast %mul3A_1729 : f32 to vector<16xf32>
      %mul3A_1731 = arith.mulf %add3A_1726, %mul3A_1730 : vector<16xf32>
      tpu.vector_store_idx %arg15[%get3A_1728], %mul3A_1731 : memref<2048xf32, #tpu.memory_space<vmem>>[vector<16xi32>], vector<16xf32>,
      %get3A_1732 = arith.constant 160 : index
      %get3A_1733 = tpu.vector_load %arg5[%get3A_1732] {strides = array<i32>} : memref<864xi32, #tpu.memory_space<vmem>>, vector<16xi32>,
      %gather3A_1734 = tpu.vector_load_idx %arg7[%get3A_1733] : memref<8448xf32, #tpu.memory_space<vmem>>[vector<16xi32>], vector<16xf32>,
      %get3A_1735 = arith.constant 256 : index
      %get3A_1736 = tpu.vector_load %arg5[%get3A_1735] {strides = array<i32>} : memref<864xi32, #tpu.memory_space<vmem>>, vector<16xi32>,
      %gather3A_1737 = tpu.vector_load_idx %arg7[%get3A_1736] : memref<8448xf32, #tpu.memory_space<vmem>>[vector<16xi32>], vector<16xf32>,
      %get3A_1738 = arith.constant 352 : index
      %get3A_1739 = tpu.vector_load %arg5[%get3A_1738] {strides = array<i32>} : memref<864xi32, #tpu.memory_space<vmem>>, vector<16xi32>,
      %gather3A_1740 = tpu.vector_load_idx %arg7[%get3A_1739] : memref<8448xf32, #tpu.memory_space<vmem>>[vector<16xi32>], vector<16xf32>,
      %get3A_1741 = arith.constant 448 : index
      %get3A_1742 = tpu.vector_load %arg5[%get3A_1741] {strides = array<i32>} : memref<864xi32, #tpu.memory_space<vmem>>, vector<16xi32>,
      %gather3A_1743 = tpu.vector_load_idx %arg7[%get3A_1742] : memref<8448xf32, #tpu.memory_space<vmem>>[vector<16xi32>], vector<16xf32>,
      %get3A_1744 = arith.constant 544 : index
      %get3A_1745 = tpu.vector_load %arg5[%get3A_1744] {strides = array<i32>} : memref<864xi32, #tpu.memory_space<vmem>>, vector<16xi32>,
      %gather3A_1746 = tpu.vector_load_idx %arg7[%get3A_1745] : memref<8448xf32, #tpu.memory_space<vmem>>[vector<16xi32>], vector<16xf32>,
      %get3A_1747 = arith.constant 640 : index
      %get3A_1748 = tpu.vector_load %arg5[%get3A_1747] {strides = array<i32>} : memref<864xi32, #tpu.memory_space<vmem>>, vector<16xi32>,
      %gather3A_1749 = tpu.vector_load_idx %arg7[%get3A_1748] : memref<8448xf32, #tpu.memory_space<vmem>>[vector<16xi32>], vector<16xf32>,
      %get3A_1750 = arith.constant 736 : index
      %get3A_1751 = tpu.vector_load %arg5[%get3A_1750] {strides = array<i32>} : memref<864xi32, #tpu.memory_space<vmem>>, vector<16xi32>,
      %gather3A_1752 = tpu.vector_load_idx %arg7[%get3A_1751] : memref<8448xf32, #tpu.memory_space<vmem>>[vector<16xi32>], vector<16xf32>,
      %add3A_1753 = arith.addf %gather3A_1734, %gather3A_1737 : vector<16xf32>
      %add3A_1754 = arith.addf %gather3A_1740, %gather3A_1743 : vector<16xf32>
      %add3A_1755 = arith.addf %add3A_1753, %add3A_1754 : vector<16xf32>
      %add3A_1756 = arith.addf %gather3A_1746, %gather3A_1749 : vector<16xf32>
      %add3A_1757 = arith.addf %add3A_1756, %gather3A_1752 : vector<16xf32>
      %add3A_1758 = arith.addf %add3A_1755, %add3A_1757 : vector<16xf32>
      %get3A_1759 = arith.constant 832 : index
      %get3A_1760 = tpu.vector_load %arg5[%get3A_1759] {strides = array<i32>} : memref<864xi32, #tpu.memory_space<vmem>>, vector<16xi32>,
      %mul3A_1761 = arith.constant 0.142857149 : f32
      %mul3A_1762 = vector.broadcast %mul3A_1761 : f32 to vector<16xf32>
      %mul3A_1763 = arith.mulf %add3A_1758, %mul3A_1762 : vector<16xf32>
      tpu.vector_store_idx %arg15[%get3A_1760], %mul3A_1763 : memref<2048xf32, #tpu.memory_space<vmem>>[vector<16xi32>], vector<16xf32>,
      %get3A_1764 = arith.constant 176 : index
      %get3A_1765 = tpu.vector_load %arg5[%get3A_1764] {strides = array<i32>} : memref<864xi32, #tpu.memory_space<vmem>>, vector<16xi32>,
      %gather3A_1766 = tpu.vector_load_idx %arg7[%get3A_1765] : memref<8448xf32, #tpu.memory_space<vmem>>[vector<16xi32>], vector<16xf32>,
      %get3A_1767 = arith.constant 272 : index
      %get3A_1768 = tpu.vector_load %arg5[%get3A_1767] {strides = array<i32>} : memref<864xi32, #tpu.memory_space<vmem>>, vector<16xi32>,
      %gather3A_1769 = tpu.vector_load_idx %arg7[%get3A_1768] : memref<8448xf32, #tpu.memory_space<vmem>>[vector<16xi32>], vector<16xf32>,
      %get3A_1770 = arith.constant 368 : index
      %get3A_1771 = tpu.vector_load %arg5[%get3A_1770] {strides = array<i32>} : memref<864xi32, #tpu.memory_space<vmem>>, vector<16xi32>,
      %gather3A_1772 = tpu.vector_load_idx %arg7[%get3A_1771] : memref<8448xf32, #tpu.memory_space<vmem>>[vector<16xi32>], vector<16xf32>,
      %get3A_1773 = arith.constant 464 : index
      %get3A_1774 = tpu.vector_load %arg5[%get3A_1773] {strides = array<i32>} : memref<864xi32, #tpu.memory_space<vmem>>, vector<16xi32>,
      %gather3A_1775 = tpu.vector_load_idx %arg7[%get3A_1774] : memref<8448xf32, #tpu.memory_space<vmem>>[vector<16xi32>], vector<16xf32>,
      %get3A_1776 = arith.constant 560 : index
      %get3A_1777 = tpu.vector_load %arg5[%get3A_1776] {strides = array<i32>} : memref<864xi32, #tpu.memory_space<vmem>>, vector<16xi32>,
      %gather3A_1778 = tpu.vector_load_idx %arg7[%get3A_1777] : memref<8448xf32, #tpu.memory_space<vmem>>[vector<16xi32>], vector<16xf32>,
      %get3A_1779 = arith.constant 656 : index
      %get3A_1780 = tpu.vector_load %arg5[%get3A_1779] {strides = array<i32>} : memref<864xi32, #tpu.memory_space<vmem>>, vector<16xi32>,
      %gather3A_1781 = tpu.vector_load_idx %arg7[%get3A_1780] : memref<8448xf32, #tpu.memory_space<vmem>>[vector<16xi32>], vector<16xf32>,
      %get3A_1782 = arith.constant 752 : index
      %get3A_1783 = tpu.vector_load %arg5[%get3A_1782] {strides = array<i32>} : memref<864xi32, #tpu.memory_space<vmem>>, vector<16xi32>,
      %gather3A_1784 = tpu.vector_load_idx %arg7[%get3A_1783] : memref<8448xf32, #tpu.memory_space<vmem>>[vector<16xi32>], vector<16xf32>,
      %add3A_1785 = arith.addf %gather3A_1766, %gather3A_1769 : vector<16xf32>
      %add3A_1786 = arith.addf %gather3A_1772, %gather3A_1775 : vector<16xf32>
      %add3A_1787 = arith.addf %add3A_1785, %add3A_1786 : vector<16xf32>
      %add3A_1788 = arith.addf %gather3A_1778, %gather3A_1781 : vector<16xf32>
      %add3A_1789 = arith.addf %add3A_1788, %gather3A_1784 : vector<16xf32>
      %add3A_1790 = arith.addf %add3A_1787, %add3A_1789 : vector<16xf32>
      %get3A_1791 = arith.constant 848 : index
      %get3A_1792 = tpu.vector_load %arg5[%get3A_1791] {strides = array<i32>} : memref<864xi32, #tpu.memory_space<vmem>>, vector<16xi32>,
      %mul3A_1793 = arith.constant 0.142857149 : f32
      %mul3A_1794 = vector.broadcast %mul3A_1793 : f32 to vector<16xf32>
      %mul3A_1795 = arith.mulf %add3A_1790, %mul3A_1794 : vector<16xf32>
      tpu.vector_store_idx %arg15[%get3A_1792], %mul3A_1795 : memref<2048xf32, #tpu.memory_space<vmem>>[vector<16xi32>], vector<16xf32>,
      tpu.vector_store_idx %arg15[%get3A_4], %broadcast_in_dim3A_1 : memref<2048xf32, #tpu.memory_space<vmem>>[vector<16xi32>], vector<16xf32>,
      %mul3A_1796 = arith.constant 2048 : i32
      %mul3A_1797 = arith.muli %add3A_1559, %mul3A_1796 : i32
      %dma_start3A_1798 = tpu.memref_slice %arg4[%mul3A_1797] : memref<15728640xf32, #tpu.memory_space<hbm>> -> memref<2048xf32, #tpu.memory_space<hbm>>
      %dma_start3A_1799 = tpu.memref_slice %arg4[%mul3A_1797] : memref<15728640xf32, #tpu.memory_space<hbm>> -> memref<2048xf32, #tpu.memory_space<hbm>>
      tpu.enqueue_dma source(%arg15 : memref<2048xf32, #tpu.memory_space<vmem>>) target(%dma_start3A_1799 : memref<2048xf32, #tpu.memory_space<hbm>>) target_semaphore(%arg23 : memref<!tpu.dma_semaphore, #tpu.memory_space<semaphore_mem>>)
      %lt3A_1800 = arith.constant 59 : i32
      %lt3A_1801 = arith.cmpi slt, %scan3A_990, %lt3A_1800 : i32
      %convert_element_type3A_1802 = arith.extui %lt3A_1801 : i1 to i32
      %cond3A_1803 = arith.constant 0 : i32
      %cond3A_1804 = arith.cmpi ne, %convert_element_type3A_1802, %cond3A_1803 : i32
      scf.if %cond3A_1804 {
        %add3A_2294 = arith.constant 4 : i32
        %add3A_2295 = arith.addi %add3A_1559, %add3A_2294 : i32
        %jit3A_2296 = arith.constant 30 : i32
        %div3A_2297 = arith.divsi %add3A_2295, %jit3A_2296 : i32
        %sign3A_2298 = arith.constant 0 : i32
        %sign3A_2299 = arith.cmpi sgt, %add3A_2295, %sign3A_2298 : i32
        %sign3A_2300 = arith.extui %sign3A_2299 : i1 to i32
        %sign3A_2301 = arith.constant 0 : i32
        %sign3A_2302 = arith.cmpi slt, %add3A_2295, %sign3A_2301 : i32
        %sign3A_2303 = arith.extui %sign3A_2302 : i1 to i32
        %sign3A_2304 = arith.subi %sign3A_2300, %sign3A_2303 : i32
        %sign3A_2305 = arith.constant 0 : i32
        %sign3A_2306 = arith.cmpi sgt, %jit3A_2296, %sign3A_2305 : i32
        %sign3A_2307 = arith.extui %sign3A_2306 : i1 to i32
        %sign3A_2308 = arith.constant 0 : i32
        %sign3A_2309 = arith.cmpi slt, %jit3A_2296, %sign3A_2308 : i32
        %sign3A_2310 = arith.extui %sign3A_2309 : i1 to i32
        %sign3A_2311 = arith.subi %sign3A_2307, %sign3A_2310 : i32
        %ne3A_2312 = arith.cmpi ne, %sign3A_2304, %sign3A_2311 : i32
        %rem3A_2313 = arith.remsi %add3A_2295, %jit3A_2296 : i32
        %ne3A_2314 = arith.constant 0 : i32
        %ne3A_2315 = arith.cmpi ne, %rem3A_2313, %ne3A_2314 : i32
        %and3A_2316 = arith.andi %ne3A_2312, %ne3A_2315 : i1
        %sub3A_2317 = arith.constant 1 : i32
        %sub3A_2318 = arith.subi %div3A_2297, %sub3A_2317 : i32
        %select_n3A_2319 = arith.select %and3A_2316, %sub3A_2318, %div3A_2297 : i32
        %mul3A_2320 = arith.constant 30 : i32
        %mul3A_2321 = arith.muli %select_n3A_2319, %mul3A_2320 : i32
        %sub3A_2322 = arith.subi %add3A_2295, %mul3A_2321 : i32
        %jit3A_2323 = arith.constant 5 : i32
        %div3A_2324 = arith.divsi %sub3A_2322, %jit3A_2323 : i32
        %sign3A_2325 = arith.constant 0 : i32
        %sign3A_2326 = arith.cmpi sgt, %sub3A_2322, %sign3A_2325 : i32
        %sign3A_2327 = arith.extui %sign3A_2326 : i1 to i32
        %sign3A_2328 = arith.constant 0 : i32
        %sign3A_2329 = arith.cmpi slt, %sub3A_2322, %sign3A_2328 : i32
        %sign3A_2330 = arith.extui %sign3A_2329 : i1 to i32
        %sign3A_2331 = arith.subi %sign3A_2327, %sign3A_2330 : i32
        %sign3A_2332 = arith.constant 0 : i32
        %sign3A_2333 = arith.cmpi sgt, %jit3A_2323, %sign3A_2332 : i32
        %sign3A_2334 = arith.extui %sign3A_2333 : i1 to i32
        %sign3A_2335 = arith.constant 0 : i32
        %sign3A_2336 = arith.cmpi slt, %jit3A_2323, %sign3A_2335 : i32
        %sign3A_2337 = arith.extui %sign3A_2336 : i1 to i32
        %sign3A_2338 = arith.subi %sign3A_2334, %sign3A_2337 : i32
        %ne3A_2339 = arith.cmpi ne, %sign3A_2331, %sign3A_2338 : i32
        %rem3A_2340 = arith.remsi %sub3A_2322, %jit3A_2323 : i32
        %ne3A_2341 = arith.constant 0 : i32
        %ne3A_2342 = arith.cmpi ne, %rem3A_2340, %ne3A_2341 : i32
        %and3A_2343 = arith.andi %ne3A_2339, %ne3A_2342 : i1
        %sub3A_2344 = arith.constant 1 : i32
        %sub3A_2345 = arith.subi %div3A_2324, %sub3A_2344 : i32
        %select_n3A_2346 = arith.select %and3A_2343, %sub3A_2345, %div3A_2324 : i32
        %mul3A_2347 = arith.constant 5 : i32
        %mul3A_2348 = arith.muli %select_n3A_2346, %mul3A_2347 : i32
        %sub3A_2349 = arith.subi %sub3A_2322, %mul3A_2348 : i32
        %add3A_2350 = arith.constant 4 : i32
        %add3A_2351 = arith.addi %sub3A_2349, %add3A_2350 : i32
        %jit3A_2352 = arith.constant 5 : i32
        %eq3A_2353 = arith.constant 0 : i32
        %eq3A_2354 = arith.cmpi eq, %jit3A_2352, %eq3A_2353 : i32
        %jit3A_2355 = arith.constant 1 : i32
        %select_n3A_2356 = arith.select %eq3A_2354, %jit3A_2355, %jit3A_2352 : i32
        %rem3A_2357 = arith.remsi %add3A_2351, %select_n3A_2356 : i32
        %ne3A_2358 = arith.constant 0 : i32
        %ne3A_2359 = arith.cmpi ne, %rem3A_2357, %ne3A_2358 : i32
        %lt3A_2360 = arith.constant 0 : i32
        %lt3A_2361 = arith.cmpi slt, %rem3A_2357, %lt3A_2360 : i32
        %lt3A_2362 = arith.constant 0 : i32
        %lt3A_2363 = arith.cmpi slt, %select_n3A_2356, %lt3A_2362 : i32
        %ne3A_2364 = arith.xori %lt3A_2361, %lt3A_2363 : i1
        %and3A_2365 = arith.andi %ne3A_2364, %ne3A_2359 : i1
        %add3A_2366 = arith.addi %rem3A_2357, %select_n3A_2356 : i32
        %select_n3A_2367 = arith.select %and3A_2365, %add3A_2366, %rem3A_2357 : i32
        %mul3A_2368 = arith.constant 30 : i32
        %mul3A_2369 = arith.muli %select_n3A_2319, %mul3A_2368 : i32
        %mul3A_2370 = arith.constant 5 : i32
        %mul3A_2371 = arith.muli %select_n3A_2346, %mul3A_2370 : i32
        %add3A_2372 = arith.addi %mul3A_2369, %mul3A_2371 : i32
        %add3A_2373 = arith.addi %add3A_2372, %select_n3A_2367 : i32
        %add3A_2374 = arith.constant 1 : i32
        %add3A_2375 = arith.addi %select_n3A_2346, %add3A_2374 : i32
        %jit3A_2376 = arith.constant 6 : i32
        %eq3A_2377 = arith.constant 0 : i32
        %eq3A_2378 = arith.cmpi eq, %jit3A_2376, %eq3A_2377 : i32
        %jit3A_2379 = arith.constant 1 : i32
        %select_n3A_2380 = arith.select %eq3A_2378, %jit3A_2379, %jit3A_2376 : i32
        %rem3A_2381 = arith.remsi %add3A_2375, %select_n3A_2380 : i32
        %ne3A_2382 = arith.constant 0 : i32
        %ne3A_2383 = arith.cmpi ne, %rem3A_2381, %ne3A_2382 : i32
        %lt3A_2384 = arith.constant 0 : i32
        %lt3A_2385 = arith.cmpi slt, %rem3A_2381, %lt3A_2384 : i32
        %lt3A_2386 = arith.constant 0 : i32
        %lt3A_2387 = arith.cmpi slt, %select_n3A_2380, %lt3A_2386 : i32
        %ne3A_2388 = arith.xori %lt3A_2385, %lt3A_2387 : i1
        %and3A_2389 = arith.andi %ne3A_2388, %ne3A_2383 : i1
        %add3A_2390 = arith.addi %rem3A_2381, %select_n3A_2380 : i32
        %select_n3A_2391 = arith.select %and3A_2389, %add3A_2390, %rem3A_2381 : i32
        %mul3A_2392 = arith.constant 5 : i32
        %mul3A_2393 = arith.muli %select_n3A_2391, %mul3A_2392 : i32
        %add3A_2394 = arith.addi %mul3A_2369, %mul3A_2393 : i32
        %add3A_2395 = arith.addi %add3A_2394, %select_n3A_2367 : i32
        %add3A_2396 = arith.constant 5 : i32
        %add3A_2397 = arith.addi %select_n3A_2346, %add3A_2396 : i32
        %jit3A_2398 = arith.constant 6 : i32
        %eq3A_2399 = arith.constant 0 : i32
        %eq3A_2400 = arith.cmpi eq, %jit3A_2398, %eq3A_2399 : i32
        %jit3A_2401 = arith.constant 1 : i32
        %select_n3A_2402 = arith.select %eq3A_2400, %jit3A_2401, %jit3A_2398 : i32
        %rem3A_2403 = arith.remsi %add3A_2397, %select_n3A_2402 : i32
        %ne3A_2404 = arith.constant 0 : i32
        %ne3A_2405 = arith.cmpi ne, %rem3A_2403, %ne3A_2404 : i32
        %lt3A_2406 = arith.constant 0 : i32
        %lt3A_2407 = arith.cmpi slt, %rem3A_2403, %lt3A_2406 : i32
        %lt3A_2408 = arith.constant 0 : i32
        %lt3A_2409 = arith.cmpi slt, %select_n3A_2402, %lt3A_2408 : i32
        %ne3A_2410 = arith.xori %lt3A_2407, %lt3A_2409 : i1
        %and3A_2411 = arith.andi %ne3A_2410, %ne3A_2405 : i1
        %add3A_2412 = arith.addi %rem3A_2403, %select_n3A_2402 : i32
        %select_n3A_2413 = arith.select %and3A_2411, %add3A_2412, %rem3A_2403 : i32
        %mul3A_2414 = arith.constant 5 : i32
        %mul3A_2415 = arith.muli %select_n3A_2413, %mul3A_2414 : i32
        %add3A_2416 = arith.addi %mul3A_2369, %mul3A_2415 : i32
        %add3A_2417 = arith.addi %add3A_2416, %select_n3A_2367 : i32
        %get3A_2418 = arith.constant 0 : index
        %get3A_2419 = tpu.vector_load %arg5[%get3A_2418] {strides = array<i32>} : memref<864xi32, #tpu.memory_space<vmem>>, vector<16xi32>,
        %mul3A_2420 = arith.constant 8192 : i32
        %mul3A_2421 = arith.muli %add3A_2395, %mul3A_2420 : i32
        %add3A_2422 = vector.broadcast %mul3A_2421 : i32 to vector<16xi32>
        %add3A_2423 = arith.addi %get3A_2419, %add3A_2422 : vector<16xi32>
        %swap3A_2424 = arith.constant 0 : index
        %swap3A_2425 = tpu.vector_load %arg11[%swap3A_2424] {strides = array<i32>} : memref<64xi32, #tpu.memory_space<vmem>>, vector<16xi32>,
        tpu.vector_store %arg11[%swap3A_2424], %add3A_2423 {strides = array<i32>} : memref<64xi32, #tpu.memory_space<vmem>>, vector<16xi32>,
        %get3A_2426 = arith.constant 16 : index
        %get3A_2427 = tpu.vector_load %arg5[%get3A_2426] {strides = array<i32>} : memref<864xi32, #tpu.memory_space<vmem>>, vector<16xi32>,
        %mul3A_2428 = arith.constant 8192 : i32
        %mul3A_2429 = arith.muli %add3A_2395, %mul3A_2428 : i32
        %add3A_2430 = vector.broadcast %mul3A_2429 : i32 to vector<16xi32>
        %add3A_2431 = arith.addi %get3A_2427, %add3A_2430 : vector<16xi32>
        %swap3A_2432 = arith.constant 16 : index
        %swap3A_2433 = tpu.vector_load %arg11[%swap3A_2432] {strides = array<i32>} : memref<64xi32, #tpu.memory_space<vmem>>, vector<16xi32>,
        tpu.vector_store %arg11[%swap3A_2432], %add3A_2431 {strides = array<i32>} : memref<64xi32, #tpu.memory_space<vmem>>, vector<16xi32>,
        %get3A_2434 = arith.constant 32 : index
        %get3A_2435 = tpu.vector_load %arg5[%get3A_2434] {strides = array<i32>} : memref<864xi32, #tpu.memory_space<vmem>>, vector<16xi32>,
        %mul3A_2436 = arith.constant 8192 : i32
        %mul3A_2437 = arith.muli %add3A_2395, %mul3A_2436 : i32
        %add3A_2438 = vector.broadcast %mul3A_2437 : i32 to vector<16xi32>
        %add3A_2439 = arith.addi %get3A_2435, %add3A_2438 : vector<16xi32>
        %swap3A_2440 = arith.constant 32 : index
        %swap3A_2441 = tpu.vector_load %arg11[%swap3A_2440] {strides = array<i32>} : memref<64xi32, #tpu.memory_space<vmem>>, vector<16xi32>,
        tpu.vector_store %arg11[%swap3A_2440], %add3A_2439 {strides = array<i32>} : memref<64xi32, #tpu.memory_space<vmem>>, vector<16xi32>,
        %get3A_2442 = arith.constant 48 : index
        %get3A_2443 = tpu.vector_load %arg5[%get3A_2442] {strides = array<i32>} : memref<864xi32, #tpu.memory_space<vmem>>, vector<16xi32>,
        %mul3A_2444 = arith.constant 8192 : i32
        %mul3A_2445 = arith.muli %add3A_2395, %mul3A_2444 : i32
        %add3A_2446 = vector.broadcast %mul3A_2445 : i32 to vector<16xi32>
        %add3A_2447 = arith.addi %get3A_2443, %add3A_2446 : vector<16xi32>
        %swap3A_2448 = arith.constant 48 : index
        %swap3A_2449 = tpu.vector_load %arg11[%swap3A_2448] {strides = array<i32>} : memref<64xi32, #tpu.memory_space<vmem>>, vector<16xi32>,
        tpu.vector_store %arg11[%swap3A_2448], %add3A_2447 {strides = array<i32>} : memref<64xi32, #tpu.memory_space<vmem>>, vector<16xi32>,
        %jit3A_2450 = arith.constant 30 : i32
        %div3A_2451 = arith.divsi %add3A_2295, %jit3A_2450 : i32
        %sign3A_2452 = arith.constant 0 : i32
        %sign3A_2453 = arith.cmpi sgt, %add3A_2295, %sign3A_2452 : i32
        %sign3A_2454 = arith.extui %sign3A_2453 : i1 to i32
        %sign3A_2455 = arith.constant 0 : i32
        %sign3A_2456 = arith.cmpi slt, %add3A_2295, %sign3A_2455 : i32
        %sign3A_2457 = arith.extui %sign3A_2456 : i1 to i32
        %sign3A_2458 = arith.subi %sign3A_2454, %sign3A_2457 : i32
        %sign3A_2459 = arith.constant 0 : i32
        %sign3A_2460 = arith.cmpi sgt, %jit3A_2450, %sign3A_2459 : i32
        %sign3A_2461 = arith.extui %sign3A_2460 : i1 to i32
        %sign3A_2462 = arith.constant 0 : i32
        %sign3A_2463 = arith.cmpi slt, %jit3A_2450, %sign3A_2462 : i32
        %sign3A_2464 = arith.extui %sign3A_2463 : i1 to i32
        %sign3A_2465 = arith.subi %sign3A_2461, %sign3A_2464 : i32
        %ne3A_2466 = arith.cmpi ne, %sign3A_2458, %sign3A_2465 : i32
        %rem3A_2467 = arith.remsi %add3A_2295, %jit3A_2450 : i32
        %ne3A_2468 = arith.constant 0 : i32
        %ne3A_2469 = arith.cmpi ne, %rem3A_2467, %ne3A_2468 : i32
        %and3A_2470 = arith.andi %ne3A_2466, %ne3A_2469 : i1
        %sub3A_2471 = arith.constant 1 : i32
        %sub3A_2472 = arith.subi %div3A_2451, %sub3A_2471 : i32
        %select_n3A_2473 = arith.select %and3A_2470, %sub3A_2472, %div3A_2451 : i32
        %mul3A_2474 = arith.constant 30 : i32
        %mul3A_2475 = arith.muli %select_n3A_2473, %mul3A_2474 : i32
        %sub3A_2476 = arith.subi %add3A_2295, %mul3A_2475 : i32
        %jit3A_2477 = arith.constant 5 : i32
        %div3A_2478 = arith.divsi %sub3A_2476, %jit3A_2477 : i32
        %sign3A_2479 = arith.constant 0 : i32
        %sign3A_2480 = arith.cmpi sgt, %sub3A_2476, %sign3A_2479 : i32
        %sign3A_2481 = arith.extui %sign3A_2480 : i1 to i32
        %sign3A_2482 = arith.constant 0 : i32
        %sign3A_2483 = arith.cmpi slt, %sub3A_2476, %sign3A_2482 : i32
        %sign3A_2484 = arith.extui %sign3A_2483 : i1 to i32
        %sign3A_2485 = arith.subi %sign3A_2481, %sign3A_2484 : i32
        %sign3A_2486 = arith.constant 0 : i32
        %sign3A_2487 = arith.cmpi sgt, %jit3A_2477, %sign3A_2486 : i32
        %sign3A_2488 = arith.extui %sign3A_2487 : i1 to i32
        %sign3A_2489 = arith.constant 0 : i32
        %sign3A_2490 = arith.cmpi slt, %jit3A_2477, %sign3A_2489 : i32
        %sign3A_2491 = arith.extui %sign3A_2490 : i1 to i32
        %sign3A_2492 = arith.subi %sign3A_2488, %sign3A_2491 : i32
        %ne3A_2493 = arith.cmpi ne, %sign3A_2485, %sign3A_2492 : i32
        %rem3A_2494 = arith.remsi %sub3A_2476, %jit3A_2477 : i32
        %ne3A_2495 = arith.constant 0 : i32
        %ne3A_2496 = arith.cmpi ne, %rem3A_2494, %ne3A_2495 : i32
        %and3A_2497 = arith.andi %ne3A_2493, %ne3A_2496 : i1
        %sub3A_2498 = arith.constant 1 : i32
        %sub3A_2499 = arith.subi %div3A_2478, %sub3A_2498 : i32
        %select_n3A_2500 = arith.select %and3A_2497, %sub3A_2499, %div3A_2478 : i32
        %mul3A_2501 = arith.constant 5 : i32
        %mul3A_2502 = arith.muli %select_n3A_2500, %mul3A_2501 : i32
        %sub3A_2503 = arith.subi %sub3A_2476, %mul3A_2502 : i32
        %add3A_2504 = arith.constant 4 : i32
        %add3A_2505 = arith.addi %sub3A_2503, %add3A_2504 : i32
        %jit3A_2506 = arith.constant 5 : i32
        %eq3A_2507 = arith.constant 0 : i32
        %eq3A_2508 = arith.cmpi eq, %jit3A_2506, %eq3A_2507 : i32
        %jit3A_2509 = arith.constant 1 : i32
        %select_n3A_2510 = arith.select %eq3A_2508, %jit3A_2509, %jit3A_2506 : i32
        %rem3A_2511 = arith.remsi %add3A_2505, %select_n3A_2510 : i32
        %ne3A_2512 = arith.constant 0 : i32
        %ne3A_2513 = arith.cmpi ne, %rem3A_2511, %ne3A_2512 : i32
        %lt3A_2514 = arith.constant 0 : i32
        %lt3A_2515 = arith.cmpi slt, %rem3A_2511, %lt3A_2514 : i32
        %lt3A_2516 = arith.constant 0 : i32
        %lt3A_2517 = arith.cmpi slt, %select_n3A_2510, %lt3A_2516 : i32
        %ne3A_2518 = arith.xori %lt3A_2515, %lt3A_2517 : i1
        %and3A_2519 = arith.andi %ne3A_2518, %ne3A_2513 : i1
        %add3A_2520 = arith.addi %rem3A_2511, %select_n3A_2510 : i32
        %select_n3A_2521 = arith.select %and3A_2519, %add3A_2520, %rem3A_2511 : i32
        %mul3A_2522 = arith.constant 30 : i32
        %mul3A_2523 = arith.muli %select_n3A_2473, %mul3A_2522 : i32
        %mul3A_2524 = arith.constant 5 : i32
        %mul3A_2525 = arith.muli %select_n3A_2500, %mul3A_2524 : i32
        %add3A_2526 = arith.addi %mul3A_2523, %mul3A_2525 : i32
        %add3A_2527 = arith.addi %add3A_2526, %select_n3A_2521 : i32
        %add3A_2528 = arith.constant 1 : i32
        %add3A_2529 = arith.addi %select_n3A_2500, %add3A_2528 : i32
        %jit3A_2530 = arith.constant 6 : i32
        %eq3A_2531 = arith.constant 0 : i32
        %eq3A_2532 = arith.cmpi eq, %jit3A_2530, %eq3A_2531 : i32
        %jit3A_2533 = arith.constant 1 : i32
        %select_n3A_2534 = arith.select %eq3A_2532, %jit3A_2533, %jit3A_2530 : i32
        %rem3A_2535 = arith.remsi %add3A_2529, %select_n3A_2534 : i32
        %ne3A_2536 = arith.constant 0 : i32
        %ne3A_2537 = arith.cmpi ne, %rem3A_2535, %ne3A_2536 : i32
        %lt3A_2538 = arith.constant 0 : i32
        %lt3A_2539 = arith.cmpi slt, %rem3A_2535, %lt3A_2538 : i32
        %lt3A_2540 = arith.constant 0 : i32
        %lt3A_2541 = arith.cmpi slt, %select_n3A_2534, %lt3A_2540 : i32
        %ne3A_2542 = arith.xori %lt3A_2539, %lt3A_2541 : i1
        %and3A_2543 = arith.andi %ne3A_2542, %ne3A_2537 : i1
        %add3A_2544 = arith.addi %rem3A_2535, %select_n3A_2534 : i32
        %select_n3A_2545 = arith.select %and3A_2543, %add3A_2544, %rem3A_2535 : i32
        %mul3A_2546 = arith.constant 5 : i32
        %mul3A_2547 = arith.muli %select_n3A_2545, %mul3A_2546 : i32
        %add3A_2548 = arith.addi %mul3A_2523, %mul3A_2547 : i32
        %add3A_2549 = arith.addi %add3A_2548, %select_n3A_2521 : i32
        %add3A_2550 = arith.constant 5 : i32
        %add3A_2551 = arith.addi %select_n3A_2500, %add3A_2550 : i32
        %jit3A_2552 = arith.constant 6 : i32
        %eq3A_2553 = arith.constant 0 : i32
        %eq3A_2554 = arith.cmpi eq, %jit3A_2552, %eq3A_2553 : i32
        %jit3A_2555 = arith.constant 1 : i32
        %select_n3A_2556 = arith.select %eq3A_2554, %jit3A_2555, %jit3A_2552 : i32
        %rem3A_2557 = arith.remsi %add3A_2551, %select_n3A_2556 : i32
        %ne3A_2558 = arith.constant 0 : i32
        %ne3A_2559 = arith.cmpi ne, %rem3A_2557, %ne3A_2558 : i32
        %lt3A_2560 = arith.constant 0 : i32
        %lt3A_2561 = arith.cmpi slt, %rem3A_2557, %lt3A_2560 : i32
        %lt3A_2562 = arith.constant 0 : i32
        %lt3A_2563 = arith.cmpi slt, %select_n3A_2556, %lt3A_2562 : i32
        %ne3A_2564 = arith.xori %lt3A_2561, %lt3A_2563 : i1
        %and3A_2565 = arith.andi %ne3A_2564, %ne3A_2559 : i1
        %add3A_2566 = arith.addi %rem3A_2557, %select_n3A_2556 : i32
        %select_n3A_2567 = arith.select %and3A_2565, %add3A_2566, %rem3A_2557 : i32
        %mul3A_2568 = arith.constant 5 : i32
        %mul3A_2569 = arith.muli %select_n3A_2567, %mul3A_2568 : i32
        %add3A_2570 = arith.addi %mul3A_2523, %mul3A_2569 : i32
        %add3A_2571 = arith.addi %add3A_2570, %select_n3A_2521 : i32
        %mul3A_2572 = arith.constant 8192 : i32
        %mul3A_2573 = arith.muli %add3A_2295, %mul3A_2572 : i32
        %mul3A_2574 = arith.constant 8192 : i32
        %mul3A_2575 = arith.muli %add3A_2527, %mul3A_2574 : i32
        %add3A_2576 = arith.constant 8064 : i32
        %add3A_2577 = arith.addi %mul3A_2575, %add3A_2576 : i32
        %add3A_2578 = arith.constant 64 : i32
        %add3A_2579 = arith.addi %add3A_2577, %add3A_2578 : i32
        %mul3A_2580 = arith.constant 8192 : i32
        %mul3A_2581 = arith.muli %add3A_2571, %mul3A_2580 : i32
        %add3A_2582 = arith.constant 8064 : i32
        %add3A_2583 = arith.addi %mul3A_2581, %add3A_2582 : i32
        %mul3A_2584 = arith.constant 245760 : i32
        %mul3A_2585 = arith.muli %select_n3A_2473, %mul3A_2584 : i32
        %dma_start3A_2586 = arith.constant 0 : i32
        %dma_start3A_2587 = tpu.memref_slice %arg7[%dma_start3A_2586] : memref<8448xf32, #tpu.memory_space<vmem>> -> memref<8192xf32, #tpu.memory_space<vmem>>
        %dma_start3A_2588 = tpu.memref_slice %arg2[%mul3A_2573] : memref<62914560xf32, #tpu.memory_space<hbm>> -> memref<8192xf32, #tpu.memory_space<hbm>>
        %dma_start3A_2589 = arith.constant 0 : i32
        %dma_start3A_2590 = tpu.memref_slice %arg7[%dma_start3A_2589] : memref<8448xf32, #tpu.memory_space<vmem>> -> memref<8192xf32, #tpu.memory_space<vmem>>
        %dma_start3A_2591 = tpu.memref_slice %arg2[%mul3A_2573] : memref<62914560xf32, #tpu.memory_space<hbm>> -> memref<8192xf32, #tpu.memory_space<hbm>>
        tpu.enqueue_dma source(%dma_start3A_2591 : memref<8192xf32, #tpu.memory_space<hbm>>) target(%dma_start3A_2590 : memref<8192xf32, #tpu.memory_space<vmem>>) target_semaphore(%arg19 : memref<!tpu.dma_semaphore, #tpu.memory_space<semaphore_mem>>)
        %dma_start3A_2592 = arith.constant 8192 : i32
        %dma_start3A_2593 = tpu.memref_slice %arg7[%dma_start3A_2592] : memref<8448xf32, #tpu.memory_space<vmem>> -> memref<64xf32, #tpu.memory_space<vmem>>
        %dma_start3A_2594 = tpu.memref_slice %arg2[%add3A_2579] : memref<62914560xf32, #tpu.memory_space<hbm>> -> memref<64xf32, #tpu.memory_space<hbm>>
        %dma_start3A_2595 = arith.constant 8192 : i32
        %dma_start3A_2596 = tpu.memref_slice %arg7[%dma_start3A_2595] : memref<8448xf32, #tpu.memory_space<vmem>> -> memref<64xf32, #tpu.memory_space<vmem>>
        %dma_start3A_2597 = tpu.memref_slice %arg2[%add3A_2579] : memref<62914560xf32, #tpu.memory_space<hbm>> -> memref<64xf32, #tpu.memory_space<hbm>>
        tpu.enqueue_dma source(%dma_start3A_2597 : memref<64xf32, #tpu.memory_space<hbm>>) target(%dma_start3A_2596 : memref<64xf32, #tpu.memory_space<vmem>>) target_semaphore(%arg19 : memref<!tpu.dma_semaphore, #tpu.memory_space<semaphore_mem>>)
        %dma_start3A_2598 = arith.constant 8256 : i32
        %dma_start3A_2599 = tpu.memref_slice %arg7[%dma_start3A_2598] : memref<8448xf32, #tpu.memory_space<vmem>> -> memref<64xf32, #tpu.memory_space<vmem>>
        %dma_start3A_2600 = tpu.memref_slice %arg2[%add3A_2583] : memref<62914560xf32, #tpu.memory_space<hbm>> -> memref<64xf32, #tpu.memory_space<hbm>>
        %dma_start3A_2601 = arith.constant 8256 : i32
        %dma_start3A_2602 = tpu.memref_slice %arg7[%dma_start3A_2601] : memref<8448xf32, #tpu.memory_space<vmem>> -> memref<64xf32, #tpu.memory_space<vmem>>
        %dma_start3A_2603 = tpu.memref_slice %arg2[%add3A_2583] : memref<62914560xf32, #tpu.memory_space<hbm>> -> memref<64xf32, #tpu.memory_space<hbm>>
        tpu.enqueue_dma source(%dma_start3A_2603 : memref<64xf32, #tpu.memory_space<hbm>>) target(%dma_start3A_2602 : memref<64xf32, #tpu.memory_space<vmem>>) target_semaphore(%arg19 : memref<!tpu.dma_semaphore, #tpu.memory_space<semaphore_mem>>)
        %dma_start3A_2604 = arith.constant 8320 : i32
        %dma_start3A_2605 = tpu.memref_slice %arg7[%dma_start3A_2604] : memref<8448xf32, #tpu.memory_space<vmem>> -> memref<8xf32, #tpu.memory_space<vmem>>
        %dma_start3A_2606 = tpu.memref_slice %arg2[%mul3A_2585] : memref<62914560xf32, #tpu.memory_space<hbm>> -> memref<8xf32, #tpu.memory_space<hbm>>
        %dma_start3A_2607 = arith.constant 8320 : i32
        %dma_start3A_2608 = tpu.memref_slice %arg7[%dma_start3A_2607] : memref<8448xf32, #tpu.memory_space<vmem>> -> memref<8xf32, #tpu.memory_space<vmem>>
        %dma_start3A_2609 = tpu.memref_slice %arg2[%mul3A_2585] : memref<62914560xf32, #tpu.memory_space<hbm>> -> memref<8xf32, #tpu.memory_space<hbm>>
        tpu.enqueue_dma source(%dma_start3A_2609 : memref<8xf32, #tpu.memory_space<hbm>>) target(%dma_start3A_2608 : memref<8xf32, #tpu.memory_space<vmem>>) target_semaphore(%arg19 : memref<!tpu.dma_semaphore, #tpu.memory_space<semaphore_mem>>)
        %dma_start3A_2610 = arith.constant 8384 : i32
        %dma_start3A_2611 = tpu.memref_slice %arg7[%dma_start3A_2610] : memref<8448xf32, #tpu.memory_space<vmem>> -> memref<64xf32, #tpu.memory_space<vmem>>
        %dma_start3A_2612 = arith.constant 0 : i32
        %dma_start3A_2613 = tpu.memref_slice %arg2[%dma_start3A_2612] : memref<62914560xf32, #tpu.memory_space<hbm>> -> memref<62914560xf32, #tpu.memory_space<hbm>>
        tpu.enqueue_indirect_dma source(%dma_start3A_2613 : memref<62914560xf32, #tpu.memory_space<hbm>>) target(%dma_start3A_2611 : memref<64xf32, #tpu.memory_space<vmem>>) offsets(%arg11 : memref<64xi32, #tpu.memory_space<vmem>>) semaphore(%arg19 : memref<!tpu.dma_semaphore, #tpu.memory_space<semaphore_mem>>)
      } else {
      }
      %add3A_1805 = arith.constant 2 : i32
      %add3A_1806 = arith.addi %add3A_993, %add3A_1805 : i32
      %dma_wait3A_1807 = arith.constant 0 : i32
      %dma_wait3A_1808 = tpu.memref_slice %arg8[%dma_wait3A_1807] : memref<8448xf32, #tpu.memory_space<vmem>> -> memref<8192xf32, #tpu.memory_space<vmem>>
      %dma_wait3A_1809 = arith.constant 0 : i32
      %dma_wait3A_1810 = tpu.memref_slice %arg2[%dma_wait3A_1809] : memref<62914560xf32, #tpu.memory_space<hbm>> -> memref<8192xf32, #tpu.memory_space<hbm>>
      %dma_wait3A_1811 = arith.constant 0 : i32
      %dma_wait3A_1812 = tpu.memref_slice %arg8[%dma_wait3A_1811] : memref<8448xf32, #tpu.memory_space<vmem>> -> memref<8192xf32, #tpu.memory_space<vmem>>
      %dma_wait3A_1813 = arith.constant 0 : i32
      %dma_wait3A_1814 = tpu.memref_slice %arg2[%dma_wait3A_1813] : memref<62914560xf32, #tpu.memory_space<hbm>> -> memref<8192xf32, #tpu.memory_space<hbm>>
      tpu.wait_dma2 semaphore(%arg20 : memref<!tpu.dma_semaphore, #tpu.memory_space<semaphore_mem>>) src(%dma_wait3A_1814 : memref<8192xf32, #tpu.memory_space<hbm>>) dst(%dma_wait3A_1812 : memref<8192xf32, #tpu.memory_space<vmem>>)
      %dma_wait3A_1815 = arith.constant 8192 : i32
      %dma_wait3A_1816 = tpu.memref_slice %arg8[%dma_wait3A_1815] : memref<8448xf32, #tpu.memory_space<vmem>> -> memref<64xf32, #tpu.memory_space<vmem>>
      %dma_wait3A_1817 = arith.constant 0 : i32
      %dma_wait3A_1818 = tpu.memref_slice %arg2[%dma_wait3A_1817] : memref<62914560xf32, #tpu.memory_space<hbm>> -> memref<64xf32, #tpu.memory_space<hbm>>
      %dma_wait3A_1819 = arith.constant 8192 : i32
      %dma_wait3A_1820 = tpu.memref_slice %arg8[%dma_wait3A_1819] : memref<8448xf32, #tpu.memory_space<vmem>> -> memref<64xf32, #tpu.memory_space<vmem>>
      %dma_wait3A_1821 = arith.constant 0 : i32
      %dma_wait3A_1822 = tpu.memref_slice %arg2[%dma_wait3A_1821] : memref<62914560xf32, #tpu.memory_space<hbm>> -> memref<64xf32, #tpu.memory_space<hbm>>
      tpu.wait_dma2 semaphore(%arg20 : memref<!tpu.dma_semaphore, #tpu.memory_space<semaphore_mem>>) src(%dma_wait3A_1822 : memref<64xf32, #tpu.memory_space<hbm>>) dst(%dma_wait3A_1820 : memref<64xf32, #tpu.memory_space<vmem>>)
      %dma_wait3A_1823 = arith.constant 8256 : i32
      %dma_wait3A_1824 = tpu.memref_slice %arg8[%dma_wait3A_1823] : memref<8448xf32, #tpu.memory_space<vmem>> -> memref<64xf32, #tpu.memory_space<vmem>>
      %dma_wait3A_1825 = arith.constant 0 : i32
      %dma_wait3A_1826 = tpu.memref_slice %arg2[%dma_wait3A_1825] : memref<62914560xf32, #tpu.memory_space<hbm>> -> memref<64xf32, #tpu.memory_space<hbm>>
      %dma_wait3A_1827 = arith.constant 8256 : i32
      %dma_wait3A_1828 = tpu.memref_slice %arg8[%dma_wait3A_1827] : memref<8448xf32, #tpu.memory_space<vmem>> -> memref<64xf32, #tpu.memory_space<vmem>>
      %dma_wait3A_1829 = arith.constant 0 : i32
      %dma_wait3A_1830 = tpu.memref_slice %arg2[%dma_wait3A_1829] : memref<62914560xf32, #tpu.memory_space<hbm>> -> memref<64xf32, #tpu.memory_space<hbm>>
      tpu.wait_dma2 semaphore(%arg20 : memref<!tpu.dma_semaphore, #tpu.memory_space<semaphore_mem>>) src(%dma_wait3A_1830 : memref<64xf32, #tpu.memory_space<hbm>>) dst(%dma_wait3A_1828 : memref<64xf32, #tpu.memory_space<vmem>>)
      %dma_wait3A_1831 = arith.constant 8320 : i32
      %dma_wait3A_1832 = tpu.memref_slice %arg8[%dma_wait3A_1831] : memref<8448xf32, #tpu.memory_space<vmem>> -> memref<8xf32, #tpu.memory_space<vmem>>
      %dma_wait3A_1833 = arith.constant 0 : i32
      %dma_wait3A_1834 = tpu.memref_slice %arg2[%dma_wait3A_1833] : memref<62914560xf32, #tpu.memory_space<hbm>> -> memref<8xf32, #tpu.memory_space<hbm>>
      %dma_wait3A_1835 = arith.constant 8320 : i32
      %dma_wait3A_1836 = tpu.memref_slice %arg8[%dma_wait3A_1835] : memref<8448xf32, #tpu.memory_space<vmem>> -> memref<8xf32, #tpu.memory_space<vmem>>
      %dma_wait3A_1837 = arith.constant 0 : i32
      %dma_wait3A_1838 = tpu.memref_slice %arg2[%dma_wait3A_1837] : memref<62914560xf32, #tpu.memory_space<hbm>> -> memref<8xf32, #tpu.memory_space<hbm>>
      tpu.wait_dma2 semaphore(%arg20 : memref<!tpu.dma_semaphore, #tpu.memory_space<semaphore_mem>>) src(%dma_wait3A_1838 : memref<8xf32, #tpu.memory_space<hbm>>) dst(%dma_wait3A_1836 : memref<8xf32, #tpu.memory_space<vmem>>)
      %dma_wait3A_1839 = arith.constant 8384 : i32
      %dma_wait3A_1840 = tpu.memref_slice %arg8[%dma_wait3A_1839] : memref<8448xf32, #tpu.memory_space<vmem>> -> memref<64xf32, #tpu.memory_space<vmem>>
      %dma_wait3A_1841 = arith.constant 0 : i32
      %dma_wait3A_1842 = tpu.memref_slice %arg2[%dma_wait3A_1841] : memref<62914560xf32, #tpu.memory_space<hbm>> -> memref<62914560xf32, #tpu.memory_space<hbm>>
      tpu.wait_indirect_dma semaphore(%arg20 : memref<!tpu.dma_semaphore, #tpu.memory_space<semaphore_mem>>) src(%dma_wait3A_1842 : memref<62914560xf32, #tpu.memory_space<hbm>>) dst(%dma_wait3A_1840 : memref<64xf32, #tpu.memory_space<vmem>>)
      tpu.vector_store_idx %arg8[%get3A_2], %broadcast_in_dim3A_1 : memref<8448xf32, #tpu.memory_space<vmem>>[vector<16xi32>], vector<16xf32>,
      %gt3A_1843 = arith.constant 0 : i32
      %gt3A_1844 = arith.cmpi sgt, %scan3A_990, %gt3A_1843 : i32
      %convert_element_type3A_1845 = arith.extui %gt3A_1844 : i1 to i32
      %cond3A_1846 = arith.constant 0 : i32
      %cond3A_1847 = arith.cmpi ne, %convert_element_type3A_1845, %cond3A_1846 : i32
      scf.if %cond3A_1847 {
        %dma_wait3A_2294 = arith.constant 0 : i32
        %dma_wait3A_2295 = tpu.memref_slice %arg4[%dma_wait3A_2294] : memref<15728640xf32, #tpu.memory_space<hbm>> -> memref<2048xf32, #tpu.memory_space<hbm>>
        %dma_wait3A_2296 = arith.constant 0 : i32
        %dma_wait3A_2297 = tpu.memref_slice %arg4[%dma_wait3A_2296] : memref<15728640xf32, #tpu.memory_space<hbm>> -> memref<2048xf32, #tpu.memory_space<hbm>>
        tpu.wait_dma2 semaphore(%arg24 : memref<!tpu.dma_semaphore, #tpu.memory_space<semaphore_mem>>) src(%arg16 : memref<2048xf32, #tpu.memory_space<vmem>>) dst(%dma_wait3A_2297 : memref<2048xf32, #tpu.memory_space<hbm>>)
      } else {
      }
      %parallel_loop3A_1848 = arith.constant 0 : i32
      %parallel_loop3A_1849 = arith.constant 128 : i32
      %parallel_loop3A_1850 = arith.constant 1 : i32
      scf.for %parallel_loop3A_2294 = %parallel_loop3A_1848 to %parallel_loop3A_1849 step %parallel_loop3A_1850  : i32 {
        %parallel_loop3A_2295 = arith.constant 2 : i32
        %parallel_loop3A_2296 = arith.shrsi %parallel_loop3A_2294, %parallel_loop3A_2295 : i32
        %parallel_loop3A_2297 = arith.constant 3 : i32
        %parallel_loop3A_2298 = arith.andi %parallel_loop3A_2294, %parallel_loop3A_2297 : i32
        %parallel_loop3A_2299 = arith.constant 2 : i32
        %parallel_loop3A_2300 = arith.muli %parallel_loop3A_2299, %parallel_loop3A_2296 : i32
        %parallel_loop3A_2301 = arith.constant 1 : i32
        %parallel_loop3A_2302 = arith.subi %parallel_loop3A_2300, %parallel_loop3A_2301 : i32
        %parallel_loop3A_2303 = arith.constant 128 : i32
        %parallel_loop3A_2304 = arith.muli %parallel_loop3A_2302, %parallel_loop3A_2303 : i32
        %parallel_loop3A_2305 = arith.constant 32 : i32
        %parallel_loop3A_2306 = arith.muli %parallel_loop3A_2305, %parallel_loop3A_2298 : i32
        %parallel_loop3A_2307 = arith.addi %parallel_loop3A_2304, %parallel_loop3A_2306 : i32
        %parallel_loop3A_2308 = arith.constant 1 : i32
        %parallel_loop3A_2309 = arith.subi %parallel_loop3A_2307, %parallel_loop3A_2308 : i32
        %parallel_loop3A_2310 = arith.constant 0 : i32
        %parallel_loop3A_2311 = arith.maxsi %parallel_loop3A_2309, %parallel_loop3A_2310 : i32
        %parallel_loop3A_2312 = vector.broadcast %parallel_loop3A_2311 : i32 to vector<16xi32>
        %parallel_loop3A_2313 = arith.addi %parallel_loop3A_2312, %mul3A_7 : vector<16xi32>
        %parallel_loop3A_2314 = tpu.vector_load_idx %arg8[%parallel_loop3A_2313] : memref<8448xf32, #tpu.memory_space<vmem>>[vector<16xi32>], vector<16xf32>,
        %parallel_loop3A_2315 = arith.addi %parallel_loop3A_2313, %broadcast_in_dim3A_9 : vector<16xi32>
        %parallel_loop3A_2316 = tpu.vector_load_idx %arg8[%parallel_loop3A_2315] : memref<8448xf32, #tpu.memory_space<vmem>>[vector<16xi32>], vector<16xf32>,
        %parallel_loop3A_2317 = arith.addi %parallel_loop3A_2313, %broadcast_in_dim3A_11 : vector<16xi32>
        %parallel_loop3A_2318 = tpu.vector_load_idx %arg8[%parallel_loop3A_2317] : memref<8448xf32, #tpu.memory_space<vmem>>[vector<16xi32>], vector<16xf32>,
        %parallel_loop3A_2319 = arith.addi %parallel_loop3A_2313, %broadcast_in_dim3A_13 : vector<16xi32>
        %parallel_loop3A_2320 = tpu.vector_load_idx %arg8[%parallel_loop3A_2319] : memref<8448xf32, #tpu.memory_space<vmem>>[vector<16xi32>], vector<16xf32>,
        %parallel_loop3A_2321 = arith.addi %parallel_loop3A_2313, %broadcast_in_dim3A_15 : vector<16xi32>
        %parallel_loop3A_2322 = tpu.vector_load_idx %arg8[%parallel_loop3A_2321] : memref<8448xf32, #tpu.memory_space<vmem>>[vector<16xi32>], vector<16xf32>,
        %parallel_loop3A_2323 = arith.addi %parallel_loop3A_2313, %broadcast_in_dim3A_17 : vector<16xi32>
        %parallel_loop3A_2324 = tpu.vector_load_idx %arg8[%parallel_loop3A_2323] : memref<8448xf32, #tpu.memory_space<vmem>>[vector<16xi32>], vector<16xf32>,
        %parallel_loop3A_2325 = arith.addi %parallel_loop3A_2313, %broadcast_in_dim3A_19 : vector<16xi32>
        %parallel_loop3A_2326 = tpu.vector_load_idx %arg8[%parallel_loop3A_2325] : memref<8448xf32, #tpu.memory_space<vmem>>[vector<16xi32>], vector<16xf32>,
        %parallel_loop3A_2327 = arith.addf %parallel_loop3A_2314, %parallel_loop3A_2316 : vector<16xf32>
        %parallel_loop3A_2328 = arith.addf %parallel_loop3A_2318, %parallel_loop3A_2320 : vector<16xf32>
        %parallel_loop3A_2329 = arith.addf %parallel_loop3A_2327, %parallel_loop3A_2328 : vector<16xf32>
        %parallel_loop3A_2330 = arith.addf %parallel_loop3A_2322, %parallel_loop3A_2324 : vector<16xf32>
        %parallel_loop3A_2331 = arith.addf %parallel_loop3A_2330, %parallel_loop3A_2326 : vector<16xf32>
        %parallel_loop3A_2332 = arith.addf %parallel_loop3A_2329, %parallel_loop3A_2331 : vector<16xf32>
        %parallel_loop3A_2333 = arith.constant 0.142857149 : f32
        %parallel_loop3A_2334 = vector.broadcast %parallel_loop3A_2333 : f32 to vector<16xf32>
        %parallel_loop3A_2335 = arith.mulf %parallel_loop3A_2332, %parallel_loop3A_2334 : vector<16xf32>
        %parallel_loop3A_2336 = arith.constant 16 : i32
        %parallel_loop3A_2337 = arith.muli %parallel_loop3A_2294, %parallel_loop3A_2336 : i32
        %parallel_loop3A_2338 = arith.index_cast %parallel_loop3A_2337 : i32 to index
        %parallel_loop3A_2339 = tpu.vector_load %arg16[%parallel_loop3A_2338] {strides = array<i32>} : memref<2048xf32, #tpu.memory_space<vmem>>, vector<16xf32>,
        tpu.vector_store %arg16[%parallel_loop3A_2338], %parallel_loop3A_2335 {strides = array<i32>} : memref<2048xf32, #tpu.memory_space<vmem>>, vector<16xf32>,
      } {sc.loop_unroll_factor = 8 : i64, sc.parallel_access}
      %get3A_1851 = arith.constant 96 : index
      %get3A_1852 = tpu.vector_load %arg5[%get3A_1851] {strides = array<i32>} : memref<864xi32, #tpu.memory_space<vmem>>, vector<16xi32>,
      %gather3A_1853 = tpu.vector_load_idx %arg8[%get3A_1852] : memref<8448xf32, #tpu.memory_space<vmem>>[vector<16xi32>], vector<16xf32>,
      %get3A_1854 = arith.constant 192 : index
      %get3A_1855 = tpu.vector_load %arg5[%get3A_1854] {strides = array<i32>} : memref<864xi32, #tpu.memory_space<vmem>>, vector<16xi32>,
      %gather3A_1856 = tpu.vector_load_idx %arg8[%get3A_1855] : memref<8448xf32, #tpu.memory_space<vmem>>[vector<16xi32>], vector<16xf32>,
      %get3A_1857 = arith.constant 288 : index
      %get3A_1858 = tpu.vector_load %arg5[%get3A_1857] {strides = array<i32>} : memref<864xi32, #tpu.memory_space<vmem>>, vector<16xi32>,
      %gather3A_1859 = tpu.vector_load_idx %arg8[%get3A_1858] : memref<8448xf32, #tpu.memory_space<vmem>>[vector<16xi32>], vector<16xf32>,
      %get3A_1860 = arith.constant 384 : index
      %get3A_1861 = tpu.vector_load %arg5[%get3A_1860] {strides = array<i32>} : memref<864xi32, #tpu.memory_space<vmem>>, vector<16xi32>,
      %gather3A_1862 = tpu.vector_load_idx %arg8[%get3A_1861] : memref<8448xf32, #tpu.memory_space<vmem>>[vector<16xi32>], vector<16xf32>,
      %get3A_1863 = arith.constant 480 : index
      %get3A_1864 = tpu.vector_load %arg5[%get3A_1863] {strides = array<i32>} : memref<864xi32, #tpu.memory_space<vmem>>, vector<16xi32>,
      %gather3A_1865 = tpu.vector_load_idx %arg8[%get3A_1864] : memref<8448xf32, #tpu.memory_space<vmem>>[vector<16xi32>], vector<16xf32>,
      %get3A_1866 = arith.constant 576 : index
      %get3A_1867 = tpu.vector_load %arg5[%get3A_1866] {strides = array<i32>} : memref<864xi32, #tpu.memory_space<vmem>>, vector<16xi32>,
      %gather3A_1868 = tpu.vector_load_idx %arg8[%get3A_1867] : memref<8448xf32, #tpu.memory_space<vmem>>[vector<16xi32>], vector<16xf32>,
      %get3A_1869 = arith.constant 672 : index
      %get3A_1870 = tpu.vector_load %arg5[%get3A_1869] {strides = array<i32>} : memref<864xi32, #tpu.memory_space<vmem>>, vector<16xi32>,
      %gather3A_1871 = tpu.vector_load_idx %arg8[%get3A_1870] : memref<8448xf32, #tpu.memory_space<vmem>>[vector<16xi32>], vector<16xf32>,
      %add3A_1872 = arith.addf %gather3A_1853, %gather3A_1856 : vector<16xf32>
      %add3A_1873 = arith.addf %gather3A_1859, %gather3A_1862 : vector<16xf32>
      %add3A_1874 = arith.addf %add3A_1872, %add3A_1873 : vector<16xf32>
      %add3A_1875 = arith.addf %gather3A_1865, %gather3A_1868 : vector<16xf32>
      %add3A_1876 = arith.addf %add3A_1875, %gather3A_1871 : vector<16xf32>
      %add3A_1877 = arith.addf %add3A_1874, %add3A_1876 : vector<16xf32>
      %get3A_1878 = arith.constant 768 : index
      %get3A_1879 = tpu.vector_load %arg5[%get3A_1878] {strides = array<i32>} : memref<864xi32, #tpu.memory_space<vmem>>, vector<16xi32>,
      %mul3A_1880 = arith.constant 0.142857149 : f32
      %mul3A_1881 = vector.broadcast %mul3A_1880 : f32 to vector<16xf32>
      %mul3A_1882 = arith.mulf %add3A_1877, %mul3A_1881 : vector<16xf32>
      tpu.vector_store_idx %arg16[%get3A_1879], %mul3A_1882 : memref<2048xf32, #tpu.memory_space<vmem>>[vector<16xi32>], vector<16xf32>,
      %get3A_1883 = arith.constant 112 : index
      %get3A_1884 = tpu.vector_load %arg5[%get3A_1883] {strides = array<i32>} : memref<864xi32, #tpu.memory_space<vmem>>, vector<16xi32>,
      %gather3A_1885 = tpu.vector_load_idx %arg8[%get3A_1884] : memref<8448xf32, #tpu.memory_space<vmem>>[vector<16xi32>], vector<16xf32>,
      %get3A_1886 = arith.constant 208 : index
      %get3A_1887 = tpu.vector_load %arg5[%get3A_1886] {strides = array<i32>} : memref<864xi32, #tpu.memory_space<vmem>>, vector<16xi32>,
      %gather3A_1888 = tpu.vector_load_idx %arg8[%get3A_1887] : memref<8448xf32, #tpu.memory_space<vmem>>[vector<16xi32>], vector<16xf32>,
      %get3A_1889 = arith.constant 304 : index
      %get3A_1890 = tpu.vector_load %arg5[%get3A_1889] {strides = array<i32>} : memref<864xi32, #tpu.memory_space<vmem>>, vector<16xi32>,
      %gather3A_1891 = tpu.vector_load_idx %arg8[%get3A_1890] : memref<8448xf32, #tpu.memory_space<vmem>>[vector<16xi32>], vector<16xf32>,
      %get3A_1892 = arith.constant 400 : index
      %get3A_1893 = tpu.vector_load %arg5[%get3A_1892] {strides = array<i32>} : memref<864xi32, #tpu.memory_space<vmem>>, vector<16xi32>,
      %gather3A_1894 = tpu.vector_load_idx %arg8[%get3A_1893] : memref<8448xf32, #tpu.memory_space<vmem>>[vector<16xi32>], vector<16xf32>,
      %get3A_1895 = arith.constant 496 : index
      %get3A_1896 = tpu.vector_load %arg5[%get3A_1895] {strides = array<i32>} : memref<864xi32, #tpu.memory_space<vmem>>, vector<16xi32>,
      %gather3A_1897 = tpu.vector_load_idx %arg8[%get3A_1896] : memref<8448xf32, #tpu.memory_space<vmem>>[vector<16xi32>], vector<16xf32>,
      %get3A_1898 = arith.constant 592 : index
      %get3A_1899 = tpu.vector_load %arg5[%get3A_1898] {strides = array<i32>} : memref<864xi32, #tpu.memory_space<vmem>>, vector<16xi32>,
      %gather3A_1900 = tpu.vector_load_idx %arg8[%get3A_1899] : memref<8448xf32, #tpu.memory_space<vmem>>[vector<16xi32>], vector<16xf32>,
      %get3A_1901 = arith.constant 688 : index
      %get3A_1902 = tpu.vector_load %arg5[%get3A_1901] {strides = array<i32>} : memref<864xi32, #tpu.memory_space<vmem>>, vector<16xi32>,
      %gather3A_1903 = tpu.vector_load_idx %arg8[%get3A_1902] : memref<8448xf32, #tpu.memory_space<vmem>>[vector<16xi32>], vector<16xf32>,
      %add3A_1904 = arith.addf %gather3A_1885, %gather3A_1888 : vector<16xf32>
      %add3A_1905 = arith.addf %gather3A_1891, %gather3A_1894 : vector<16xf32>
      %add3A_1906 = arith.addf %add3A_1904, %add3A_1905 : vector<16xf32>
      %add3A_1907 = arith.addf %gather3A_1897, %gather3A_1900 : vector<16xf32>
      %add3A_1908 = arith.addf %add3A_1907, %gather3A_1903 : vector<16xf32>
      %add3A_1909 = arith.addf %add3A_1906, %add3A_1908 : vector<16xf32>
      %get3A_1910 = arith.constant 784 : index
      %get3A_1911 = tpu.vector_load %arg5[%get3A_1910] {strides = array<i32>} : memref<864xi32, #tpu.memory_space<vmem>>, vector<16xi32>,
      %mul3A_1912 = arith.constant 0.142857149 : f32
      %mul3A_1913 = vector.broadcast %mul3A_1912 : f32 to vector<16xf32>
      %mul3A_1914 = arith.mulf %add3A_1909, %mul3A_1913 : vector<16xf32>
      tpu.vector_store_idx %arg16[%get3A_1911], %mul3A_1914 : memref<2048xf32, #tpu.memory_space<vmem>>[vector<16xi32>], vector<16xf32>,
      %get3A_1915 = arith.constant 128 : index
      %get3A_1916 = tpu.vector_load %arg5[%get3A_1915] {strides = array<i32>} : memref<864xi32, #tpu.memory_space<vmem>>, vector<16xi32>,
      %gather3A_1917 = tpu.vector_load_idx %arg8[%get3A_1916] : memref<8448xf32, #tpu.memory_space<vmem>>[vector<16xi32>], vector<16xf32>,
      %get3A_1918 = arith.constant 224 : index
      %get3A_1919 = tpu.vector_load %arg5[%get3A_1918] {strides = array<i32>} : memref<864xi32, #tpu.memory_space<vmem>>, vector<16xi32>,
      %gather3A_1920 = tpu.vector_load_idx %arg8[%get3A_1919] : memref<8448xf32, #tpu.memory_space<vmem>>[vector<16xi32>], vector<16xf32>,
      %get3A_1921 = arith.constant 320 : index
      %get3A_1922 = tpu.vector_load %arg5[%get3A_1921] {strides = array<i32>} : memref<864xi32, #tpu.memory_space<vmem>>, vector<16xi32>,
      %gather3A_1923 = tpu.vector_load_idx %arg8[%get3A_1922] : memref<8448xf32, #tpu.memory_space<vmem>>[vector<16xi32>], vector<16xf32>,
      %get3A_1924 = arith.constant 416 : index
      %get3A_1925 = tpu.vector_load %arg5[%get3A_1924] {strides = array<i32>} : memref<864xi32, #tpu.memory_space<vmem>>, vector<16xi32>,
      %gather3A_1926 = tpu.vector_load_idx %arg8[%get3A_1925] : memref<8448xf32, #tpu.memory_space<vmem>>[vector<16xi32>], vector<16xf32>,
      %get3A_1927 = arith.constant 512 : index
      %get3A_1928 = tpu.vector_load %arg5[%get3A_1927] {strides = array<i32>} : memref<864xi32, #tpu.memory_space<vmem>>, vector<16xi32>,
      %gather3A_1929 = tpu.vector_load_idx %arg8[%get3A_1928] : memref<8448xf32, #tpu.memory_space<vmem>>[vector<16xi32>], vector<16xf32>,
      %get3A_1930 = arith.constant 608 : index
      %get3A_1931 = tpu.vector_load %arg5[%get3A_1930] {strides = array<i32>} : memref<864xi32, #tpu.memory_space<vmem>>, vector<16xi32>,
      %gather3A_1932 = tpu.vector_load_idx %arg8[%get3A_1931] : memref<8448xf32, #tpu.memory_space<vmem>>[vector<16xi32>], vector<16xf32>,
      %get3A_1933 = arith.constant 704 : index
      %get3A_1934 = tpu.vector_load %arg5[%get3A_1933] {strides = array<i32>} : memref<864xi32, #tpu.memory_space<vmem>>, vector<16xi32>,
      %gather3A_1935 = tpu.vector_load_idx %arg8[%get3A_1934] : memref<8448xf32, #tpu.memory_space<vmem>>[vector<16xi32>], vector<16xf32>,
      %add3A_1936 = arith.addf %gather3A_1917, %gather3A_1920 : vector<16xf32>
      %add3A_1937 = arith.addf %gather3A_1923, %gather3A_1926 : vector<16xf32>
      %add3A_1938 = arith.addf %add3A_1936, %add3A_1937 : vector<16xf32>
      %add3A_1939 = arith.addf %gather3A_1929, %gather3A_1932 : vector<16xf32>
      %add3A_1940 = arith.addf %add3A_1939, %gather3A_1935 : vector<16xf32>
      %add3A_1941 = arith.addf %add3A_1938, %add3A_1940 : vector<16xf32>
      %get3A_1942 = arith.constant 800 : index
      %get3A_1943 = tpu.vector_load %arg5[%get3A_1942] {strides = array<i32>} : memref<864xi32, #tpu.memory_space<vmem>>, vector<16xi32>,
      %mul3A_1944 = arith.constant 0.142857149 : f32
      %mul3A_1945 = vector.broadcast %mul3A_1944 : f32 to vector<16xf32>
      %mul3A_1946 = arith.mulf %add3A_1941, %mul3A_1945 : vector<16xf32>
      tpu.vector_store_idx %arg16[%get3A_1943], %mul3A_1946 : memref<2048xf32, #tpu.memory_space<vmem>>[vector<16xi32>], vector<16xf32>,
      %get3A_1947 = arith.constant 144 : index
      %get3A_1948 = tpu.vector_load %arg5[%get3A_1947] {strides = array<i32>} : memref<864xi32, #tpu.memory_space<vmem>>, vector<16xi32>,
      %gather3A_1949 = tpu.vector_load_idx %arg8[%get3A_1948] : memref<8448xf32, #tpu.memory_space<vmem>>[vector<16xi32>], vector<16xf32>,
      %get3A_1950 = arith.constant 240 : index
      %get3A_1951 = tpu.vector_load %arg5[%get3A_1950] {strides = array<i32>} : memref<864xi32, #tpu.memory_space<vmem>>, vector<16xi32>,
      %gather3A_1952 = tpu.vector_load_idx %arg8[%get3A_1951] : memref<8448xf32, #tpu.memory_space<vmem>>[vector<16xi32>], vector<16xf32>,
      %get3A_1953 = arith.constant 336 : index
      %get3A_1954 = tpu.vector_load %arg5[%get3A_1953] {strides = array<i32>} : memref<864xi32, #tpu.memory_space<vmem>>, vector<16xi32>,
      %gather3A_1955 = tpu.vector_load_idx %arg8[%get3A_1954] : memref<8448xf32, #tpu.memory_space<vmem>>[vector<16xi32>], vector<16xf32>,
      %get3A_1956 = arith.constant 432 : index
      %get3A_1957 = tpu.vector_load %arg5[%get3A_1956] {strides = array<i32>} : memref<864xi32, #tpu.memory_space<vmem>>, vector<16xi32>,
      %gather3A_1958 = tpu.vector_load_idx %arg8[%get3A_1957] : memref<8448xf32, #tpu.memory_space<vmem>>[vector<16xi32>], vector<16xf32>,
      %get3A_1959 = arith.constant 528 : index
      %get3A_1960 = tpu.vector_load %arg5[%get3A_1959] {strides = array<i32>} : memref<864xi32, #tpu.memory_space<vmem>>, vector<16xi32>,
      %gather3A_1961 = tpu.vector_load_idx %arg8[%get3A_1960] : memref<8448xf32, #tpu.memory_space<vmem>>[vector<16xi32>], vector<16xf32>,
      %get3A_1962 = arith.constant 624 : index
      %get3A_1963 = tpu.vector_load %arg5[%get3A_1962] {strides = array<i32>} : memref<864xi32, #tpu.memory_space<vmem>>, vector<16xi32>,
      %gather3A_1964 = tpu.vector_load_idx %arg8[%get3A_1963] : memref<8448xf32, #tpu.memory_space<vmem>>[vector<16xi32>], vector<16xf32>,
      %get3A_1965 = arith.constant 720 : index
      %get3A_1966 = tpu.vector_load %arg5[%get3A_1965] {strides = array<i32>} : memref<864xi32, #tpu.memory_space<vmem>>, vector<16xi32>,
      %gather3A_1967 = tpu.vector_load_idx %arg8[%get3A_1966] : memref<8448xf32, #tpu.memory_space<vmem>>[vector<16xi32>], vector<16xf32>,
      %add3A_1968 = arith.addf %gather3A_1949, %gather3A_1952 : vector<16xf32>
      %add3A_1969 = arith.addf %gather3A_1955, %gather3A_1958 : vector<16xf32>
      %add3A_1970 = arith.addf %add3A_1968, %add3A_1969 : vector<16xf32>
      %add3A_1971 = arith.addf %gather3A_1961, %gather3A_1964 : vector<16xf32>
      %add3A_1972 = arith.addf %add3A_1971, %gather3A_1967 : vector<16xf32>
      %add3A_1973 = arith.addf %add3A_1970, %add3A_1972 : vector<16xf32>
      %get3A_1974 = arith.constant 816 : index
      %get3A_1975 = tpu.vector_load %arg5[%get3A_1974] {strides = array<i32>} : memref<864xi32, #tpu.memory_space<vmem>>, vector<16xi32>,
      %mul3A_1976 = arith.constant 0.142857149 : f32
      %mul3A_1977 = vector.broadcast %mul3A_1976 : f32 to vector<16xf32>
      %mul3A_1978 = arith.mulf %add3A_1973, %mul3A_1977 : vector<16xf32>
      tpu.vector_store_idx %arg16[%get3A_1975], %mul3A_1978 : memref<2048xf32, #tpu.memory_space<vmem>>[vector<16xi32>], vector<16xf32>,
      %get3A_1979 = arith.constant 160 : index
      %get3A_1980 = tpu.vector_load %arg5[%get3A_1979] {strides = array<i32>} : memref<864xi32, #tpu.memory_space<vmem>>, vector<16xi32>,
      %gather3A_1981 = tpu.vector_load_idx %arg8[%get3A_1980] : memref<8448xf32, #tpu.memory_space<vmem>>[vector<16xi32>], vector<16xf32>,
      %get3A_1982 = arith.constant 256 : index
      %get3A_1983 = tpu.vector_load %arg5[%get3A_1982] {strides = array<i32>} : memref<864xi32, #tpu.memory_space<vmem>>, vector<16xi32>,
      %gather3A_1984 = tpu.vector_load_idx %arg8[%get3A_1983] : memref<8448xf32, #tpu.memory_space<vmem>>[vector<16xi32>], vector<16xf32>,
      %get3A_1985 = arith.constant 352 : index
      %get3A_1986 = tpu.vector_load %arg5[%get3A_1985] {strides = array<i32>} : memref<864xi32, #tpu.memory_space<vmem>>, vector<16xi32>,
      %gather3A_1987 = tpu.vector_load_idx %arg8[%get3A_1986] : memref<8448xf32, #tpu.memory_space<vmem>>[vector<16xi32>], vector<16xf32>,
      %get3A_1988 = arith.constant 448 : index
      %get3A_1989 = tpu.vector_load %arg5[%get3A_1988] {strides = array<i32>} : memref<864xi32, #tpu.memory_space<vmem>>, vector<16xi32>,
      %gather3A_1990 = tpu.vector_load_idx %arg8[%get3A_1989] : memref<8448xf32, #tpu.memory_space<vmem>>[vector<16xi32>], vector<16xf32>,
      %get3A_1991 = arith.constant 544 : index
      %get3A_1992 = tpu.vector_load %arg5[%get3A_1991] {strides = array<i32>} : memref<864xi32, #tpu.memory_space<vmem>>, vector<16xi32>,
      %gather3A_1993 = tpu.vector_load_idx %arg8[%get3A_1992] : memref<8448xf32, #tpu.memory_space<vmem>>[vector<16xi32>], vector<16xf32>,
      %get3A_1994 = arith.constant 640 : index
      %get3A_1995 = tpu.vector_load %arg5[%get3A_1994] {strides = array<i32>} : memref<864xi32, #tpu.memory_space<vmem>>, vector<16xi32>,
      %gather3A_1996 = tpu.vector_load_idx %arg8[%get3A_1995] : memref<8448xf32, #tpu.memory_space<vmem>>[vector<16xi32>], vector<16xf32>,
      %get3A_1997 = arith.constant 736 : index
      %get3A_1998 = tpu.vector_load %arg5[%get3A_1997] {strides = array<i32>} : memref<864xi32, #tpu.memory_space<vmem>>, vector<16xi32>,
      %gather3A_1999 = tpu.vector_load_idx %arg8[%get3A_1998] : memref<8448xf32, #tpu.memory_space<vmem>>[vector<16xi32>], vector<16xf32>,
      %add3A_2000 = arith.addf %gather3A_1981, %gather3A_1984 : vector<16xf32>
      %add3A_2001 = arith.addf %gather3A_1987, %gather3A_1990 : vector<16xf32>
      %add3A_2002 = arith.addf %add3A_2000, %add3A_2001 : vector<16xf32>
      %add3A_2003 = arith.addf %gather3A_1993, %gather3A_1996 : vector<16xf32>
      %add3A_2004 = arith.addf %add3A_2003, %gather3A_1999 : vector<16xf32>
      %add3A_2005 = arith.addf %add3A_2002, %add3A_2004 : vector<16xf32>
      %get3A_2006 = arith.constant 832 : index
      %get3A_2007 = tpu.vector_load %arg5[%get3A_2006] {strides = array<i32>} : memref<864xi32, #tpu.memory_space<vmem>>, vector<16xi32>,
      %mul3A_2008 = arith.constant 0.142857149 : f32
      %mul3A_2009 = vector.broadcast %mul3A_2008 : f32 to vector<16xf32>
      %mul3A_2010 = arith.mulf %add3A_2005, %mul3A_2009 : vector<16xf32>
      tpu.vector_store_idx %arg16[%get3A_2007], %mul3A_2010 : memref<2048xf32, #tpu.memory_space<vmem>>[vector<16xi32>], vector<16xf32>,
      %get3A_2011 = arith.constant 176 : index
      %get3A_2012 = tpu.vector_load %arg5[%get3A_2011] {strides = array<i32>} : memref<864xi32, #tpu.memory_space<vmem>>, vector<16xi32>,
      %gather3A_2013 = tpu.vector_load_idx %arg8[%get3A_2012] : memref<8448xf32, #tpu.memory_space<vmem>>[vector<16xi32>], vector<16xf32>,
      %get3A_2014 = arith.constant 272 : index
      %get3A_2015 = tpu.vector_load %arg5[%get3A_2014] {strides = array<i32>} : memref<864xi32, #tpu.memory_space<vmem>>, vector<16xi32>,
      %gather3A_2016 = tpu.vector_load_idx %arg8[%get3A_2015] : memref<8448xf32, #tpu.memory_space<vmem>>[vector<16xi32>], vector<16xf32>,
      %get3A_2017 = arith.constant 368 : index
      %get3A_2018 = tpu.vector_load %arg5[%get3A_2017] {strides = array<i32>} : memref<864xi32, #tpu.memory_space<vmem>>, vector<16xi32>,
      %gather3A_2019 = tpu.vector_load_idx %arg8[%get3A_2018] : memref<8448xf32, #tpu.memory_space<vmem>>[vector<16xi32>], vector<16xf32>,
      %get3A_2020 = arith.constant 464 : index
      %get3A_2021 = tpu.vector_load %arg5[%get3A_2020] {strides = array<i32>} : memref<864xi32, #tpu.memory_space<vmem>>, vector<16xi32>,
      %gather3A_2022 = tpu.vector_load_idx %arg8[%get3A_2021] : memref<8448xf32, #tpu.memory_space<vmem>>[vector<16xi32>], vector<16xf32>,
      %get3A_2023 = arith.constant 560 : index
      %get3A_2024 = tpu.vector_load %arg5[%get3A_2023] {strides = array<i32>} : memref<864xi32, #tpu.memory_space<vmem>>, vector<16xi32>,
      %gather3A_2025 = tpu.vector_load_idx %arg8[%get3A_2024] : memref<8448xf32, #tpu.memory_space<vmem>>[vector<16xi32>], vector<16xf32>,
      %get3A_2026 = arith.constant 656 : index
      %get3A_2027 = tpu.vector_load %arg5[%get3A_2026] {strides = array<i32>} : memref<864xi32, #tpu.memory_space<vmem>>, vector<16xi32>,
      %gather3A_2028 = tpu.vector_load_idx %arg8[%get3A_2027] : memref<8448xf32, #tpu.memory_space<vmem>>[vector<16xi32>], vector<16xf32>,
      %get3A_2029 = arith.constant 752 : index
      %get3A_2030 = tpu.vector_load %arg5[%get3A_2029] {strides = array<i32>} : memref<864xi32, #tpu.memory_space<vmem>>, vector<16xi32>,
      %gather3A_2031 = tpu.vector_load_idx %arg8[%get3A_2030] : memref<8448xf32, #tpu.memory_space<vmem>>[vector<16xi32>], vector<16xf32>,
      %add3A_2032 = arith.addf %gather3A_2013, %gather3A_2016 : vector<16xf32>
      %add3A_2033 = arith.addf %gather3A_2019, %gather3A_2022 : vector<16xf32>
      %add3A_2034 = arith.addf %add3A_2032, %add3A_2033 : vector<16xf32>
      %add3A_2035 = arith.addf %gather3A_2025, %gather3A_2028 : vector<16xf32>
      %add3A_2036 = arith.addf %add3A_2035, %gather3A_2031 : vector<16xf32>
      %add3A_2037 = arith.addf %add3A_2034, %add3A_2036 : vector<16xf32>
      %get3A_2038 = arith.constant 848 : index
      %get3A_2039 = tpu.vector_load %arg5[%get3A_2038] {strides = array<i32>} : memref<864xi32, #tpu.memory_space<vmem>>, vector<16xi32>,
      %mul3A_2040 = arith.constant 0.142857149 : f32
      %mul3A_2041 = vector.broadcast %mul3A_2040 : f32 to vector<16xf32>
      %mul3A_2042 = arith.mulf %add3A_2037, %mul3A_2041 : vector<16xf32>
      tpu.vector_store_idx %arg16[%get3A_2039], %mul3A_2042 : memref<2048xf32, #tpu.memory_space<vmem>>[vector<16xi32>], vector<16xf32>,
      tpu.vector_store_idx %arg16[%get3A_4], %broadcast_in_dim3A_1 : memref<2048xf32, #tpu.memory_space<vmem>>[vector<16xi32>], vector<16xf32>,
      %mul3A_2043 = arith.constant 2048 : i32
      %mul3A_2044 = arith.muli %add3A_1806, %mul3A_2043 : i32
      %dma_start3A_2045 = tpu.memref_slice %arg4[%mul3A_2044] : memref<15728640xf32, #tpu.memory_space<hbm>> -> memref<2048xf32, #tpu.memory_space<hbm>>
      %dma_start3A_2046 = tpu.memref_slice %arg4[%mul3A_2044] : memref<15728640xf32, #tpu.memory_space<hbm>> -> memref<2048xf32, #tpu.memory_space<hbm>>
      tpu.enqueue_dma source(%arg16 : memref<2048xf32, #tpu.memory_space<vmem>>) target(%dma_start3A_2046 : memref<2048xf32, #tpu.memory_space<hbm>>) target_semaphore(%arg24 : memref<!tpu.dma_semaphore, #tpu.memory_space<semaphore_mem>>)
      %lt3A_2047 = arith.constant 59 : i32
      %lt3A_2048 = arith.cmpi slt, %scan3A_990, %lt3A_2047 : i32
      %convert_element_type3A_2049 = arith.extui %lt3A_2048 : i1 to i32
      %cond3A_2050 = arith.constant 0 : i32
      %cond3A_2051 = arith.cmpi ne, %convert_element_type3A_2049, %cond3A_2050 : i32
      scf.if %cond3A_2051 {
        %add3A_2294 = arith.constant 4 : i32
        %add3A_2295 = arith.addi %add3A_1806, %add3A_2294 : i32
        %jit3A_2296 = arith.constant 30 : i32
        %div3A_2297 = arith.divsi %add3A_2295, %jit3A_2296 : i32
        %sign3A_2298 = arith.constant 0 : i32
        %sign3A_2299 = arith.cmpi sgt, %add3A_2295, %sign3A_2298 : i32
        %sign3A_2300 = arith.extui %sign3A_2299 : i1 to i32
        %sign3A_2301 = arith.constant 0 : i32
        %sign3A_2302 = arith.cmpi slt, %add3A_2295, %sign3A_2301 : i32
        %sign3A_2303 = arith.extui %sign3A_2302 : i1 to i32
        %sign3A_2304 = arith.subi %sign3A_2300, %sign3A_2303 : i32
        %sign3A_2305 = arith.constant 0 : i32
        %sign3A_2306 = arith.cmpi sgt, %jit3A_2296, %sign3A_2305 : i32
        %sign3A_2307 = arith.extui %sign3A_2306 : i1 to i32
        %sign3A_2308 = arith.constant 0 : i32
        %sign3A_2309 = arith.cmpi slt, %jit3A_2296, %sign3A_2308 : i32
        %sign3A_2310 = arith.extui %sign3A_2309 : i1 to i32
        %sign3A_2311 = arith.subi %sign3A_2307, %sign3A_2310 : i32
        %ne3A_2312 = arith.cmpi ne, %sign3A_2304, %sign3A_2311 : i32
        %rem3A_2313 = arith.remsi %add3A_2295, %jit3A_2296 : i32
        %ne3A_2314 = arith.constant 0 : i32
        %ne3A_2315 = arith.cmpi ne, %rem3A_2313, %ne3A_2314 : i32
        %and3A_2316 = arith.andi %ne3A_2312, %ne3A_2315 : i1
        %sub3A_2317 = arith.constant 1 : i32
        %sub3A_2318 = arith.subi %div3A_2297, %sub3A_2317 : i32
        %select_n3A_2319 = arith.select %and3A_2316, %sub3A_2318, %div3A_2297 : i32
        %mul3A_2320 = arith.constant 30 : i32
        %mul3A_2321 = arith.muli %select_n3A_2319, %mul3A_2320 : i32
        %sub3A_2322 = arith.subi %add3A_2295, %mul3A_2321 : i32
        %jit3A_2323 = arith.constant 5 : i32
        %div3A_2324 = arith.divsi %sub3A_2322, %jit3A_2323 : i32
        %sign3A_2325 = arith.constant 0 : i32
        %sign3A_2326 = arith.cmpi sgt, %sub3A_2322, %sign3A_2325 : i32
        %sign3A_2327 = arith.extui %sign3A_2326 : i1 to i32
        %sign3A_2328 = arith.constant 0 : i32
        %sign3A_2329 = arith.cmpi slt, %sub3A_2322, %sign3A_2328 : i32
        %sign3A_2330 = arith.extui %sign3A_2329 : i1 to i32
        %sign3A_2331 = arith.subi %sign3A_2327, %sign3A_2330 : i32
        %sign3A_2332 = arith.constant 0 : i32
        %sign3A_2333 = arith.cmpi sgt, %jit3A_2323, %sign3A_2332 : i32
        %sign3A_2334 = arith.extui %sign3A_2333 : i1 to i32
        %sign3A_2335 = arith.constant 0 : i32
        %sign3A_2336 = arith.cmpi slt, %jit3A_2323, %sign3A_2335 : i32
        %sign3A_2337 = arith.extui %sign3A_2336 : i1 to i32
        %sign3A_2338 = arith.subi %sign3A_2334, %sign3A_2337 : i32
        %ne3A_2339 = arith.cmpi ne, %sign3A_2331, %sign3A_2338 : i32
        %rem3A_2340 = arith.remsi %sub3A_2322, %jit3A_2323 : i32
        %ne3A_2341 = arith.constant 0 : i32
        %ne3A_2342 = arith.cmpi ne, %rem3A_2340, %ne3A_2341 : i32
        %and3A_2343 = arith.andi %ne3A_2339, %ne3A_2342 : i1
        %sub3A_2344 = arith.constant 1 : i32
        %sub3A_2345 = arith.subi %div3A_2324, %sub3A_2344 : i32
        %select_n3A_2346 = arith.select %and3A_2343, %sub3A_2345, %div3A_2324 : i32
        %mul3A_2347 = arith.constant 5 : i32
        %mul3A_2348 = arith.muli %select_n3A_2346, %mul3A_2347 : i32
        %sub3A_2349 = arith.subi %sub3A_2322, %mul3A_2348 : i32
        %add3A_2350 = arith.constant 4 : i32
        %add3A_2351 = arith.addi %sub3A_2349, %add3A_2350 : i32
        %jit3A_2352 = arith.constant 5 : i32
        %eq3A_2353 = arith.constant 0 : i32
        %eq3A_2354 = arith.cmpi eq, %jit3A_2352, %eq3A_2353 : i32
        %jit3A_2355 = arith.constant 1 : i32
        %select_n3A_2356 = arith.select %eq3A_2354, %jit3A_2355, %jit3A_2352 : i32
        %rem3A_2357 = arith.remsi %add3A_2351, %select_n3A_2356 : i32
        %ne3A_2358 = arith.constant 0 : i32
        %ne3A_2359 = arith.cmpi ne, %rem3A_2357, %ne3A_2358 : i32
        %lt3A_2360 = arith.constant 0 : i32
        %lt3A_2361 = arith.cmpi slt, %rem3A_2357, %lt3A_2360 : i32
        %lt3A_2362 = arith.constant 0 : i32
        %lt3A_2363 = arith.cmpi slt, %select_n3A_2356, %lt3A_2362 : i32
        %ne3A_2364 = arith.xori %lt3A_2361, %lt3A_2363 : i1
        %and3A_2365 = arith.andi %ne3A_2364, %ne3A_2359 : i1
        %add3A_2366 = arith.addi %rem3A_2357, %select_n3A_2356 : i32
        %select_n3A_2367 = arith.select %and3A_2365, %add3A_2366, %rem3A_2357 : i32
        %mul3A_2368 = arith.constant 30 : i32
        %mul3A_2369 = arith.muli %select_n3A_2319, %mul3A_2368 : i32
        %mul3A_2370 = arith.constant 5 : i32
        %mul3A_2371 = arith.muli %select_n3A_2346, %mul3A_2370 : i32
        %add3A_2372 = arith.addi %mul3A_2369, %mul3A_2371 : i32
        %add3A_2373 = arith.addi %add3A_2372, %select_n3A_2367 : i32
        %add3A_2374 = arith.constant 1 : i32
        %add3A_2375 = arith.addi %select_n3A_2346, %add3A_2374 : i32
        %jit3A_2376 = arith.constant 6 : i32
        %eq3A_2377 = arith.constant 0 : i32
        %eq3A_2378 = arith.cmpi eq, %jit3A_2376, %eq3A_2377 : i32
        %jit3A_2379 = arith.constant 1 : i32
        %select_n3A_2380 = arith.select %eq3A_2378, %jit3A_2379, %jit3A_2376 : i32
        %rem3A_2381 = arith.remsi %add3A_2375, %select_n3A_2380 : i32
        %ne3A_2382 = arith.constant 0 : i32
        %ne3A_2383 = arith.cmpi ne, %rem3A_2381, %ne3A_2382 : i32
        %lt3A_2384 = arith.constant 0 : i32
        %lt3A_2385 = arith.cmpi slt, %rem3A_2381, %lt3A_2384 : i32
        %lt3A_2386 = arith.constant 0 : i32
        %lt3A_2387 = arith.cmpi slt, %select_n3A_2380, %lt3A_2386 : i32
        %ne3A_2388 = arith.xori %lt3A_2385, %lt3A_2387 : i1
        %and3A_2389 = arith.andi %ne3A_2388, %ne3A_2383 : i1
        %add3A_2390 = arith.addi %rem3A_2381, %select_n3A_2380 : i32
        %select_n3A_2391 = arith.select %and3A_2389, %add3A_2390, %rem3A_2381 : i32
        %mul3A_2392 = arith.constant 5 : i32
        %mul3A_2393 = arith.muli %select_n3A_2391, %mul3A_2392 : i32
        %add3A_2394 = arith.addi %mul3A_2369, %mul3A_2393 : i32
        %add3A_2395 = arith.addi %add3A_2394, %select_n3A_2367 : i32
        %add3A_2396 = arith.constant 5 : i32
        %add3A_2397 = arith.addi %select_n3A_2346, %add3A_2396 : i32
        %jit3A_2398 = arith.constant 6 : i32
        %eq3A_2399 = arith.constant 0 : i32
        %eq3A_2400 = arith.cmpi eq, %jit3A_2398, %eq3A_2399 : i32
        %jit3A_2401 = arith.constant 1 : i32
        %select_n3A_2402 = arith.select %eq3A_2400, %jit3A_2401, %jit3A_2398 : i32
        %rem3A_2403 = arith.remsi %add3A_2397, %select_n3A_2402 : i32
        %ne3A_2404 = arith.constant 0 : i32
        %ne3A_2405 = arith.cmpi ne, %rem3A_2403, %ne3A_2404 : i32
        %lt3A_2406 = arith.constant 0 : i32
        %lt3A_2407 = arith.cmpi slt, %rem3A_2403, %lt3A_2406 : i32
        %lt3A_2408 = arith.constant 0 : i32
        %lt3A_2409 = arith.cmpi slt, %select_n3A_2402, %lt3A_2408 : i32
        %ne3A_2410 = arith.xori %lt3A_2407, %lt3A_2409 : i1
        %and3A_2411 = arith.andi %ne3A_2410, %ne3A_2405 : i1
        %add3A_2412 = arith.addi %rem3A_2403, %select_n3A_2402 : i32
        %select_n3A_2413 = arith.select %and3A_2411, %add3A_2412, %rem3A_2403 : i32
        %mul3A_2414 = arith.constant 5 : i32
        %mul3A_2415 = arith.muli %select_n3A_2413, %mul3A_2414 : i32
        %add3A_2416 = arith.addi %mul3A_2369, %mul3A_2415 : i32
        %add3A_2417 = arith.addi %add3A_2416, %select_n3A_2367 : i32
        %get3A_2418 = arith.constant 0 : index
        %get3A_2419 = tpu.vector_load %arg5[%get3A_2418] {strides = array<i32>} : memref<864xi32, #tpu.memory_space<vmem>>, vector<16xi32>,
        %mul3A_2420 = arith.constant 8192 : i32
        %mul3A_2421 = arith.muli %add3A_2395, %mul3A_2420 : i32
        %add3A_2422 = vector.broadcast %mul3A_2421 : i32 to vector<16xi32>
        %add3A_2423 = arith.addi %get3A_2419, %add3A_2422 : vector<16xi32>
        %swap3A_2424 = arith.constant 0 : index
        %swap3A_2425 = tpu.vector_load %arg12[%swap3A_2424] {strides = array<i32>} : memref<64xi32, #tpu.memory_space<vmem>>, vector<16xi32>,
        tpu.vector_store %arg12[%swap3A_2424], %add3A_2423 {strides = array<i32>} : memref<64xi32, #tpu.memory_space<vmem>>, vector<16xi32>,
        %get3A_2426 = arith.constant 16 : index
        %get3A_2427 = tpu.vector_load %arg5[%get3A_2426] {strides = array<i32>} : memref<864xi32, #tpu.memory_space<vmem>>, vector<16xi32>,
        %mul3A_2428 = arith.constant 8192 : i32
        %mul3A_2429 = arith.muli %add3A_2395, %mul3A_2428 : i32
        %add3A_2430 = vector.broadcast %mul3A_2429 : i32 to vector<16xi32>
        %add3A_2431 = arith.addi %get3A_2427, %add3A_2430 : vector<16xi32>
        %swap3A_2432 = arith.constant 16 : index
        %swap3A_2433 = tpu.vector_load %arg12[%swap3A_2432] {strides = array<i32>} : memref<64xi32, #tpu.memory_space<vmem>>, vector<16xi32>,
        tpu.vector_store %arg12[%swap3A_2432], %add3A_2431 {strides = array<i32>} : memref<64xi32, #tpu.memory_space<vmem>>, vector<16xi32>,
        %get3A_2434 = arith.constant 32 : index
        %get3A_2435 = tpu.vector_load %arg5[%get3A_2434] {strides = array<i32>} : memref<864xi32, #tpu.memory_space<vmem>>, vector<16xi32>,
        %mul3A_2436 = arith.constant 8192 : i32
        %mul3A_2437 = arith.muli %add3A_2395, %mul3A_2436 : i32
        %add3A_2438 = vector.broadcast %mul3A_2437 : i32 to vector<16xi32>
        %add3A_2439 = arith.addi %get3A_2435, %add3A_2438 : vector<16xi32>
        %swap3A_2440 = arith.constant 32 : index
        %swap3A_2441 = tpu.vector_load %arg12[%swap3A_2440] {strides = array<i32>} : memref<64xi32, #tpu.memory_space<vmem>>, vector<16xi32>,
        tpu.vector_store %arg12[%swap3A_2440], %add3A_2439 {strides = array<i32>} : memref<64xi32, #tpu.memory_space<vmem>>, vector<16xi32>,
        %get3A_2442 = arith.constant 48 : index
        %get3A_2443 = tpu.vector_load %arg5[%get3A_2442] {strides = array<i32>} : memref<864xi32, #tpu.memory_space<vmem>>, vector<16xi32>,
        %mul3A_2444 = arith.constant 8192 : i32
        %mul3A_2445 = arith.muli %add3A_2395, %mul3A_2444 : i32
        %add3A_2446 = vector.broadcast %mul3A_2445 : i32 to vector<16xi32>
        %add3A_2447 = arith.addi %get3A_2443, %add3A_2446 : vector<16xi32>
        %swap3A_2448 = arith.constant 48 : index
        %swap3A_2449 = tpu.vector_load %arg12[%swap3A_2448] {strides = array<i32>} : memref<64xi32, #tpu.memory_space<vmem>>, vector<16xi32>,
        tpu.vector_store %arg12[%swap3A_2448], %add3A_2447 {strides = array<i32>} : memref<64xi32, #tpu.memory_space<vmem>>, vector<16xi32>,
        %jit3A_2450 = arith.constant 30 : i32
        %div3A_2451 = arith.divsi %add3A_2295, %jit3A_2450 : i32
        %sign3A_2452 = arith.constant 0 : i32
        %sign3A_2453 = arith.cmpi sgt, %add3A_2295, %sign3A_2452 : i32
        %sign3A_2454 = arith.extui %sign3A_2453 : i1 to i32
        %sign3A_2455 = arith.constant 0 : i32
        %sign3A_2456 = arith.cmpi slt, %add3A_2295, %sign3A_2455 : i32
        %sign3A_2457 = arith.extui %sign3A_2456 : i1 to i32
        %sign3A_2458 = arith.subi %sign3A_2454, %sign3A_2457 : i32
        %sign3A_2459 = arith.constant 0 : i32
        %sign3A_2460 = arith.cmpi sgt, %jit3A_2450, %sign3A_2459 : i32
        %sign3A_2461 = arith.extui %sign3A_2460 : i1 to i32
        %sign3A_2462 = arith.constant 0 : i32
        %sign3A_2463 = arith.cmpi slt, %jit3A_2450, %sign3A_2462 : i32
        %sign3A_2464 = arith.extui %sign3A_2463 : i1 to i32
        %sign3A_2465 = arith.subi %sign3A_2461, %sign3A_2464 : i32
        %ne3A_2466 = arith.cmpi ne, %sign3A_2458, %sign3A_2465 : i32
        %rem3A_2467 = arith.remsi %add3A_2295, %jit3A_2450 : i32
        %ne3A_2468 = arith.constant 0 : i32
        %ne3A_2469 = arith.cmpi ne, %rem3A_2467, %ne3A_2468 : i32
        %and3A_2470 = arith.andi %ne3A_2466, %ne3A_2469 : i1
        %sub3A_2471 = arith.constant 1 : i32
        %sub3A_2472 = arith.subi %div3A_2451, %sub3A_2471 : i32
        %select_n3A_2473 = arith.select %and3A_2470, %sub3A_2472, %div3A_2451 : i32
        %mul3A_2474 = arith.constant 30 : i32
        %mul3A_2475 = arith.muli %select_n3A_2473, %mul3A_2474 : i32
        %sub3A_2476 = arith.subi %add3A_2295, %mul3A_2475 : i32
        %jit3A_2477 = arith.constant 5 : i32
        %div3A_2478 = arith.divsi %sub3A_2476, %jit3A_2477 : i32
        %sign3A_2479 = arith.constant 0 : i32
        %sign3A_2480 = arith.cmpi sgt, %sub3A_2476, %sign3A_2479 : i32
        %sign3A_2481 = arith.extui %sign3A_2480 : i1 to i32
        %sign3A_2482 = arith.constant 0 : i32
        %sign3A_2483 = arith.cmpi slt, %sub3A_2476, %sign3A_2482 : i32
        %sign3A_2484 = arith.extui %sign3A_2483 : i1 to i32
        %sign3A_2485 = arith.subi %sign3A_2481, %sign3A_2484 : i32
        %sign3A_2486 = arith.constant 0 : i32
        %sign3A_2487 = arith.cmpi sgt, %jit3A_2477, %sign3A_2486 : i32
        %sign3A_2488 = arith.extui %sign3A_2487 : i1 to i32
        %sign3A_2489 = arith.constant 0 : i32
        %sign3A_2490 = arith.cmpi slt, %jit3A_2477, %sign3A_2489 : i32
        %sign3A_2491 = arith.extui %sign3A_2490 : i1 to i32
        %sign3A_2492 = arith.subi %sign3A_2488, %sign3A_2491 : i32
        %ne3A_2493 = arith.cmpi ne, %sign3A_2485, %sign3A_2492 : i32
        %rem3A_2494 = arith.remsi %sub3A_2476, %jit3A_2477 : i32
        %ne3A_2495 = arith.constant 0 : i32
        %ne3A_2496 = arith.cmpi ne, %rem3A_2494, %ne3A_2495 : i32
        %and3A_2497 = arith.andi %ne3A_2493, %ne3A_2496 : i1
        %sub3A_2498 = arith.constant 1 : i32
        %sub3A_2499 = arith.subi %div3A_2478, %sub3A_2498 : i32
        %select_n3A_2500 = arith.select %and3A_2497, %sub3A_2499, %div3A_2478 : i32
        %mul3A_2501 = arith.constant 5 : i32
        %mul3A_2502 = arith.muli %select_n3A_2500, %mul3A_2501 : i32
        %sub3A_2503 = arith.subi %sub3A_2476, %mul3A_2502 : i32
        %add3A_2504 = arith.constant 4 : i32
        %add3A_2505 = arith.addi %sub3A_2503, %add3A_2504 : i32
        %jit3A_2506 = arith.constant 5 : i32
        %eq3A_2507 = arith.constant 0 : i32
        %eq3A_2508 = arith.cmpi eq, %jit3A_2506, %eq3A_2507 : i32
        %jit3A_2509 = arith.constant 1 : i32
        %select_n3A_2510 = arith.select %eq3A_2508, %jit3A_2509, %jit3A_2506 : i32
        %rem3A_2511 = arith.remsi %add3A_2505, %select_n3A_2510 : i32
        %ne3A_2512 = arith.constant 0 : i32
        %ne3A_2513 = arith.cmpi ne, %rem3A_2511, %ne3A_2512 : i32
        %lt3A_2514 = arith.constant 0 : i32
        %lt3A_2515 = arith.cmpi slt, %rem3A_2511, %lt3A_2514 : i32
        %lt3A_2516 = arith.constant 0 : i32
        %lt3A_2517 = arith.cmpi slt, %select_n3A_2510, %lt3A_2516 : i32
        %ne3A_2518 = arith.xori %lt3A_2515, %lt3A_2517 : i1
        %and3A_2519 = arith.andi %ne3A_2518, %ne3A_2513 : i1
        %add3A_2520 = arith.addi %rem3A_2511, %select_n3A_2510 : i32
        %select_n3A_2521 = arith.select %and3A_2519, %add3A_2520, %rem3A_2511 : i32
        %mul3A_2522 = arith.constant 30 : i32
        %mul3A_2523 = arith.muli %select_n3A_2473, %mul3A_2522 : i32
        %mul3A_2524 = arith.constant 5 : i32
        %mul3A_2525 = arith.muli %select_n3A_2500, %mul3A_2524 : i32
        %add3A_2526 = arith.addi %mul3A_2523, %mul3A_2525 : i32
        %add3A_2527 = arith.addi %add3A_2526, %select_n3A_2521 : i32
        %add3A_2528 = arith.constant 1 : i32
        %add3A_2529 = arith.addi %select_n3A_2500, %add3A_2528 : i32
        %jit3A_2530 = arith.constant 6 : i32
        %eq3A_2531 = arith.constant 0 : i32
        %eq3A_2532 = arith.cmpi eq, %jit3A_2530, %eq3A_2531 : i32
        %jit3A_2533 = arith.constant 1 : i32
        %select_n3A_2534 = arith.select %eq3A_2532, %jit3A_2533, %jit3A_2530 : i32
        %rem3A_2535 = arith.remsi %add3A_2529, %select_n3A_2534 : i32
        %ne3A_2536 = arith.constant 0 : i32
        %ne3A_2537 = arith.cmpi ne, %rem3A_2535, %ne3A_2536 : i32
        %lt3A_2538 = arith.constant 0 : i32
        %lt3A_2539 = arith.cmpi slt, %rem3A_2535, %lt3A_2538 : i32
        %lt3A_2540 = arith.constant 0 : i32
        %lt3A_2541 = arith.cmpi slt, %select_n3A_2534, %lt3A_2540 : i32
        %ne3A_2542 = arith.xori %lt3A_2539, %lt3A_2541 : i1
        %and3A_2543 = arith.andi %ne3A_2542, %ne3A_2537 : i1
        %add3A_2544 = arith.addi %rem3A_2535, %select_n3A_2534 : i32
        %select_n3A_2545 = arith.select %and3A_2543, %add3A_2544, %rem3A_2535 : i32
        %mul3A_2546 = arith.constant 5 : i32
        %mul3A_2547 = arith.muli %select_n3A_2545, %mul3A_2546 : i32
        %add3A_2548 = arith.addi %mul3A_2523, %mul3A_2547 : i32
        %add3A_2549 = arith.addi %add3A_2548, %select_n3A_2521 : i32
        %add3A_2550 = arith.constant 5 : i32
        %add3A_2551 = arith.addi %select_n3A_2500, %add3A_2550 : i32
        %jit3A_2552 = arith.constant 6 : i32
        %eq3A_2553 = arith.constant 0 : i32
        %eq3A_2554 = arith.cmpi eq, %jit3A_2552, %eq3A_2553 : i32
        %jit3A_2555 = arith.constant 1 : i32
        %select_n3A_2556 = arith.select %eq3A_2554, %jit3A_2555, %jit3A_2552 : i32
        %rem3A_2557 = arith.remsi %add3A_2551, %select_n3A_2556 : i32
        %ne3A_2558 = arith.constant 0 : i32
        %ne3A_2559 = arith.cmpi ne, %rem3A_2557, %ne3A_2558 : i32
        %lt3A_2560 = arith.constant 0 : i32
        %lt3A_2561 = arith.cmpi slt, %rem3A_2557, %lt3A_2560 : i32
        %lt3A_2562 = arith.constant 0 : i32
        %lt3A_2563 = arith.cmpi slt, %select_n3A_2556, %lt3A_2562 : i32
        %ne3A_2564 = arith.xori %lt3A_2561, %lt3A_2563 : i1
        %and3A_2565 = arith.andi %ne3A_2564, %ne3A_2559 : i1
        %add3A_2566 = arith.addi %rem3A_2557, %select_n3A_2556 : i32
        %select_n3A_2567 = arith.select %and3A_2565, %add3A_2566, %rem3A_2557 : i32
        %mul3A_2568 = arith.constant 5 : i32
        %mul3A_2569 = arith.muli %select_n3A_2567, %mul3A_2568 : i32
        %add3A_2570 = arith.addi %mul3A_2523, %mul3A_2569 : i32
        %add3A_2571 = arith.addi %add3A_2570, %select_n3A_2521 : i32
        %mul3A_2572 = arith.constant 8192 : i32
        %mul3A_2573 = arith.muli %add3A_2295, %mul3A_2572 : i32
        %mul3A_2574 = arith.constant 8192 : i32
        %mul3A_2575 = arith.muli %add3A_2527, %mul3A_2574 : i32
        %add3A_2576 = arith.constant 8064 : i32
        %add3A_2577 = arith.addi %mul3A_2575, %add3A_2576 : i32
        %add3A_2578 = arith.constant 64 : i32
        %add3A_2579 = arith.addi %add3A_2577, %add3A_2578 : i32
        %mul3A_2580 = arith.constant 8192 : i32
        %mul3A_2581 = arith.muli %add3A_2571, %mul3A_2580 : i32
        %add3A_2582 = arith.constant 8064 : i32
        %add3A_2583 = arith.addi %mul3A_2581, %add3A_2582 : i32
        %mul3A_2584 = arith.constant 245760 : i32
        %mul3A_2585 = arith.muli %select_n3A_2473, %mul3A_2584 : i32
        %dma_start3A_2586 = arith.constant 0 : i32
        %dma_start3A_2587 = tpu.memref_slice %arg8[%dma_start3A_2586] : memref<8448xf32, #tpu.memory_space<vmem>> -> memref<8192xf32, #tpu.memory_space<vmem>>
        %dma_start3A_2588 = tpu.memref_slice %arg2[%mul3A_2573] : memref<62914560xf32, #tpu.memory_space<hbm>> -> memref<8192xf32, #tpu.memory_space<hbm>>
        %dma_start3A_2589 = arith.constant 0 : i32
        %dma_start3A_2590 = tpu.memref_slice %arg8[%dma_start3A_2589] : memref<8448xf32, #tpu.memory_space<vmem>> -> memref<8192xf32, #tpu.memory_space<vmem>>
        %dma_start3A_2591 = tpu.memref_slice %arg2[%mul3A_2573] : memref<62914560xf32, #tpu.memory_space<hbm>> -> memref<8192xf32, #tpu.memory_space<hbm>>
        tpu.enqueue_dma source(%dma_start3A_2591 : memref<8192xf32, #tpu.memory_space<hbm>>) target(%dma_start3A_2590 : memref<8192xf32, #tpu.memory_space<vmem>>) target_semaphore(%arg20 : memref<!tpu.dma_semaphore, #tpu.memory_space<semaphore_mem>>)
        %dma_start3A_2592 = arith.constant 8192 : i32
        %dma_start3A_2593 = tpu.memref_slice %arg8[%dma_start3A_2592] : memref<8448xf32, #tpu.memory_space<vmem>> -> memref<64xf32, #tpu.memory_space<vmem>>
        %dma_start3A_2594 = tpu.memref_slice %arg2[%add3A_2579] : memref<62914560xf32, #tpu.memory_space<hbm>> -> memref<64xf32, #tpu.memory_space<hbm>>
        %dma_start3A_2595 = arith.constant 8192 : i32
        %dma_start3A_2596 = tpu.memref_slice %arg8[%dma_start3A_2595] : memref<8448xf32, #tpu.memory_space<vmem>> -> memref<64xf32, #tpu.memory_space<vmem>>
        %dma_start3A_2597 = tpu.memref_slice %arg2[%add3A_2579] : memref<62914560xf32, #tpu.memory_space<hbm>> -> memref<64xf32, #tpu.memory_space<hbm>>
        tpu.enqueue_dma source(%dma_start3A_2597 : memref<64xf32, #tpu.memory_space<hbm>>) target(%dma_start3A_2596 : memref<64xf32, #tpu.memory_space<vmem>>) target_semaphore(%arg20 : memref<!tpu.dma_semaphore, #tpu.memory_space<semaphore_mem>>)
        %dma_start3A_2598 = arith.constant 8256 : i32
        %dma_start3A_2599 = tpu.memref_slice %arg8[%dma_start3A_2598] : memref<8448xf32, #tpu.memory_space<vmem>> -> memref<64xf32, #tpu.memory_space<vmem>>
        %dma_start3A_2600 = tpu.memref_slice %arg2[%add3A_2583] : memref<62914560xf32, #tpu.memory_space<hbm>> -> memref<64xf32, #tpu.memory_space<hbm>>
        %dma_start3A_2601 = arith.constant 8256 : i32
        %dma_start3A_2602 = tpu.memref_slice %arg8[%dma_start3A_2601] : memref<8448xf32, #tpu.memory_space<vmem>> -> memref<64xf32, #tpu.memory_space<vmem>>
        %dma_start3A_2603 = tpu.memref_slice %arg2[%add3A_2583] : memref<62914560xf32, #tpu.memory_space<hbm>> -> memref<64xf32, #tpu.memory_space<hbm>>
        tpu.enqueue_dma source(%dma_start3A_2603 : memref<64xf32, #tpu.memory_space<hbm>>) target(%dma_start3A_2602 : memref<64xf32, #tpu.memory_space<vmem>>) target_semaphore(%arg20 : memref<!tpu.dma_semaphore, #tpu.memory_space<semaphore_mem>>)
        %dma_start3A_2604 = arith.constant 8320 : i32
        %dma_start3A_2605 = tpu.memref_slice %arg8[%dma_start3A_2604] : memref<8448xf32, #tpu.memory_space<vmem>> -> memref<8xf32, #tpu.memory_space<vmem>>
        %dma_start3A_2606 = tpu.memref_slice %arg2[%mul3A_2585] : memref<62914560xf32, #tpu.memory_space<hbm>> -> memref<8xf32, #tpu.memory_space<hbm>>
        %dma_start3A_2607 = arith.constant 8320 : i32
        %dma_start3A_2608 = tpu.memref_slice %arg8[%dma_start3A_2607] : memref<8448xf32, #tpu.memory_space<vmem>> -> memref<8xf32, #tpu.memory_space<vmem>>
        %dma_start3A_2609 = tpu.memref_slice %arg2[%mul3A_2585] : memref<62914560xf32, #tpu.memory_space<hbm>> -> memref<8xf32, #tpu.memory_space<hbm>>
        tpu.enqueue_dma source(%dma_start3A_2609 : memref<8xf32, #tpu.memory_space<hbm>>) target(%dma_start3A_2608 : memref<8xf32, #tpu.memory_space<vmem>>) target_semaphore(%arg20 : memref<!tpu.dma_semaphore, #tpu.memory_space<semaphore_mem>>)
        %dma_start3A_2610 = arith.constant 8384 : i32
        %dma_start3A_2611 = tpu.memref_slice %arg8[%dma_start3A_2610] : memref<8448xf32, #tpu.memory_space<vmem>> -> memref<64xf32, #tpu.memory_space<vmem>>
        %dma_start3A_2612 = arith.constant 0 : i32
        %dma_start3A_2613 = tpu.memref_slice %arg2[%dma_start3A_2612] : memref<62914560xf32, #tpu.memory_space<hbm>> -> memref<62914560xf32, #tpu.memory_space<hbm>>
        tpu.enqueue_indirect_dma source(%dma_start3A_2613 : memref<62914560xf32, #tpu.memory_space<hbm>>) target(%dma_start3A_2611 : memref<64xf32, #tpu.memory_space<vmem>>) offsets(%arg12 : memref<64xi32, #tpu.memory_space<vmem>>) semaphore(%arg20 : memref<!tpu.dma_semaphore, #tpu.memory_space<semaphore_mem>>)
      } else {
      }
      %add3A_2052 = arith.constant 3 : i32
      %add3A_2053 = arith.addi %add3A_993, %add3A_2052 : i32
      %dma_wait3A_2054 = arith.constant 0 : i32
      %dma_wait3A_2055 = tpu.memref_slice %arg9[%dma_wait3A_2054] : memref<8448xf32, #tpu.memory_space<vmem>> -> memref<8192xf32, #tpu.memory_space<vmem>>
      %dma_wait3A_2056 = arith.constant 0 : i32
      %dma_wait3A_2057 = tpu.memref_slice %arg2[%dma_wait3A_2056] : memref<62914560xf32, #tpu.memory_space<hbm>> -> memref<8192xf32, #tpu.memory_space<hbm>>
      %dma_wait3A_2058 = arith.constant 0 : i32
      %dma_wait3A_2059 = tpu.memref_slice %arg9[%dma_wait3A_2058] : memref<8448xf32, #tpu.memory_space<vmem>> -> memref<8192xf32, #tpu.memory_space<vmem>>
      %dma_wait3A_2060 = arith.constant 0 : i32
      %dma_wait3A_2061 = tpu.memref_slice %arg2[%dma_wait3A_2060] : memref<62914560xf32, #tpu.memory_space<hbm>> -> memref<8192xf32, #tpu.memory_space<hbm>>
      tpu.wait_dma2 semaphore(%arg21 : memref<!tpu.dma_semaphore, #tpu.memory_space<semaphore_mem>>) src(%dma_wait3A_2061 : memref<8192xf32, #tpu.memory_space<hbm>>) dst(%dma_wait3A_2059 : memref<8192xf32, #tpu.memory_space<vmem>>)
      %dma_wait3A_2062 = arith.constant 8192 : i32
      %dma_wait3A_2063 = tpu.memref_slice %arg9[%dma_wait3A_2062] : memref<8448xf32, #tpu.memory_space<vmem>> -> memref<64xf32, #tpu.memory_space<vmem>>
      %dma_wait3A_2064 = arith.constant 0 : i32
      %dma_wait3A_2065 = tpu.memref_slice %arg2[%dma_wait3A_2064] : memref<62914560xf32, #tpu.memory_space<hbm>> -> memref<64xf32, #tpu.memory_space<hbm>>
      %dma_wait3A_2066 = arith.constant 8192 : i32
      %dma_wait3A_2067 = tpu.memref_slice %arg9[%dma_wait3A_2066] : memref<8448xf32, #tpu.memory_space<vmem>> -> memref<64xf32, #tpu.memory_space<vmem>>
      %dma_wait3A_2068 = arith.constant 0 : i32
      %dma_wait3A_2069 = tpu.memref_slice %arg2[%dma_wait3A_2068] : memref<62914560xf32, #tpu.memory_space<hbm>> -> memref<64xf32, #tpu.memory_space<hbm>>
      tpu.wait_dma2 semaphore(%arg21 : memref<!tpu.dma_semaphore, #tpu.memory_space<semaphore_mem>>) src(%dma_wait3A_2069 : memref<64xf32, #tpu.memory_space<hbm>>) dst(%dma_wait3A_2067 : memref<64xf32, #tpu.memory_space<vmem>>)
      %dma_wait3A_2070 = arith.constant 8256 : i32
      %dma_wait3A_2071 = tpu.memref_slice %arg9[%dma_wait3A_2070] : memref<8448xf32, #tpu.memory_space<vmem>> -> memref<64xf32, #tpu.memory_space<vmem>>
      %dma_wait3A_2072 = arith.constant 0 : i32
      %dma_wait3A_2073 = tpu.memref_slice %arg2[%dma_wait3A_2072] : memref<62914560xf32, #tpu.memory_space<hbm>> -> memref<64xf32, #tpu.memory_space<hbm>>
      %dma_wait3A_2074 = arith.constant 8256 : i32
      %dma_wait3A_2075 = tpu.memref_slice %arg9[%dma_wait3A_2074] : memref<8448xf32, #tpu.memory_space<vmem>> -> memref<64xf32, #tpu.memory_space<vmem>>
      %dma_wait3A_2076 = arith.constant 0 : i32
      %dma_wait3A_2077 = tpu.memref_slice %arg2[%dma_wait3A_2076] : memref<62914560xf32, #tpu.memory_space<hbm>> -> memref<64xf32, #tpu.memory_space<hbm>>
      tpu.wait_dma2 semaphore(%arg21 : memref<!tpu.dma_semaphore, #tpu.memory_space<semaphore_mem>>) src(%dma_wait3A_2077 : memref<64xf32, #tpu.memory_space<hbm>>) dst(%dma_wait3A_2075 : memref<64xf32, #tpu.memory_space<vmem>>)
      %dma_wait3A_2078 = arith.constant 8320 : i32
      %dma_wait3A_2079 = tpu.memref_slice %arg9[%dma_wait3A_2078] : memref<8448xf32, #tpu.memory_space<vmem>> -> memref<8xf32, #tpu.memory_space<vmem>>
      %dma_wait3A_2080 = arith.constant 0 : i32
      %dma_wait3A_2081 = tpu.memref_slice %arg2[%dma_wait3A_2080] : memref<62914560xf32, #tpu.memory_space<hbm>> -> memref<8xf32, #tpu.memory_space<hbm>>
      %dma_wait3A_2082 = arith.constant 8320 : i32
      %dma_wait3A_2083 = tpu.memref_slice %arg9[%dma_wait3A_2082] : memref<8448xf32, #tpu.memory_space<vmem>> -> memref<8xf32, #tpu.memory_space<vmem>>
      %dma_wait3A_2084 = arith.constant 0 : i32
      %dma_wait3A_2085 = tpu.memref_slice %arg2[%dma_wait3A_2084] : memref<62914560xf32, #tpu.memory_space<hbm>> -> memref<8xf32, #tpu.memory_space<hbm>>
      tpu.wait_dma2 semaphore(%arg21 : memref<!tpu.dma_semaphore, #tpu.memory_space<semaphore_mem>>) src(%dma_wait3A_2085 : memref<8xf32, #tpu.memory_space<hbm>>) dst(%dma_wait3A_2083 : memref<8xf32, #tpu.memory_space<vmem>>)
      %dma_wait3A_2086 = arith.constant 8384 : i32
      %dma_wait3A_2087 = tpu.memref_slice %arg9[%dma_wait3A_2086] : memref<8448xf32, #tpu.memory_space<vmem>> -> memref<64xf32, #tpu.memory_space<vmem>>
      %dma_wait3A_2088 = arith.constant 0 : i32
      %dma_wait3A_2089 = tpu.memref_slice %arg2[%dma_wait3A_2088] : memref<62914560xf32, #tpu.memory_space<hbm>> -> memref<62914560xf32, #tpu.memory_space<hbm>>
      tpu.wait_indirect_dma semaphore(%arg21 : memref<!tpu.dma_semaphore, #tpu.memory_space<semaphore_mem>>) src(%dma_wait3A_2089 : memref<62914560xf32, #tpu.memory_space<hbm>>) dst(%dma_wait3A_2087 : memref<64xf32, #tpu.memory_space<vmem>>)
      tpu.vector_store_idx %arg9[%get3A_2], %broadcast_in_dim3A_1 : memref<8448xf32, #tpu.memory_space<vmem>>[vector<16xi32>], vector<16xf32>,
      %gt3A_2090 = arith.constant 0 : i32
      %gt3A_2091 = arith.cmpi sgt, %scan3A_990, %gt3A_2090 : i32
      %convert_element_type3A_2092 = arith.extui %gt3A_2091 : i1 to i32
      %cond3A_2093 = arith.constant 0 : i32
      %cond3A_2094 = arith.cmpi ne, %convert_element_type3A_2092, %cond3A_2093 : i32
      scf.if %cond3A_2094 {
        %dma_wait3A_2294 = arith.constant 0 : i32
        %dma_wait3A_2295 = tpu.memref_slice %arg4[%dma_wait3A_2294] : memref<15728640xf32, #tpu.memory_space<hbm>> -> memref<2048xf32, #tpu.memory_space<hbm>>
        %dma_wait3A_2296 = arith.constant 0 : i32
        %dma_wait3A_2297 = tpu.memref_slice %arg4[%dma_wait3A_2296] : memref<15728640xf32, #tpu.memory_space<hbm>> -> memref<2048xf32, #tpu.memory_space<hbm>>
        tpu.wait_dma2 semaphore(%arg25 : memref<!tpu.dma_semaphore, #tpu.memory_space<semaphore_mem>>) src(%arg17 : memref<2048xf32, #tpu.memory_space<vmem>>) dst(%dma_wait3A_2297 : memref<2048xf32, #tpu.memory_space<hbm>>)
      } else {
      }
      %parallel_loop3A_2095 = arith.constant 0 : i32
      %parallel_loop3A_2096 = arith.constant 128 : i32
      %parallel_loop3A_2097 = arith.constant 1 : i32
      scf.for %parallel_loop3A_2294 = %parallel_loop3A_2095 to %parallel_loop3A_2096 step %parallel_loop3A_2097  : i32 {
        %parallel_loop3A_2295 = arith.constant 2 : i32
        %parallel_loop3A_2296 = arith.shrsi %parallel_loop3A_2294, %parallel_loop3A_2295 : i32
        %parallel_loop3A_2297 = arith.constant 3 : i32
        %parallel_loop3A_2298 = arith.andi %parallel_loop3A_2294, %parallel_loop3A_2297 : i32
        %parallel_loop3A_2299 = arith.constant 2 : i32
        %parallel_loop3A_2300 = arith.muli %parallel_loop3A_2299, %parallel_loop3A_2296 : i32
        %parallel_loop3A_2301 = arith.constant 1 : i32
        %parallel_loop3A_2302 = arith.subi %parallel_loop3A_2300, %parallel_loop3A_2301 : i32
        %parallel_loop3A_2303 = arith.constant 128 : i32
        %parallel_loop3A_2304 = arith.muli %parallel_loop3A_2302, %parallel_loop3A_2303 : i32
        %parallel_loop3A_2305 = arith.constant 32 : i32
        %parallel_loop3A_2306 = arith.muli %parallel_loop3A_2305, %parallel_loop3A_2298 : i32
        %parallel_loop3A_2307 = arith.addi %parallel_loop3A_2304, %parallel_loop3A_2306 : i32
        %parallel_loop3A_2308 = arith.constant 1 : i32
        %parallel_loop3A_2309 = arith.subi %parallel_loop3A_2307, %parallel_loop3A_2308 : i32
        %parallel_loop3A_2310 = arith.constant 0 : i32
        %parallel_loop3A_2311 = arith.maxsi %parallel_loop3A_2309, %parallel_loop3A_2310 : i32
        %parallel_loop3A_2312 = vector.broadcast %parallel_loop3A_2311 : i32 to vector<16xi32>
        %parallel_loop3A_2313 = arith.addi %parallel_loop3A_2312, %mul3A_7 : vector<16xi32>
        %parallel_loop3A_2314 = tpu.vector_load_idx %arg9[%parallel_loop3A_2313] : memref<8448xf32, #tpu.memory_space<vmem>>[vector<16xi32>], vector<16xf32>,
        %parallel_loop3A_2315 = arith.addi %parallel_loop3A_2313, %broadcast_in_dim3A_9 : vector<16xi32>
        %parallel_loop3A_2316 = tpu.vector_load_idx %arg9[%parallel_loop3A_2315] : memref<8448xf32, #tpu.memory_space<vmem>>[vector<16xi32>], vector<16xf32>,
        %parallel_loop3A_2317 = arith.addi %parallel_loop3A_2313, %broadcast_in_dim3A_11 : vector<16xi32>
        %parallel_loop3A_2318 = tpu.vector_load_idx %arg9[%parallel_loop3A_2317] : memref<8448xf32, #tpu.memory_space<vmem>>[vector<16xi32>], vector<16xf32>,
        %parallel_loop3A_2319 = arith.addi %parallel_loop3A_2313, %broadcast_in_dim3A_13 : vector<16xi32>
        %parallel_loop3A_2320 = tpu.vector_load_idx %arg9[%parallel_loop3A_2319] : memref<8448xf32, #tpu.memory_space<vmem>>[vector<16xi32>], vector<16xf32>,
        %parallel_loop3A_2321 = arith.addi %parallel_loop3A_2313, %broadcast_in_dim3A_15 : vector<16xi32>
        %parallel_loop3A_2322 = tpu.vector_load_idx %arg9[%parallel_loop3A_2321] : memref<8448xf32, #tpu.memory_space<vmem>>[vector<16xi32>], vector<16xf32>,
        %parallel_loop3A_2323 = arith.addi %parallel_loop3A_2313, %broadcast_in_dim3A_17 : vector<16xi32>
        %parallel_loop3A_2324 = tpu.vector_load_idx %arg9[%parallel_loop3A_2323] : memref<8448xf32, #tpu.memory_space<vmem>>[vector<16xi32>], vector<16xf32>,
        %parallel_loop3A_2325 = arith.addi %parallel_loop3A_2313, %broadcast_in_dim3A_19 : vector<16xi32>
        %parallel_loop3A_2326 = tpu.vector_load_idx %arg9[%parallel_loop3A_2325] : memref<8448xf32, #tpu.memory_space<vmem>>[vector<16xi32>], vector<16xf32>,
        %parallel_loop3A_2327 = arith.addf %parallel_loop3A_2314, %parallel_loop3A_2316 : vector<16xf32>
        %parallel_loop3A_2328 = arith.addf %parallel_loop3A_2318, %parallel_loop3A_2320 : vector<16xf32>
        %parallel_loop3A_2329 = arith.addf %parallel_loop3A_2327, %parallel_loop3A_2328 : vector<16xf32>
        %parallel_loop3A_2330 = arith.addf %parallel_loop3A_2322, %parallel_loop3A_2324 : vector<16xf32>
        %parallel_loop3A_2331 = arith.addf %parallel_loop3A_2330, %parallel_loop3A_2326 : vector<16xf32>
        %parallel_loop3A_2332 = arith.addf %parallel_loop3A_2329, %parallel_loop3A_2331 : vector<16xf32>
        %parallel_loop3A_2333 = arith.constant 0.142857149 : f32
        %parallel_loop3A_2334 = vector.broadcast %parallel_loop3A_2333 : f32 to vector<16xf32>
        %parallel_loop3A_2335 = arith.mulf %parallel_loop3A_2332, %parallel_loop3A_2334 : vector<16xf32>
        %parallel_loop3A_2336 = arith.constant 16 : i32
        %parallel_loop3A_2337 = arith.muli %parallel_loop3A_2294, %parallel_loop3A_2336 : i32
        %parallel_loop3A_2338 = arith.index_cast %parallel_loop3A_2337 : i32 to index
        %parallel_loop3A_2339 = tpu.vector_load %arg17[%parallel_loop3A_2338] {strides = array<i32>} : memref<2048xf32, #tpu.memory_space<vmem>>, vector<16xf32>,
        tpu.vector_store %arg17[%parallel_loop3A_2338], %parallel_loop3A_2335 {strides = array<i32>} : memref<2048xf32, #tpu.memory_space<vmem>>, vector<16xf32>,
      } {sc.loop_unroll_factor = 8 : i64, sc.parallel_access}
      %get3A_2098 = arith.constant 96 : index
      %get3A_2099 = tpu.vector_load %arg5[%get3A_2098] {strides = array<i32>} : memref<864xi32, #tpu.memory_space<vmem>>, vector<16xi32>,
      %gather3A_2100 = tpu.vector_load_idx %arg9[%get3A_2099] : memref<8448xf32, #tpu.memory_space<vmem>>[vector<16xi32>], vector<16xf32>,
      %get3A_2101 = arith.constant 192 : index
      %get3A_2102 = tpu.vector_load %arg5[%get3A_2101] {strides = array<i32>} : memref<864xi32, #tpu.memory_space<vmem>>, vector<16xi32>,
      %gather3A_2103 = tpu.vector_load_idx %arg9[%get3A_2102] : memref<8448xf32, #tpu.memory_space<vmem>>[vector<16xi32>], vector<16xf32>,
      %get3A_2104 = arith.constant 288 : index
      %get3A_2105 = tpu.vector_load %arg5[%get3A_2104] {strides = array<i32>} : memref<864xi32, #tpu.memory_space<vmem>>, vector<16xi32>,
      %gather3A_2106 = tpu.vector_load_idx %arg9[%get3A_2105] : memref<8448xf32, #tpu.memory_space<vmem>>[vector<16xi32>], vector<16xf32>,
      %get3A_2107 = arith.constant 384 : index
      %get3A_2108 = tpu.vector_load %arg5[%get3A_2107] {strides = array<i32>} : memref<864xi32, #tpu.memory_space<vmem>>, vector<16xi32>,
      %gather3A_2109 = tpu.vector_load_idx %arg9[%get3A_2108] : memref<8448xf32, #tpu.memory_space<vmem>>[vector<16xi32>], vector<16xf32>,
      %get3A_2110 = arith.constant 480 : index
      %get3A_2111 = tpu.vector_load %arg5[%get3A_2110] {strides = array<i32>} : memref<864xi32, #tpu.memory_space<vmem>>, vector<16xi32>,
      %gather3A_2112 = tpu.vector_load_idx %arg9[%get3A_2111] : memref<8448xf32, #tpu.memory_space<vmem>>[vector<16xi32>], vector<16xf32>,
      %get3A_2113 = arith.constant 576 : index
      %get3A_2114 = tpu.vector_load %arg5[%get3A_2113] {strides = array<i32>} : memref<864xi32, #tpu.memory_space<vmem>>, vector<16xi32>,
      %gather3A_2115 = tpu.vector_load_idx %arg9[%get3A_2114] : memref<8448xf32, #tpu.memory_space<vmem>>[vector<16xi32>], vector<16xf32>,
      %get3A_2116 = arith.constant 672 : index
      %get3A_2117 = tpu.vector_load %arg5[%get3A_2116] {strides = array<i32>} : memref<864xi32, #tpu.memory_space<vmem>>, vector<16xi32>,
      %gather3A_2118 = tpu.vector_load_idx %arg9[%get3A_2117] : memref<8448xf32, #tpu.memory_space<vmem>>[vector<16xi32>], vector<16xf32>,
      %add3A_2119 = arith.addf %gather3A_2100, %gather3A_2103 : vector<16xf32>
      %add3A_2120 = arith.addf %gather3A_2106, %gather3A_2109 : vector<16xf32>
      %add3A_2121 = arith.addf %add3A_2119, %add3A_2120 : vector<16xf32>
      %add3A_2122 = arith.addf %gather3A_2112, %gather3A_2115 : vector<16xf32>
      %add3A_2123 = arith.addf %add3A_2122, %gather3A_2118 : vector<16xf32>
      %add3A_2124 = arith.addf %add3A_2121, %add3A_2123 : vector<16xf32>
      %get3A_2125 = arith.constant 768 : index
      %get3A_2126 = tpu.vector_load %arg5[%get3A_2125] {strides = array<i32>} : memref<864xi32, #tpu.memory_space<vmem>>, vector<16xi32>,
      %mul3A_2127 = arith.constant 0.142857149 : f32
      %mul3A_2128 = vector.broadcast %mul3A_2127 : f32 to vector<16xf32>
      %mul3A_2129 = arith.mulf %add3A_2124, %mul3A_2128 : vector<16xf32>
      tpu.vector_store_idx %arg17[%get3A_2126], %mul3A_2129 : memref<2048xf32, #tpu.memory_space<vmem>>[vector<16xi32>], vector<16xf32>,
      %get3A_2130 = arith.constant 112 : index
      %get3A_2131 = tpu.vector_load %arg5[%get3A_2130] {strides = array<i32>} : memref<864xi32, #tpu.memory_space<vmem>>, vector<16xi32>,
      %gather3A_2132 = tpu.vector_load_idx %arg9[%get3A_2131] : memref<8448xf32, #tpu.memory_space<vmem>>[vector<16xi32>], vector<16xf32>,
      %get3A_2133 = arith.constant 208 : index
      %get3A_2134 = tpu.vector_load %arg5[%get3A_2133] {strides = array<i32>} : memref<864xi32, #tpu.memory_space<vmem>>, vector<16xi32>,
      %gather3A_2135 = tpu.vector_load_idx %arg9[%get3A_2134] : memref<8448xf32, #tpu.memory_space<vmem>>[vector<16xi32>], vector<16xf32>,
      %get3A_2136 = arith.constant 304 : index
      %get3A_2137 = tpu.vector_load %arg5[%get3A_2136] {strides = array<i32>} : memref<864xi32, #tpu.memory_space<vmem>>, vector<16xi32>,
      %gather3A_2138 = tpu.vector_load_idx %arg9[%get3A_2137] : memref<8448xf32, #tpu.memory_space<vmem>>[vector<16xi32>], vector<16xf32>,
      %get3A_2139 = arith.constant 400 : index
      %get3A_2140 = tpu.vector_load %arg5[%get3A_2139] {strides = array<i32>} : memref<864xi32, #tpu.memory_space<vmem>>, vector<16xi32>,
      %gather3A_2141 = tpu.vector_load_idx %arg9[%get3A_2140] : memref<8448xf32, #tpu.memory_space<vmem>>[vector<16xi32>], vector<16xf32>,
      %get3A_2142 = arith.constant 496 : index
      %get3A_2143 = tpu.vector_load %arg5[%get3A_2142] {strides = array<i32>} : memref<864xi32, #tpu.memory_space<vmem>>, vector<16xi32>,
      %gather3A_2144 = tpu.vector_load_idx %arg9[%get3A_2143] : memref<8448xf32, #tpu.memory_space<vmem>>[vector<16xi32>], vector<16xf32>,
      %get3A_2145 = arith.constant 592 : index
      %get3A_2146 = tpu.vector_load %arg5[%get3A_2145] {strides = array<i32>} : memref<864xi32, #tpu.memory_space<vmem>>, vector<16xi32>,
      %gather3A_2147 = tpu.vector_load_idx %arg9[%get3A_2146] : memref<8448xf32, #tpu.memory_space<vmem>>[vector<16xi32>], vector<16xf32>,
      %get3A_2148 = arith.constant 688 : index
      %get3A_2149 = tpu.vector_load %arg5[%get3A_2148] {strides = array<i32>} : memref<864xi32, #tpu.memory_space<vmem>>, vector<16xi32>,
      %gather3A_2150 = tpu.vector_load_idx %arg9[%get3A_2149] : memref<8448xf32, #tpu.memory_space<vmem>>[vector<16xi32>], vector<16xf32>,
      %add3A_2151 = arith.addf %gather3A_2132, %gather3A_2135 : vector<16xf32>
      %add3A_2152 = arith.addf %gather3A_2138, %gather3A_2141 : vector<16xf32>
      %add3A_2153 = arith.addf %add3A_2151, %add3A_2152 : vector<16xf32>
      %add3A_2154 = arith.addf %gather3A_2144, %gather3A_2147 : vector<16xf32>
      %add3A_2155 = arith.addf %add3A_2154, %gather3A_2150 : vector<16xf32>
      %add3A_2156 = arith.addf %add3A_2153, %add3A_2155 : vector<16xf32>
      %get3A_2157 = arith.constant 784 : index
      %get3A_2158 = tpu.vector_load %arg5[%get3A_2157] {strides = array<i32>} : memref<864xi32, #tpu.memory_space<vmem>>, vector<16xi32>,
      %mul3A_2159 = arith.constant 0.142857149 : f32
      %mul3A_2160 = vector.broadcast %mul3A_2159 : f32 to vector<16xf32>
      %mul3A_2161 = arith.mulf %add3A_2156, %mul3A_2160 : vector<16xf32>
      tpu.vector_store_idx %arg17[%get3A_2158], %mul3A_2161 : memref<2048xf32, #tpu.memory_space<vmem>>[vector<16xi32>], vector<16xf32>,
      %get3A_2162 = arith.constant 128 : index
      %get3A_2163 = tpu.vector_load %arg5[%get3A_2162] {strides = array<i32>} : memref<864xi32, #tpu.memory_space<vmem>>, vector<16xi32>,
      %gather3A_2164 = tpu.vector_load_idx %arg9[%get3A_2163] : memref<8448xf32, #tpu.memory_space<vmem>>[vector<16xi32>], vector<16xf32>,
      %get3A_2165 = arith.constant 224 : index
      %get3A_2166 = tpu.vector_load %arg5[%get3A_2165] {strides = array<i32>} : memref<864xi32, #tpu.memory_space<vmem>>, vector<16xi32>,
      %gather3A_2167 = tpu.vector_load_idx %arg9[%get3A_2166] : memref<8448xf32, #tpu.memory_space<vmem>>[vector<16xi32>], vector<16xf32>,
      %get3A_2168 = arith.constant 320 : index
      %get3A_2169 = tpu.vector_load %arg5[%get3A_2168] {strides = array<i32>} : memref<864xi32, #tpu.memory_space<vmem>>, vector<16xi32>,
      %gather3A_2170 = tpu.vector_load_idx %arg9[%get3A_2169] : memref<8448xf32, #tpu.memory_space<vmem>>[vector<16xi32>], vector<16xf32>,
      %get3A_2171 = arith.constant 416 : index
      %get3A_2172 = tpu.vector_load %arg5[%get3A_2171] {strides = array<i32>} : memref<864xi32, #tpu.memory_space<vmem>>, vector<16xi32>,
      %gather3A_2173 = tpu.vector_load_idx %arg9[%get3A_2172] : memref<8448xf32, #tpu.memory_space<vmem>>[vector<16xi32>], vector<16xf32>,
      %get3A_2174 = arith.constant 512 : index
      %get3A_2175 = tpu.vector_load %arg5[%get3A_2174] {strides = array<i32>} : memref<864xi32, #tpu.memory_space<vmem>>, vector<16xi32>,
      %gather3A_2176 = tpu.vector_load_idx %arg9[%get3A_2175] : memref<8448xf32, #tpu.memory_space<vmem>>[vector<16xi32>], vector<16xf32>,
      %get3A_2177 = arith.constant 608 : index
      %get3A_2178 = tpu.vector_load %arg5[%get3A_2177] {strides = array<i32>} : memref<864xi32, #tpu.memory_space<vmem>>, vector<16xi32>,
      %gather3A_2179 = tpu.vector_load_idx %arg9[%get3A_2178] : memref<8448xf32, #tpu.memory_space<vmem>>[vector<16xi32>], vector<16xf32>,
      %get3A_2180 = arith.constant 704 : index
      %get3A_2181 = tpu.vector_load %arg5[%get3A_2180] {strides = array<i32>} : memref<864xi32, #tpu.memory_space<vmem>>, vector<16xi32>,
      %gather3A_2182 = tpu.vector_load_idx %arg9[%get3A_2181] : memref<8448xf32, #tpu.memory_space<vmem>>[vector<16xi32>], vector<16xf32>,
      %add3A_2183 = arith.addf %gather3A_2164, %gather3A_2167 : vector<16xf32>
      %add3A_2184 = arith.addf %gather3A_2170, %gather3A_2173 : vector<16xf32>
      %add3A_2185 = arith.addf %add3A_2183, %add3A_2184 : vector<16xf32>
      %add3A_2186 = arith.addf %gather3A_2176, %gather3A_2179 : vector<16xf32>
      %add3A_2187 = arith.addf %add3A_2186, %gather3A_2182 : vector<16xf32>
      %add3A_2188 = arith.addf %add3A_2185, %add3A_2187 : vector<16xf32>
      %get3A_2189 = arith.constant 800 : index
      %get3A_2190 = tpu.vector_load %arg5[%get3A_2189] {strides = array<i32>} : memref<864xi32, #tpu.memory_space<vmem>>, vector<16xi32>,
      %mul3A_2191 = arith.constant 0.142857149 : f32
      %mul3A_2192 = vector.broadcast %mul3A_2191 : f32 to vector<16xf32>
      %mul3A_2193 = arith.mulf %add3A_2188, %mul3A_2192 : vector<16xf32>
      tpu.vector_store_idx %arg17[%get3A_2190], %mul3A_2193 : memref<2048xf32, #tpu.memory_space<vmem>>[vector<16xi32>], vector<16xf32>,
      %get3A_2194 = arith.constant 144 : index
      %get3A_2195 = tpu.vector_load %arg5[%get3A_2194] {strides = array<i32>} : memref<864xi32, #tpu.memory_space<vmem>>, vector<16xi32>,
      %gather3A_2196 = tpu.vector_load_idx %arg9[%get3A_2195] : memref<8448xf32, #tpu.memory_space<vmem>>[vector<16xi32>], vector<16xf32>,
      %get3A_2197 = arith.constant 240 : index
      %get3A_2198 = tpu.vector_load %arg5[%get3A_2197] {strides = array<i32>} : memref<864xi32, #tpu.memory_space<vmem>>, vector<16xi32>,
      %gather3A_2199 = tpu.vector_load_idx %arg9[%get3A_2198] : memref<8448xf32, #tpu.memory_space<vmem>>[vector<16xi32>], vector<16xf32>,
      %get3A_2200 = arith.constant 336 : index
      %get3A_2201 = tpu.vector_load %arg5[%get3A_2200] {strides = array<i32>} : memref<864xi32, #tpu.memory_space<vmem>>, vector<16xi32>,
      %gather3A_2202 = tpu.vector_load_idx %arg9[%get3A_2201] : memref<8448xf32, #tpu.memory_space<vmem>>[vector<16xi32>], vector<16xf32>,
      %get3A_2203 = arith.constant 432 : index
      %get3A_2204 = tpu.vector_load %arg5[%get3A_2203] {strides = array<i32>} : memref<864xi32, #tpu.memory_space<vmem>>, vector<16xi32>,
      %gather3A_2205 = tpu.vector_load_idx %arg9[%get3A_2204] : memref<8448xf32, #tpu.memory_space<vmem>>[vector<16xi32>], vector<16xf32>,
      %get3A_2206 = arith.constant 528 : index
      %get3A_2207 = tpu.vector_load %arg5[%get3A_2206] {strides = array<i32>} : memref<864xi32, #tpu.memory_space<vmem>>, vector<16xi32>,
      %gather3A_2208 = tpu.vector_load_idx %arg9[%get3A_2207] : memref<8448xf32, #tpu.memory_space<vmem>>[vector<16xi32>], vector<16xf32>,
      %get3A_2209 = arith.constant 624 : index
      %get3A_2210 = tpu.vector_load %arg5[%get3A_2209] {strides = array<i32>} : memref<864xi32, #tpu.memory_space<vmem>>, vector<16xi32>,
      %gather3A_2211 = tpu.vector_load_idx %arg9[%get3A_2210] : memref<8448xf32, #tpu.memory_space<vmem>>[vector<16xi32>], vector<16xf32>,
      %get3A_2212 = arith.constant 720 : index
      %get3A_2213 = tpu.vector_load %arg5[%get3A_2212] {strides = array<i32>} : memref<864xi32, #tpu.memory_space<vmem>>, vector<16xi32>,
      %gather3A_2214 = tpu.vector_load_idx %arg9[%get3A_2213] : memref<8448xf32, #tpu.memory_space<vmem>>[vector<16xi32>], vector<16xf32>,
      %add3A_2215 = arith.addf %gather3A_2196, %gather3A_2199 : vector<16xf32>
      %add3A_2216 = arith.addf %gather3A_2202, %gather3A_2205 : vector<16xf32>
      %add3A_2217 = arith.addf %add3A_2215, %add3A_2216 : vector<16xf32>
      %add3A_2218 = arith.addf %gather3A_2208, %gather3A_2211 : vector<16xf32>
      %add3A_2219 = arith.addf %add3A_2218, %gather3A_2214 : vector<16xf32>
      %add3A_2220 = arith.addf %add3A_2217, %add3A_2219 : vector<16xf32>
      %get3A_2221 = arith.constant 816 : index
      %get3A_2222 = tpu.vector_load %arg5[%get3A_2221] {strides = array<i32>} : memref<864xi32, #tpu.memory_space<vmem>>, vector<16xi32>,
      %mul3A_2223 = arith.constant 0.142857149 : f32
      %mul3A_2224 = vector.broadcast %mul3A_2223 : f32 to vector<16xf32>
      %mul3A_2225 = arith.mulf %add3A_2220, %mul3A_2224 : vector<16xf32>
      tpu.vector_store_idx %arg17[%get3A_2222], %mul3A_2225 : memref<2048xf32, #tpu.memory_space<vmem>>[vector<16xi32>], vector<16xf32>,
      %get3A_2226 = arith.constant 160 : index
      %get3A_2227 = tpu.vector_load %arg5[%get3A_2226] {strides = array<i32>} : memref<864xi32, #tpu.memory_space<vmem>>, vector<16xi32>,
      %gather3A_2228 = tpu.vector_load_idx %arg9[%get3A_2227] : memref<8448xf32, #tpu.memory_space<vmem>>[vector<16xi32>], vector<16xf32>,
      %get3A_2229 = arith.constant 256 : index
      %get3A_2230 = tpu.vector_load %arg5[%get3A_2229] {strides = array<i32>} : memref<864xi32, #tpu.memory_space<vmem>>, vector<16xi32>,
      %gather3A_2231 = tpu.vector_load_idx %arg9[%get3A_2230] : memref<8448xf32, #tpu.memory_space<vmem>>[vector<16xi32>], vector<16xf32>,
      %get3A_2232 = arith.constant 352 : index
      %get3A_2233 = tpu.vector_load %arg5[%get3A_2232] {strides = array<i32>} : memref<864xi32, #tpu.memory_space<vmem>>, vector<16xi32>,
      %gather3A_2234 = tpu.vector_load_idx %arg9[%get3A_2233] : memref<8448xf32, #tpu.memory_space<vmem>>[vector<16xi32>], vector<16xf32>,
      %get3A_2235 = arith.constant 448 : index
      %get3A_2236 = tpu.vector_load %arg5[%get3A_2235] {strides = array<i32>} : memref<864xi32, #tpu.memory_space<vmem>>, vector<16xi32>,
      %gather3A_2237 = tpu.vector_load_idx %arg9[%get3A_2236] : memref<8448xf32, #tpu.memory_space<vmem>>[vector<16xi32>], vector<16xf32>,
      %get3A_2238 = arith.constant 544 : index
      %get3A_2239 = tpu.vector_load %arg5[%get3A_2238] {strides = array<i32>} : memref<864xi32, #tpu.memory_space<vmem>>, vector<16xi32>,
      %gather3A_2240 = tpu.vector_load_idx %arg9[%get3A_2239] : memref<8448xf32, #tpu.memory_space<vmem>>[vector<16xi32>], vector<16xf32>,
      %get3A_2241 = arith.constant 640 : index
      %get3A_2242 = tpu.vector_load %arg5[%get3A_2241] {strides = array<i32>} : memref<864xi32, #tpu.memory_space<vmem>>, vector<16xi32>,
      %gather3A_2243 = tpu.vector_load_idx %arg9[%get3A_2242] : memref<8448xf32, #tpu.memory_space<vmem>>[vector<16xi32>], vector<16xf32>,
      %get3A_2244 = arith.constant 736 : index
      %get3A_2245 = tpu.vector_load %arg5[%get3A_2244] {strides = array<i32>} : memref<864xi32, #tpu.memory_space<vmem>>, vector<16xi32>,
      %gather3A_2246 = tpu.vector_load_idx %arg9[%get3A_2245] : memref<8448xf32, #tpu.memory_space<vmem>>[vector<16xi32>], vector<16xf32>,
      %add3A_2247 = arith.addf %gather3A_2228, %gather3A_2231 : vector<16xf32>
      %add3A_2248 = arith.addf %gather3A_2234, %gather3A_2237 : vector<16xf32>
      %add3A_2249 = arith.addf %add3A_2247, %add3A_2248 : vector<16xf32>
      %add3A_2250 = arith.addf %gather3A_2240, %gather3A_2243 : vector<16xf32>
      %add3A_2251 = arith.addf %add3A_2250, %gather3A_2246 : vector<16xf32>
      %add3A_2252 = arith.addf %add3A_2249, %add3A_2251 : vector<16xf32>
      %get3A_2253 = arith.constant 832 : index
      %get3A_2254 = tpu.vector_load %arg5[%get3A_2253] {strides = array<i32>} : memref<864xi32, #tpu.memory_space<vmem>>, vector<16xi32>,
      %mul3A_2255 = arith.constant 0.142857149 : f32
      %mul3A_2256 = vector.broadcast %mul3A_2255 : f32 to vector<16xf32>
      %mul3A_2257 = arith.mulf %add3A_2252, %mul3A_2256 : vector<16xf32>
      tpu.vector_store_idx %arg17[%get3A_2254], %mul3A_2257 : memref<2048xf32, #tpu.memory_space<vmem>>[vector<16xi32>], vector<16xf32>,
      %get3A_2258 = arith.constant 176 : index
      %get3A_2259 = tpu.vector_load %arg5[%get3A_2258] {strides = array<i32>} : memref<864xi32, #tpu.memory_space<vmem>>, vector<16xi32>,
      %gather3A_2260 = tpu.vector_load_idx %arg9[%get3A_2259] : memref<8448xf32, #tpu.memory_space<vmem>>[vector<16xi32>], vector<16xf32>,
      %get3A_2261 = arith.constant 272 : index
      %get3A_2262 = tpu.vector_load %arg5[%get3A_2261] {strides = array<i32>} : memref<864xi32, #tpu.memory_space<vmem>>, vector<16xi32>,
      %gather3A_2263 = tpu.vector_load_idx %arg9[%get3A_2262] : memref<8448xf32, #tpu.memory_space<vmem>>[vector<16xi32>], vector<16xf32>,
      %get3A_2264 = arith.constant 368 : index
      %get3A_2265 = tpu.vector_load %arg5[%get3A_2264] {strides = array<i32>} : memref<864xi32, #tpu.memory_space<vmem>>, vector<16xi32>,
      %gather3A_2266 = tpu.vector_load_idx %arg9[%get3A_2265] : memref<8448xf32, #tpu.memory_space<vmem>>[vector<16xi32>], vector<16xf32>,
      %get3A_2267 = arith.constant 464 : index
      %get3A_2268 = tpu.vector_load %arg5[%get3A_2267] {strides = array<i32>} : memref<864xi32, #tpu.memory_space<vmem>>, vector<16xi32>,
      %gather3A_2269 = tpu.vector_load_idx %arg9[%get3A_2268] : memref<8448xf32, #tpu.memory_space<vmem>>[vector<16xi32>], vector<16xf32>,
      %get3A_2270 = arith.constant 560 : index
      %get3A_2271 = tpu.vector_load %arg5[%get3A_2270] {strides = array<i32>} : memref<864xi32, #tpu.memory_space<vmem>>, vector<16xi32>,
      %gather3A_2272 = tpu.vector_load_idx %arg9[%get3A_2271] : memref<8448xf32, #tpu.memory_space<vmem>>[vector<16xi32>], vector<16xf32>,
      %get3A_2273 = arith.constant 656 : index
      %get3A_2274 = tpu.vector_load %arg5[%get3A_2273] {strides = array<i32>} : memref<864xi32, #tpu.memory_space<vmem>>, vector<16xi32>,
      %gather3A_2275 = tpu.vector_load_idx %arg9[%get3A_2274] : memref<8448xf32, #tpu.memory_space<vmem>>[vector<16xi32>], vector<16xf32>,
      %get3A_2276 = arith.constant 752 : index
      %get3A_2277 = tpu.vector_load %arg5[%get3A_2276] {strides = array<i32>} : memref<864xi32, #tpu.memory_space<vmem>>, vector<16xi32>,
      %gather3A_2278 = tpu.vector_load_idx %arg9[%get3A_2277] : memref<8448xf32, #tpu.memory_space<vmem>>[vector<16xi32>], vector<16xf32>,
      %add3A_2279 = arith.addf %gather3A_2260, %gather3A_2263 : vector<16xf32>
      %add3A_2280 = arith.addf %gather3A_2266, %gather3A_2269 : vector<16xf32>
      %add3A_2281 = arith.addf %add3A_2279, %add3A_2280 : vector<16xf32>
      %add3A_2282 = arith.addf %gather3A_2272, %gather3A_2275 : vector<16xf32>
      %add3A_2283 = arith.addf %add3A_2282, %gather3A_2278 : vector<16xf32>
      %add3A_2284 = arith.addf %add3A_2281, %add3A_2283 : vector<16xf32>
      %get3A_2285 = arith.constant 848 : index
      %get3A_2286 = tpu.vector_load %arg5[%get3A_2285] {strides = array<i32>} : memref<864xi32, #tpu.memory_space<vmem>>, vector<16xi32>,
      %mul3A_2287 = arith.constant 0.142857149 : f32
      %mul3A_2288 = vector.broadcast %mul3A_2287 : f32 to vector<16xf32>
      %mul3A_2289 = arith.mulf %add3A_2284, %mul3A_2288 : vector<16xf32>
      tpu.vector_store_idx %arg17[%get3A_2286], %mul3A_2289 : memref<2048xf32, #tpu.memory_space<vmem>>[vector<16xi32>], vector<16xf32>,
      tpu.vector_store_idx %arg17[%get3A_4], %broadcast_in_dim3A_1 : memref<2048xf32, #tpu.memory_space<vmem>>[vector<16xi32>], vector<16xf32>,
      %mul3A_2290 = arith.constant 2048 : i32
      %mul3A_2291 = arith.muli %add3A_2053, %mul3A_2290 : i32
      %dma_start3A_2292 = tpu.memref_slice %arg4[%mul3A_2291] : memref<15728640xf32, #tpu.memory_space<hbm>> -> memref<2048xf32, #tpu.memory_space<hbm>>
      %dma_start3A_2293 = tpu.memref_slice %arg4[%mul3A_2291] : memref<15728640xf32, #tpu.memory_space<hbm>> -> memref<2048xf32, #tpu.memory_space<hbm>>
      tpu.enqueue_dma source(%arg17 : memref<2048xf32, #tpu.memory_space<vmem>>) target(%dma_start3A_2293 : memref<2048xf32, #tpu.memory_space<hbm>>) target_semaphore(%arg25 : memref<!tpu.dma_semaphore, #tpu.memory_space<semaphore_mem>>)
    }
    %scan3A_974 = arith.constant 60 : i32
    %dma_wait3A = arith.constant 0 : i32
    %dma_wait3A_975 = tpu.memref_slice %arg4[%dma_wait3A] : memref<15728640xf32, #tpu.memory_space<hbm>> -> memref<2048xf32, #tpu.memory_space<hbm>>
    %dma_wait3A_976 = arith.constant 0 : i32
    %dma_wait3A_977 = tpu.memref_slice %arg4[%dma_wait3A_976] : memref<15728640xf32, #tpu.memory_space<hbm>> -> memref<2048xf32, #tpu.memory_space<hbm>>
    tpu.wait_dma2 semaphore(%arg22 : memref<!tpu.dma_semaphore, #tpu.memory_space<semaphore_mem>>) src(%arg14 : memref<2048xf32, #tpu.memory_space<vmem>>) dst(%dma_wait3A_977 : memref<2048xf32, #tpu.memory_space<hbm>>)
    %dma_wait3A_978 = arith.constant 0 : i32
    %dma_wait3A_979 = tpu.memref_slice %arg4[%dma_wait3A_978] : memref<15728640xf32, #tpu.memory_space<hbm>> -> memref<2048xf32, #tpu.memory_space<hbm>>
    %dma_wait3A_980 = arith.constant 0 : i32
    %dma_wait3A_981 = tpu.memref_slice %arg4[%dma_wait3A_980] : memref<15728640xf32, #tpu.memory_space<hbm>> -> memref<2048xf32, #tpu.memory_space<hbm>>
    tpu.wait_dma2 semaphore(%arg23 : memref<!tpu.dma_semaphore, #tpu.memory_space<semaphore_mem>>) src(%arg15 : memref<2048xf32, #tpu.memory_space<vmem>>) dst(%dma_wait3A_981 : memref<2048xf32, #tpu.memory_space<hbm>>)
    %dma_wait3A_982 = arith.constant 0 : i32
    %dma_wait3A_983 = tpu.memref_slice %arg4[%dma_wait3A_982] : memref<15728640xf32, #tpu.memory_space<hbm>> -> memref<2048xf32, #tpu.memory_space<hbm>>
    %dma_wait3A_984 = arith.constant 0 : i32
    %dma_wait3A_985 = tpu.memref_slice %arg4[%dma_wait3A_984] : memref<15728640xf32, #tpu.memory_space<hbm>> -> memref<2048xf32, #tpu.memory_space<hbm>>
    tpu.wait_dma2 semaphore(%arg24 : memref<!tpu.dma_semaphore, #tpu.memory_space<semaphore_mem>>) src(%arg16 : memref<2048xf32, #tpu.memory_space<vmem>>) dst(%dma_wait3A_985 : memref<2048xf32, #tpu.memory_space<hbm>>)
    %dma_wait3A_986 = arith.constant 0 : i32
    %dma_wait3A_987 = tpu.memref_slice %arg4[%dma_wait3A_986] : memref<15728640xf32, #tpu.memory_space<hbm>> -> memref<2048xf32, #tpu.memory_space<hbm>>
    %dma_wait3A_988 = arith.constant 0 : i32
    %dma_wait3A_989 = tpu.memref_slice %arg4[%dma_wait3A_988] : memref<15728640xf32, #tpu.memory_space<hbm>> -> memref<2048xf32, #tpu.memory_space<hbm>>
    tpu.wait_dma2 semaphore(%arg25 : memref<!tpu.dma_semaphore, #tpu.memory_space<semaphore_mem>>) src(%arg17 : memref<2048xf32, #tpu.memory_space<vmem>>) dst(%dma_wait3A_989 : memref<2048xf32, #tpu.memory_space<hbm>>)
    return
  }
}

</mosaic_0001>

<sc_bundles>
// kernel: kernel.3.cloned.1.call-start
scs
__scs_entry_jumppad:
0x0: {  	(pc) =	sbr.rel $0x88, $3  }
0x1: {  	(tag) =	ssettag $0x0;
	lr =	simm.s32 $0x1  }
0x2: {  	[smem:$0x3FA0] =	sst lr;
	_ =	strace $0xD0000000  }
0x3: {  	_ = 	snop  }
0x4: {  	_ = 	snop  }
0x5: {  	_ = 	snop  }
0x6: {  	_ = 	snop  }
0x7: {  	_ = 	snop  }
__scs_overlays_trampoline_lowered:
0x8: {  	[smem:$0x3FAF] =	sst s0  }
0x9: {  	[smem:$0x3FB0] =	sst s1  }
0xa: {  	[smem:$0x3FB1] =	sst s2  }
0xb: {  	[smem:$0x3FB2] =	sst s3  }
0xc: {  	[smem:$0x3FB3] =	sst s4  }
0xd: {  	[smem:$0x3FB4] =	sst s5  }
0xe: {  	[smem:$0x3FB5] =	sst s6  }
0xf: {  	[smem:$0x3FB6] =	sst s7  }
0x10: {  	[smem:$0x3FB7] =	sst s8  }
0x11: {  	[smem:$0x3FB8] =	sst s9;
	s0 =	simm.s32 @!p0 $0x0  }
0x12: {  	s1 =	sld [smem:$0x3F9E];
	s0 =	simm.s32 @p0 $0x1  }
0x13: {  	[smem:$0x3FB9] =	sst s0;
	s0 =	simm.s32 @!p1 $0x0  }
0x14: {  	s2 =	sld [smem:$0x3F9D];
	s0 =	simm.s32 @p1 $0x1  }
0x15: {  	[smem:$0x3FBA] =	sst s0;
	s0 =	simm.s32 @!p2 $0x0  }
0x16: {  	s3 =	sld [smem:$0x3FDB];
	s0 =	simm.s32 @p2 $0x1  }
0x17: {  	s4 =	simm.s32 $0x1BF5;
	[smem:$0x3FBC] =	sst s0  }
0x18: {  	s0 =	sld [smem:$0x3F9F];
	_ =	swait.ge [sflag:s4], $0x0  }
0x19: {  	s7 =	sld [smem:$0x3FA0]  }
0x1a: {  	s8 =	sadd.s32 $0xFFFFE003, lr  }
0x1b: {  	s9 =	sadd.s32 $0xFFFFFEF7, lr;
	s5 =	simm.s32 $0xFFFFFFFF;
	p2 =	slt.u32 s8, $0xFFFFF086  }
0x1c: {  	p1 =	slt.u32 s9, $0xF7A;
	s5 =	simm.s32 @!p2 $0x0  }
0x1d: {  	s5 =	simm.s32 @p1 $0x1;
	p0 =	seq.s32 s7, s2  }
0x1e: {  	s7 =	smul.u32 @!p0 $0xF7A, s2;
	p2 =	seq.s32 @!p0 s5, $0x0  }
0x1f: {  	s9 =	smul.u32 $0xF7A, s1;
	s8 =	simm.s32 @!p0 $0x1BF5;
	p2 =	por !p2, p0  }
0x20: {  	[sflag:s8] =	ssyncset.s32 @!p0 $0xFFFFF086;
	s6 =	sadd.s32 @!p0 s3, s7;
	s7 =	simm.s32 @!p0 $0x108  }
0x21: {  	s3 =	sadd.s32 s3, s9;
	s6 =	sadd.s32 @!p0 $0x88, s6;
	s7 =	simm.s32 @p2 $0x1082  }
0x22: {  	[simem:s7], [sflag:s8] =	dma.local @!p0 [hbm:s6], $0xF7A  }
0x23: {  	s9 =	sor.u32 $0xD0000000, s2;
	s6 =	simm.s32 $0x108;
	_ =	swait.ge @!p0 [sflag:s8], $0x0  }
0x24: {  	s3 =	sadd.s32 $0x88, s3;
	s6 =	simm.s32 @!p1 $0x1082;
	[sflag:s4] =	ssyncset.s32 $0xFFFFF086  }
0x25: {  	[simem:s6], [sflag:s4] =	dma.local [hbm:s3], $0xF7A  }
0x26: {  	[smem:$0x3FA0] =	sst s1;
	(tag) =	ssettag s2;
	_ =	strace s9  }
0x27: {  	s1 =	sld [smem:$0x3FB0]  }
0x28: {  	s2 =	sld [smem:$0x3FB1]  }
0x29: {  	s4 =	sld [smem:$0x3FB3]  }
0x2a: {  	p0 =	seq.s32 s5, $0x0;
	s5 =	sld [smem:$0x3FB4]  }
0x2b: {  	s6 =	sld [smem:$0x3FB5]  }
0x2c: {  	s7 =	sld [smem:$0x3FB6]  }
0x2d: {  	s3 =	simm.s32 $0x108;
	s8 =	sld [smem:$0x3FB7]  }
0x2e: {  	s3 =	simm.s32 @!p0 $0x1082;
	s9 =	sld [smem:$0x3FB8]  }
0x2f: {  	lr =	sadd.s32 s0, s3;
	s0 =	sld [smem:$0x3FAF]  }
0x30: {  	s3 =	sld [smem:$0x3FB2]  }
0x31: {  	[smem:$0x3FBB] =	sst s10  }
0x32: {  	s10 =	sld [smem:$0x3FB9];
	_ =	sdelay $0x3  }
0x33: {  	p0 =	seq.s32 s10, $0x1;
	s10 =	sld [smem:$0x3FBB];
	_ =	sdelay $0x3  }
0x34: {  	[smem:$0x3FBB] =	sst s10  }
0x35: {  	s10 =	sld [smem:$0x3FBA];
	_ =	sdelay $0x3  }
0x36: {  	p1 =	seq.s32 s10, $0x1;
	s10 =	sld [smem:$0x3FBB];
	_ =	sdelay $0x3  }
0x37: {  	[smem:$0x3FBB] =	sst s10  }
0x38: {  	s10 =	sld [smem:$0x3FBC]  }
0x39: {  	_ = 	snop;
	(pc) =	sbr.ind lr, $3  }
0x3a: {  	_ = 	snop  }
0x3b: {  	_ = 	snop  }
0x3c: {  	p2 =	seq.s32 s10, $0x1;
	s10 =	sld [smem:$0x3FBB]  }
0x3d: {  	_ =	shalt  }
0x3e: {  	_ =	shalt  }
0x3f: {  	_ =	shalt  }
0x40: {  	_ =	shalt  }
0x41: {  	_ =	shalt  }
0x42: {  	_ =	shalt  }
0x43: {  	_ =	shalt  }
0x44: {  	_ =	shalt  }
0x45: {  	_ =	shalt  }
0x46: {  	_ =	shalt  }
0x47: {  	_ =	shalt  }
0x48: {  	_ =	shalt  }
0x49: {  	_ =	shalt  }
0x4a: {  	_ =	shalt  }
0x4b: {  	_ =	shalt  }
0x4c: {  	_ =	shalt  }
0x4d: {  	_ =	shalt  }
0x4e: {  	_ =	shalt  }
0x4f: {  	_ =	shalt  }
0x50: {  	_ =	shalt  }
0x51: {  	_ =	shalt  }
0x52: {  	_ =	shalt  }
0x53: {  	_ =	shalt  }
0x54: {  	_ =	shalt  }
0x55: {  	_ =	shalt  }
0x56: {  	_ =	shalt  }
0x57: {  	_ =	shalt  }
0x58: {  	_ =	shalt  }
0x59: {  	_ =	shalt  }
0x5a: {  	_ =	shalt  }
0x5b: {  	_ =	shalt  }
0x5c: {  	_ =	shalt  }
0x5d: {  	_ =	shalt  }
0x5e: {  	_ =	shalt  }
0x5f: {  	_ =	shalt  }
0x60: {  	_ =	shalt  }
0x61: {  	_ =	shalt  }
0x62: {  	_ =	shalt  }
0x63: {  	_ =	shalt  }
0x64: {  	_ =	shalt  }
0x65: {  	_ =	shalt  }
0x66: {  	_ =	shalt  }
0x67: {  	_ =	shalt  }
0x68: {  	_ =	shalt  }
0x69: {  	_ =	shalt  }
0x6a: {  	_ =	shalt  }
0x6b: {  	_ =	shalt  }
0x6c: {  	_ =	shalt  }
0x6d: {  	_ =	shalt  }
0x6e: {  	_ =	shalt  }
0x6f: {  	_ =	shalt  }
0x70: {  	_ =	shalt  }
0x71: {  	_ =	shalt  }
0x72: {  	_ =	shalt  }
0x73: {  	_ =	shalt  }
0x74: {  	_ =	shalt  }
0x75: {  	_ =	shalt  }
0x76: {  	_ =	shalt  }
0x77: {  	_ =	shalt  }
0x78: {  	_ =	shalt  }
0x79: {  	_ =	shalt  }
0x7a: {  	_ =	shalt  }
0x7b: {  	_ =	shalt  }
0x7c: {  	_ =	shalt  }
0x7d: {  	_ =	shalt  }
0x7e: {  	_ =	shalt  }
0x7f: {  	_ =	shalt  }
0x80: {  	_ =	shalt  }
0x81: {  	_ =	shalt  }
0x82: {  	_ =	shalt  }
0x83: {  	_ =	shalt  }
0x84: {  	_ =	shalt  }
0x85: {  	_ =	shalt  }
0x86: {  	_ =	shalt  }
0x87: {  	_ =	shalt  }
.Lfunc_end0:
.L_simem_size_0:
called_computation_lowered:
.L_overlay_start_0:
0x88: {  	s2 =	sld [smem:$0x3FD9]  }
0x89: {  	s3 =	sld [smem:$0x3FFE];
	_ =	sdelay $0x1  }
0x8a: {  	s1 =	srdreg.scid  }
0x8b: {  	s0 =	sand.u32 $0x1, s1  }
0x8c: {  	s17 =	sshll.u32 s0, $0xA;
	s2 =	sadd.s32 s3, s2  }
0x8d: {  	s2 =	sadd.s32 s2, s17  }
0x8e: {  	[smem:$0x3FC7] =	sst s2  }
0x8f: {  	_ = 	snop  }
0x90: {  	s2 =	sld [smem:$0x3FC9]  }
0x91: {  	s18 =	sld [smem:$0x3FD0];
	(tm) =	ssettm $0x1  }
0x92: {  	s4 =	sld [smem:$0x3FFB];
	_ =	sdelay $0x3  }
0x93: {  	_ =	strace s4  }
0x94: {  	s4 =	sld [smem:$0x3FFC];
	_ =	sdelay $0x3  }
0x95: {  	_ =	strace s4  }
0x96: {  	s4 =	sld [smem:$0x3FFD];
	_ =	sdelay $0x3  }
0x97: {  	_ =	strace s4  }
0x98: {  	_ =	strace $0x8FFFFFFF  }
0x99: {  	s19 =	sld [smem:$0x3FDB];
	_ =	sdelay $0x1  }
0x9a: {  	s5 =	simm.s32 $_scs_section_size  }
0x9b: {  	s6 =	simm.s32 $_size__tile_overlayer_lowered;
	s7 =	simm.s32 $_tile_overlayer_lowered  }
0x9c: {  	s22 =	simm.s32 $0x1BFF;
	s21 =	sshll.u32 s7, $0x1;
	s4 =	sadd.s32 s5, s19  }
0x9d: {  	s8 =	simm.s32 $0x0;
	s20 =	sshll.u32 s6, $0x1;
	s6 =	sadd.s32 s21, s4  }
0x9e: {  	[timem:s8], [sflag:s22] =	dma.local [hbm:s6], s20  }
0x9f: {  	_ =	swait.ge [sflag:s22], s20  }
0xa0: {  	s5 =	ssub.s32 $0x0, s20;
	[sflag:s22] =	ssyncset.done $0x0  }
0xa1: {  	[sflag:s22] =	ssyncadd.s32 s5;
	_ =	sdelay $0x1  }
0xa2: {  	s23 =	simm.s32 $0x1B8B  }
0xa3: {  	_ =	swait.ge [sflag:s23], $0x1  }
0xa4: {  	[sflag:s23] =	ssyncset.done $0x0  }
0xa5: {  	s25 =	simm.s32 $0x1B8E;
	s24 =	sld [smem:$0x3FFE];
	[sflag:s23] =	ssyncadd.s32 $0xFFFFFFFF  }
0xa6: {  	s26 =	simm.s32 $execute0_lowered;
	[smem:$0x3FD2] =	sst s25  }
0xa7: {  	s6 =	sshll.u32 s26, $0x1;
	_ =	strace $0x80000046;
	[dreg:$0x1] =	wrdreg $0xFFFFFFFF  }
0xa8: {  	s28 =	simm.s32 $_size_execute0_lowered;
	s4 =	sadd.s32 s4, s6;
	[dreg:$0x0] =	wrdreg $0x0  }
0xa9: {  	s6 =	sshll.u32 s28, $0x1;
	[dreg:$0x2] =	wrdreg s4  }
0xaa: {  	[dreg:$0x3] =	wrdreg s6  }
0xab: {  	[dreg:$0x4] =	wrdreg $0xC0  }
0xac: {  	_ =	task [dreg:s8], $0x5FFFF  }
0xad: {  	[dreg:$0x1] =	wrdreg $0xFFFFFFFF  }
0xae: {  	[dreg:$0x0] =	wrdreg $0x60  }
0xaf: {  	[dreg:$0x2] =	wrdreg s2  }
0xb0: {  	[dreg:$0x3] =	wrdreg s18  }
0xb1: {  	[dreg:$0x4] =	wrdreg s24  }
0xb2: {  	[dreg:$0x5] =	wrdreg $0x9  }
0xb3: {  	_ =	task.clear_ibuf [dreg:s8], $0x6FFFF;
	_ =	strace $0x90000046  }
0xb4: {  	s29 =	simm.s32 $0x9;
	_ =	strace $0x80000048  }
0xb5: {  	_ =	swait.ge [sflag:s29], $0x1  }
0xb6: {  	[sflag:s29] =	ssyncadd.s32 $0xFFFFFFFF  }
0xb7: {  	_ =	strace $0x90000048  }
0xb8: {  	_ =	sfence  }
0xb9: {  	s30 =	sld [smem:$0x0];
	_ =	sdelay $0x2  }
0xba: {  	s31 =	sshll.u32 s1, $0xD;
	s1 =	sshrl.u32 s1, $0x2  }
0xbb: {  	s3 =	sand.u32 $0x4000, s31;
	s1 =	sadd.s32 s1, s30  }
0xbc: {  	s0 =	sor.u32 s3, s0;
	s1 =	sshll.u32 s1, $0x11  }
0xbd: {  	s0 =	sor.u32 s1, s0  }
0xbe: {  	s0 =	sadd.s32 $0x8F2B, s0  }
0xbf: {  	[sflag:s0] =	ssyncadd.remote.s32 $0x1  }
0xc0: {  	_ =	sfence.sel $0xFFFF  }
0xc1: {  	[dreg:$0x0] =	wrdreg $0xFFFFFFFF;
	(pc) =	sbr.abs _section_cstart, $3  }
0xc2: {  	[dreg:$0x1] =	wrdreg $0xFFFFFFFF  }
0xc3: {  	_ =	task.clear_ibuf [dreg:s8], $0x2FFFF;
	_ =	strace $0x9FFFFFFF  }
0xc4: {  	(tm) =	ssettm $0x7FFFFFFF  }
0xc5: {  	_ =	shalt  }
tec
execute0_lowered:
.L_overlay_start_1:
0x0: {  	(tag) =	ssettag $0x1  }
0x1: {  	s0 =	srdreg.scid;
	s2 =	stileid.u32  }
0x2: {  	s1 =	sand.u32 $0x1, s0;
	s19 =	sshll.u32 s2, $0x1  }
0x3: {  	s10 =	sor.u32 s1, s19  }
0x4: {  	s22 =	smul.u32 $0xF0, s10;
	_ =	sdelay $0x1  }
0x5: {  	s4 =	sor.u32 $0x1, s22  }
0x6: {  	s3 =	ssub.s32 s4, s22  }
0x7: {  	s20 =	smul.u32 $0xFFFFCCCD, s3;
	_ =	sdelay $0x1  }
0x8: {  	s0 =	sadd.s32 $0x1999, s20  }
0x9: {  	s6 =	simm.s32 $0x1;
	s30 =	simm.s32 $0x8860;
	s0 =	sand.u32 $0xFFF6, s0  }
0xa: {  	s5 =	smul.u32 $0x6667, s3;
	p0 =	slt.s32 s3, $0x0;
	p1 =	sgt.u32 s0, $0x3332  }
0xb: {  	s2 =	rddreg [dreg:$0x0];
	s1 =	ssub.s32 $0x2, s1;
	p0 =	por !p0, !p1  }
0xc: {  	s21 =	sshrl.u32 s5, $0x1F;
	s5 =	sshra.s32 s5, $0x11;
	p0 =	por !p0, !p0  }
0xd: {  	s14 =	smul.u32 $0x1E0000, s10;
	s5 =	sadd.s32 s21, s5;
	s6 =	simm.s32 @!p0 $0x0  }
0xe: {  	s23 =	sshrl.u32 s1, $0x1;
	s10 =	smul.u32 $0x3C000, s10;
	s8 =	ssub.s32 s5, s6  }
0xf: {  	s4 =	sshll.u32 s4, $0xA;
	s3 =	sor.u32 $0x4, s3;
	s12 =	smul.u32 $0x5, s8  }
0x10: {  	s4 =	sadd.s32 s2, s4;
	s0 =	rddreg [dreg:$0x2];
	s5 =	simm.s32 $0x0  }
0x11: {  	s24 =	sadd.s32 $0x400, s0;
	[smem:$0x7FF] =	sst s5;
	s9 =	ssub.s32 s3, s12  }
0x12: {  	s15 =	sadd.s32 $0x1, s8;
	s11 =	smulhi.u32 $0x66666667, s9;
	s7 =	sshra.s32 s9, $0x1F  }
0x13: {  	s18 =	sadd.s32 $0x5, s8;
	s25 =	smul.u32 $0x66666667, s7;
	s7 =	sor.u32 $0x2, s22  }
0x14: {  	_ =	strace $0x80000047;
	s26 =	sshll.u32 s15, $0x10;
	s13 =	smul.u32 $0x2223, s7  }
0x15: {  	s3 =	ssub.s32 s1, s23;
	s1 =	sadd.s32 s25, s11;
	s11 =	sshra.s32 s26, $0x10  }
0x16: {  	s28 =	sshll.u32 s18, $0x10;
	s17 =	smul.u32 $0x2AAB, s11;
	s8 =	sshrl.u32 s13, $0x12  }
0x17: {  	[dreg:$0x5] =	wrdreg s24;
	s13 =	sshra.s32 s28, $0x10;
	s11 =	smul.u32 $0x1E, s8  }
0x18: {  	s16 =	sshrl.u32 s1, $0x1F;
	s1 =	sshra.s32 s1, $0x1;
	s19 =	smul.u32 $0x2AAB, s13  }
0x19: {  	[dreg:$0x4] =	wrdreg s22;
	s1 =	sadd.s32 s16, s1;
	s8 =	smul.u32 $0x7800, s8  }
0x1a: {  	s31 =	simm.s32 $0x2;
	[dreg:$0x9] =	wrdreg s4;
	s1 =	smul.u32 $0x5, s1  }
0x1b: {  	s29 =	sshrl.u32 s17, $0x1F;
	s17 =	sshrl.u32 s17, $0x10;
	s20 =	ssub.s32 s7, s11  }
0x1c: {  	s6 =	sadd.s32 s29, s17;
	p0 =	sne.s32 s7, s11;
	s17 =	simm.s32 $0x1  }
0x1d: {  	s25 =	sshrl.u32 s19, $0x1F;
	s26 =	sshrl.u32 s19, $0x10;
	s7 =	sshll.u32 s7, $0xA  }
0x1e: {  	s13 =	ssub.s32 s9, s1;
	s23 =	smul.u32 $0xFFFFCCCD, s20;
	s24 =	sshll.u32 s20, $0x10  }
0x1f: {  	s21 =	sshra.s32 s20, $0x1F;
	s17 =	simm.s32 @!p0 $0x0;
	s1 =	smul.u32 $0x6, s6  }
0x20: {  	s7 =	sadd.s32 s2, s7;
	s16 =	sshra.s32 s24, $0x10;
	s17 =	sor.u32 s17, s21  }
0x21: {  	p0 =	slt.s32 s13, $0x0;
	s21 =	simm.s32 $0x1;
	[dreg:$0xd] =	wrdreg s7  }
0x22: {  	s7 =	simm.s32 $0x0;
	s9 =	sadd.s32 $0x1999, s23;
	s16 =	smul.u32 $0x6667, s16  }
0x23: {  	p5 =	sne.s32 s17, $0x1;
	s1 =	ssub.s32 s15, s1;
	s17 =	sadd.s32 $0x5, s13  }
0x24: {  	s9 =	sand.u32 $0xFFFF, s9;
	s6 =	sshll.u32 s1, $0x10;
	s13 =	smov.u32 @p0 s17  }
0x25: {  	p6 =	sgt.u32 s9, $0x3332;
	s28 =	sshrl.u32 s16, $0x1F;
	s16 =	sshra.s32 s16, $0x11  }
0x26: {  	s9 =	sadd.s32 s25, s26;
	s13 =	sadd.s32 s22, s13;
	p1 =	por !p6, !p5  }
0x27: {  	s16 =	sadd.s32 s28, s16;
	s29 =	smul.u32 $0x6, s9;
	s9 =	sor.u32 $0x12000, s14  }
0x28: {  	s14 =	sshra.s32 s6, $0x10;
	s6 =	sadd.s32 s2, s10;
	s12 =	sadd.s32 s12, s13  }
0x29: {  	p1 =	por !p1, !p1;
	p0 =	slt.s32 s14, $0x0;
	[dreg:$0x6] =	wrdreg s6  }
0x2a: {  	v0 =	vmov s9;
	s9 =	simm.s32 $0x4;
	s21 =	simm.s32 @!p1 $0x0;
	s15 =	ssub.s32 s18, s29  }
0x2b: {  	s18 =	sadd.s32 $0x6, s14;
	s16 =	ssub.s32 s16, s21;
	s15 =	sshll.u32 s15, $0x10  }
0x2c: {  	s14 =	smov.u32 @p0 s18;
	s1 =	smul.u32 $0x5, s16;
	s15 =	sshra.s32 s15, $0x10  }
0x2d: {  	s19 =	sadd.s32 $0x1, s16;
	s26 =	smul.u32 $0x5, s14;
	s16 =	sadd.s32 $0x5, s16  }
0x2e: {  	p0 =	slt.s32 s15, $0x0;
	s23 =	sshll.u32 s19, $0x10;
	s20 =	ssub.s32 s20, s1  }
0x2f: {  	s24 =	sshra.s32 s23, $0x10;
	s17 =	sadd.s32 $0x4, s20;
	s20 =	sadd.s32 $0x6, s15  }
0x30: {  	s21 =	sshll.u32 s17, $0x10;
	s15 =	smov.u32 @p0 s20;
	s20 =	smul.u32 $0x2AAB, s24  }
0x31: {  	s23 =	sadd.s32 s26, s13;
	s18 =	sshra.s32 s21, $0x10;
	s15 =	smul.u32 $0x5, s15  }
0x32: {  	s21 =	sshll.u32 s16, $0x10;
	s18 =	smul.u32 $0x6667, s18;
	s29 =	sshrl.u32 s20, $0x1F  }
0x33: {  	s20 =	sshrl.u32 s20, $0x10;
	s13 =	sadd.s32 s15, s13;
	s15 =	sshll.u32 s23, $0xD  }
0x34: {  	s25 =	sshrl.u32 s18, $0x1F;
	s18 =	sshra.s32 s18, $0x11;
	s13 =	sshll.u32 s13, $0xA  }
0x35: {  	s28 =	sadd.s32 s25, s18;
	s18 =	sadd.s32 s29, s20;
	s20 =	sshra.s32 s21, $0x10  }
0x36: {  	s25 =	sadd.s32 $0x13F8, s6;
	s6 =	sadd.s32 $0x77F0, s6;
	s14 =	smul.u32 $0x5, s28  }
0x37: {  	s29 =	sshll.u32 s12, $0xA;
	s24 =	smul.u32 $0x2AAB, s20;
	[dreg:$0x7] =	wrdreg s25  }
0x38: {  	s21 =	sadd.s32 $0x3F0, s2;
	s26 =	smul.u32 $0x6, s18;
	[dreg:$0x8] =	wrdreg s6  }
0x39: {  	s4 =	sand.u32 $0x1FFFFC00, s29;
	s20 =	sand.u32 $0x1FFFFC00, s13;
	s13 =	smov.u32 s21  }
0x3a: {  	s29 =	smax.u32 s3, $0x1;
	s3 =	simm.s32 $0x2460;
	s23 =	sadd.s32 s20, s21  }
0x3b: {  	[dreg:$0x13] =	wrdreg s29;
	s14 =	ssub.s32 s17, s14;
	s28 =	sshrl.u32 s24, $0x1F  }
0x3c: {  	s10 =	sshrl.u32 s24, $0x10;
	s18 =	ssub.s32 s19, s26;
	s19 =	sadd.s32 $0x3F8, s2  }
0x3d: {  	[dreg:$0xc] =	wrdreg s23;
	s26 =	sadd.s32 s2, s8;
	s8 =	simm.s32 $0x9860  }
0x3e: {  	s17 =	sadd.s32 s28, s10;
	s10 =	simm.s32 $0x1;
	s14 =	sshll.u32 s14, $0x10  }
0x3f: {  	s18 =	sshll.u32 s18, $0x10;
	s4 =	sadd.s32 s4, s19;
	[dreg:$0xa] =	wrdreg s19  }
0x40: {  	[dreg:$0x10] =	wrdreg s26;
	s28 =	sadd.s32 $0x500, s0;
	s17 =	smul.u32 $0x6, s17  }
0x41: {  	v1 =	vlaneseq.u32;
	s0 =	sadd.s32 $0x600, s0;
	s14 =	sshra.s32 s14, $0x10;
	[dreg:$0xb] =	wrdreg s4  }
0x42: {  	v48 =	vmul.u32 $0x2, v1;
	p0 =	slt.s32 s14, $0x0;
	s6 =	ssub.s32 s16, s17;
	s16 =	sadd.s32 $0x5, s14  }
0x43: {  	s14 =	smov.u32 @p0 s16;
	s16 =	sshra.s32 s18, $0x10;
	s12 =	sshll.u32 s6, $0x10  }
0x44: {  	v49 =	vor.u32 $0x1, v48;
	[tilespmem:$0x1FF90] =	vst v48;
	p0 =	slt.s32 s16, $0x0;
	s17 =	sadd.s32 $0x6, s16;
	s18 =	sshra.s32 s12, $0x10  }
0x45: {  	v3 =	vor.u32 $0x80, v48;
	[tilespmem:$0x1FFA0] =	vst v49;
	s16 =	smov.u32 @p0 s17;
	p0 =	slt.s32 s18, $0x0;
	s12 =	sadd.s32 $0x6, s18  }
0x46: {  	v4 =	vor.u32 $0x81, v48;
	[tilespmem:$0x1FFB0] =	vst v3;
	s11 =	sadd.s32 s11, s14;
	s18 =	smov.u32 @p0 s12;
	s16 =	smul.u32 $0x5, s16  }
0x47: {  	v5 =	vadd.s32 $0x82, v48;
	[tilespmem:$0x1FFC0] =	vst v4;
	[dreg:$0x11] =	wrdreg s28;
	s1 =	sadd.s32 s1, s11;
	s22 =	smul.u32 $0x5, s18  }
0x48: {  	v54 =	vor.u32 $0x101, v48;
	[tilespmem:$0x1FFD0] =	vst v5;
	[dreg:$0x12] =	wrdreg s0;
	s0 =	simm.s32 $0x9060;
	s1 =	sshll.u32 s1, $0xA  }
0x49: {  	v57 =	vadd.s32 $0x102, v48;
	[tilespmem:$0x1FFE0] =	vst v54;
	s1 =	sand.u32 $0x1FFFFC00, s1;
	s24 =	sadd.s32 s16, s11;
	s11 =	sadd.s32 s22, s11  }
0x4a: {  	[tilespmem:$0x1FFF0] =	vst v57;
	s14 =	simm.s32 $0x4560;
	s1 =	sadd.s32 s1, s19;
	s11 =	sshll.u32 s11, $0xA  }
0x4b: {  	[tilespmem:$0x1FF60] =	vst v0;
	v0 =	vmov s15;
	s4 =	sshll.u32 s24, $0xD;
	[dreg:$0xe] =	wrdreg s1;
	s11 =	sand.u32 $0x1FFFFC00, s11  }
0x4c: {  	[tilespmem:$0x1FF70] =	vst v0;
	s24 =	simm.s32 $0x360;
	s22 =	simm.s32 $0x6660;
	v0 =	vmov s4;
	s25 =	sadd.s32 s11, s21  }
0x4d: {  	v1 =	vimm.f32 $0.0e+00;
	s4 =	simm.s32 $0x3;
	[tilespmem:$0x1FF80] =	vst v0;
	s11 =	simm.s32 $0xA060;
	[dreg:$0xf] =	wrdreg s25  }
.LBB2_1:
0x4e: {  	[dreg:$0x14] =	wrdreg s7  }
0x4f: {  	s1 =	rddreg [dreg:$0x1];
	s15 =	simm.s32 $0x9  }
0x50: {  	[tilespmem:s5], [sflag:$0x9] =	stream.linear.gather [hbm4b:s1+s5], $0x360, $0x38;
	[tilespmem:$0xA860] =	vst v63  }
0x51: {  	_ =	swait.ge [sflag:s15], $0x360  }
0x52: {  	[sflag:s15] =	ssyncset.done $0x0  }
0x53: {  	v0 =	vld [tilespmem:$0x1FF60];
	[sflag:s15] =	ssyncadd.s32 $0xFFFFFCA0  }
0x54: {  	v11 =	vld [tilespmem:$0x0]  }
0x55: {  	v12 =	vld [tilespmem:$0x10]  }
0x56: {  	v13 =	vld [tilespmem:$0x20]  }
0x57: {  	v14 =	vld [tilespmem:$0x30];
	_ =	sdelay $0x1  }
0x58: {  	v11 =	vadd.s32 v0, v11  }
0x59: {  	v45 =	vadd.s32 v0, v12;
	[tilespmem:$0x8760] =	vst v11  }
0x5a: {  	v46 =	vadd.s32 v0, v13;
	[tilespmem:$0x8770] =	vst v45  }
0x5b: {  	v47 =	vadd.s32 v0, v14;
	[tilespmem:$0x8780] =	vst v46  }
0x5c: {  	s16 =	rddreg [dreg:$0x6];
	v2 =	vld [tilespmem:$0x40];
	[tilespmem:$0x8790] =	vst v47  }
0x5d: {  	v0 =	vld [tilespmem:$0x50];
	[tilespmem:s24], [sflag:$0x1] =	stream.linear.gather [hbm4b:s16+s5], $0x2000, $0x38  }
0x5e: {  	s17 =	simm.s32 $0x2360;
	s6 =	rddreg [dreg:$0x7]  }
0x5f: {  	[tilespmem:s17], [sflag:$0x1] =	stream.linear.gather [hbm4b:s6+s5], $0x40, $0x38;
	[tilespmem:$0xA860] =	vst v63  }
0x60: {  	s19 =	simm.s32 $0x23A0;
	s18 =	rddreg [dreg:$0x8]  }
0x61: {  	[tilespmem:s19], [sflag:$0x1] =	stream.linear.gather [hbm4b:s18+s5], $0x40, $0x38;
	[tilespmem:$0xA860] =	vst v63  }
0x62: {  	s20 =	simm.s32 $0x23E0  }
0x63: {  	[tilespmem:s20], [sflag:$0x1] =	stream.linear.gather [hbm4b:s16+s5], $0x8, $0x38;
	[tilespmem:$0xA860] =	vst v63  }
0x64: {  	s7 =	simm.s32 $0x40;
	s21 =	simm.s32 $0x8760;
	s12 =	simm.s32 $0x2420;
	[tilespmem:$0x1FF50] =	vst v0  }
0x65: {  	v0 =	vld [tilespmem:$0x1FF70];
	[tilespmem:s12], [sflag:$0x1] =	stream.indirect.gather [hbm4b:s2+s7], $0x1, s21, s7, $0xb8  }
0x66: {  	v50 =	vld [tilespmem:$0x0]  }
0x67: {  	v51 =	vld [tilespmem:$0x10]  }
0x68: {  	v15 =	vld [tilespmem:$0x20]  }
0x69: {  	v16 =	vld [tilespmem:$0x30];
	_ =	sdelay $0x1  }
0x6a: {  	v13 =	vadd.s32 v0, v50  }
0x6b: {  	v52 =	vadd.s32 v0, v51;
	[tilespmem:$0x87A0] =	vst v13  }
0x6c: {  	v53 =	vadd.s32 v0, v15;
	[tilespmem:$0x87B0] =	vst v52  }
0x6d: {  	v55 =	vadd.s32 v0, v16;
	[tilespmem:$0x87C0] =	vst v53  }
0x6e: {  	s23 =	rddreg [dreg:$0x9];
	[tilespmem:$0x87D0] =	vst v55  }
0x6f: {  	[tilespmem:s3], [sflag:$0x2] =	stream.linear.gather [hbm4b:s23+s5], $0x2000, $0x38;
	[tilespmem:$0xA860] =	vst v63  }
0x70: {  	s26 =	simm.s32 $0x4460;
	s25 =	rddreg [dreg:$0xb]  }
0x71: {  	[tilespmem:s26], [sflag:$0x2] =	stream.linear.gather [hbm4b:s25+s5], $0x40, $0x38;
	[tilespmem:$0xA860] =	vst v63  }
0x72: {  	s29 =	simm.s32 $0x44A0;
	s28 =	rddreg [dreg:$0xc]  }
0x73: {  	[tilespmem:s29], [sflag:$0x2] =	stream.linear.gather [hbm4b:s28+s5], $0x40, $0x38;
	[tilespmem:$0xA860] =	vst v63  }
0x74: {  	s15 =	simm.s32 $0x44E0  }
0x75: {  	[tilespmem:s15], [sflag:$0x2] =	stream.linear.gather [hbm4b:s16+s5], $0x8, $0x38;
	[tilespmem:$0xA860] =	vst v63  }
0x76: {  	s17 =	simm.s32 $0x4520;
	s16 =	simm.s32 $0x87A0  }
0x77: {  	v0 =	vld [tilespmem:$0x1FF80];
	[tilespmem:s17], [sflag:$0x2] =	stream.indirect.gather [hbm4b:s2+s7], $0x1, s16, s7, $0xb8  }
0x78: {  	v56 =	vld [tilespmem:$0x0]  }
0x79: {  	v58 =	vld [tilespmem:$0x10]  }
0x7a: {  	v59 =	vld [tilespmem:$0x20]  }
0x7b: {  	v60 =	vld [tilespmem:$0x30];
	_ =	sdelay $0x1  }
0x7c: {  	v13 =	vadd.s32 v0, v56  }
0x7d: {  	v61 =	vadd.s32 v0, v58;
	[tilespmem:$0x87E0] =	vst v13  }
0x7e: {  	v62 =	vadd.s32 v0, v59;
	[tilespmem:$0x87F0] =	vst v61  }
0x7f: {  	v63 =	vadd.s32 v0, v60;
	[tilespmem:$0x8800] =	vst v62  }
0x80: {  	s18 =	rddreg [dreg:$0xd];
	[tilespmem:$0x8810] =	vst v63  }
0x81: {  	[tilespmem:s14], [sflag:$0x3] =	stream.linear.gather [hbm4b:s18+s5], $0x2000, $0x38;
	[tilespmem:$0xA860] =	vst v63  }
0x82: {  	s19 =	rddreg [dreg:$0xe];
	s20 =	simm.s32 $0x6560  }
0x83: {  	[tilespmem:s20], [sflag:$0x3] =	stream.linear.gather [hbm4b:s19+s5], $0x40, $0x38;
	[tilespmem:$0xA860] =	vst v63  }
0x84: {  	s21 =	rddreg [dreg:$0xf];
	s23 =	simm.s32 $0x65A0  }
0x85: {  	[tilespmem:s23], [sflag:$0x3] =	stream.linear.gather [hbm4b:s21+s5], $0x40, $0x38;
	[tilespmem:$0xA860] =	vst v63  }
0x86: {  	s25 =	rddreg [dreg:$0x10];
	s26 =	simm.s32 $0x65E0  }
0x87: {  	[tilespmem:s26], [sflag:$0x3] =	stream.linear.gather [hbm4b:s25+s5], $0x8, $0x38;
	[tilespmem:$0xA860] =	vst v63  }
0x88: {  	[tilespmem:$0x1FF40] =	vst v2;
	s28 =	simm.s32 $0x87E0;
	s29 =	simm.s32 $0x6620;
	s15 =	simm.s32 $0x0  }
0x89: {  	[tilespmem:s29], [sflag:$0x3] =	stream.indirect.gather [hbm4b:s2+s7], $0x1, s28, s7, $0xb8;
	[tilespmem:$0xA860] =	vst v63  }
.LBB2_2:
0x8a: {  	s1 =	sshll.u32 s15, $0x2;
	s6 =	rddreg [dreg:$0x4]  }
0x8b: {  	s17 =	sadd.s32 s6, s1  }
0x8c: {  	s16 =	sor.u32 $0x3, s17  }
0x8d: {  	s7 =	smulhi.u32 $0x88888889, s16;
	_ =	sdelay $0x1  }
0x8e: {  	s1 =	sshrl.u32 s7, $0x4  }
0x8f: {  	s7 =	smul.u32 $0x1E, s1;
	_ =	sdelay $0x1  }
0x90: {  	s18 =	ssub.s32 s16, s7  }
0x91: {  	s19 =	smulhi.u32 $0x33333334, s18;
	_ =	sdelay $0x1  }
0x92: {  	s20 =	smul.u32 $0x5, s19;
	_ =	sdelay $0x1  }
0x93: {  	s18 =	ssub.s32 s18, s20  }
0x94: {  	s18 =	sadd.s32 $0x4, s18  }
0x95: {  	s21 =	smulhi.u32 $0x66666667, s18;
	s23 =	sshra.s32 s18, $0x1F  }
0x96: {  	s23 =	smul.u32 $0x66666667, s23;
	_ =	sdelay $0x1  }
0x97: {  	s21 =	sadd.s32 s23, s21  }
0x98: {  	s25 =	sadd.s32 $0x1, s19;
	s23 =	sshrl.u32 s21, $0x1F;
	s21 =	sshra.s32 s21, $0x1  }
0x99: {  	s12 =	smulhi.u32 $0x2AAAAAAB, s25;
	s21 =	sadd.s32 s23, s21  }
0x9a: {  	s21 =	smul.u32 $0x5, s21  }
0x9b: {  	s23 =	smul.u32 $0x6, s12  }
0x9c: {  	s18 =	ssub.s32 s18, s21  }
0x9d: {  	v13 =	vld [tilespmem:$0x0];
	s23 =	ssub.s32 s25, s23;
	p0 =	slt.s32 s18, $0x0;
	s21 =	sadd.s32 $0x5, s18  }
0x9e: {  	v14 =	vld [tilespmem:$0x10];
	s19 =	sadd.s32 $0x5, s19;
	s26 =	smul.u32 $0x5, s23;
	s18 =	smov.u32 @p0 s21  }
0x9f: {  	v15 =	vld [tilespmem:$0x20];
	s28 =	smulhi.u32 $0x2AAAAAAB, s19;
	s7 =	sadd.s32 s7, s18  }
0xa0: {  	v16 =	vld [tilespmem:$0x30];
	s18 =	sadd.s32 s26, s7  }
0xa1: {  	s21 =	smul.u32 $0x6, s28;
	s18 =	sshll.u32 s18, $0xD  }
0xa2: {  	v13 =	vadd.s32 s18, v13  }
0xa3: {  	s19 =	ssub.s32 s19, s21;
	v52 =	vadd.s32 s18, v14;
	[tilespmem:$0x8820] =	vst v13  }
0xa4: {  	s29 =	sshll.u32 s16, $0xA;
	s12 =	smul.u32 $0x5, s19;
	v53 =	vadd.s32 s18, v15;
	[tilespmem:$0x8830] =	vst v52  }
0xa5: {  	s6 =	sand.u32 $0x1FFFFC00, s29;
	s1 =	smul.u32 $0x3C000, s1;
	s20 =	sadd.s32 s20, s7;
	v55 =	vadd.s32 s18, v16;
	[tilespmem:$0x8840] =	vst v53  }
0xa6: {  	s21 =	sshll.u32 s20, $0xA;
	s18 =	sadd.s32 s2, s6;
	[tilespmem:$0x8850] =	vst v55;
	s7 =	sadd.s32 s12, s7  }
0xa7: {  	[tilespmem:s22], [sflag:$0x4] =	stream.linear.gather [hbm4b:s18+s5], $0x2000, $0x38;
	[tilespmem:$0xA860] =	vst v63  }
0xa8: {  	s23 =	rddreg [dreg:$0xa];
	s19 =	sand.u32 $0x1FFFFC00, s21;
	s7 =	sshll.u32 s7, $0xA  }
0xa9: {  	s26 =	simm.s32 $0x8660;
	s25 =	sadd.s32 s19, s23;
	s7 =	sand.u32 $0x1FFFFC00, s7  }
0xaa: {  	[tilespmem:s26], [sflag:$0x4] =	stream.linear.gather [hbm4b:s25+s5], $0x40, $0x38;
	[tilespmem:$0xA860] =	vst v63  }
0xab: {  	s1 =	sshrl.u32 s1, $0x3;
	s28 =	simm.s32 $0x86A0;
	s7 =	sadd.s32 s7, s13  }
0xac: {  	[tilespmem:s28], [sflag:$0x4] =	stream.linear.gather [hbm4b:s7+s5], $0x40, $0x38;
	[tilespmem:$0xA860] =	vst v63  }
0xad: {  	s29 =	simm.s32 $0x86E0;
	s1 =	sadd.s32 s2, s1  }
0xae: {  	[tilespmem:s29], [sflag:$0x4] =	stream.linear.gather [hbm4b:s1+s5], $0x8, $0x38;
	[tilespmem:$0xA860] =	vst v63  }
0xaf: {  	s12 =	simm.s32 $0x8820;
	s18 =	simm.s32 $0x8720;
	s7 =	simm.s32 $0x40  }
0xb0: {  	[tilespmem:s18], [sflag:$0x4] =	stream.indirect.gather [hbm4b:s2+s7], $0x1, s12, s7, $0xb8;
	[tilespmem:$0xA860] =	vst v63  }
0xb1: {  	_ =	swait.ge [sflag:s10], $0x2000  }
0xb2: {  	[sflag:s10] =	ssyncset.done $0x0  }
0xb3: {  	[sflag:s10] =	ssyncadd.s32 $0xFFFFE000  }
0xb4: {  	_ =	swait.ge [sflag:s10], $0x40  }
0xb5: {  	[sflag:s10] =	ssyncset.done $0x0  }
0xb6: {  	[sflag:s10] =	ssyncadd.s32 $0xFFFFFFC0  }
0xb7: {  	_ =	swait.ge [sflag:s10], $0x40  }
0xb8: {  	[sflag:s10] =	ssyncset.done $0x0  }
0xb9: {  	[sflag:s10] =	ssyncadd.s32 $0xFFFFFFC0  }
0xba: {  	_ =	swait.ge [sflag:s10], $0x8  }
0xbb: {  	[sflag:s10] =	ssyncset.done $0x0  }
0xbc: {  	[sflag:s10] =	ssyncadd.s32 $0xFFFFFFF8  }
0xbd: {  	_ =	swait.ge [sflag:s10], $0x40  }
0xbe: {  	v0 =	vld [tilespmem:$0x1FF40];
	_ =	sdelay $0x3  }
0xbf: {  	s19 =	simm.s32 $0x0  }
0xc0: {  	s20 =	smax.u32 s19, $0x21  }
0xc1: {  	s1 =	sadd.s32 $0xFFFFFFDF, s20;
	[sflag:s10] =	ssyncset.done $0x0  }
0xc2: {  	p0 =	seq.s32 s15, $0x0;
	v56 =	vadd.s32 s1, v48;
	[sflag:s10] =	ssyncadd.s32 $0xFFFFFFC0  }
0xc3: {  	v58 =	vadd.s32 s1, v49;
	s7 =	simm.s32 @!p0 $0x5;
	[tilespmem:v0+s24+$0x0] =	vst.idx.msk $0xffff, v1  }
0xc4: {  	v15 =	vadd.s32 s1, v3;
	_ =	swait.ge @!p0 [sflag:s7], $0x800  }
0xc5: {  	v16 =	vadd.s32 s1, v4;
	[sflag:s7] =	ssyncset.done @!p0 $0x0  }
0xc6: {  	v17 =	vadd.s32 s1, v5;
	v2 =	vld [tilespmem:$0x1FF90];
	[sflag:s7] =	ssyncadd.s32 @!p0 $0xFFFFF800  }
0xc7: {  	s23 =	smax.u32 s19, $0x61;
	v18 =	vadd.s32 s1, v54;
	v13 =	vld.idx.msk [tilespmem:v56+s24+$0x0], $0xffff  }
0xc8: {  	v20 =	vadd.s32 s1, v57;
	s1 =	sadd.s32 $0xFFFFFF9F, s23;
	v14 =	vld.idx.msk [tilespmem:v58+s24+$0x0], $0xffff  }
0xc9: {  	v26 =	vadd.s32 s1, v48;
	v15 =	vld.idx.msk [tilespmem:v15+s24+$0x0], $0xffff  }
0xca: {  	v27 =	vadd.s32 s1, v49;
	v16 =	vld.idx.msk [tilespmem:v16+s24+$0x0], $0xffff  }
0xcb: {  	v28 =	vadd.s32 s1, v3;
	v17 =	vld.idx.msk [tilespmem:v17+s24+$0x0], $0xffff  }
0xcc: {  	v29 =	vadd.s32 s1, v4;
	v18 =	vld.idx.msk [tilespmem:v18+s24+$0x0], $0xffff  }
0xcd: {  	s18 =	smax.u32 s19, $0x41;
	v30 =	vadd.s32 s1, v5;
	v20 =	vld.idx.msk [tilespmem:v20+s24+$0x0], $0xffff  }
0xce: {  	v31 =	vadd.s32 s1, v54;
	s18 =	sadd.s32 $0xFFFFFFBF, s18;
	v26 =	vld.idx.msk [tilespmem:v26+s24+$0x0], $0xffff  }
0xcf: {  	v32 =	vadd.s32 s18, v48;
	v27 =	vld.idx.msk [tilespmem:v27+s24+$0x0], $0xffff  }
0xd0: {  	v33 =	vadd.s32 s18, v49;
	v28 =	vld.idx.msk [tilespmem:v28+s24+$0x0], $0xffff  }
0xd1: {  	v34 =	vadd.s32 s18, v3;
	v29 =	vld.idx.msk [tilespmem:v29+s24+$0x0], $0xffff  }
0xd2: {  	v35 =	vadd.s32 s18, v4;
	v30 =	vld.idx.msk [tilespmem:v30+s24+$0x0], $0xffff  }
0xd3: {  	v36 =	vadd.s32 s18, v5;
	v31 =	vld.idx.msk [tilespmem:v31+s24+$0x0], $0xffff  }
0xd4: {  	s25 =	simm.s32 $0x7F;
	v37 =	vadd.s32 s18, v54;
	v32 =	vld.idx.msk [tilespmem:v32+s24+$0x0], $0xffff  }
0xd5: {  	v38 =	vadd.s32 s25, v48;
	v33 =	vld.idx.msk [tilespmem:v33+s24+$0x0], $0xffff  }
0xd6: {  	v39 =	vadd.s32 s25, v49;
	v34 =	vld.idx.msk [tilespmem:v34+s24+$0x0], $0xffff  }
0xd7: {  	v40 =	vadd.s32 s25, v3;
	v35 =	vld.idx.msk [tilespmem:v35+s24+$0x0], $0xffff  }
0xd8: {  	v41 =	vadd.s32 s25, v4;
	v36 =	vld.idx.msk [tilespmem:v36+s24+$0x0], $0xffff  }
0xd9: {  	v42 =	vadd.s32 s25, v5;
	v37 =	vld.idx.msk [tilespmem:v37+s24+$0x0], $0xffff  }
0xda: {  	s26 =	simm.s32 $0x9F;
	v43 =	vadd.s32 s25, v54;
	v38 =	vld.idx.msk [tilespmem:v38+s24+$0x0], $0xffff  }
0xdb: {  	v44 =	vadd.s32 s26, v48;
	v39 =	vld.idx.msk [tilespmem:v39+s24+$0x0], $0xffff  }
0xdc: {  	v46 =	vadd.s32 s26, v3;
	v40 =	vld.idx.msk [tilespmem:v40+s24+$0x0], $0xffff  }
0xdd: {  	v47 =	vadd.s32 s26, v4;
	v0 =	vld.idx.msk [tilespmem:v41+s24+$0x0], $0xffff  }
0xde: {  	v42 =	vld.idx.msk [tilespmem:v42+s24+$0x0], $0xffff  }
0xdf: {  	v50 =	vmov v54;
	s21 =	smax.u32 s19, $0x81;
	v60 =	vadd.s32 s26, v54;
	s28 =	simm.s32 $0xBF;
	v1 =	vld.idx.msk [tilespmem:v43+s24+$0x0], $0xffff  }
0xe0: {  	v9 =	vadd.s32 s28, v50;
	s7 =	sadd.s32 $0xFFFFFF7F, s21;
	v44 =	vld.idx.msk [tilespmem:v44+s24+$0x0], $0xffff  }
0xe1: {  	v19 =	vadd.s32 s7, v48;
	v62 =	vld.idx.msk [tilespmem:v46+s24+$0x0], $0xffff  }
0xe2: {  	v21 =	vadd.s32 s7, v49;
	v63 =	vld.idx.msk [tilespmem:v47+s24+$0x0], $0xffff  }
0xe3: {  	v22 =	vadd.s32 s7, v3;
	v48 =	vld [tilespmem:$0x1FF90]  }
0xe4: {  	v23 =	vadd.s32 s7, v4;
	v6 =	vld.idx.msk [tilespmem:v60+s24+$0x0], $0xffff  }
0xe5: {  	v24 =	vadd.s32 s7, v5;
	v60 =	vld.idx.msk [tilespmem:v9+s24+$0x0], $0xffff  }
0xe6: {  	v25 =	vadd.s32 s7, v54;
	v19 =	vld.idx.msk [tilespmem:v19+s24+$0x0], $0xffff  }
0xe7: {  	v45 =	vadd.s32 s26, v49;
	v21 =	vld.idx.msk [tilespmem:v21+s24+$0x0], $0xffff  }
0xe8: {  	v8 =	vadd.s32 s28, v5;
	v22 =	vld.idx.msk [tilespmem:v22+s24+$0x0], $0xffff;
	v13 =	vadd.f32 v14, v13  }
0xe9: {  	v59 =	vadd.s32 s26, v5;
	v23 =	vld.idx.msk [tilespmem:v23+s24+$0x0], $0xffff;
	v15 =	vadd.f32 v16, v15;
	v16 =	vadd.f32 v18, v17  }
0xea: {  	v52 =	vmov v3;
	v7 =	vadd.s32 s28, v2;
	v24 =	vld.idx.msk [tilespmem:v24+s24+$0x0], $0xffff  }
0xeb: {  	v51 =	vmovc v49;
	v25 =	vld.idx.msk [tilespmem:v25+s24+$0x0], $0xffff;
	v17 =	vadd.s32 s28, v52;
	v13 =	vadd.f32 v15, v13;
	v15 =	vadd.f32 v20, v16  }
0xec: {  	v61 =	vadd.s32 s28, v51;
	s29 =	simm.s32 $0xDF;
	v2 =	vld.idx.msk [tilespmem:v45+s24+$0x0], $0xffff;
	v18 =	vadd.s32 s28, v4  }
0xed: {  	v10 =	vadd.s32 s29, v51;
	v58 =	vadd.f32 v31, v30;
	v31 =	vld.idx.msk [tilespmem:v8+s24+$0x0], $0xffff;
	v12 =	vadd.f32 v15, v13  }
0xee: {  	v11 =	vadd.s32 s29, v52;
	v54 =	vmovc v5;
	v45 =	vld.idx.msk [tilespmem:v59+s24+$0x0], $0xffff;
	v16 =	vadd.f32 v21, v19;
	v46 =	vadd.f32 v23, v22  }
0xef: {  	v47 =	vadd.s32 s29, v54;
	v22 =	vld.idx.msk [tilespmem:v7+s24+$0x0], $0xffff;
	v19 =	vadd.f32 v27, v26;
	v21 =	vadd.f32 v29, v28  }
0xf0: {  	v20 =	vadd.s32 s29, v48;
	v49 =	vadd.f32 v25, v24;
	v56 =	vld.idx.msk [tilespmem:v17+s24+$0x0], $0xffff;
	v17 =	vadd.f32 v33, v32  }
0xf1: {  	v53 =	vmovc v4;
	v59 =	vadd.s32 s29, v50;
	v30 =	vld.idx.msk [tilespmem:v18+s24+$0x0], $0xffff;
	v18 =	vadd.f32 v35, v34;
	v26 =	vadd.f32 v0, v40  }
0xf2: {  	v23 =	vadd.s32 s29, v53;
	v29 =	vld.idx.msk [tilespmem:v61+s24+$0x0], $0xffff;
	v61 =	vadd.f32 v63, v62;
	v31 =	vadd.f32 v60, v31  }
0xf3: {  	v25 =	vadd.s32 s7, v57;
	v55 =	vadd.f32 v46, v16;
	v16 =	vadd.f32 v21, v19  }
0xf4: {  	v24 =	vadd.s32 s1, v57;
	v32 =	vld.idx.msk [tilespmem:v11+s24+$0x0], $0xffff;
	v21 =	vadd.f32 v39, v38;
	v17 =	vadd.f32 v18, v17  }
0xf5: {  	v27 =	vadd.s32 s18, v57;
	v19 =	vadd.f32 v37, v36;
	v38 =	vld.idx.msk [tilespmem:v20+s24+$0x0], $0xffff;
	v20 =	vadd.f32 v2, v44  }
0xf6: {  	v28 =	vadd.s32 s25, v57;
	v34 =	vld.idx.msk [tilespmem:v47+s24+$0x0], $0xffff;
	v43 =	vadd.f32 v26, v21;
	v21 =	vadd.f32 v1, v42  }
0xf7: {  	v35 =	vld.idx.msk [tilespmem:v59+s24+$0x0], $0xffff;
	v62 =	vmul.f32 $1.428571490e-01, v12;
	v22 =	vadd.f32 v29, v22;
	v63 =	vadd.f32 v30, v56  }
0xf8: {  	s18 =	simm.s32 $0x0;
	v36 =	vld.idx.msk [tilespmem:v10+s24+$0x0], $0xffff;
	v26 =	vadd.s32 s26, v57;
	v20 =	vadd.f32 v61, v20;
	v29 =	vadd.s32 s28, v57  }
0xf9: {  	s23 =	simm.s32 $0x200;
	s19 =	simm.s32 $0x0;
	[tilespmem:s18+$0x8890] =	vst v62;
	v33 =	vld.idx.msk [tilespmem:v23+s24+$0x0], $0xffff;
	v23 =	vadd.f32 v6, v45;
	v30 =	vadd.s32 s29, v57;
	v22 =	vadd.f32 v63, v22  }
.LBB2_3:
0xfa: {  	_ = 	snop  }
0xfb: {  	s21 =	smax.u32 s23, $0x21;
	v0 =	vld.idx.msk [tilespmem:v25+s24+$0x0], $0xffff  }
0xfc: {  	v44 =	vld.idx.msk [tilespmem:v24+s24+$0x0], $0xffff;
	s29 =	sadd.s32 $0xFFFFFFDF, s21  }
0xfd: {  	v46 =	vld.idx.msk [tilespmem:v27+s24+$0x0], $0xffff;
	v39 =	vadd.s32 s29, v52  }
0xfe: {  	v59 =	vld.idx.msk [tilespmem:v28+s24+$0x0], $0xffff;
	v40 =	vadd.s32 s29, v53  }
0xff: {  	s25 =	smax.u32 s23, $0x81;
	v61 =	vld.idx.msk [tilespmem:v29+s24+$0x0], $0xffff;
	v29 =	vadd.s32 s29, v54  }
0x100: {  	s1 =	smax.u32 s23, $0x61;
	v60 =	vld.idx.msk [tilespmem:v26+s24+$0x0], $0xffff;
	s25 =	sadd.s32 $0xFFFFFF7F, s25;
	v47 =	vadd.s32 s29, v57  }
0x101: {  	s7 =	sadd.s32 $0xFFFFFF9F, s1;
	v27 =	vadd.s32 s25, v51;
	[tilespmem:$0x1FE30] =	vst v0;
	v0 =	vld.idx.msk [tilespmem:v30+s24+$0x0], $0xffff  }
0x102: {  	s20 =	smax.u32 s23, $0x41;
	v2 =	vadd.s32 s7, v54;
	v6 =	vld.idx.msk [tilespmem:v39+s24+$0x0], $0xffff  }
0x103: {  	s28 =	sadd.s32 $0xFFFFFFBF, s20;
	v3 =	vadd.s32 s7, v50;
	v8 =	vld.idx.msk [tilespmem:v40+s24+$0x0], $0xffff  }
0x104: {  	v11 =	vadd.s32 s28, v51;
	v29 =	vld.idx.msk [tilespmem:v29+s24+$0x0], $0xffff  }
0x105: {  	v12 =	vadd.s32 s28, v52;
	[tilespmem:$0x1FE50] =	vst v46;
	v46 =	vld.idx.msk [tilespmem:v47+s24+$0x0], $0xffff  }
0x106: {  	v1 =	vadd.s32 s28, v53;
	v47 =	vld.idx.msk [tilespmem:v27+s24+$0x0], $0xffff  }
0x107: {  	s21 =	sadd.s32 $0x7F, s23;
	v5 =	vadd.s32 s28, v54;
	v2 =	vld.idx.msk [tilespmem:v2+s24+$0x0], $0xffff  }
0x108: {  	s6 =	sadd.s32 $0x9F, s23;
	v10 =	vadd.s32 s21, v51;
	v3 =	vld.idx.msk [tilespmem:v3+s24+$0x0], $0xffff  }
0x109: {  	v18 =	vadd.s32 s6, v52;
	v13 =	vadd.s32 s21, v52;
	v11 =	vld.idx.msk [tilespmem:v11+s24+$0x0], $0xffff  }
0x10a: {  	v41 =	vadd.s32 s21, v54;
	[tilespmem:$0x1FE80] =	vst v18;
	v18 =	vadd.s32 s6, v53;
	v12 =	vld.idx.msk [tilespmem:v12+s24+$0x0], $0xffff  }
0x10b: {  	s12 =	sadd.s32 $0xBF, s23;
	v28 =	vadd.s32 s25, v52;
	[tilespmem:$0x1FE90] =	vst v18;
	v18 =	vadd.s32 s6, v54;
	v1 =	vld.idx.msk [tilespmem:v1+s24+$0x0], $0xffff  }
0x10c: {  	v24 =	vadd.s32 s29, v48;
	[tilespmem:$0x1FEA0] =	vst v18;
	v18 =	vadd.s32 s12, v48;
	v5 =	vld.idx.msk [tilespmem:v5+s24+$0x0], $0xffff  }
0x10d: {  	v45 =	vadd.f32 v36, v38;
	v36 =	vadd.s32 s29, v51;
	[tilespmem:$0x1FEB0] =	vst v18;
	v18 =	vadd.s32 s12, v51;
	v10 =	vld.idx.msk [tilespmem:v10+s24+$0x0], $0xffff  }
0x10e: {  	v25 =	vadd.s32 s25, v48;
	v13 =	vld.idx.msk [tilespmem:v13+s24+$0x0], $0xffff  }
0x10f: {  	v56 =	vadd.s32 s7, v48;
	v21 =	vadd.f32 v59, v21;
	v59 =	vld.idx.msk [tilespmem:v41+s24+$0x0], $0xffff  }
0x110: {  	v4 =	vadd.s32 s28, v48;
	[tilespmem:$0x1FEC0] =	vst v18;
	v18 =	vmov v16;
	v16 =	vld.idx.msk [tilespmem:v28+s24+$0x0], $0xffff  }
0x111: {  	v30 =	vadd.s32 s29, v50;
	v24 =	vld.idx.msk [tilespmem:v24+s24+$0x0], $0xffff  }
0x112: {  	v38 =	vadd.s32 s21, v50;
	v42 =	vld.idx.msk [tilespmem:v36+s24+$0x0], $0xffff  }
0x113: {  	v15 =	vld.idx.msk [tilespmem:v25+s24+$0x0], $0xffff  }
0x114: {  	v37 =	vadd.s32 s25, v53;
	v56 =	vld.idx.msk [tilespmem:v56+s24+$0x0], $0xffff  }
0x115: {  	[tilespmem:$0x1FE40] =	vst v44;
	v44 =	vadd.s32 s25, v50;
	v4 =	vld.idx.msk [tilespmem:v4+s24+$0x0], $0xffff  }
0x116: {  	[tilespmem:$0x1FE70] =	vst v17;
	v26 =	vadd.s32 s25, v54;
	v30 =	vld.idx.msk [tilespmem:v30+s24+$0x0], $0xffff  }
0x117: {  	v9 =	vadd.s32 s21, v48;
	v31 =	vadd.f32 v61, v31;
	[tilespmem:$0x1FE60] =	vst v45;
	v25 =	vadd.s32 s12, v54;
	v61 =	vld.idx.msk [tilespmem:v38+s24+$0x0], $0xffff  }
0x118: {  	s26 =	sadd.s32 $0xDF, s23;
	v17 =	vadd.s32 s7, v51;
	v38 =	vld [tilespmem:$0x1FEA0];
	[tilespmem:$0x1FEF0] =	vst v25;
	v25 =	vadd.s32 s12, v50  }
0x119: {  	v45 =	vadd.s32 s12, v52;
	v39 =	vadd.s32 s6, v48;
	[tilespmem:$0x1FF00] =	vst v25;
	v25 =	vadd.s32 s26, v48;
	v48 =	vld.idx.msk [tilespmem:v37+s24+$0x0], $0xffff  }
0x11a: {  	v62 =	vadd.s32 s7, v52;
	v34 =	vadd.f32 v35, v34;
	[tilespmem:$0x1FED0] =	vst v45;
	v45 =	vld.idx.msk [tilespmem:v44+s24+$0x0], $0xffff  }
0x11b: {  	v28 =	vadd.f32 v42, v24;
	v42 =	vld.idx.msk [tilespmem:v26+s24+$0x0], $0xffff;
	v26 =	vadd.f32 v30, v29  }
0x11c: {  	v63 =	vadd.s32 s7, v53;
	v0 =	vadd.f32 v0, v34;
	v34 =	vld.idx.msk [tilespmem:v9+s24+$0x0], $0xffff  }
0x11d: {  	v30 =	vadd.f32 v46, v26;
	v46 =	vld.idx.msk [tilespmem:v17+s24+$0x0], $0xffff  }
0x11e: {  	v15 =	vadd.f32 v47, v15;
	v16 =	vadd.f32 v48, v16;
	v17 =	vld [tilespmem:$0x1FE30]  }
0x11f: {  	v47 =	vld.idx.msk [tilespmem:v62+s24+$0x0], $0xffff  }
0x120: {  	v8 =	vadd.f32 v8, v6;
	v15 =	vadd.f32 v16, v15;
	v16 =	vld [tilespmem:$0x1FE50]  }
0x121: {  	v14 =	vadd.s32 s21, v53;
	v62 =	vld.idx.msk [tilespmem:v63+s24+$0x0], $0xffff  }
0x122: {  	v7 =	vadd.s32 s28, v50;
	v8 =	vadd.f32 v8, v28;
	v48 =	vld [tilespmem:$0x1FF90]  }
0x123: {  	v63 =	vadd.f32 v17, v49;
	v49 =	vadd.f32 v45, v42;
	v45 =	vld [tilespmem:$0x1FE40]  }
0x124: {  	v32 =	vadd.f32 v33, v32;
	v42 =	vld [tilespmem:$0x1FE70]  }
0x125: {  	v8 =	vadd.f32 v30, v8;
	v17 =	vld [tilespmem:$0x1FE60];
	v16 =	vadd.f32 v16, v19  }
0x126: {  	v19 =	vadd.f32 v46, v56;
	v56 =	vld.idx.msk [tilespmem:v14+s24+$0x0], $0xffff;
	v33 =	vadd.f32 v63, v55  }
0x127: {  	v8 =	vmul.f32 $1.428571490e-01, v8;
	v63 =	vld.idx.msk [tilespmem:v7+s24+$0x0], $0xffff  }
0x128: {  	s29 =	sshra.s32 s23, $0x2;
	[tilespmem:$0x1FF10] =	vst v25;
	v62 =	vadd.f32 v62, v47;
	v35 =	vmul.f32 $1.428571490e-01, v33;
	v33 =	vld [tilespmem:$0x1FE80]  }
0x129: {  	v25 =	vadd.s32 s26, v51;
	[tilespmem:s29+$0x8890] =	vst v8;
	v8 =	vadd.f32 v45, v58;
	v9 =	vadd.f32 v16, v42;
	v42 =	vld [tilespmem:$0x1FEC0]  }
0x12a: {  	v40 =	vadd.s32 s6, v51;
	[tilespmem:$0x1FF20] =	vst v25;
	v45 =	vadd.f32 v21, v43;
	v21 =	vadd.f32 v61, v59;
	v59 =	vld [tilespmem:$0x1FF10]  }
0x12b: {  	v23 =	vadd.f32 v60, v23;
	v55 =	vmov v15;
	v15 =	vadd.f32 v62, v19;
	v61 =	vld [tilespmem:$0x1FF20]  }
0x12c: {  	v32 =	vadd.f32 v32, v17;
	v58 =	vadd.f32 v3, v2;
	[tilespmem:s18+$0x8860] =	vst v35;
	v35 =	vld [tilespmem:$0x1FE90]  }
0x12d: {  	v3 =	vadd.f32 v10, v34;
	v34 =	vadd.f32 v56, v13;
	v56 =	vld [tilespmem:$0x1FF00]  }
0x12e: {  	v8 =	vadd.f32 v8, v18;
	v19 =	vadd.f32 v63, v5;
	v63 =	vld.idx.msk [tilespmem:v39+s24+$0x0], $0xffff  }
0x12f: {  	v47 =	vadd.f32 v23, v20;
	v0 =	vadd.f32 v0, v32;
	v32 =	vld.idx.msk [tilespmem:v40+s24+$0x0], $0xffff  }
0x130: {  	v27 =	vadd.s32 s12, v53;
	v40 =	vld [tilespmem:$0x1FEB0];
	v46 =	vmul.f32 $1.428571490e-01, v8  }
0x131: {  	[tilespmem:$0x1FEE0] =	vst v27;
	v36 =	vadd.s32 s6, v50;
	v60 =	vmul.f32 $1.428571490e-01, v45;
	v45 =	vld [tilespmem:$0x1FED0];
	v8 =	vmul.f32 $1.428571490e-01, v47  }
0x132: {  	v37 =	vadd.s32 s26, v52;
	v47 =	vld [tilespmem:$0x1FEF0];
	[tilespmem:s18+$0x8870] =	vst v46  }
0x133: {  	v0 =	vmul.f32 $1.428571490e-01, v0;
	[tilespmem:s18+$0x88B0] =	vst v8;
	v46 =	vld [tilespmem:$0x1FEE0]  }
0x134: {  	v7 =	vld.idx.msk [tilespmem:v33+s24+$0x0], $0xffff  }
0x135: {  	v16 =	vmov v15;
	v15 =	vadd.f32 v31, v22;
	[tilespmem:s18+$0x88D0] =	vst v0;
	v0 =	vld.idx.msk [tilespmem:v38+s24+$0x0], $0xffff  }
0x136: {  	v39 =	vld.idx.msk [tilespmem:v36+s24+$0x0], $0xffff  }
0x137: {  	v24 =	vadd.s32 s26, v53;
	v62 =	vmul.f32 $1.428571490e-01, v15;
	v41 =	vadd.f32 v32, v63;
	v32 =	vld.idx.msk [tilespmem:v37+s24+$0x0], $0xffff  }
0x138: {  	v1 =	vadd.f32 v1, v12;
	v4 =	vadd.f32 v11, v4;
	[tilespmem:$0x1FF30] =	vst v24;
	v8 =	vld.idx.msk [tilespmem:v35+s24+$0x0], $0xffff  }
0x139: {  	[tilespmem:s18+$0x88C0] =	vst v62;
	v63 =	vld [tilespmem:$0x1FF30]  }
0x13a: {  	v17 =	vadd.f32 v1, v4;
	v4 =	vld.idx.msk [tilespmem:v42+s24+$0x0], $0xffff  }
0x13b: {  	v6 =	vadd.s32 s26, v54;
	v2 =	vld.idx.msk [tilespmem:v40+s24+$0x0], $0xffff  }
0x13c: {  	v9 =	vmul.f32 $1.428571490e-01, v9;
	v5 =	vld.idx.msk [tilespmem:v45+s24+$0x0], $0xffff  }
0x13d: {  	v7 =	vadd.f32 v8, v7;
	v8 =	vld.idx.msk [tilespmem:v46+s24+$0x0], $0xffff  }
0x13e: {  	s19 =	sadd.s32 $0x8, s19;
	v44 =	vadd.s32 s26, v50;
	[tilespmem:s18+$0x8880] =	vst v9;
	v9 =	vld.idx.msk [tilespmem:v47+s24+$0x0], $0xffff  }
0x13f: {  	p1 =	slt.u32 s19, $0x78;
	v23 =	vadd.f32 v39, v0;
	v0 =	vld.idx.msk [tilespmem:v56+s24+$0x0], $0xffff  }
.Ltmp0:
0x140: {  	v43 =	vadd.f32 v34, v3;
	v34 =	vld.idx.msk [tilespmem:v6+s24+$0x0], $0xffff;
	(pc) =	sbr.rel @p1 .LBB2_3-.Ltmp0, $4  }
0x141: {  	v27 =	vadd.s32 s28, v57;
	v25 =	vadd.s32 s25, v57;
	v24 =	vadd.s32 s7, v57;
	v38 =	vld.idx.msk [tilespmem:v59+s24+$0x0], $0xffff  }
0x142: {  	v29 =	vadd.s32 s12, v57;
	[tilespmem:s18+$0x88A0] =	vst v60;
	v36 =	vld.idx.msk [tilespmem:v61+s24+$0x0], $0xffff;
	v60 =	vadd.f32 v4, v2;
	v62 =	vadd.f32 v8, v5  }
0x143: {  	v28 =	vadd.s32 s21, v57;
	v26 =	vadd.s32 s6, v57;
	v35 =	vld.idx.msk [tilespmem:v44+s24+$0x0], $0xffff;
	v20 =	vadd.f32 v7, v41  }
0x144: {  	s23 =	sadd.s32 $0x200, s23;
	v30 =	vadd.s32 s26, v57;
	s18 =	smov.u32 s29;
	v33 =	vld.idx.msk [tilespmem:v63+s24+$0x0], $0xffff;
	v31 =	vadd.f32 v0, v9;
	v22 =	vadd.f32 v62, v60  }
0x145: {  	_ =	sdelay $0x3  }
0x146: {  	v0 =	vld.idx.msk [tilespmem:v25+s24+$0x0], $0xffff  }
0x147: {  	v1 =	vld.idx.msk [tilespmem:v24+s24+$0x0], $0xffff  }
0x148: {  	v2 =	vld.idx.msk [tilespmem:v27+s24+$0x0], $0xffff  }
0x149: {  	v3 =	vld.idx.msk [tilespmem:v28+s24+$0x0], $0xffff  }
0x14a: {  	v4 =	vld.idx.msk [tilespmem:v26+s24+$0x0], $0xffff  }
0x14b: {  	v6 =	vld.idx.msk [tilespmem:v29+s24+$0x0], $0xffff;
	v5 =	vadd.f32 v36, v38  }
0x14c: {  	v8 =	vadd.f32 v35, v34;
	v7 =	vadd.f32 v33, v32  }
0x14d: {  	v9 =	vld.idx.msk [tilespmem:v30+s24+$0x0], $0xffff;
	v0 =	vadd.f32 v0, v49;
	v1 =	vadd.f32 v1, v58  }
0x14e: {  	v2 =	vadd.f32 v2, v19;
	v3 =	vadd.f32 v3, v21  }
0x14f: {  	v4 =	vadd.f32 v4, v23;
	v0 =	vadd.f32 v0, v55  }
0x150: {  	v6 =	vadd.f32 v6, v31;
	v1 =	vadd.f32 v1, v16  }
0x151: {  	v5 =	vadd.f32 v7, v5;
	v2 =	vadd.f32 v2, v17;
	v0 =	vmul.f32 $1.428571490e-01, v0  }
0x152: {  	v7 =	vadd.f32 v9, v8;
	v3 =	vadd.f32 v3, v43;
	v1 =	vmul.f32 $1.428571490e-01, v1  }
0x153: {  	v30 =	vadd.f32 v4, v20;
	v4 =	vadd.f32 v6, v22;
	v2 =	vmul.f32 $1.428571490e-01, v2;
	[tilespmem:s18+$0x8860] =	vst v0  }
0x154: {  	v31 =	vmul.f32 $1.428571490e-01, v3;
	[tilespmem:s18+$0x8870] =	vst v1  }
0x155: {  	v3 =	vadd.f32 v7, v5;
	v32 =	vmul.f32 $1.428571490e-01, v4;
	[tilespmem:s18+$0x8880] =	vst v2  }
0x156: {  	v0 =	vmul.f32 $1.428571490e-01, v30;
	[tilespmem:s18+$0x88A0] =	vst v31  }
0x157: {  	v33 =	vmul.f32 $1.428571490e-01, v3;
	[tilespmem:s18+$0x88C0] =	vst v32  }
0x158: {  	[tilespmem:s18+$0x88B0] =	vst v0  }
0x159: {  	[tilespmem:s18+$0x88D0] =	vst v33  }
0x15a: {  	v0 =	vld [tilespmem:$0x60]  }
0x15b: {  	v1 =	vld [tilespmem:$0xC0]  }
0x15c: {  	v2 =	vld [tilespmem:$0x120]  }
0x15d: {  	v3 =	vld [tilespmem:$0x180]  }
0x15e: {  	v4 =	vld [tilespmem:$0x1E0]  }
0x15f: {  	v5 =	vld [tilespmem:$0x240];
	_ =	sdelay $0x1  }
0x160: {  	v6 =	vld [tilespmem:$0x2A0]  }
0x161: {  	v0 =	vld.idx.msk [tilespmem:v0+s24+$0x0], $0xffff  }
0x162: {  	v1 =	vld.idx.msk [tilespmem:v1+s24+$0x0], $0xffff  }
0x163: {  	v2 =	vld.idx.msk [tilespmem:v2+s24+$0x0], $0xffff  }
0x164: {  	v3 =	vld.idx.msk [tilespmem:v3+s24+$0x0], $0xffff  }
0x165: {  	v4 =	vld.idx.msk [tilespmem:v4+s24+$0x0], $0xffff  }
0x166: {  	v5 =	vld.idx.msk [tilespmem:v5+s24+$0x0], $0xffff;
	_ =	sdelay $0x1  }
0x167: {  	v6 =	vld.idx.msk [tilespmem:v6+s24+$0x0], $0xffff;
	_ =	sdelay $0x1  }
0x168: {  	v0 =	vadd.f32 v1, v0  }
0x169: {  	v34 =	vadd.f32 v3, v2;
	v35 =	vadd.f32 v5, v4;
	v3 =	vld [tilespmem:$0x300];
	_ =	sdelay $0x1  }
0x16a: {  	v0 =	vadd.f32 v34, v0;
	v36 =	vadd.f32 v6, v35;
	_ =	sdelay $0x1  }
0x16b: {  	v0 =	vadd.f32 v36, v0;
	_ =	sdelay $0x1  }
0x16c: {  	v0 =	vmul.f32 $1.428571490e-01, v0;
	_ =	sdelay $0x1  }
0x16d: {  	[tilespmem:v3+s30+$0x0] =	vst.idx.msk $0xffff, v0  }
0x16e: {  	v0 =	vld [tilespmem:$0x70]  }
0x16f: {  	v37 =	vld [tilespmem:$0xD0]  }
0x170: {  	v38 =	vld [tilespmem:$0x130]  }
0x171: {  	v3 =	vld [tilespmem:$0x190]  }
0x172: {  	v4 =	vld [tilespmem:$0x1F0]  }
0x173: {  	v5 =	vld [tilespmem:$0x250];
	_ =	sdelay $0x1  }
0x174: {  	v6 =	vld [tilespmem:$0x2B0]  }
0x175: {  	v0 =	vld.idx.msk [tilespmem:v0+s24+$0x0], $0xffff  }
0x176: {  	v1 =	vld.idx.msk [tilespmem:v37+s24+$0x0], $0xffff  }
0x177: {  	v2 =	vld.idx.msk [tilespmem:v38+s24+$0x0], $0xffff  }
0x178: {  	v3 =	vld.idx.msk [tilespmem:v3+s24+$0x0], $0xffff  }
0x179: {  	v4 =	vld.idx.msk [tilespmem:v4+s24+$0x0], $0xffff  }
0x17a: {  	v5 =	vld.idx.msk [tilespmem:v5+s24+$0x0], $0xffff;
	_ =	sdelay $0x1  }
0x17b: {  	v6 =	vld.idx.msk [tilespmem:v6+s24+$0x0], $0xffff;
	_ =	sdelay $0x1  }
0x17c: {  	v0 =	vadd.f32 v1, v0  }
0x17d: {  	v39 =	vadd.f32 v3, v2;
	v40 =	vadd.f32 v5, v4;
	v3 =	vld [tilespmem:$0x310];
	_ =	sdelay $0x1  }
0x17e: {  	v0 =	vadd.f32 v39, v0;
	v41 =	vadd.f32 v6, v40;
	_ =	sdelay $0x1  }
0x17f: {  	v0 =	vadd.f32 v41, v0;
	_ =	sdelay $0x1  }
0x180: {  	v0 =	vmul.f32 $1.428571490e-01, v0;
	_ =	sdelay $0x1  }
0x181: {  	[tilespmem:v3+s30+$0x0] =	vst.idx.msk $0xffff, v0  }
0x182: {  	v0 =	vld [tilespmem:$0x80]  }
0x183: {  	v42 =	vld [tilespmem:$0xE0]  }
0x184: {  	v43 =	vld [tilespmem:$0x140]  }
0x185: {  	v3 =	vld [tilespmem:$0x1A0]  }
0x186: {  	v4 =	vld [tilespmem:$0x200]  }
0x187: {  	v5 =	vld [tilespmem:$0x260];
	_ =	sdelay $0x1  }
0x188: {  	v6 =	vld [tilespmem:$0x2C0]  }
0x189: {  	v0 =	vld.idx.msk [tilespmem:v0+s24+$0x0], $0xffff  }
0x18a: {  	v1 =	vld.idx.msk [tilespmem:v42+s24+$0x0], $0xffff  }
0x18b: {  	v2 =	vld.idx.msk [tilespmem:v43+s24+$0x0], $0xffff  }
0x18c: {  	v3 =	vld.idx.msk [tilespmem:v3+s24+$0x0], $0xffff  }
0x18d: {  	v4 =	vld.idx.msk [tilespmem:v4+s24+$0x0], $0xffff  }
0x18e: {  	v5 =	vld.idx.msk [tilespmem:v5+s24+$0x0], $0xffff;
	_ =	sdelay $0x1  }
0x18f: {  	v6 =	vld.idx.msk [tilespmem:v6+s24+$0x0], $0xffff;
	_ =	sdelay $0x1  }
0x190: {  	v0 =	vadd.f32 v1, v0  }
0x191: {  	v44 =	vadd.f32 v3, v2;
	v45 =	vadd.f32 v5, v4;
	v3 =	vld [tilespmem:$0x320];
	_ =	sdelay $0x1  }
0x192: {  	v0 =	vadd.f32 v44, v0;
	v46 =	vadd.f32 v6, v45;
	_ =	sdelay $0x1  }
0x193: {  	v0 =	vadd.f32 v46, v0;
	_ =	sdelay $0x1  }
0x194: {  	v0 =	vmul.f32 $1.428571490e-01, v0;
	_ =	sdelay $0x1  }
0x195: {  	[tilespmem:v3+s30+$0x0] =	vst.idx.msk $0xffff, v0  }
0x196: {  	v0 =	vld [tilespmem:$0x90]  }
0x197: {  	v47 =	vld [tilespmem:$0xF0]  }
0x198: {  	v49 =	vld [tilespmem:$0x150]  }
0x199: {  	v3 =	vld [tilespmem:$0x1B0]  }
0x19a: {  	v4 =	vld [tilespmem:$0x210]  }
0x19b: {  	v5 =	vld [tilespmem:$0x270];
	_ =	sdelay $0x1  }
0x19c: {  	v6 =	vld [tilespmem:$0x2D0]  }
0x19d: {  	v0 =	vld.idx.msk [tilespmem:v0+s24+$0x0], $0xffff  }
0x19e: {  	v1 =	vld.idx.msk [tilespmem:v47+s24+$0x0], $0xffff  }
0x19f: {  	v2 =	vld.idx.msk [tilespmem:v49+s24+$0x0], $0xffff  }
0x1a0: {  	v3 =	vld.idx.msk [tilespmem:v3+s24+$0x0], $0xffff  }
0x1a1: {  	v4 =	vld.idx.msk [tilespmem:v4+s24+$0x0], $0xffff  }
0x1a2: {  	v5 =	vld.idx.msk [tilespmem:v5+s24+$0x0], $0xffff;
	_ =	sdelay $0x1  }
0x1a3: {  	v6 =	vld.idx.msk [tilespmem:v6+s24+$0x0], $0xffff;
	_ =	sdelay $0x1  }
0x1a4: {  	v0 =	vadd.f32 v1, v0  }
0x1a5: {  	v50 =	vadd.f32 v3, v2;
	v51 =	vadd.f32 v5, v4;
	v3 =	vld [tilespmem:$0x330];
	_ =	sdelay $0x1  }
0x1a6: {  	v0 =	vadd.f32 v50, v0;
	v52 =	vadd.f32 v6, v51;
	_ =	sdelay $0x1  }
0x1a7: {  	v0 =	vadd.f32 v52, v0;
	_ =	sdelay $0x1  }
0x1a8: {  	v0 =	vmul.f32 $1.428571490e-01, v0;
	_ =	sdelay $0x1  }
0x1a9: {  	[tilespmem:v3+s30+$0x0] =	vst.idx.msk $0xffff, v0  }
0x1aa: {  	v0 =	vld [tilespmem:$0xA0]  }
0x1ab: {  	v53 =	vld [tilespmem:$0x100]  }
0x1ac: {  	v54 =	vld [tilespmem:$0x160]  }
0x1ad: {  	v3 =	vld [tilespmem:$0x1C0]  }
0x1ae: {  	v4 =	vld [tilespmem:$0x220]  }
0x1af: {  	v5 =	vld [tilespmem:$0x280];
	_ =	sdelay $0x1  }
0x1b0: {  	v6 =	vld [tilespmem:$0x2E0]  }
0x1b1: {  	v0 =	vld.idx.msk [tilespmem:v0+s24+$0x0], $0xffff  }
0x1b2: {  	v1 =	vld.idx.msk [tilespmem:v53+s24+$0x0], $0xffff  }
0x1b3: {  	v2 =	vld.idx.msk [tilespmem:v54+s24+$0x0], $0xffff  }
0x1b4: {  	v3 =	vld.idx.msk [tilespmem:v3+s24+$0x0], $0xffff  }
0x1b5: {  	v4 =	vld.idx.msk [tilespmem:v4+s24+$0x0], $0xffff  }
0x1b6: {  	v5 =	vld.idx.msk [tilespmem:v5+s24+$0x0], $0xffff;
	_ =	sdelay $0x1  }
0x1b7: {  	v6 =	vld.idx.msk [tilespmem:v6+s24+$0x0], $0xffff;
	_ =	sdelay $0x1  }
0x1b8: {  	v0 =	vadd.f32 v1, v0  }
0x1b9: {  	v55 =	vadd.f32 v3, v2;
	v56 =	vadd.f32 v5, v4;
	v3 =	vld [tilespmem:$0x340];
	_ =	sdelay $0x1  }
0x1ba: {  	v0 =	vadd.f32 v55, v0;
	v57 =	vadd.f32 v6, v56;
	_ =	sdelay $0x1  }
0x1bb: {  	v0 =	vadd.f32 v57, v0;
	_ =	sdelay $0x1  }
0x1bc: {  	v0 =	vmul.f32 $1.428571490e-01, v0;
	_ =	sdelay $0x1  }
0x1bd: {  	[tilespmem:v3+s30+$0x0] =	vst.idx.msk $0xffff, v0  }
0x1be: {  	v0 =	vld [tilespmem:$0xB0]  }
0x1bf: {  	v58 =	vld [tilespmem:$0x110]  }
0x1c0: {  	v59 =	vld [tilespmem:$0x170]  }
0x1c1: {  	v3 =	vld [tilespmem:$0x1D0]  }
0x1c2: {  	v4 =	vld [tilespmem:$0x230]  }
0x1c3: {  	v5 =	vld [tilespmem:$0x290];
	_ =	sdelay $0x1  }
0x1c4: {  	v6 =	vld [tilespmem:$0x2F0]  }
0x1c5: {  	v0 =	vld.idx.msk [tilespmem:v0+s24+$0x0], $0xffff  }
0x1c6: {  	v1 =	vld.idx.msk [tilespmem:v58+s24+$0x0], $0xffff  }
0x1c7: {  	v2 =	vld.idx.msk [tilespmem:v59+s24+$0x0], $0xffff  }
0x1c8: {  	v3 =	vld.idx.msk [tilespmem:v3+s24+$0x0], $0xffff  }
0x1c9: {  	v4 =	vld.idx.msk [tilespmem:v4+s24+$0x0], $0xffff  }
0x1ca: {  	v5 =	vld.idx.msk [tilespmem:v5+s24+$0x0], $0xffff;
	_ =	sdelay $0x1  }
0x1cb: {  	v6 =	vld.idx.msk [tilespmem:v6+s24+$0x0], $0xffff;
	_ =	sdelay $0x1  }
0x1cc: {  	v0 =	vadd.f32 v1, v0  }
0x1cd: {  	v60 =	vadd.f32 v3, v2;
	v61 =	vadd.f32 v5, v4;
	v3 =	vld [tilespmem:$0x350]  }
0x1ce: {  	v63 =	vld [tilespmem:$0x1FF50]  }
0x1cf: {  	v0 =	vadd.f32 v60, v0;
	v62 =	vadd.f32 v6, v61;
	_ =	sdelay $0x1  }
0x1d0: {  	v0 =	vadd.f32 v62, v0  }
0x1d1: {  	p1 =	seq.s32 s15, $0x3B  }
.Ltmp1:
0x1d2: {  	v0 =	vmul.f32 $1.428571490e-01, v0;
	(pc) =	sbr.rel @p1 .LBB2_6-.Ltmp1, $4  }
0x1d3: {  	_ = 	snop  }
0x1d4: {  	s18 =	sshll.u32 s17, $0x8;
	s1 =	rddreg [dreg:$0x5];
	v4 =	vimm.f32 $0.0e+00;
	[tilespmem:v3+s30+$0x0] =	vst.idx.msk $0xffff, v0  }
0x1d5: {  	s1 =	sadd.s32 s1, s18;
	[tilespmem:v63+s30+$0x0] =	vst.idx.msk $0xffff, v4  }
0x1d6: {  	[hbm4b:s1+s5] =	stream.linear.scatter [tilespmem:s30], [sflag:$0x5], $0x800, $0x38;
	[tilespmem:$0xA860] =	vst v63  }
0x1d7: {  	s1 =	sadd.s32 $0x4, s17  }
0x1d8: {  	s7 =	smulhi.u32 $0x88888889, s1;
	_ =	sdelay $0x1  }
0x1d9: {  	s7 =	sshrl.u32 s7, $0x4  }
0x1da: {  	s19 =	smul.u32 $0x1E, s7;
	_ =	sdelay $0x1  }
0x1db: {  	s20 =	ssub.s32 s1, s19  }
0x1dc: {  	s21 =	smulhi.u32 $0x33333334, s20;
	_ =	sdelay $0x1  }
0x1dd: {  	s23 =	smul.u32 $0x5, s21;
	_ =	sdelay $0x1  }
0x1de: {  	s20 =	ssub.s32 s20, s23  }
0x1df: {  	s20 =	sadd.s32 $0x4, s20  }
0x1e0: {  	s25 =	smulhi.u32 $0x66666667, s20;
	s26 =	sshra.s32 s20, $0x1F  }
0x1e1: {  	s26 =	smul.u32 $0x66666667, s26;
	_ =	sdelay $0x1  }
0x1e2: {  	s25 =	sadd.s32 s26, s25  }
0x1e3: {  	s28 =	sadd.s32 $0x1, s21;
	s26 =	sshrl.u32 s25, $0x1F;
	s25 =	sshra.s32 s25, $0x1  }
0x1e4: {  	s6 =	smulhi.u32 $0x2AAAAAAB, s28;
	s25 =	sadd.s32 s26, s25  }
0x1e5: {  	s25 =	smul.u32 $0x5, s25  }
0x1e6: {  	s26 =	smul.u32 $0x6, s6  }
0x1e7: {  	s20 =	ssub.s32 s20, s25  }
0x1e8: {  	v0 =	vld [tilespmem:$0x0];
	s12 =	ssub.s32 s28, s26;
	p2 =	slt.s32 s20, $0x0;
	s26 =	sadd.s32 $0x5, s20  }
0x1e9: {  	v1 =	vld [tilespmem:$0x10];
	s25 =	smul.u32 $0x5, s12;
	s20 =	smov.u32 @p2 s26  }
0x1ea: {  	v2 =	vld [tilespmem:$0x20];
	s19 =	sadd.s32 s19, s20  }
0x1eb: {  	v3 =	vld [tilespmem:$0x30];
	s21 =	sadd.s32 $0x5, s21;
	s20 =	sadd.s32 s25, s19  }
0x1ec: {  	s28 =	smulhi.u32 $0x2AAAAAAB, s21;
	s20 =	sshll.u32 s20, $0xD  }
0x1ed: {  	v0 =	vadd.s32 s20, v0  }
0x1ee: {  	s25 =	smul.u32 $0x6, s28;
	v61 =	vadd.s32 s20, v1;
	[tilespmem:$0x8760] =	vst v0  }
0x1ef: {  	s7 =	smul.u32 $0x3C000, s7;
	s1 =	sshll.u32 s1, $0xA;
	v62 =	vadd.s32 s20, v2;
	[tilespmem:$0x8770] =	vst v61  }
0x1f0: {  	s1 =	sand.u32 $0x1FFFF000, s1;
	s29 =	sadd.s32 s23, s19;
	v63 =	vadd.s32 s20, v3;
	s21 =	ssub.s32 s21, s25;
	[tilespmem:$0x8780] =	vst v62  }
0x1f1: {  	s1 =	sadd.s32 s2, s1;
	s20 =	sshll.u32 s29, $0xA;
	[tilespmem:$0x8790] =	vst v63;
	s6 =	smul.u32 $0x5, s21  }
0x1f2: {  	[tilespmem:s24], [sflag:$0x1] =	stream.linear.gather [hbm4b:s1+s5], $0x2000, $0x38;
	[tilespmem:$0xA860] =	vst v63  }
0x1f3: {  	s20 =	sand.u32 $0x1FFFFC00, s20;
	s1 =	sadd.s32 s6, s19;
	s6 =	rddreg [dreg:$0xa]  }
0x1f4: {  	s12 =	sadd.s32 s20, s6;
	s20 =	simm.s32 $0x2360;
	s1 =	sshll.u32 s1, $0xA  }
0x1f5: {  	[tilespmem:s20], [sflag:$0x1] =	stream.linear.gather [hbm4b:s12+s5], $0x40, $0x38;
	[tilespmem:$0xA860] =	vst v63  }
0x1f6: {  	s1 =	sand.u32 $0x1FFFFC00, s1  }
0x1f7: {  	s23 =	sshrl.u32 s7, $0x3;
	s21 =	simm.s32 $0x23A0;
	s1 =	sadd.s32 s1, s13  }
0x1f8: {  	[tilespmem:s21], [sflag:$0x1] =	stream.linear.gather [hbm4b:s1+s5], $0x40, $0x38;
	[tilespmem:$0xA860] =	vst v63  }
0x1f9: {  	s25 =	simm.s32 $0x23E0;
	s1 =	sadd.s32 s2, s23  }
0x1fa: {  	[tilespmem:s25], [sflag:$0x1] =	stream.linear.gather [hbm4b:s1+s5], $0x8, $0x38;
	[tilespmem:$0xA860] =	vst v63  }
0x1fb: {  	s26 =	simm.s32 $0x40;
	s28 =	simm.s32 $0x8760;
	s29 =	simm.s32 $0x2420  }
0x1fc: {  	[tilespmem:s29], [sflag:$0x1] =	stream.indirect.gather [hbm4b:s2+s26], $0x1, s28, s26, $0xb8;
	[tilespmem:$0xA860] =	vst v63  }
.LBB2_6:
0x1fd: {  	_ =	swait.ge [sflag:s31], $0x2000  }
0x1fe: {  	[sflag:s31] =	ssyncset.done $0x0  }
0x1ff: {  	[sflag:s31] =	ssyncadd.s32 $0xFFFFE000  }
0x200: {  	_ =	swait.ge [sflag:s31], $0x40  }
0x201: {  	[sflag:s31] =	ssyncset.done $0x0  }
0x202: {  	[sflag:s31] =	ssyncadd.s32 $0xFFFFFFC0  }
0x203: {  	_ =	swait.ge [sflag:s31], $0x40  }
0x204: {  	[sflag:s31] =	ssyncset.done $0x0  }
0x205: {  	[sflag:s31] =	ssyncadd.s32 $0xFFFFFFC0  }
0x206: {  	_ =	swait.ge [sflag:s31], $0x8  }
0x207: {  	[sflag:s31] =	ssyncset.done $0x0  }
0x208: {  	[sflag:s31] =	ssyncadd.s32 $0xFFFFFFF8  }
0x209: {  	_ =	swait.ge [sflag:s31], $0x40  }
0x20a: {  	v1 =	vld [tilespmem:$0x1FF40];
	_ =	sdelay $0x5  }
0x20b: {  	[sflag:s31] =	ssyncset.done $0x0;
	v49 =	vld [tilespmem:$0x1FFA0]  }
0x20c: {  	s19 =	simm.s32 $0x0;
	[sflag:s31] =	ssyncadd.s32 $0xFFFFFFC0  }
0x20d: {  	s7 =	simm.s32 @!p0 $0x6;
	s1 =	smax.u32 s19, $0x21;
	[tilespmem:v1+s3+$0x0] =	vst.idx.msk $0xffff, v4  }
0x20e: {  	s1 =	sadd.s32 $0xFFFFFFDF, s1;
	_ =	swait.ge @!p0 [sflag:s7], $0x800  }
0x20f: {  	s28 =	smax.u32 s19, $0x81;
	s29 =	smax.u32 s19, $0x61;
	s19 =	smax.u32 s19, $0x41;
	v0 =	vadd.s32 s1, v48;
	v51 =	vld [tilespmem:$0x1FFB0]  }
0x210: {  	s19 =	sadd.s32 $0xFFFFFFBF, s19;
	v47 =	vadd.s32 s1, v49;
	v52 =	vld [tilespmem:$0x1FFC0]  }
0x211: {  	v19 =	vadd.s32 s19, v48;
	v53 =	vld [tilespmem:$0x1FFD0]  }
0x212: {  	s20 =	simm.s32 $0x7F;
	v20 =	vadd.s32 s19, v49;
	[sflag:s7] =	ssyncset.done @!p0 $0x0;
	v54 =	vld [tilespmem:$0x1FFE0]  }
0x213: {  	v25 =	vadd.s32 s20, v48;
	v50 =	vld [tilespmem:$0x1FFF0];
	[sflag:s7] =	ssyncadd.s32 @!p0 $0xFFFFF800  }
0x214: {  	s23 =	simm.s32 $0xBF;
	v26 =	vadd.s32 s20, v49;
	v0 =	vld.idx.msk [tilespmem:v0+s3+$0x0], $0xffff  }
0x215: {  	v58 =	vadd.s32 s23, v49;
	s7 =	sadd.s32 $0xFFFFFF7F, s28;
	v1 =	vld.idx.msk [tilespmem:v47+s3+$0x0], $0xffff  }
0x216: {  	v6 =	vadd.s32 s7, v48;
	v19 =	vld.idx.msk [tilespmem:v19+s3+$0x0], $0xffff  }
0x217: {  	s21 =	simm.s32 $0x9F;
	v8 =	vadd.s32 s7, v49;
	v20 =	vld.idx.msk [tilespmem:v20+s3+$0x0], $0xffff  }
0x218: {  	v31 =	vld.idx.msk [tilespmem:v25+s3+$0x0], $0xffff;
	v25 =	vadd.s32 s21, v48  }
0x219: {  	v32 =	vadd.s32 s21, v49;
	v26 =	vld.idx.msk [tilespmem:v26+s3+$0x0], $0xffff  }
0x21a: {  	v41 =	vld.idx.msk [tilespmem:v58+s3+$0x0], $0xffff;
	v2 =	vadd.s32 s1, v51  }
0x21b: {  	v3 =	vadd.s32 s1, v52;
	v6 =	vld.idx.msk [tilespmem:v6+s3+$0x0], $0xffff  }
0x21c: {  	v57 =	vadd.s32 s1, v53;
	v8 =	vld.idx.msk [tilespmem:v8+s3+$0x0], $0xffff  }
0x21d: {  	v5 =	vadd.s32 s1, v54;
	v37 =	vld.idx.msk [tilespmem:v25+s3+$0x0], $0xffff  }
0x21e: {  	v7 =	vadd.s32 s1, v50;
	v0 =	vadd.f32 v1, v0;
	v1 =	vld.idx.msk [tilespmem:v32+s3+$0x0], $0xffff  }
0x21f: {  	v9 =	vadd.s32 s7, v51;
	v2 =	vld.idx.msk [tilespmem:v2+s3+$0x0], $0xffff  }
0x220: {  	v10 =	vadd.s32 s7, v52;
	v3 =	vld.idx.msk [tilespmem:v3+s3+$0x0], $0xffff  }
0x221: {  	v11 =	vadd.s32 s7, v53;
	v4 =	vld.idx.msk [tilespmem:v57+s3+$0x0], $0xffff  }
0x222: {  	v12 =	vadd.s32 s7, v54;
	v5 =	vld.idx.msk [tilespmem:v5+s3+$0x0], $0xffff  }
0x223: {  	v21 =	vadd.s32 s19, v51;
	v7 =	vld.idx.msk [tilespmem:v7+s3+$0x0], $0xffff  }
0x224: {  	v22 =	vadd.s32 s19, v52;
	v9 =	vld.idx.msk [tilespmem:v9+s3+$0x0], $0xffff  }
0x225: {  	v23 =	vadd.s32 s19, v53;
	v10 =	vld.idx.msk [tilespmem:v10+s3+$0x0], $0xffff  }
0x226: {  	v24 =	vadd.s32 s19, v54;
	v11 =	vld.idx.msk [tilespmem:v11+s3+$0x0], $0xffff  }
0x227: {  	v27 =	vadd.s32 s20, v51;
	v12 =	vld.idx.msk [tilespmem:v12+s3+$0x0], $0xffff  }
0x228: {  	v28 =	vadd.s32 s20, v52;
	v21 =	vld.idx.msk [tilespmem:v21+s3+$0x0], $0xffff  }
0x229: {  	v29 =	vadd.s32 s20, v53;
	v22 =	vld.idx.msk [tilespmem:v22+s3+$0x0], $0xffff  }
0x22a: {  	s1 =	sadd.s32 $0xFFFFFF9F, s29;
	v34 =	vadd.s32 s21, v52;
	v23 =	vld.idx.msk [tilespmem:v23+s3+$0x0], $0xffff  }
0x22b: {  	v13 =	vadd.s32 s1, v48;
	v30 =	vld.idx.msk [tilespmem:v24+s3+$0x0], $0xffff  }
0x22c: {  	v14 =	vadd.s32 s1, v49;
	v27 =	vld.idx.msk [tilespmem:v27+s3+$0x0], $0xffff  }
0x22d: {  	v15 =	vadd.s32 s1, v51;
	v28 =	vld.idx.msk [tilespmem:v28+s3+$0x0], $0xffff  }
0x22e: {  	v16 =	vadd.s32 s1, v52;
	v29 =	vld.idx.msk [tilespmem:v29+s3+$0x0], $0xffff  }
0x22f: {  	v17 =	vadd.s32 s1, v53;
	v34 =	vld.idx.msk [tilespmem:v34+s3+$0x0], $0xffff  }
0x230: {  	v18 =	vadd.s32 s1, v54;
	v13 =	vld.idx.msk [tilespmem:v13+s3+$0x0], $0xffff  }
0x231: {  	s25 =	simm.s32 $0xDF;
	v60 =	vadd.s32 s23, v52;
	v14 =	vld.idx.msk [tilespmem:v14+s3+$0x0], $0xffff  }
0x232: {  	v40 =	vadd.s32 s25, v51;
	v15 =	vld.idx.msk [tilespmem:v15+s3+$0x0], $0xffff  }
0x233: {  	v25 =	vadd.s32 s23, v48;
	v16 =	vld.idx.msk [tilespmem:v16+s3+$0x0], $0xffff  }
0x234: {  	v24 =	vadd.s32 s20, v54;
	v17 =	vld.idx.msk [tilespmem:v17+s3+$0x0], $0xffff  }
0x235: {  	v33 =	vadd.s32 s21, v51;
	v35 =	vadd.s32 s21, v53;
	v38 =	vadd.s32 s23, v53;
	v18 =	vld.idx.msk [tilespmem:v18+s3+$0x0], $0xffff  }
0x236: {  	v39 =	vadd.s32 s23, v54;
	v58 =	vld.idx.msk [tilespmem:v60+s3+$0x0], $0xffff;
	v6 =	vadd.f32 v8, v6;
	v1 =	vadd.f32 v1, v37  }
0x237: {  	v55 =	vadd.s32 s25, v52;
	v32 =	vld.idx.msk [tilespmem:v40+s3+$0x0], $0xffff;
	v2 =	vadd.f32 v3, v2;
	v59 =	vadd.f32 v5, v4  }
0x238: {  	v63 =	vld.idx.msk [tilespmem:v25+s3+$0x0], $0xffff;
	v5 =	vadd.s32 s23, v51;
	v62 =	vadd.f32 v10, v9;
	v57 =	vadd.f32 v12, v11  }
0x239: {  	v42 =	vadd.s32 s25, v53;
	v36 =	vld.idx.msk [tilespmem:v24+s3+$0x0], $0xffff;
	v60 =	vadd.f32 v22, v21;
	v14 =	vadd.f32 v14, v13  }
0x23a: {  	v24 =	vadd.s32 s21, v54;
	v4 =	vld.idx.msk [tilespmem:v33+s3+$0x0], $0xffff;
	v16 =	vadd.f32 v16, v15;
	v47 =	vadd.f32 v18, v17  }
0x23b: {  	v25 =	vadd.s32 s7, v50;
	v3 =	vld.idx.msk [tilespmem:v35+s3+$0x0], $0xffff;
	v18 =	vadd.f32 v26, v31;
	v0 =	vadd.f32 v2, v0  }
0x23c: {  	v35 =	vadd.s32 s25, v49;
	v31 =	vld.idx.msk [tilespmem:v39+s3+$0x0], $0xffff;
	v61 =	vadd.f32 v7, v59;
	v46 =	vadd.f32 v62, v6  }
0x23d: {  	v26 =	vadd.s32 s21, v50;
	v59 =	vadd.f32 v20, v19;
	v20 =	vadd.f32 v28, v27;
	v56 =	vld.idx.msk [tilespmem:v5+s3+$0x0], $0xffff  }
0x23e: {  	v7 =	vadd.s32 s25, v48;
	v19 =	vadd.f32 v30, v23;
	v0 =	vadd.f32 v61, v0;
	v61 =	vld.idx.msk [tilespmem:v38+s3+$0x0], $0xffff  }
0x23f: {  	v62 =	vadd.s32 s25, v54;
	v63 =	vadd.f32 v41, v63;
	v45 =	vadd.f32 v16, v14;
	v8 =	vld.idx.msk [tilespmem:v24+s3+$0x0], $0xffff  }
0x240: {  	v33 =	vld.idx.msk [tilespmem:v55+s3+$0x0], $0xffff;
	v27 =	vadd.s32 s19, v50;
	v43 =	vadd.f32 v60, v59;
	v44 =	vadd.f32 v20, v18  }
0x241: {  	v28 =	vadd.s32 s20, v50;
	v21 =	vadd.f32 v36, v29;
	v36 =	vld.idx.msk [tilespmem:v35+s3+$0x0], $0xffff;
	v4 =	vadd.f32 v34, v4  }
0x242: {  	v24 =	vadd.s32 s1, v50;
	v34 =	vld.idx.msk [tilespmem:v42+s3+$0x0], $0xffff;
	v0 =	vmul.f32 $1.428571490e-01, v0;
	v2 =	vadd.f32 v58, v56  }
0x243: {  	s19 =	simm.s32 $0x0;
	v30 =	vadd.s32 s25, v50;
	v38 =	vld.idx.msk [tilespmem:v7+s3+$0x0], $0xffff;
	v20 =	vadd.f32 v4, v1;
	v31 =	vadd.f32 v31, v61  }
0x244: {  	s7 =	simm.s32 $0x200;
	v29 =	vadd.s32 s23, v50;
	s23 =	simm.s32 $0x0;
	v35 =	vld.idx.msk [tilespmem:v62+s3+$0x0], $0xffff;
	[tilespmem:s19+$0x9090] =	vst v0;
	v23 =	vadd.f32 v8, v3;
	v22 =	vadd.f32 v2, v63  }
.LBB2_7:
0x245: {  	_ = 	snop  }
0x246: {  	s20 =	smax.u32 s7, $0x21;
	v0 =	vld.idx.msk [tilespmem:v25+s3+$0x0], $0xffff  }
0x247: {  	v13 =	vld.idx.msk [tilespmem:v24+s3+$0x0], $0xffff;
	s6 =	sadd.s32 $0xFFFFFFDF, s20  }
0x248: {  	v4 =	vld.idx.msk [tilespmem:v27+s3+$0x0], $0xffff;
	v11 =	vadd.s32 s6, v51  }
0x249: {  	v12 =	vld.idx.msk [tilespmem:v26+s3+$0x0], $0xffff;
	v26 =	vadd.s32 s6, v52  }
0x24a: {  	v8 =	vld.idx.msk [tilespmem:v28+s3+$0x0], $0xffff;
	v27 =	vadd.s32 s6, v53  }
0x24b: {  	s1 =	smax.u32 s7, $0x61;
	s26 =	smax.u32 s7, $0x81;
	v55 =	vld.idx.msk [tilespmem:v29+s3+$0x0], $0xffff;
	v28 =	vadd.s32 s6, v54  }
0x24c: {  	v58 =	vld.idx.msk [tilespmem:v30+s3+$0x0], $0xffff;
	s25 =	sadd.s32 $0xFFFFFF9F, s1;
	s1 =	sadd.s32 $0xFFFFFF7F, s26;
	v29 =	vadd.s32 s6, v50  }
0x24d: {  	v24 =	vadd.s32 s1, v53;
	v11 =	vld.idx.msk [tilespmem:v11+s3+$0x0], $0xffff  }
0x24e: {  	s21 =	smax.u32 s7, $0x41;
	v56 =	vadd.s32 s25, v51;
	v26 =	vld.idx.msk [tilespmem:v26+s3+$0x0], $0xffff  }
0x24f: {  	s26 =	sadd.s32 $0xFFFFFFBF, s21;
	v59 =	vadd.s32 s25, v53;
	v27 =	vld.idx.msk [tilespmem:v27+s3+$0x0], $0xffff  }
0x250: {  	s28 =	sadd.s32 $0xDF, s7;
	v63 =	vadd.s32 s26, v51;
	v28 =	vld.idx.msk [tilespmem:v28+s3+$0x0], $0xffff  }
0x251: {  	s21 =	sadd.s32 $0x7F, s7;
	v37 =	vadd.s32 s26, v53;
	v16 =	vadd.s32 s28, v49;
	v29 =	vld.idx.msk [tilespmem:v29+s3+$0x0], $0xffff  }
0x252: {  	v41 =	vadd.s32 s21, v51;
	[tilespmem:$0x1FE20] =	vst v16;
	v16 =	vld.idx.msk [tilespmem:v24+s3+$0x0], $0xffff  }
0x253: {  	v42 =	vadd.s32 s21, v52;
	v56 =	vld.idx.msk [tilespmem:v56+s3+$0x0], $0xffff  }
0x254: {  	s12 =	sadd.s32 $0x9F, s7;
	v5 =	vadd.s32 s1, v48;
	v32 =	vadd.f32 v33, v32;
	v34 =	vadd.f32 v35, v34;
	v33 =	vld.idx.msk [tilespmem:v59+s3+$0x0], $0xffff  }
0x255: {  	v15 =	vadd.s32 s12, v48;
	[tilespmem:$0x1FD40] =	vst v0;
	v4 =	vadd.f32 v4, v19;
	v8 =	vadd.f32 v8, v21;
	v19 =	vld.idx.msk [tilespmem:v63+s3+$0x0], $0xffff  }
0x256: {  	[tilespmem:$0x1FD70] =	vst v15;
	v15 =	vadd.s32 s12, v49;
	v12 =	vadd.f32 v12, v23;
	v21 =	vadd.f32 v55, v31;
	v55 =	vld.idx.msk [tilespmem:v37+s3+$0x0], $0xffff  }
0x257: {  	v3 =	vadd.s32 s6, v48;
	[tilespmem:$0x1FD80] =	vst v15;
	v15 =	vadd.s32 s12, v51;
	v34 =	vadd.f32 v58, v34;
	v58 =	vld.idx.msk [tilespmem:v41+s3+$0x0], $0xffff  }
0x258: {  	v7 =	vadd.s32 s6, v49;
	[tilespmem:$0x1FD90] =	vst v15;
	v15 =	vadd.s32 s12, v52;
	v12 =	vadd.f32 v12, v20;
	v20 =	vld.idx.msk [tilespmem:v42+s3+$0x0], $0xffff  }
0x259: {  	v10 =	vadd.s32 s1, v52;
	v35 =	vld [tilespmem:$0x1FD80];
	[tilespmem:$0x1FDA0] =	vst v15;
	v15 =	vadd.s32 s12, v53  }
0x25a: {  	v9 =	vadd.s32 s1, v51;
	v37 =	vld [tilespmem:$0x1FD90];
	[tilespmem:$0x1FDB0] =	vst v15;
	v15 =	vadd.s32 s12, v54  }
0x25b: {  	s29 =	sadd.s32 $0xBF, s7;
	v6 =	vadd.s32 s1, v49;
	v30 =	vld.idx.msk [tilespmem:v5+s3+$0x0], $0xffff;
	v5 =	vadd.s32 s28, v48;
	[tilespmem:$0x1FDC0] =	vst v15  }
0x25c: {  	v1 =	vadd.s32 s25, v48;
	v3 =	vld.idx.msk [tilespmem:v3+s3+$0x0], $0xffff;
	v15 =	vadd.s32 s29, v48;
	[tilespmem:$0x1FE10] =	vst v5  }
0x25d: {  	v2 =	vadd.s32 s25, v49;
	v7 =	vld.idx.msk [tilespmem:v7+s3+$0x0], $0xffff;
	[tilespmem:$0x1FDD0] =	vst v15;
	v15 =	vadd.s32 s29, v49  }
0x25e: {  	v25 =	vadd.s32 s1, v54;
	[tilespmem:$0x1FDE0] =	vst v15;
	v15 =	vadd.s32 s29, v52;
	v5 =	vmov v46;
	v46 =	vld.idx.msk [tilespmem:v10+s3+$0x0], $0xffff  }
0x25f: {  	v0 =	vmov v57;
	v57 =	vadd.s32 s25, v52;
	[tilespmem:$0x1FDF0] =	vst v15;
	v15 =	vld.idx.msk [tilespmem:v9+s3+$0x0], $0xffff  }
0x260: {  	v17 =	vmov v45;
	v45 =	vld.idx.msk [tilespmem:v6+s3+$0x0], $0xffff  }
0x261: {  	v62 =	vadd.s32 s26, v49;
	v1 =	vld.idx.msk [tilespmem:v1+s3+$0x0], $0xffff  }
0x262: {  	v14 =	vadd.f32 v36, v38;
	v36 =	vadd.s32 s26, v52;
	v2 =	vld.idx.msk [tilespmem:v2+s3+$0x0], $0xffff  }
0x263: {  	v61 =	vadd.s32 s26, v48;
	v40 =	vadd.s32 s21, v48;
	[tilespmem:$0x1FD50] =	vst v13;
	v13 =	vadd.s32 s21, v49;
	v48 =	vld.idx.msk [tilespmem:v25+s3+$0x0], $0xffff  }
0x264: {  	v15 =	vadd.f32 v46, v15;
	v46 =	vld.idx.msk [tilespmem:v57+s3+$0x0], $0xffff  }
0x265: {  	v60 =	vadd.s32 s25, v54;
	v57 =	vld [tilespmem:$0x1FD40]  }
0x266: {  	v18 =	vadd.s32 s29, v53;
	v62 =	vld.idx.msk [tilespmem:v62+s3+$0x0], $0xffff  }
0x267: {  	v31 =	vld.idx.msk [tilespmem:v36+s3+$0x0], $0xffff  }
0x268: {  	v13 =	vld.idx.msk [tilespmem:v13+s3+$0x0], $0xffff;
	v26 =	vadd.f32 v26, v11  }
0x269: {  	[tilespmem:$0x1FE00] =	vst v18;
	v18 =	vmov v47;
	v28 =	vadd.f32 v28, v27;
	v41 =	vld [tilespmem:$0x1FDD0];
	v47 =	vadd.f32 v7, v3  }
0x26a: {  	v0 =	vadd.f32 v57, v0;
	v57 =	vadd.f32 v48, v16;
	v16 =	vld.idx.msk [tilespmem:v60+s3+$0x0], $0xffff  }
0x26b: {  	v39 =	vadd.s32 s26, v54;
	v60 =	vld.idx.msk [tilespmem:v61+s3+$0x0], $0xffff  }
0x26c: {  	v49 =	vadd.f32 v29, v28;
	v47 =	vadd.f32 v26, v47;
	v61 =	vld [tilespmem:$0x1FD50]  }
0x26d: {  	v36 =	vld.idx.msk [tilespmem:v35+s3+$0x0], $0xffff  }
0x26e: {  	v47 =	vadd.f32 v49, v47;
	v49 =	vld [tilespmem:$0x1FFA0]  }
0x26f: {  	v38 =	vadd.s32 s21, v54;
	v45 =	vadd.f32 v45, v30;
	v48 =	vld [tilespmem:$0x1FF90]  }
0x270: {  	[tilespmem:$0x1FD60] =	vst v14;
	v6 =	vadd.s32 s29, v51;
	v23 =	vadd.f32 v46, v56;
	v56 =	vld.idx.msk [tilespmem:v39+s3+$0x0], $0xffff  }
0x271: {  	v47 =	vmul.f32 $1.428571490e-01, v47;
	v15 =	vadd.f32 v15, v45;
	v45 =	vadd.f32 v61, v18;
	v18 =	vld [tilespmem:$0x1FD60]  }
0x272: {  	v9 =	vadd.s32 s29, v54;
	v29 =	vadd.s32 s29, v50;
	s29 =	sshra.s32 s7, $0x2;
	v1 =	vadd.f32 v2, v1;
	v39 =	vld [tilespmem:$0x1FDB0]  }
0x273: {  	[tilespmem:s29+$0x9090] =	vst v47;
	v47 =	vadd.f32 v16, v33;
	v16 =	vld.idx.msk [tilespmem:v40+s3+$0x0], $0xffff  }
0x274: {  	v1 =	vadd.f32 v23, v1;
	v2 =	vadd.f32 v62, v60;
	v62 =	vld.idx.msk [tilespmem:v38+s3+$0x0], $0xffff  }
0x275: {  	v38 =	vld [tilespmem:$0x1FDA0];
	v23 =	vadd.f32 v45, v17;
	v17 =	vadd.f32 v31, v19  }
0x276: {  	v14 =	vadd.s32 s21, v53;
	v19 =	vadd.f32 v56, v55;
	v55 =	vld [tilespmem:$0x1FDE0];
	v32 =	vadd.f32 v32, v18  }
0x277: {  	v8 =	vadd.f32 v8, v44;
	v40 =	vld [tilespmem:$0x1FDC0]  }
0x278: {  	v18 =	vadd.f32 v21, v22;
	v21 =	vadd.f32 v34, v32;
	v32 =	vld [tilespmem:$0x1FD70]  }
0x279: {  	v60 =	vmul.f32 $1.428571490e-01, v8;
	v56 =	vld [tilespmem:$0x1FDF0]  }
0x27a: {  	v45 =	vmov v1;
	v1 =	vadd.f32 v20, v58;
	v58 =	vld [tilespmem:$0x1FE00];
	v63 =	vmul.f32 $1.428571490e-01, v18  }
0x27b: {  	v22 =	vld.idx.msk [tilespmem:v14+s3+$0x0], $0xffff;
	[tilespmem:s19+$0x90A0] =	vst v60  }
0x27c: {  	v60 =	vld [tilespmem:$0x1FE10];
	[tilespmem:s19+$0x90C0] =	vst v63  }
0x27d: {  	v4 =	vadd.f32 v4, v43;
	v43 =	vadd.f32 v17, v2;
	v2 =	vld.idx.msk [tilespmem:v41+s3+$0x0], $0xffff  }
0x27e: {  	v61 =	vmul.f32 $1.428571490e-01, v12;
	v12 =	vld.idx.msk [tilespmem:v55+s3+$0x0], $0xffff  }
0x27f: {  	v6 =	vld.idx.msk [tilespmem:v6+s3+$0x0], $0xffff  }
0x280: {  	v4 =	vmul.f32 $1.428571490e-01, v4;
	v33 =	vld.idx.msk [tilespmem:v32+s3+$0x0], $0xffff;
	[tilespmem:s19+$0x90B0] =	vst v61  }
0x281: {  	v59 =	vmul.f32 $1.428571490e-01, v23;
	v8 =	vld.idx.msk [tilespmem:v37+s3+$0x0], $0xffff  }
0x282: {  	[tilespmem:s19+$0x9080] =	vst v4;
	v0 =	vadd.f32 v0, v5;
	v4 =	vld.idx.msk [tilespmem:v38+s3+$0x0], $0xffff  }
0x283: {  	v10 =	vadd.s32 s28, v53;
	v13 =	vadd.f32 v13, v16;
	[tilespmem:s19+$0x9070] =	vst v59;
	v59 =	vld.idx.msk [tilespmem:v9+s3+$0x0], $0xffff  }
0x284: {  	v0 =	vmul.f32 $1.428571490e-01, v0;
	v34 =	vmul.f32 $1.428571490e-01, v21;
	v21 =	vadd.f32 v62, v22;
	v62 =	vld [tilespmem:$0x1FE20]  }
0x285: {  	v11 =	vadd.s32 s28, v54;
	v44 =	vadd.f32 v1, v13;
	v13 =	vld.idx.msk [tilespmem:v58+s3+$0x0], $0xffff  }
0x286: {  	v7 =	vadd.s32 s28, v51;
	[tilespmem:s19+$0x9060] =	vst v0;
	v0 =	vld.idx.msk [tilespmem:v39+s3+$0x0], $0xffff  }
0x287: {  	v4 =	vadd.f32 v4, v8;
	v8 =	vld.idx.msk [tilespmem:v56+s3+$0x0], $0xffff  }
0x288: {  	s23 =	sadd.s32 $0x8, s23;
	[tilespmem:s19+$0x90D0] =	vst v34;
	v1 =	vld.idx.msk [tilespmem:v40+s3+$0x0], $0xffff  }
0x289: {  	p2 =	slt.u32 s23, $0x78;
	v3 =	vadd.s32 s28, v52;
	v34 =	vld.idx.msk [tilespmem:v10+s3+$0x0], $0xffff  }
.Ltmp2:
0x28a: {  	v24 =	vadd.s32 s25, v50;
	v35 =	vld.idx.msk [tilespmem:v11+s3+$0x0], $0xffff;
	(pc) =	sbr.rel @p2 .LBB2_7-.Ltmp2, $4  }
0x28b: {  	v25 =	vadd.s32 s1, v50;
	v27 =	vadd.s32 s26, v50;
	v61 =	vadd.f32 v12, v2;
	v32 =	vld.idx.msk [tilespmem:v7+s3+$0x0], $0xffff  }
0x28c: {  	v28 =	vadd.s32 s21, v50;
	v38 =	vld.idx.msk [tilespmem:v60+s3+$0x0], $0xffff;
	v42 =	vadd.f32 v36, v33;
	v63 =	vadd.f32 v8, v6  }
0x28d: {  	v30 =	vadd.s32 s28, v50;
	v31 =	vadd.f32 v59, v13;
	v36 =	vld.idx.msk [tilespmem:v62+s3+$0x0], $0xffff;
	v23 =	vadd.f32 v1, v0  }
0x28e: {  	s7 =	sadd.s32 $0x200, s7;
	v26 =	vadd.s32 s12, v50;
	v46 =	vmovc v15;
	s19 =	smov.u32 s29;
	v33 =	vld.idx.msk [tilespmem:v3+s3+$0x0], $0xffff;
	v20 =	vadd.f32 v4, v42;
	v22 =	vadd.f32 v63, v61  }
0x28f: {  	_ =	sdelay $0x3  }
0x290: {  	v0 =	vld.idx.msk [tilespmem:v25+s3+$0x0], $0xffff  }
0x291: {  	v1 =	vld.idx.msk [tilespmem:v24+s3+$0x0], $0xffff  }
0x292: {  	v2 =	vld.idx.msk [tilespmem:v27+s3+$0x0], $0xffff  }
0x293: {  	v3 =	vld.idx.msk [tilespmem:v28+s3+$0x0], $0xffff  }
0x294: {  	v4 =	vld.idx.msk [tilespmem:v26+s3+$0x0], $0xffff  }
0x295: {  	v6 =	vld.idx.msk [tilespmem:v29+s3+$0x0], $0xffff;
	v8 =	vadd.f32 v35, v34  }
0x296: {  	v5 =	vadd.f32 v36, v38;
	v7 =	vadd.f32 v33, v32  }
0x297: {  	v9 =	vld.idx.msk [tilespmem:v30+s3+$0x0], $0xffff;
	v0 =	vadd.f32 v0, v57;
	v1 =	vadd.f32 v1, v47  }
0x298: {  	v2 =	vadd.f32 v2, v19;
	v3 =	vadd.f32 v3, v21  }
0x299: {  	v4 =	vadd.f32 v4, v23;
	v0 =	vadd.f32 v0, v46  }
0x29a: {  	v6 =	vadd.f32 v6, v31;
	v1 =	vadd.f32 v1, v45  }
0x29b: {  	v5 =	vadd.f32 v7, v5;
	v2 =	vadd.f32 v2, v43;
	v0 =	vmul.f32 $1.428571490e-01, v0  }
0x29c: {  	v7 =	vadd.f32 v9, v8;
	v3 =	vadd.f32 v3, v44;
	v1 =	vmul.f32 $1.428571490e-01, v1  }
0x29d: {  	v29 =	vadd.f32 v4, v20;
	v4 =	vadd.f32 v6, v22;
	v2 =	vmul.f32 $1.428571490e-01, v2;
	[tilespmem:s19+$0x9060] =	vst v0  }
0x29e: {  	v30 =	vmul.f32 $1.428571490e-01, v3;
	[tilespmem:s19+$0x9070] =	vst v1  }
0x29f: {  	v3 =	vadd.f32 v7, v5;
	v31 =	vmul.f32 $1.428571490e-01, v4;
	[tilespmem:s19+$0x9080] =	vst v2  }
0x2a0: {  	v0 =	vmul.f32 $1.428571490e-01, v29;
	[tilespmem:s19+$0x90A0] =	vst v30  }
0x2a1: {  	v32 =	vmul.f32 $1.428571490e-01, v3;
	[tilespmem:s19+$0x90C0] =	vst v31  }
0x2a2: {  	[tilespmem:s19+$0x90B0] =	vst v0  }
0x2a3: {  	[tilespmem:s19+$0x90D0] =	vst v32  }
0x2a4: {  	v0 =	vld [tilespmem:$0x60]  }
0x2a5: {  	v1 =	vld [tilespmem:$0xC0]  }
0x2a6: {  	v2 =	vld [tilespmem:$0x120]  }
0x2a7: {  	v3 =	vld [tilespmem:$0x180]  }
0x2a8: {  	v4 =	vld [tilespmem:$0x1E0]  }
0x2a9: {  	v5 =	vld [tilespmem:$0x240];
	_ =	sdelay $0x1  }
0x2aa: {  	v6 =	vld [tilespmem:$0x2A0]  }
0x2ab: {  	v0 =	vld.idx.msk [tilespmem:v0+s3+$0x0], $0xffff  }
0x2ac: {  	v1 =	vld.idx.msk [tilespmem:v1+s3+$0x0], $0xffff  }
0x2ad: {  	v2 =	vld.idx.msk [tilespmem:v2+s3+$0x0], $0xffff  }
0x2ae: {  	v3 =	vld.idx.msk [tilespmem:v3+s3+$0x0], $0xffff  }
0x2af: {  	v4 =	vld.idx.msk [tilespmem:v4+s3+$0x0], $0xffff  }
0x2b0: {  	v5 =	vld.idx.msk [tilespmem:v5+s3+$0x0], $0xffff;
	_ =	sdelay $0x1  }
0x2b1: {  	v6 =	vld.idx.msk [tilespmem:v6+s3+$0x0], $0xffff;
	_ =	sdelay $0x1  }
0x2b2: {  	v0 =	vadd.f32 v1, v0  }
0x2b3: {  	v33 =	vadd.f32 v3, v2;
	v34 =	vadd.f32 v5, v4;
	v3 =	vld [tilespmem:$0x300];
	_ =	sdelay $0x1  }
0x2b4: {  	v0 =	vadd.f32 v33, v0;
	v35 =	vadd.f32 v6, v34;
	_ =	sdelay $0x1  }
0x2b5: {  	v0 =	vadd.f32 v35, v0;
	_ =	sdelay $0x1  }
0x2b6: {  	v0 =	vmul.f32 $1.428571490e-01, v0;
	_ =	sdelay $0x1  }
0x2b7: {  	[tilespmem:v3+s0+$0x0] =	vst.idx.msk $0xffff, v0  }
0x2b8: {  	v0 =	vld [tilespmem:$0x70]  }
0x2b9: {  	v36 =	vld [tilespmem:$0xD0]  }
0x2ba: {  	v37 =	vld [tilespmem:$0x130]  }
0x2bb: {  	v3 =	vld [tilespmem:$0x190]  }
0x2bc: {  	v4 =	vld [tilespmem:$0x1F0]  }
0x2bd: {  	v5 =	vld [tilespmem:$0x250];
	_ =	sdelay $0x1  }
0x2be: {  	v6 =	vld [tilespmem:$0x2B0]  }
0x2bf: {  	v0 =	vld.idx.msk [tilespmem:v0+s3+$0x0], $0xffff  }
0x2c0: {  	v1 =	vld.idx.msk [tilespmem:v36+s3+$0x0], $0xffff  }
0x2c1: {  	v2 =	vld.idx.msk [tilespmem:v37+s3+$0x0], $0xffff  }
0x2c2: {  	v3 =	vld.idx.msk [tilespmem:v3+s3+$0x0], $0xffff  }
0x2c3: {  	v4 =	vld.idx.msk [tilespmem:v4+s3+$0x0], $0xffff  }
0x2c4: {  	v5 =	vld.idx.msk [tilespmem:v5+s3+$0x0], $0xffff;
	_ =	sdelay $0x1  }
0x2c5: {  	v6 =	vld.idx.msk [tilespmem:v6+s3+$0x0], $0xffff;
	_ =	sdelay $0x1  }
0x2c6: {  	v0 =	vadd.f32 v1, v0  }
0x2c7: {  	v38 =	vadd.f32 v3, v2;
	v39 =	vadd.f32 v5, v4;
	v3 =	vld [tilespmem:$0x310];
	_ =	sdelay $0x1  }
0x2c8: {  	v0 =	vadd.f32 v38, v0;
	v40 =	vadd.f32 v6, v39;
	_ =	sdelay $0x1  }
0x2c9: {  	v0 =	vadd.f32 v40, v0;
	_ =	sdelay $0x1  }
0x2ca: {  	v0 =	vmul.f32 $1.428571490e-01, v0;
	_ =	sdelay $0x1  }
0x2cb: {  	[tilespmem:v3+s0+$0x0] =	vst.idx.msk $0xffff, v0  }
0x2cc: {  	v0 =	vld [tilespmem:$0x80]  }
0x2cd: {  	v41 =	vld [tilespmem:$0xE0]  }
0x2ce: {  	v42 =	vld [tilespmem:$0x140]  }
0x2cf: {  	v3 =	vld [tilespmem:$0x1A0]  }
0x2d0: {  	v4 =	vld [tilespmem:$0x200]  }
0x2d1: {  	v5 =	vld [tilespmem:$0x260];
	_ =	sdelay $0x1  }
0x2d2: {  	v6 =	vld [tilespmem:$0x2C0]  }
0x2d3: {  	v0 =	vld.idx.msk [tilespmem:v0+s3+$0x0], $0xffff  }
0x2d4: {  	v1 =	vld.idx.msk [tilespmem:v41+s3+$0x0], $0xffff  }
0x2d5: {  	v2 =	vld.idx.msk [tilespmem:v42+s3+$0x0], $0xffff  }
0x2d6: {  	v3 =	vld.idx.msk [tilespmem:v3+s3+$0x0], $0xffff  }
0x2d7: {  	v4 =	vld.idx.msk [tilespmem:v4+s3+$0x0], $0xffff  }
0x2d8: {  	v5 =	vld.idx.msk [tilespmem:v5+s3+$0x0], $0xffff;
	_ =	sdelay $0x1  }
0x2d9: {  	v6 =	vld.idx.msk [tilespmem:v6+s3+$0x0], $0xffff;
	_ =	sdelay $0x1  }
0x2da: {  	v0 =	vadd.f32 v1, v0  }
0x2db: {  	v43 =	vadd.f32 v3, v2;
	v44 =	vadd.f32 v5, v4;
	v3 =	vld [tilespmem:$0x320];
	_ =	sdelay $0x1  }
0x2dc: {  	v0 =	vadd.f32 v43, v0;
	v45 =	vadd.f32 v6, v44;
	_ =	sdelay $0x1  }
0x2dd: {  	v0 =	vadd.f32 v45, v0;
	_ =	sdelay $0x1  }
0x2de: {  	v0 =	vmul.f32 $1.428571490e-01, v0;
	_ =	sdelay $0x1  }
0x2df: {  	[tilespmem:v3+s0+$0x0] =	vst.idx.msk $0xffff, v0  }
0x2e0: {  	v0 =	vld [tilespmem:$0x90]  }
0x2e1: {  	v46 =	vld [tilespmem:$0xF0]  }
0x2e2: {  	v47 =	vld [tilespmem:$0x150]  }
0x2e3: {  	v3 =	vld [tilespmem:$0x1B0]  }
0x2e4: {  	v4 =	vld [tilespmem:$0x210]  }
0x2e5: {  	v5 =	vld [tilespmem:$0x270];
	_ =	sdelay $0x1  }
0x2e6: {  	v6 =	vld [tilespmem:$0x2D0]  }
0x2e7: {  	v0 =	vld.idx.msk [tilespmem:v0+s3+$0x0], $0xffff  }
0x2e8: {  	v1 =	vld.idx.msk [tilespmem:v46+s3+$0x0], $0xffff  }
0x2e9: {  	v2 =	vld.idx.msk [tilespmem:v47+s3+$0x0], $0xffff  }
0x2ea: {  	v3 =	vld.idx.msk [tilespmem:v3+s3+$0x0], $0xffff  }
0x2eb: {  	v4 =	vld.idx.msk [tilespmem:v4+s3+$0x0], $0xffff  }
0x2ec: {  	v5 =	vld.idx.msk [tilespmem:v5+s3+$0x0], $0xffff;
	_ =	sdelay $0x1  }
0x2ed: {  	v6 =	vld.idx.msk [tilespmem:v6+s3+$0x0], $0xffff;
	_ =	sdelay $0x1  }
0x2ee: {  	v0 =	vadd.f32 v1, v0  }
0x2ef: {  	v50 =	vadd.f32 v3, v2;
	v51 =	vadd.f32 v5, v4;
	v3 =	vld [tilespmem:$0x330];
	_ =	sdelay $0x1  }
0x2f0: {  	v0 =	vadd.f32 v50, v0;
	v52 =	vadd.f32 v6, v51;
	_ =	sdelay $0x1  }
0x2f1: {  	v0 =	vadd.f32 v52, v0;
	_ =	sdelay $0x1  }
0x2f2: {  	v0 =	vmul.f32 $1.428571490e-01, v0;
	_ =	sdelay $0x1  }
0x2f3: {  	[tilespmem:v3+s0+$0x0] =	vst.idx.msk $0xffff, v0  }
0x2f4: {  	v0 =	vld [tilespmem:$0xA0]  }
0x2f5: {  	v53 =	vld [tilespmem:$0x100]  }
0x2f6: {  	v54 =	vld [tilespmem:$0x160]  }
0x2f7: {  	v3 =	vld [tilespmem:$0x1C0]  }
0x2f8: {  	v4 =	vld [tilespmem:$0x220]  }
0x2f9: {  	v5 =	vld [tilespmem:$0x280];
	_ =	sdelay $0x1  }
0x2fa: {  	v6 =	vld [tilespmem:$0x2E0]  }
0x2fb: {  	v0 =	vld.idx.msk [tilespmem:v0+s3+$0x0], $0xffff  }
0x2fc: {  	v1 =	vld.idx.msk [tilespmem:v53+s3+$0x0], $0xffff  }
0x2fd: {  	v2 =	vld.idx.msk [tilespmem:v54+s3+$0x0], $0xffff  }
0x2fe: {  	v3 =	vld.idx.msk [tilespmem:v3+s3+$0x0], $0xffff  }
0x2ff: {  	v4 =	vld.idx.msk [tilespmem:v4+s3+$0x0], $0xffff  }
0x300: {  	v5 =	vld.idx.msk [tilespmem:v5+s3+$0x0], $0xffff;
	_ =	sdelay $0x1  }
0x301: {  	v6 =	vld.idx.msk [tilespmem:v6+s3+$0x0], $0xffff;
	_ =	sdelay $0x1  }
0x302: {  	v0 =	vadd.f32 v1, v0  }
0x303: {  	v55 =	vadd.f32 v3, v2;
	v56 =	vadd.f32 v5, v4;
	v3 =	vld [tilespmem:$0x340];
	_ =	sdelay $0x1  }
0x304: {  	v0 =	vadd.f32 v55, v0;
	v57 =	vadd.f32 v6, v56;
	_ =	sdelay $0x1  }
0x305: {  	v0 =	vadd.f32 v57, v0;
	_ =	sdelay $0x1  }
0x306: {  	v0 =	vmul.f32 $1.428571490e-01, v0;
	_ =	sdelay $0x1  }
0x307: {  	[tilespmem:v3+s0+$0x0] =	vst.idx.msk $0xffff, v0  }
0x308: {  	v0 =	vld [tilespmem:$0xB0]  }
0x309: {  	v58 =	vld [tilespmem:$0x110]  }
0x30a: {  	v59 =	vld [tilespmem:$0x170]  }
0x30b: {  	v3 =	vld [tilespmem:$0x1D0]  }
0x30c: {  	v4 =	vld [tilespmem:$0x230]  }
0x30d: {  	v5 =	vld [tilespmem:$0x290];
	_ =	sdelay $0x1  }
0x30e: {  	v6 =	vld [tilespmem:$0x2F0]  }
0x30f: {  	v0 =	vld.idx.msk [tilespmem:v0+s3+$0x0], $0xffff  }
0x310: {  	v1 =	vld.idx.msk [tilespmem:v58+s3+$0x0], $0xffff  }
0x311: {  	v2 =	vld.idx.msk [tilespmem:v59+s3+$0x0], $0xffff  }
0x312: {  	v3 =	vld.idx.msk [tilespmem:v3+s3+$0x0], $0xffff  }
0x313: {  	v4 =	vld.idx.msk [tilespmem:v4+s3+$0x0], $0xffff  }
0x314: {  	v5 =	vld.idx.msk [tilespmem:v5+s3+$0x0], $0xffff;
	_ =	sdelay $0x1  }
0x315: {  	v6 =	vld.idx.msk [tilespmem:v6+s3+$0x0], $0xffff;
	_ =	sdelay $0x1  }
0x316: {  	v0 =	vadd.f32 v1, v0  }
0x317: {  	v60 =	vadd.f32 v3, v2;
	v61 =	vadd.f32 v5, v4;
	v3 =	vld [tilespmem:$0x350]  }
0x318: {  	v63 =	vld [tilespmem:$0x1FF50]  }
0x319: {  	v0 =	vadd.f32 v60, v0;
	v62 =	vadd.f32 v6, v61;
	_ =	sdelay $0x1  }
0x31a: {  	v0 =	vadd.f32 v62, v0;
	_ =	sdelay $0x1  }
.Ltmp3:
0x31b: {  	v0 =	vmul.f32 $1.428571490e-01, v0;
	(pc) =	sbr.rel @p1 .LBB2_10-.Ltmp3, $4  }
0x31c: {  	_ = 	snop  }
0x31d: {  	s1 =	rddreg [dreg:$0x11];
	v4 =	vimm.f32 $0.0e+00;
	[tilespmem:v3+s0+$0x0] =	vst.idx.msk $0xffff, v0  }
0x31e: {  	s1 =	sadd.s32 s18, s1;
	[tilespmem:v63+s0+$0x0] =	vst.idx.msk $0xffff, v4  }
0x31f: {  	[hbm4b:s1+s5] =	stream.linear.scatter [tilespmem:s0], [sflag:$0x6], $0x800, $0x38;
	[tilespmem:$0xA860] =	vst v63  }
0x320: {  	s1 =	sadd.s32 $0x5, s17  }
0x321: {  	s6 =	smulhi.u32 $0x88888889, s1;
	_ =	sdelay $0x1  }
0x322: {  	s6 =	sshrl.u32 s6, $0x4  }
0x323: {  	s7 =	smul.u32 $0x1E, s6;
	_ =	sdelay $0x1  }
0x324: {  	s19 =	ssub.s32 s1, s7  }
0x325: {  	s20 =	smulhi.u32 $0x33333334, s19;
	_ =	sdelay $0x1  }
0x326: {  	s21 =	smul.u32 $0x5, s20;
	_ =	sdelay $0x1  }
0x327: {  	s19 =	ssub.s32 s19, s21  }
0x328: {  	s19 =	sadd.s32 $0x4, s19  }
0x329: {  	s23 =	smulhi.u32 $0x66666667, s19;
	s25 =	sshra.s32 s19, $0x1F  }
0x32a: {  	s25 =	smul.u32 $0x66666667, s25;
	_ =	sdelay $0x1  }
0x32b: {  	s23 =	sadd.s32 s25, s23  }
0x32c: {  	s26 =	sadd.s32 $0x1, s20;
	s25 =	sshrl.u32 s23, $0x1F;
	s23 =	sshra.s32 s23, $0x1  }
0x32d: {  	s12 =	smulhi.u32 $0x2AAAAAAB, s26;
	s23 =	sadd.s32 s25, s23  }
0x32e: {  	s23 =	smul.u32 $0x5, s23  }
0x32f: {  	s25 =	smul.u32 $0x6, s12  }
0x330: {  	s19 =	ssub.s32 s19, s23  }
0x331: {  	v0 =	vld [tilespmem:$0x0];
	s26 =	ssub.s32 s26, s25;
	p2 =	slt.s32 s19, $0x0;
	s25 =	sadd.s32 $0x5, s19  }
0x332: {  	v1 =	vld [tilespmem:$0x10];
	s23 =	smul.u32 $0x5, s26;
	s19 =	smov.u32 @p2 s25  }
0x333: {  	v2 =	vld [tilespmem:$0x20];
	s7 =	sadd.s32 s7, s19  }
0x334: {  	v3 =	vld [tilespmem:$0x30];
	s20 =	sadd.s32 $0x5, s20;
	s19 =	sadd.s32 s23, s7  }
0x335: {  	s28 =	smulhi.u32 $0x2AAAAAAB, s20;
	s19 =	sshll.u32 s19, $0xD  }
0x336: {  	v0 =	vadd.s32 s19, v0  }
0x337: {  	s1 =	sshll.u32 s1, $0xA;
	s23 =	smul.u32 $0x6, s28;
	v61 =	vadd.s32 s19, v1;
	[tilespmem:$0x87A0] =	vst v0  }
0x338: {  	s1 =	sand.u32 $0x1FFFF400, s1;
	s29 =	sadd.s32 s21, s7;
	v62 =	vadd.s32 s19, v2;
	[tilespmem:$0x87B0] =	vst v61  }
0x339: {  	s1 =	sadd.s32 s2, s1;
	v63 =	vadd.s32 s19, v3;
	s20 =	ssub.s32 s20, s23;
	s19 =	sshll.u32 s29, $0xA;
	[tilespmem:$0x87C0] =	vst v62  }
0x33a: {  	[tilespmem:$0x87D0] =	vst v63;
	s12 =	smul.u32 $0x5, s20;
	s19 =	sand.u32 $0x1FFFFC00, s19;
	s20 =	rddreg [dreg:$0xa]  }
0x33b: {  	[tilespmem:s3], [sflag:$0x2] =	stream.linear.gather [hbm4b:s1+s5], $0x2000, $0x38;
	[tilespmem:$0xA860] =	vst v63  }
0x33c: {  	s1 =	sadd.s32 s12, s7;
	s7 =	sadd.s32 s19, s20;
	s12 =	simm.s32 $0x4460  }
0x33d: {  	[tilespmem:s12], [sflag:$0x2] =	stream.linear.gather [hbm4b:s7+s5], $0x40, $0x38;
	[tilespmem:$0xA860] =	vst v63  }
0x33e: {  	s6 =	smul.u32 $0x3C000, s6;
	s1 =	sshll.u32 s1, $0xA  }
0x33f: {  	s1 =	sand.u32 $0x1FFFFC00, s1  }
0x340: {  	s21 =	simm.s32 $0x44A0;
	s23 =	sshrl.u32 s6, $0x3;
	s1 =	sadd.s32 s1, s13  }
0x341: {  	[tilespmem:s21], [sflag:$0x2] =	stream.linear.gather [hbm4b:s1+s5], $0x40, $0x38;
	[tilespmem:$0xA860] =	vst v63  }
0x342: {  	s25 =	simm.s32 $0x44E0;
	s1 =	sadd.s32 s2, s23  }
0x343: {  	[tilespmem:s25], [sflag:$0x2] =	stream.linear.gather [hbm4b:s1+s5], $0x8, $0x38;
	[tilespmem:$0xA860] =	vst v63  }
0x344: {  	s26 =	simm.s32 $0x40;
	s28 =	simm.s32 $0x87A0;
	s29 =	simm.s32 $0x4520  }
0x345: {  	[tilespmem:s29], [sflag:$0x2] =	stream.indirect.gather [hbm4b:s2+s26], $0x1, s28, s26, $0xb8;
	[tilespmem:$0xA860] =	vst v63  }
.LBB2_10:
0x346: {  	_ =	swait.ge [sflag:s4], $0x2000  }
0x347: {  	[sflag:s4] =	ssyncset.done $0x0  }
0x348: {  	[sflag:s4] =	ssyncadd.s32 $0xFFFFE000  }
0x349: {  	_ =	swait.ge [sflag:s4], $0x40  }
0x34a: {  	[sflag:s4] =	ssyncset.done $0x0  }
0x34b: {  	[sflag:s4] =	ssyncadd.s32 $0xFFFFFFC0  }
0x34c: {  	_ =	swait.ge [sflag:s4], $0x40  }
0x34d: {  	[sflag:s4] =	ssyncset.done $0x0  }
0x34e: {  	[sflag:s4] =	ssyncadd.s32 $0xFFFFFFC0  }
0x34f: {  	_ =	swait.ge [sflag:s4], $0x8  }
0x350: {  	[sflag:s4] =	ssyncset.done $0x0  }
0x351: {  	[sflag:s4] =	ssyncadd.s32 $0xFFFFFFF8  }
0x352: {  	_ =	swait.ge [sflag:s4], $0x40  }
0x353: {  	v1 =	vld [tilespmem:$0x1FF40];
	_ =	sdelay $0x5  }
0x354: {  	[sflag:s4] =	ssyncset.done $0x0  }
0x355: {  	s6 =	simm.s32 $0x0;
	[sflag:s4] =	ssyncadd.s32 $0xFFFFFFC0  }
0x356: {  	s7 =	simm.s32 @!p0 $0x7;
	s1 =	smax.u32 s6, $0x21;
	[tilespmem:v1+s14+$0x0] =	vst.idx.msk $0xffff, v4  }
0x357: {  	s1 =	sadd.s32 $0xFFFFFFDF, s1;
	_ =	swait.ge @!p0 [sflag:s7], $0x800  }
0x358: {  	s26 =	smax.u32 s6, $0x81;
	s28 =	smax.u32 s6, $0x61;
	s6 =	smax.u32 s6, $0x41;
	v0 =	vadd.s32 s1, v48;
	v51 =	vld [tilespmem:$0x1FFB0]  }
0x359: {  	s19 =	sadd.s32 $0xFFFFFFBF, s6;
	v47 =	vadd.s32 s1, v49;
	v52 =	vld [tilespmem:$0x1FFC0]  }
0x35a: {  	v19 =	vadd.s32 s19, v48;
	v53 =	vld [tilespmem:$0x1FFD0]  }
0x35b: {  	s20 =	simm.s32 $0x7F;
	v20 =	vadd.s32 s19, v49;
	[sflag:s7] =	ssyncset.done @!p0 $0x0;
	v54 =	vld [tilespmem:$0x1FFE0]  }
0x35c: {  	v25 =	vadd.s32 s20, v48;
	v50 =	vld [tilespmem:$0x1FFF0];
	[sflag:s7] =	ssyncadd.s32 @!p0 $0xFFFFF800  }
0x35d: {  	s23 =	simm.s32 $0xBF;
	v26 =	vadd.s32 s20, v49;
	v0 =	vld.idx.msk [tilespmem:v0+s14+$0x0], $0xffff  }
0x35e: {  	v58 =	vadd.s32 s23, v49;
	s7 =	sadd.s32 $0xFFFFFF7F, s26;
	v1 =	vld.idx.msk [tilespmem:v47+s14+$0x0], $0xffff  }
0x35f: {  	v6 =	vadd.s32 s7, v48;
	v19 =	vld.idx.msk [tilespmem:v19+s14+$0x0], $0xffff  }
0x360: {  	s21 =	simm.s32 $0x9F;
	v8 =	vadd.s32 s7, v49;
	v20 =	vld.idx.msk [tilespmem:v20+s14+$0x0], $0xffff  }
0x361: {  	v31 =	vld.idx.msk [tilespmem:v25+s14+$0x0], $0xffff;
	v25 =	vadd.s32 s21, v48  }
0x362: {  	v32 =	vadd.s32 s21, v49;
	v26 =	vld.idx.msk [tilespmem:v26+s14+$0x0], $0xffff  }
0x363: {  	v41 =	vld.idx.msk [tilespmem:v58+s14+$0x0], $0xffff;
	v2 =	vadd.s32 s1, v51  }
0x364: {  	v3 =	vadd.s32 s1, v52;
	v6 =	vld.idx.msk [tilespmem:v6+s14+$0x0], $0xffff  }
0x365: {  	v57 =	vadd.s32 s1, v53;
	v8 =	vld.idx.msk [tilespmem:v8+s14+$0x0], $0xffff  }
0x366: {  	v5 =	vadd.s32 s1, v54;
	v37 =	vld.idx.msk [tilespmem:v25+s14+$0x0], $0xffff  }
0x367: {  	v7 =	vadd.s32 s1, v50;
	v0 =	vadd.f32 v1, v0;
	v1 =	vld.idx.msk [tilespmem:v32+s14+$0x0], $0xffff  }
0x368: {  	v9 =	vadd.s32 s7, v51;
	v2 =	vld.idx.msk [tilespmem:v2+s14+$0x0], $0xffff  }
0x369: {  	v10 =	vadd.s32 s7, v52;
	v3 =	vld.idx.msk [tilespmem:v3+s14+$0x0], $0xffff  }
0x36a: {  	v11 =	vadd.s32 s7, v53;
	v4 =	vld.idx.msk [tilespmem:v57+s14+$0x0], $0xffff  }
0x36b: {  	v12 =	vadd.s32 s7, v54;
	v5 =	vld.idx.msk [tilespmem:v5+s14+$0x0], $0xffff  }
0x36c: {  	v21 =	vadd.s32 s19, v51;
	v7 =	vld.idx.msk [tilespmem:v7+s14+$0x0], $0xffff  }
0x36d: {  	v22 =	vadd.s32 s19, v52;
	v9 =	vld.idx.msk [tilespmem:v9+s14+$0x0], $0xffff  }
0x36e: {  	v23 =	vadd.s32 s19, v53;
	v10 =	vld.idx.msk [tilespmem:v10+s14+$0x0], $0xffff  }
0x36f: {  	v24 =	vadd.s32 s19, v54;
	v11 =	vld.idx.msk [tilespmem:v11+s14+$0x0], $0xffff  }
0x370: {  	v27 =	vadd.s32 s20, v51;
	v12 =	vld.idx.msk [tilespmem:v12+s14+$0x0], $0xffff  }
0x371: {  	v28 =	vadd.s32 s20, v52;
	v21 =	vld.idx.msk [tilespmem:v21+s14+$0x0], $0xffff  }
0x372: {  	v29 =	vadd.s32 s20, v53;
	v22 =	vld.idx.msk [tilespmem:v22+s14+$0x0], $0xffff  }
0x373: {  	s1 =	sadd.s32 $0xFFFFFF9F, s28;
	v34 =	vadd.s32 s21, v52;
	v23 =	vld.idx.msk [tilespmem:v23+s14+$0x0], $0xffff  }
0x374: {  	v13 =	vadd.s32 s1, v48;
	v30 =	vld.idx.msk [tilespmem:v24+s14+$0x0], $0xffff  }
0x375: {  	v14 =	vadd.s32 s1, v49;
	v27 =	vld.idx.msk [tilespmem:v27+s14+$0x0], $0xffff  }
0x376: {  	v15 =	vadd.s32 s1, v51;
	v28 =	vld.idx.msk [tilespmem:v28+s14+$0x0], $0xffff  }
0x377: {  	v16 =	vadd.s32 s1, v52;
	v29 =	vld.idx.msk [tilespmem:v29+s14+$0x0], $0xffff  }
0x378: {  	v17 =	vadd.s32 s1, v53;
	v34 =	vld.idx.msk [tilespmem:v34+s14+$0x0], $0xffff  }
0x379: {  	v18 =	vadd.s32 s1, v54;
	v13 =	vld.idx.msk [tilespmem:v13+s14+$0x0], $0xffff  }
0x37a: {  	s29 =	simm.s32 $0xDF;
	v60 =	vadd.s32 s23, v52;
	v14 =	vld.idx.msk [tilespmem:v14+s14+$0x0], $0xffff  }
0x37b: {  	v40 =	vadd.s32 s29, v51;
	v15 =	vld.idx.msk [tilespmem:v15+s14+$0x0], $0xffff  }
0x37c: {  	v25 =	vadd.s32 s23, v48;
	v16 =	vld.idx.msk [tilespmem:v16+s14+$0x0], $0xffff  }
0x37d: {  	v24 =	vadd.s32 s20, v54;
	v17 =	vld.idx.msk [tilespmem:v17+s14+$0x0], $0xffff  }
0x37e: {  	v33 =	vadd.s32 s21, v51;
	v35 =	vadd.s32 s21, v53;
	v38 =	vadd.s32 s23, v53;
	v18 =	vld.idx.msk [tilespmem:v18+s14+$0x0], $0xffff  }
0x37f: {  	v39 =	vadd.s32 s23, v54;
	v58 =	vld.idx.msk [tilespmem:v60+s14+$0x0], $0xffff;
	v6 =	vadd.f32 v8, v6;
	v1 =	vadd.f32 v1, v37  }
0x380: {  	v55 =	vadd.s32 s29, v52;
	v32 =	vld.idx.msk [tilespmem:v40+s14+$0x0], $0xffff;
	v2 =	vadd.f32 v3, v2;
	v59 =	vadd.f32 v5, v4  }
0x381: {  	v63 =	vld.idx.msk [tilespmem:v25+s14+$0x0], $0xffff;
	v5 =	vadd.s32 s23, v51;
	v62 =	vadd.f32 v10, v9;
	v57 =	vadd.f32 v12, v11  }
0x382: {  	v42 =	vadd.s32 s29, v53;
	v36 =	vld.idx.msk [tilespmem:v24+s14+$0x0], $0xffff;
	v60 =	vadd.f32 v22, v21;
	v14 =	vadd.f32 v14, v13  }
0x383: {  	v24 =	vadd.s32 s21, v54;
	v4 =	vld.idx.msk [tilespmem:v33+s14+$0x0], $0xffff;
	v16 =	vadd.f32 v16, v15;
	v47 =	vadd.f32 v18, v17  }
0x384: {  	v25 =	vadd.s32 s7, v50;
	v3 =	vld.idx.msk [tilespmem:v35+s14+$0x0], $0xffff;
	v18 =	vadd.f32 v26, v31;
	v0 =	vadd.f32 v2, v0  }
0x385: {  	v35 =	vadd.s32 s29, v49;
	v31 =	vld.idx.msk [tilespmem:v39+s14+$0x0], $0xffff;
	v61 =	vadd.f32 v7, v59;
	v46 =	vadd.f32 v62, v6  }
0x386: {  	v26 =	vadd.s32 s21, v50;
	v59 =	vadd.f32 v20, v19;
	v20 =	vadd.f32 v28, v27;
	v56 =	vld.idx.msk [tilespmem:v5+s14+$0x0], $0xffff  }
0x387: {  	v7 =	vadd.s32 s29, v48;
	v19 =	vadd.f32 v30, v23;
	v0 =	vadd.f32 v61, v0;
	v61 =	vld.idx.msk [tilespmem:v38+s14+$0x0], $0xffff  }
0x388: {  	v62 =	vadd.s32 s29, v54;
	v63 =	vadd.f32 v41, v63;
	v45 =	vadd.f32 v16, v14;
	v8 =	vld.idx.msk [tilespmem:v24+s14+$0x0], $0xffff  }
0x389: {  	v33 =	vld.idx.msk [tilespmem:v55+s14+$0x0], $0xffff;
	v27 =	vadd.s32 s19, v50;
	v43 =	vadd.f32 v60, v59;
	v44 =	vadd.f32 v20, v18  }
0x38a: {  	v28 =	vadd.s32 s20, v50;
	v21 =	vadd.f32 v36, v29;
	v36 =	vld.idx.msk [tilespmem:v35+s14+$0x0], $0xffff;
	v4 =	vadd.f32 v34, v4  }
0x38b: {  	v24 =	vadd.s32 s1, v50;
	v34 =	vld.idx.msk [tilespmem:v42+s14+$0x0], $0xffff;
	v0 =	vmul.f32 $1.428571490e-01, v0;
	v2 =	vadd.f32 v58, v56  }
0x38c: {  	s19 =	simm.s32 $0x0;
	v30 =	vadd.s32 s29, v50;
	v38 =	vld.idx.msk [tilespmem:v7+s14+$0x0], $0xffff;
	v20 =	vadd.f32 v4, v1;
	v31 =	vadd.f32 v31, v61  }
0x38d: {  	s7 =	simm.s32 $0x200;
	v29 =	vadd.s32 s23, v50;
	s23 =	simm.s32 $0x0;
	v35 =	vld.idx.msk [tilespmem:v62+s14+$0x0], $0xffff;
	[tilespmem:s19+$0x9890] =	vst v0;
	v23 =	vadd.f32 v8, v3;
	v22 =	vadd.f32 v2, v63  }
.LBB2_11:
0x38e: {  	_ = 	snop  }
0x38f: {  	v0 =	vld.idx.msk [tilespmem:v25+s14+$0x0], $0xffff  }
0x390: {  	s20 =	smax.u32 s7, $0x21;
	v13 =	vld.idx.msk [tilespmem:v24+s14+$0x0], $0xffff;
	s26 =	sadd.s32 $0x7F, s7  }
0x391: {  	v58 =	vld.idx.msk [tilespmem:v30+s14+$0x0], $0xffff;
	s12 =	sadd.s32 $0xFFFFFFDF, s20;
	v41 =	vadd.s32 s26, v51  }
0x392: {  	v4 =	vld.idx.msk [tilespmem:v27+s14+$0x0], $0xffff;
	v11 =	vadd.s32 s12, v51  }
0x393: {  	v12 =	vld.idx.msk [tilespmem:v26+s14+$0x0], $0xffff;
	v26 =	vadd.s32 s12, v52  }
0x394: {  	v8 =	vld.idx.msk [tilespmem:v28+s14+$0x0], $0xffff;
	v27 =	vadd.s32 s12, v53;
	v34 =	vadd.f32 v35, v34  }
0x395: {  	s1 =	smax.u32 s7, $0x61;
	s21 =	smax.u32 s7, $0x81;
	v55 =	vld.idx.msk [tilespmem:v29+s14+$0x0], $0xffff;
	v28 =	vadd.s32 s12, v54  }
0x396: {  	s25 =	sadd.s32 $0xFFFFFF9F, s1;
	s1 =	sadd.s32 $0xFFFFFF7F, s21;
	v29 =	vadd.s32 s12, v50;
	v34 =	vadd.f32 v58, v34;
	v58 =	vld.idx.msk [tilespmem:v41+s14+$0x0], $0xffff  }
0x397: {  	v24 =	vadd.s32 s1, v53;
	v11 =	vld.idx.msk [tilespmem:v11+s14+$0x0], $0xffff  }
0x398: {  	s6 =	smax.u32 s7, $0x41;
	v56 =	vadd.s32 s25, v51;
	v26 =	vld.idx.msk [tilespmem:v26+s14+$0x0], $0xffff  }
0x399: {  	s21 =	sadd.s32 $0xFFFFFFBF, s6;
	v59 =	vadd.s32 s25, v53;
	v27 =	vld.idx.msk [tilespmem:v27+s14+$0x0], $0xffff  }
0x39a: {  	s28 =	sadd.s32 $0xDF, s7;
	v63 =	vadd.s32 s21, v51;
	v28 =	vld.idx.msk [tilespmem:v28+s14+$0x0], $0xffff  }
0x39b: {  	v37 =	vadd.s32 s21, v53;
	v16 =	vadd.s32 s28, v49;
	v29 =	vld.idx.msk [tilespmem:v29+s14+$0x0], $0xffff  }
0x39c: {  	v42 =	vadd.s32 s26, v52;
	[tilespmem:$0x1FD30] =	vst v16;
	v16 =	vld.idx.msk [tilespmem:v24+s14+$0x0], $0xffff  }
0x39d: {  	s6 =	sadd.s32 $0x9F, s7;
	v3 =	vadd.s32 s12, v48;
	v56 =	vld.idx.msk [tilespmem:v56+s14+$0x0], $0xffff  }
0x39e: {  	v5 =	vadd.s32 s1, v48;
	v15 =	vadd.s32 s6, v48;
	v32 =	vadd.f32 v33, v32;
	[tilespmem:$0x1FC50] =	vst v0;
	v33 =	vld.idx.msk [tilespmem:v59+s14+$0x0], $0xffff  }
0x39f: {  	[tilespmem:$0x1FC80] =	vst v15;
	v15 =	vadd.s32 s6, v49;
	v4 =	vadd.f32 v4, v19;
	v12 =	vadd.f32 v12, v23;
	v19 =	vld.idx.msk [tilespmem:v63+s14+$0x0], $0xffff  }
0x3a0: {  	v8 =	vadd.f32 v8, v21;
	v21 =	vadd.f32 v55, v31;
	[tilespmem:$0x1FC90] =	vst v15;
	v15 =	vadd.s32 s6, v51;
	v55 =	vld.idx.msk [tilespmem:v37+s14+$0x0], $0xffff  }
0x3a1: {  	v7 =	vadd.s32 s12, v49;
	[tilespmem:$0x1FCA0] =	vst v15;
	v15 =	vadd.s32 s6, v52;
	v12 =	vadd.f32 v12, v20;
	v20 =	vld.idx.msk [tilespmem:v42+s14+$0x0], $0xffff  }
0x3a2: {  	v10 =	vadd.s32 s1, v52;
	v35 =	vld [tilespmem:$0x1FC90];
	[tilespmem:$0x1FCB0] =	vst v15;
	v15 =	vadd.s32 s6, v53  }
0x3a3: {  	v9 =	vadd.s32 s1, v51;
	v37 =	vld [tilespmem:$0x1FCA0];
	[tilespmem:$0x1FCC0] =	vst v15;
	v15 =	vadd.s32 s6, v54  }
0x3a4: {  	s29 =	sadd.s32 $0xBF, s7;
	v6 =	vadd.s32 s1, v49;
	v30 =	vld.idx.msk [tilespmem:v5+s14+$0x0], $0xffff;
	v5 =	vadd.s32 s28, v48;
	[tilespmem:$0x1FCD0] =	vst v15  }
0x3a5: {  	v1 =	vadd.s32 s25, v48;
	v3 =	vld.idx.msk [tilespmem:v3+s14+$0x0], $0xffff;
	v15 =	vadd.s32 s29, v48;
	[tilespmem:$0x1FD20] =	vst v5  }
0x3a6: {  	v2 =	vadd.s32 s25, v49;
	v7 =	vld.idx.msk [tilespmem:v7+s14+$0x0], $0xffff;
	[tilespmem:$0x1FCE0] =	vst v15;
	v15 =	vadd.s32 s29, v49  }
0x3a7: {  	v25 =	vadd.s32 s1, v54;
	[tilespmem:$0x1FCF0] =	vst v15;
	v15 =	vadd.s32 s29, v52;
	v5 =	vmov v46;
	v46 =	vld.idx.msk [tilespmem:v10+s14+$0x0], $0xffff  }
0x3a8: {  	v0 =	vmov v57;
	v57 =	vadd.s32 s25, v52;
	[tilespmem:$0x1FD00] =	vst v15;
	v15 =	vld.idx.msk [tilespmem:v9+s14+$0x0], $0xffff  }
0x3a9: {  	v17 =	vmov v45;
	v45 =	vld.idx.msk [tilespmem:v6+s14+$0x0], $0xffff  }
0x3aa: {  	v62 =	vadd.s32 s21, v49;
	v1 =	vld.idx.msk [tilespmem:v1+s14+$0x0], $0xffff  }
0x3ab: {  	v14 =	vadd.f32 v36, v38;
	v36 =	vadd.s32 s21, v52;
	v2 =	vld.idx.msk [tilespmem:v2+s14+$0x0], $0xffff  }
0x3ac: {  	v61 =	vadd.s32 s21, v48;
	v40 =	vadd.s32 s26, v48;
	[tilespmem:$0x1FC60] =	vst v13;
	v13 =	vadd.s32 s26, v49;
	v48 =	vld.idx.msk [tilespmem:v25+s14+$0x0], $0xffff  }
0x3ad: {  	v15 =	vadd.f32 v46, v15;
	v46 =	vld.idx.msk [tilespmem:v57+s14+$0x0], $0xffff  }
0x3ae: {  	v60 =	vadd.s32 s25, v54;
	v57 =	vld [tilespmem:$0x1FC50]  }
0x3af: {  	v18 =	vadd.s32 s29, v53;
	v62 =	vld.idx.msk [tilespmem:v62+s14+$0x0], $0xffff  }
0x3b0: {  	v31 =	vld.idx.msk [tilespmem:v36+s14+$0x0], $0xffff  }
0x3b1: {  	v13 =	vld.idx.msk [tilespmem:v13+s14+$0x0], $0xffff;
	v26 =	vadd.f32 v26, v11  }
0x3b2: {  	[tilespmem:$0x1FD10] =	vst v18;
	v18 =	vmov v47;
	v28 =	vadd.f32 v28, v27;
	v41 =	vld [tilespmem:$0x1FCE0];
	v47 =	vadd.f32 v7, v3  }
0x3b3: {  	v0 =	vadd.f32 v57, v0;
	v57 =	vadd.f32 v48, v16;
	v16 =	vld.idx.msk [tilespmem:v60+s14+$0x0], $0xffff  }
0x3b4: {  	v39 =	vadd.s32 s21, v54;
	v60 =	vld.idx.msk [tilespmem:v61+s14+$0x0], $0xffff  }
0x3b5: {  	v49 =	vadd.f32 v29, v28;
	v47 =	vadd.f32 v26, v47;
	v61 =	vld [tilespmem:$0x1FC60]  }
0x3b6: {  	v36 =	vld.idx.msk [tilespmem:v35+s14+$0x0], $0xffff  }
0x3b7: {  	v47 =	vadd.f32 v49, v47;
	v49 =	vld [tilespmem:$0x1FFA0]  }
0x3b8: {  	v38 =	vadd.s32 s26, v54;
	v45 =	vadd.f32 v45, v30;
	v48 =	vld [tilespmem:$0x1FF90]  }
0x3b9: {  	[tilespmem:$0x1FC70] =	vst v14;
	v6 =	vadd.s32 s29, v51;
	v23 =	vadd.f32 v46, v56;
	v56 =	vld.idx.msk [tilespmem:v39+s14+$0x0], $0xffff  }
0x3ba: {  	v47 =	vmul.f32 $1.428571490e-01, v47;
	v15 =	vadd.f32 v15, v45;
	v45 =	vadd.f32 v61, v18;
	v18 =	vld [tilespmem:$0x1FC70]  }
0x3bb: {  	v9 =	vadd.s32 s29, v54;
	v29 =	vadd.s32 s29, v50;
	s29 =	sshra.s32 s7, $0x2;
	v1 =	vadd.f32 v2, v1;
	v39 =	vld [tilespmem:$0x1FCC0]  }
0x3bc: {  	[tilespmem:s29+$0x9890] =	vst v47;
	v47 =	vadd.f32 v16, v33;
	v16 =	vld.idx.msk [tilespmem:v40+s14+$0x0], $0xffff  }
0x3bd: {  	v1 =	vadd.f32 v23, v1;
	v2 =	vadd.f32 v62, v60;
	v62 =	vld.idx.msk [tilespmem:v38+s14+$0x0], $0xffff  }
0x3be: {  	v38 =	vld [tilespmem:$0x1FCB0];
	v23 =	vadd.f32 v45, v17;
	v17 =	vadd.f32 v31, v19  }
0x3bf: {  	v14 =	vadd.s32 s26, v53;
	v19 =	vadd.f32 v56, v55;
	v55 =	vld [tilespmem:$0x1FCF0];
	v32 =	vadd.f32 v32, v18  }
0x3c0: {  	v8 =	vadd.f32 v8, v44;
	v40 =	vld [tilespmem:$0x1FCD0]  }
0x3c1: {  	v18 =	vadd.f32 v21, v22;
	v21 =	vadd.f32 v34, v32;
	v32 =	vld [tilespmem:$0x1FC80]  }
0x3c2: {  	v60 =	vmul.f32 $1.428571490e-01, v8;
	v56 =	vld [tilespmem:$0x1FD00]  }
0x3c3: {  	v45 =	vmov v1;
	v1 =	vadd.f32 v20, v58;
	v58 =	vld [tilespmem:$0x1FD10];
	v63 =	vmul.f32 $1.428571490e-01, v18  }
0x3c4: {  	v22 =	vld.idx.msk [tilespmem:v14+s14+$0x0], $0xffff;
	[tilespmem:s19+$0x98A0] =	vst v60  }
0x3c5: {  	v60 =	vld [tilespmem:$0x1FD20];
	[tilespmem:s19+$0x98C0] =	vst v63  }
0x3c6: {  	v4 =	vadd.f32 v4, v43;
	v43 =	vadd.f32 v17, v2;
	v2 =	vld.idx.msk [tilespmem:v41+s14+$0x0], $0xffff  }
0x3c7: {  	v61 =	vmul.f32 $1.428571490e-01, v12;
	v12 =	vld.idx.msk [tilespmem:v55+s14+$0x0], $0xffff  }
0x3c8: {  	v6 =	vld.idx.msk [tilespmem:v6+s14+$0x0], $0xffff  }
0x3c9: {  	v4 =	vmul.f32 $1.428571490e-01, v4;
	v33 =	vld.idx.msk [tilespmem:v32+s14+$0x0], $0xffff;
	[tilespmem:s19+$0x98B0] =	vst v61  }
0x3ca: {  	v59 =	vmul.f32 $1.428571490e-01, v23;
	v8 =	vld.idx.msk [tilespmem:v37+s14+$0x0], $0xffff  }
0x3cb: {  	[tilespmem:s19+$0x9880] =	vst v4;
	v0 =	vadd.f32 v0, v5;
	v4 =	vld.idx.msk [tilespmem:v38+s14+$0x0], $0xffff  }
0x3cc: {  	v10 =	vadd.s32 s28, v53;
	v13 =	vadd.f32 v13, v16;
	[tilespmem:s19+$0x9870] =	vst v59;
	v59 =	vld.idx.msk [tilespmem:v9+s14+$0x0], $0xffff  }
0x3cd: {  	v0 =	vmul.f32 $1.428571490e-01, v0;
	v34 =	vmul.f32 $1.428571490e-01, v21;
	v21 =	vadd.f32 v62, v22;
	v62 =	vld [tilespmem:$0x1FD30]  }
0x3ce: {  	v11 =	vadd.s32 s28, v54;
	v44 =	vadd.f32 v1, v13;
	v13 =	vld.idx.msk [tilespmem:v58+s14+$0x0], $0xffff  }
0x3cf: {  	v7 =	vadd.s32 s28, v51;
	[tilespmem:s19+$0x9860] =	vst v0;
	v0 =	vld.idx.msk [tilespmem:v39+s14+$0x0], $0xffff  }
0x3d0: {  	v4 =	vadd.f32 v4, v8;
	v8 =	vld.idx.msk [tilespmem:v56+s14+$0x0], $0xffff  }
0x3d1: {  	s23 =	sadd.s32 $0x8, s23;
	[tilespmem:s19+$0x98D0] =	vst v34;
	v1 =	vld.idx.msk [tilespmem:v40+s14+$0x0], $0xffff  }
0x3d2: {  	p2 =	slt.u32 s23, $0x78;
	v3 =	vadd.s32 s28, v52;
	v34 =	vld.idx.msk [tilespmem:v10+s14+$0x0], $0xffff  }
.Ltmp4:
0x3d3: {  	v24 =	vadd.s32 s25, v50;
	v35 =	vld.idx.msk [tilespmem:v11+s14+$0x0], $0xffff;
	(pc) =	sbr.rel @p2 .LBB2_11-.Ltmp4, $4  }
0x3d4: {  	v25 =	vadd.s32 s1, v50;
	v27 =	vadd.s32 s21, v50;
	v61 =	vadd.f32 v12, v2;
	v32 =	vld.idx.msk [tilespmem:v7+s14+$0x0], $0xffff  }
0x3d5: {  	v28 =	vadd.s32 s26, v50;
	v38 =	vld.idx.msk [tilespmem:v60+s14+$0x0], $0xffff;
	v42 =	vadd.f32 v36, v33;
	v63 =	vadd.f32 v8, v6  }
0x3d6: {  	v30 =	vadd.s32 s28, v50;
	v31 =	vadd.f32 v59, v13;
	v36 =	vld.idx.msk [tilespmem:v62+s14+$0x0], $0xffff;
	v23 =	vadd.f32 v1, v0  }
0x3d7: {  	s7 =	sadd.s32 $0x200, s7;
	v26 =	vadd.s32 s6, v50;
	v46 =	vmovc v15;
	s19 =	smov.u32 s29;
	v33 =	vld.idx.msk [tilespmem:v3+s14+$0x0], $0xffff;
	v20 =	vadd.f32 v4, v42;
	v22 =	vadd.f32 v63, v61  }
0x3d8: {  	_ =	sdelay $0x3  }
0x3d9: {  	v0 =	vld.idx.msk [tilespmem:v25+s14+$0x0], $0xffff  }
0x3da: {  	v1 =	vld.idx.msk [tilespmem:v24+s14+$0x0], $0xffff  }
0x3db: {  	v2 =	vld.idx.msk [tilespmem:v27+s14+$0x0], $0xffff  }
0x3dc: {  	v3 =	vld.idx.msk [tilespmem:v28+s14+$0x0], $0xffff  }
0x3dd: {  	v4 =	vld.idx.msk [tilespmem:v26+s14+$0x0], $0xffff  }
0x3de: {  	v6 =	vld.idx.msk [tilespmem:v29+s14+$0x0], $0xffff;
	v8 =	vadd.f32 v35, v34  }
0x3df: {  	v5 =	vadd.f32 v36, v38;
	v7 =	vadd.f32 v33, v32  }
0x3e0: {  	v9 =	vld.idx.msk [tilespmem:v30+s14+$0x0], $0xffff;
	v0 =	vadd.f32 v0, v57;
	v1 =	vadd.f32 v1, v47  }
0x3e1: {  	v2 =	vadd.f32 v2, v19;
	v3 =	vadd.f32 v3, v21  }
0x3e2: {  	v4 =	vadd.f32 v4, v23;
	v0 =	vadd.f32 v0, v46  }
0x3e3: {  	v6 =	vadd.f32 v6, v31;
	v1 =	vadd.f32 v1, v45  }
0x3e4: {  	v5 =	vadd.f32 v7, v5;
	v2 =	vadd.f32 v2, v43;
	v0 =	vmul.f32 $1.428571490e-01, v0  }
0x3e5: {  	v7 =	vadd.f32 v9, v8;
	v3 =	vadd.f32 v3, v44;
	v1 =	vmul.f32 $1.428571490e-01, v1  }
0x3e6: {  	v29 =	vadd.f32 v4, v20;
	v4 =	vadd.f32 v6, v22;
	v2 =	vmul.f32 $1.428571490e-01, v2;
	[tilespmem:s19+$0x9860] =	vst v0  }
0x3e7: {  	v30 =	vmul.f32 $1.428571490e-01, v3;
	[tilespmem:s19+$0x9870] =	vst v1  }
0x3e8: {  	v3 =	vadd.f32 v7, v5;
	v31 =	vmul.f32 $1.428571490e-01, v4;
	[tilespmem:s19+$0x9880] =	vst v2  }
0x3e9: {  	v0 =	vmul.f32 $1.428571490e-01, v29;
	[tilespmem:s19+$0x98A0] =	vst v30  }
0x3ea: {  	v32 =	vmul.f32 $1.428571490e-01, v3;
	[tilespmem:s19+$0x98C0] =	vst v31  }
0x3eb: {  	[tilespmem:s19+$0x98B0] =	vst v0  }
0x3ec: {  	[tilespmem:s19+$0x98D0] =	vst v32  }
0x3ed: {  	v0 =	vld [tilespmem:$0x60]  }
0x3ee: {  	v1 =	vld [tilespmem:$0xC0]  }
0x3ef: {  	v2 =	vld [tilespmem:$0x120]  }
0x3f0: {  	v3 =	vld [tilespmem:$0x180]  }
0x3f1: {  	v4 =	vld [tilespmem:$0x1E0]  }
0x3f2: {  	v5 =	vld [tilespmem:$0x240];
	_ =	sdelay $0x1  }
0x3f3: {  	v6 =	vld [tilespmem:$0x2A0]  }
0x3f4: {  	v0 =	vld.idx.msk [tilespmem:v0+s14+$0x0], $0xffff  }
0x3f5: {  	v1 =	vld.idx.msk [tilespmem:v1+s14+$0x0], $0xffff  }
0x3f6: {  	v2 =	vld.idx.msk [tilespmem:v2+s14+$0x0], $0xffff  }
0x3f7: {  	v3 =	vld.idx.msk [tilespmem:v3+s14+$0x0], $0xffff  }
0x3f8: {  	v4 =	vld.idx.msk [tilespmem:v4+s14+$0x0], $0xffff  }
0x3f9: {  	v5 =	vld.idx.msk [tilespmem:v5+s14+$0x0], $0xffff;
	_ =	sdelay $0x1  }
0x3fa: {  	v6 =	vld.idx.msk [tilespmem:v6+s14+$0x0], $0xffff;
	_ =	sdelay $0x1  }
0x3fb: {  	v0 =	vadd.f32 v1, v0  }
0x3fc: {  	v33 =	vadd.f32 v3, v2;
	v34 =	vadd.f32 v5, v4;
	v3 =	vld [tilespmem:$0x300];
	_ =	sdelay $0x1  }
0x3fd: {  	v0 =	vadd.f32 v33, v0;
	v35 =	vadd.f32 v6, v34;
	_ =	sdelay $0x1  }
0x3fe: {  	v0 =	vadd.f32 v35, v0;
	_ =	sdelay $0x1  }
0x3ff: {  	v0 =	vmul.f32 $1.428571490e-01, v0;
	_ =	sdelay $0x1  }
0x400: {  	[tilespmem:v3+s8+$0x0] =	vst.idx.msk $0xffff, v0  }
0x401: {  	v0 =	vld [tilespmem:$0x70]  }
0x402: {  	v36 =	vld [tilespmem:$0xD0]  }
0x403: {  	v37 =	vld [tilespmem:$0x130]  }
0x404: {  	v3 =	vld [tilespmem:$0x190]  }
0x405: {  	v4 =	vld [tilespmem:$0x1F0]  }
0x406: {  	v5 =	vld [tilespmem:$0x250];
	_ =	sdelay $0x1  }
0x407: {  	v6 =	vld [tilespmem:$0x2B0]  }
0x408: {  	v0 =	vld.idx.msk [tilespmem:v0+s14+$0x0], $0xffff  }
0x409: {  	v1 =	vld.idx.msk [tilespmem:v36+s14+$0x0], $0xffff  }
0x40a: {  	v2 =	vld.idx.msk [tilespmem:v37+s14+$0x0], $0xffff  }
0x40b: {  	v3 =	vld.idx.msk [tilespmem:v3+s14+$0x0], $0xffff  }
0x40c: {  	v4 =	vld.idx.msk [tilespmem:v4+s14+$0x0], $0xffff  }
0x40d: {  	v5 =	vld.idx.msk [tilespmem:v5+s14+$0x0], $0xffff;
	_ =	sdelay $0x1  }
0x40e: {  	v6 =	vld.idx.msk [tilespmem:v6+s14+$0x0], $0xffff;
	_ =	sdelay $0x1  }
0x40f: {  	v0 =	vadd.f32 v1, v0  }
0x410: {  	v38 =	vadd.f32 v3, v2;
	v39 =	vadd.f32 v5, v4;
	v3 =	vld [tilespmem:$0x310];
	_ =	sdelay $0x1  }
0x411: {  	v0 =	vadd.f32 v38, v0;
	v40 =	vadd.f32 v6, v39;
	_ =	sdelay $0x1  }
0x412: {  	v0 =	vadd.f32 v40, v0;
	_ =	sdelay $0x1  }
0x413: {  	v0 =	vmul.f32 $1.428571490e-01, v0;
	_ =	sdelay $0x1  }
0x414: {  	[tilespmem:v3+s8+$0x0] =	vst.idx.msk $0xffff, v0  }
0x415: {  	v0 =	vld [tilespmem:$0x80]  }
0x416: {  	v41 =	vld [tilespmem:$0xE0]  }
0x417: {  	v42 =	vld [tilespmem:$0x140]  }
0x418: {  	v3 =	vld [tilespmem:$0x1A0]  }
0x419: {  	v4 =	vld [tilespmem:$0x200]  }
0x41a: {  	v5 =	vld [tilespmem:$0x260];
	_ =	sdelay $0x1  }
0x41b: {  	v6 =	vld [tilespmem:$0x2C0]  }
0x41c: {  	v0 =	vld.idx.msk [tilespmem:v0+s14+$0x0], $0xffff  }
0x41d: {  	v1 =	vld.idx.msk [tilespmem:v41+s14+$0x0], $0xffff  }
0x41e: {  	v2 =	vld.idx.msk [tilespmem:v42+s14+$0x0], $0xffff  }
0x41f: {  	v3 =	vld.idx.msk [tilespmem:v3+s14+$0x0], $0xffff  }
0x420: {  	v4 =	vld.idx.msk [tilespmem:v4+s14+$0x0], $0xffff  }
0x421: {  	v5 =	vld.idx.msk [tilespmem:v5+s14+$0x0], $0xffff;
	_ =	sdelay $0x1  }
0x422: {  	v6 =	vld.idx.msk [tilespmem:v6+s14+$0x0], $0xffff;
	_ =	sdelay $0x1  }
0x423: {  	v0 =	vadd.f32 v1, v0  }
0x424: {  	v43 =	vadd.f32 v3, v2;
	v44 =	vadd.f32 v5, v4;
	v3 =	vld [tilespmem:$0x320];
	_ =	sdelay $0x1  }
0x425: {  	v0 =	vadd.f32 v43, v0;
	v45 =	vadd.f32 v6, v44;
	_ =	sdelay $0x1  }
0x426: {  	v0 =	vadd.f32 v45, v0;
	_ =	sdelay $0x1  }
0x427: {  	v0 =	vmul.f32 $1.428571490e-01, v0;
	_ =	sdelay $0x1  }
0x428: {  	[tilespmem:v3+s8+$0x0] =	vst.idx.msk $0xffff, v0  }
0x429: {  	v0 =	vld [tilespmem:$0x90]  }
0x42a: {  	v46 =	vld [tilespmem:$0xF0]  }
0x42b: {  	v47 =	vld [tilespmem:$0x150]  }
0x42c: {  	v3 =	vld [tilespmem:$0x1B0]  }
0x42d: {  	v4 =	vld [tilespmem:$0x210]  }
0x42e: {  	v5 =	vld [tilespmem:$0x270];
	_ =	sdelay $0x1  }
0x42f: {  	v6 =	vld [tilespmem:$0x2D0]  }
0x430: {  	v0 =	vld.idx.msk [tilespmem:v0+s14+$0x0], $0xffff  }
0x431: {  	v1 =	vld.idx.msk [tilespmem:v46+s14+$0x0], $0xffff  }
0x432: {  	v2 =	vld.idx.msk [tilespmem:v47+s14+$0x0], $0xffff  }
0x433: {  	v3 =	vld.idx.msk [tilespmem:v3+s14+$0x0], $0xffff  }
0x434: {  	v4 =	vld.idx.msk [tilespmem:v4+s14+$0x0], $0xffff  }
0x435: {  	v5 =	vld.idx.msk [tilespmem:v5+s14+$0x0], $0xffff;
	_ =	sdelay $0x1  }
0x436: {  	v6 =	vld.idx.msk [tilespmem:v6+s14+$0x0], $0xffff;
	_ =	sdelay $0x1  }
0x437: {  	v0 =	vadd.f32 v1, v0  }
0x438: {  	v50 =	vadd.f32 v3, v2;
	v51 =	vadd.f32 v5, v4;
	v3 =	vld [tilespmem:$0x330];
	_ =	sdelay $0x1  }
0x439: {  	v0 =	vadd.f32 v50, v0;
	v52 =	vadd.f32 v6, v51;
	_ =	sdelay $0x1  }
0x43a: {  	v0 =	vadd.f32 v52, v0;
	_ =	sdelay $0x1  }
0x43b: {  	v0 =	vmul.f32 $1.428571490e-01, v0;
	_ =	sdelay $0x1  }
0x43c: {  	[tilespmem:v3+s8+$0x0] =	vst.idx.msk $0xffff, v0  }
0x43d: {  	v0 =	vld [tilespmem:$0xA0]  }
0x43e: {  	v53 =	vld [tilespmem:$0x100]  }
0x43f: {  	v54 =	vld [tilespmem:$0x160]  }
0x440: {  	v3 =	vld [tilespmem:$0x1C0]  }
0x441: {  	v4 =	vld [tilespmem:$0x220]  }
0x442: {  	v5 =	vld [tilespmem:$0x280];
	_ =	sdelay $0x1  }
0x443: {  	v6 =	vld [tilespmem:$0x2E0]  }
0x444: {  	v0 =	vld.idx.msk [tilespmem:v0+s14+$0x0], $0xffff  }
0x445: {  	v1 =	vld.idx.msk [tilespmem:v53+s14+$0x0], $0xffff  }
0x446: {  	v2 =	vld.idx.msk [tilespmem:v54+s14+$0x0], $0xffff  }
0x447: {  	v3 =	vld.idx.msk [tilespmem:v3+s14+$0x0], $0xffff  }
0x448: {  	v4 =	vld.idx.msk [tilespmem:v4+s14+$0x0], $0xffff  }
0x449: {  	v5 =	vld.idx.msk [tilespmem:v5+s14+$0x0], $0xffff;
	_ =	sdelay $0x1  }
0x44a: {  	v6 =	vld.idx.msk [tilespmem:v6+s14+$0x0], $0xffff;
	_ =	sdelay $0x1  }
0x44b: {  	v0 =	vadd.f32 v1, v0  }
0x44c: {  	v55 =	vadd.f32 v3, v2;
	v56 =	vadd.f32 v5, v4;
	v3 =	vld [tilespmem:$0x340];
	_ =	sdelay $0x1  }
0x44d: {  	v0 =	vadd.f32 v55, v0;
	v57 =	vadd.f32 v6, v56;
	_ =	sdelay $0x1  }
0x44e: {  	v0 =	vadd.f32 v57, v0;
	_ =	sdelay $0x1  }
0x44f: {  	v0 =	vmul.f32 $1.428571490e-01, v0;
	_ =	sdelay $0x1  }
0x450: {  	[tilespmem:v3+s8+$0x0] =	vst.idx.msk $0xffff, v0  }
0x451: {  	v0 =	vld [tilespmem:$0xB0]  }
0x452: {  	v58 =	vld [tilespmem:$0x110]  }
0x453: {  	v59 =	vld [tilespmem:$0x170]  }
0x454: {  	v3 =	vld [tilespmem:$0x1D0]  }
0x455: {  	v4 =	vld [tilespmem:$0x230]  }
0x456: {  	v5 =	vld [tilespmem:$0x290];
	_ =	sdelay $0x1  }
0x457: {  	v6 =	vld [tilespmem:$0x2F0]  }
0x458: {  	v0 =	vld.idx.msk [tilespmem:v0+s14+$0x0], $0xffff  }
0x459: {  	v1 =	vld.idx.msk [tilespmem:v58+s14+$0x0], $0xffff  }
0x45a: {  	v2 =	vld.idx.msk [tilespmem:v59+s14+$0x0], $0xffff  }
0x45b: {  	v3 =	vld.idx.msk [tilespmem:v3+s14+$0x0], $0xffff  }
0x45c: {  	v4 =	vld.idx.msk [tilespmem:v4+s14+$0x0], $0xffff  }
0x45d: {  	v5 =	vld.idx.msk [tilespmem:v5+s14+$0x0], $0xffff;
	_ =	sdelay $0x1  }
0x45e: {  	v6 =	vld.idx.msk [tilespmem:v6+s14+$0x0], $0xffff;
	_ =	sdelay $0x1  }
0x45f: {  	v0 =	vadd.f32 v1, v0  }
0x460: {  	v60 =	vadd.f32 v3, v2;
	v61 =	vadd.f32 v5, v4;
	v3 =	vld [tilespmem:$0x350]  }
0x461: {  	v63 =	vld [tilespmem:$0x1FF50]  }
0x462: {  	v0 =	vadd.f32 v60, v0;
	v62 =	vadd.f32 v6, v61;
	_ =	sdelay $0x1  }
0x463: {  	v0 =	vadd.f32 v62, v0;
	_ =	sdelay $0x1  }
.Ltmp5:
0x464: {  	v0 =	vmul.f32 $1.428571490e-01, v0;
	(pc) =	sbr.rel @p1 .LBB2_14-.Ltmp5, $4  }
0x465: {  	_ = 	snop  }
0x466: {  	s1 =	rddreg [dreg:$0x12];
	v4 =	vimm.f32 $0.0e+00;
	[tilespmem:v3+s8+$0x0] =	vst.idx.msk $0xffff, v0  }
0x467: {  	s1 =	sadd.s32 s18, s1;
	[tilespmem:v63+s8+$0x0] =	vst.idx.msk $0xffff, v4  }
0x468: {  	[hbm4b:s1+s5] =	stream.linear.scatter [tilespmem:s8], [sflag:$0x7], $0x800, $0x38;
	[tilespmem:$0xA860] =	vst v63  }
0x469: {  	s1 =	sadd.s32 $0x6, s17  }
0x46a: {  	s6 =	smulhi.u32 $0x88888889, s1;
	_ =	sdelay $0x1  }
0x46b: {  	s6 =	sshrl.u32 s6, $0x4  }
0x46c: {  	s7 =	smul.u32 $0x1E, s6;
	_ =	sdelay $0x1  }
0x46d: {  	s12 =	ssub.s32 s1, s7  }
0x46e: {  	s23 =	smulhi.u32 $0x33333334, s12;
	_ =	sdelay $0x1  }
0x46f: {  	s18 =	smul.u32 $0x5, s23;
	_ =	sdelay $0x1  }
0x470: {  	s12 =	ssub.s32 s12, s18  }
0x471: {  	s12 =	sadd.s32 $0x4, s12  }
0x472: {  	s19 =	smulhi.u32 $0x66666667, s12;
	s20 =	sshra.s32 s12, $0x1F  }
0x473: {  	s20 =	smul.u32 $0x66666667, s20;
	_ =	sdelay $0x1  }
0x474: {  	s19 =	sadd.s32 s20, s19  }
0x475: {  	s21 =	sadd.s32 $0x1, s23;
	s20 =	sshrl.u32 s19, $0x1F;
	s19 =	sshra.s32 s19, $0x1  }
0x476: {  	s25 =	smulhi.u32 $0x2AAAAAAB, s21;
	s19 =	sadd.s32 s20, s19  }
0x477: {  	s19 =	smul.u32 $0x5, s19  }
0x478: {  	s20 =	smul.u32 $0x6, s25  }
0x479: {  	s12 =	ssub.s32 s12, s19  }
0x47a: {  	v0 =	vld [tilespmem:$0x0];
	s26 =	ssub.s32 s21, s20;
	p1 =	slt.s32 s12, $0x0;
	s20 =	sadd.s32 $0x5, s12  }
0x47b: {  	v1 =	vld [tilespmem:$0x10];
	s19 =	smul.u32 $0x5, s26;
	s12 =	smov.u32 @p1 s20  }
0x47c: {  	v2 =	vld [tilespmem:$0x20];
	s7 =	sadd.s32 s7, s12  }
0x47d: {  	v3 =	vld [tilespmem:$0x30];
	s17 =	sadd.s32 $0x5, s23;
	s12 =	sadd.s32 s19, s7  }
0x47e: {  	s28 =	smulhi.u32 $0x2AAAAAAB, s17;
	s12 =	sshll.u32 s12, $0xD  }
0x47f: {  	v0 =	vadd.s32 s12, v0  }
0x480: {  	s1 =	sshll.u32 s1, $0xA;
	s19 =	smul.u32 $0x6, s28;
	v61 =	vadd.s32 s12, v1;
	[tilespmem:$0x87E0] =	vst v0  }
0x481: {  	s1 =	sand.u32 $0x1FFFF800, s1;
	s29 =	sadd.s32 s18, s7;
	v62 =	vadd.s32 s12, v2;
	[tilespmem:$0x87F0] =	vst v61  }
0x482: {  	s1 =	sadd.s32 s2, s1;
	v63 =	vadd.s32 s12, v3;
	s17 =	ssub.s32 s17, s19;
	s12 =	sshll.u32 s29, $0xA;
	[tilespmem:$0x8800] =	vst v62  }
0x483: {  	s19 =	rddreg [dreg:$0xa];
	[tilespmem:$0x8810] =	vst v63;
	s18 =	smul.u32 $0x5, s17;
	s12 =	sand.u32 $0x1FFFFC00, s12  }
0x484: {  	[tilespmem:s14], [sflag:$0x3] =	stream.linear.gather [hbm4b:s1+s5], $0x2000, $0x38;
	[tilespmem:$0xA860] =	vst v63  }
0x485: {  	s20 =	simm.s32 $0x6560;
	s1 =	sadd.s32 s18, s7;
	s7 =	sadd.s32 s12, s19  }
0x486: {  	[tilespmem:s20], [sflag:$0x3] =	stream.linear.gather [hbm4b:s7+s5], $0x40, $0x38;
	[tilespmem:$0xA860] =	vst v63  }
0x487: {  	s6 =	smul.u32 $0x3C000, s6;
	s1 =	sshll.u32 s1, $0xA  }
0x488: {  	s1 =	sand.u32 $0x1FFFFC00, s1  }
0x489: {  	s23 =	sshrl.u32 s6, $0x3;
	s21 =	simm.s32 $0x65A0;
	s1 =	sadd.s32 s1, s13  }
0x48a: {  	[tilespmem:s21], [sflag:$0x3] =	stream.linear.gather [hbm4b:s1+s5], $0x40, $0x38;
	[tilespmem:$0xA860] =	vst v63  }
0x48b: {  	s25 =	simm.s32 $0x65E0;
	s1 =	sadd.s32 s2, s23  }
0x48c: {  	[tilespmem:s25], [sflag:$0x3] =	stream.linear.gather [hbm4b:s1+s5], $0x8, $0x38;
	[tilespmem:$0xA860] =	vst v63  }
0x48d: {  	s26 =	simm.s32 $0x40;
	s28 =	simm.s32 $0x87E0;
	s29 =	simm.s32 $0x6620  }
0x48e: {  	[tilespmem:s29], [sflag:$0x3] =	stream.indirect.gather [hbm4b:s2+s26], $0x1, s28, s26, $0xb8;
	[tilespmem:$0xA860] =	vst v63  }
.LBB2_14:
0x48f: {  	_ =	swait.ge [sflag:s9], $0x2000  }
0x490: {  	[sflag:s9] =	ssyncset.done $0x0  }
0x491: {  	[sflag:s9] =	ssyncadd.s32 $0xFFFFE000  }
0x492: {  	_ =	swait.ge [sflag:s9], $0x40  }
0x493: {  	[sflag:s9] =	ssyncset.done $0x0  }
0x494: {  	[sflag:s9] =	ssyncadd.s32 $0xFFFFFFC0  }
0x495: {  	_ =	swait.ge [sflag:s9], $0x40  }
0x496: {  	[sflag:s9] =	ssyncset.done $0x0  }
0x497: {  	[sflag:s9] =	ssyncadd.s32 $0xFFFFFFC0  }
0x498: {  	_ =	swait.ge [sflag:s9], $0x8  }
0x499: {  	[sflag:s9] =	ssyncset.done $0x0  }
0x49a: {  	[sflag:s9] =	ssyncadd.s32 $0xFFFFFFF8  }
0x49b: {  	_ =	swait.ge [sflag:s9], $0x40  }
0x49c: {  	v1 =	vld [tilespmem:$0x1FF40];
	_ =	sdelay $0x5  }
0x49d: {  	[sflag:s9] =	ssyncset.done $0x0  }
0x49e: {  	s6 =	simm.s32 $0x0;
	[sflag:s9] =	ssyncadd.s32 $0xFFFFFFC0  }
0x49f: {  	s7 =	simm.s32 @!p0 $0x8;
	s1 =	smax.u32 s6, $0x21;
	[tilespmem:v1+s22+$0x0] =	vst.idx.msk $0xffff, v4  }
0x4a0: {  	s1 =	sadd.s32 $0xFFFFFFDF, s1;
	_ =	swait.ge @!p0 [sflag:s7], $0x800  }
0x4a1: {  	s26 =	smax.u32 s6, $0x81;
	s28 =	smax.u32 s6, $0x61;
	s6 =	smax.u32 s6, $0x41;
	v0 =	vadd.s32 s1, v48;
	v40 =	vld [tilespmem:$0x1FFB0]  }
0x4a2: {  	s17 =	sadd.s32 $0xFFFFFFBF, s6;
	v44 =	vadd.s32 s1, v49;
	v52 =	vld [tilespmem:$0x1FFC0]  }
0x4a3: {  	v19 =	vadd.s32 s17, v48;
	v53 =	vld [tilespmem:$0x1FFD0]  }
0x4a4: {  	s18 =	simm.s32 $0x7F;
	v20 =	vadd.s32 s17, v49;
	[sflag:s7] =	ssyncset.done @!p0 $0x0;
	v54 =	vld [tilespmem:$0x1FFE0]  }
0x4a5: {  	v25 =	vadd.s32 s18, v48;
	v50 =	vld [tilespmem:$0x1FFF0];
	[sflag:s7] =	ssyncadd.s32 @!p0 $0xFFFFF800  }
0x4a6: {  	s20 =	simm.s32 $0xBF;
	v26 =	vadd.s32 s18, v49;
	v0 =	vld.idx.msk [tilespmem:v0+s22+$0x0], $0xffff  }
0x4a7: {  	v46 =	vadd.s32 s20, v49;
	s7 =	sadd.s32 $0xFFFFFF7F, s26;
	v1 =	vld.idx.msk [tilespmem:v44+s22+$0x0], $0xffff  }
0x4a8: {  	v6 =	vadd.s32 s7, v48;
	v19 =	vld.idx.msk [tilespmem:v19+s22+$0x0], $0xffff  }
0x4a9: {  	s19 =	simm.s32 $0x9F;
	v8 =	vadd.s32 s7, v49;
	v20 =	vld.idx.msk [tilespmem:v20+s22+$0x0], $0xffff  }
0x4aa: {  	v31 =	vld.idx.msk [tilespmem:v25+s22+$0x0], $0xffff;
	v25 =	vadd.s32 s19, v48  }
0x4ab: {  	v32 =	vadd.s32 s19, v49;
	v26 =	vld.idx.msk [tilespmem:v26+s22+$0x0], $0xffff  }
0x4ac: {  	v41 =	vld.idx.msk [tilespmem:v46+s22+$0x0], $0xffff;
	v2 =	vadd.s32 s1, v40  }
0x4ad: {  	v3 =	vadd.s32 s1, v52;
	v6 =	vld.idx.msk [tilespmem:v6+s22+$0x0], $0xffff  }
0x4ae: {  	v45 =	vadd.s32 s1, v53;
	v8 =	vld.idx.msk [tilespmem:v8+s22+$0x0], $0xffff  }
0x4af: {  	v5 =	vadd.s32 s1, v54;
	v37 =	vld.idx.msk [tilespmem:v25+s22+$0x0], $0xffff  }
0x4b0: {  	v7 =	vadd.s32 s1, v50;
	v0 =	vadd.f32 v1, v0;
	v1 =	vld.idx.msk [tilespmem:v32+s22+$0x0], $0xffff  }
0x4b1: {  	v9 =	vadd.s32 s7, v40;
	v2 =	vld.idx.msk [tilespmem:v2+s22+$0x0], $0xffff  }
0x4b2: {  	v10 =	vadd.s32 s7, v52;
	v3 =	vld.idx.msk [tilespmem:v3+s22+$0x0], $0xffff  }
0x4b3: {  	v11 =	vadd.s32 s7, v53;
	v4 =	vld.idx.msk [tilespmem:v45+s22+$0x0], $0xffff  }
0x4b4: {  	v12 =	vadd.s32 s7, v54;
	v5 =	vld.idx.msk [tilespmem:v5+s22+$0x0], $0xffff  }
0x4b5: {  	v21 =	vadd.s32 s17, v40;
	v7 =	vld.idx.msk [tilespmem:v7+s22+$0x0], $0xffff  }
0x4b6: {  	v22 =	vadd.s32 s17, v52;
	v9 =	vld.idx.msk [tilespmem:v9+s22+$0x0], $0xffff  }
0x4b7: {  	v23 =	vadd.s32 s17, v53;
	v10 =	vld.idx.msk [tilespmem:v10+s22+$0x0], $0xffff  }
0x4b8: {  	v24 =	vadd.s32 s17, v54;
	v11 =	vld.idx.msk [tilespmem:v11+s22+$0x0], $0xffff  }
0x4b9: {  	v27 =	vadd.s32 s18, v40;
	v12 =	vld.idx.msk [tilespmem:v12+s22+$0x0], $0xffff  }
0x4ba: {  	v28 =	vadd.s32 s18, v52;
	v21 =	vld.idx.msk [tilespmem:v21+s22+$0x0], $0xffff  }
0x4bb: {  	v29 =	vadd.s32 s18, v53;
	v22 =	vld.idx.msk [tilespmem:v22+s22+$0x0], $0xffff  }
0x4bc: {  	v34 =	vadd.s32 s19, v52;
	v23 =	vld.idx.msk [tilespmem:v23+s22+$0x0], $0xffff  }
0x4bd: {  	v51 =	vadd.s32 s20, v40;
	v30 =	vld.idx.msk [tilespmem:v24+s22+$0x0], $0xffff  }
0x4be: {  	s1 =	sadd.s32 $0xFFFFFF9F, s28;
	v60 =	vadd.s32 s20, v52;
	v27 =	vld.idx.msk [tilespmem:v27+s22+$0x0], $0xffff  }
0x4bf: {  	v13 =	vadd.s32 s1, v48;
	v28 =	vld.idx.msk [tilespmem:v28+s22+$0x0], $0xffff  }
0x4c0: {  	v14 =	vadd.s32 s1, v49;
	v29 =	vld.idx.msk [tilespmem:v29+s22+$0x0], $0xffff  }
0x4c1: {  	v15 =	vadd.s32 s1, v40;
	v34 =	vld.idx.msk [tilespmem:v34+s22+$0x0], $0xffff  }
0x4c2: {  	v16 =	vadd.s32 s1, v52;
	v56 =	vld.idx.msk [tilespmem:v51+s22+$0x0], $0xffff  }
0x4c3: {  	v17 =	vadd.s32 s1, v53;
	v58 =	vld.idx.msk [tilespmem:v60+s22+$0x0], $0xffff  }
0x4c4: {  	s29 =	simm.s32 $0xDF;
	v18 =	vadd.s32 s1, v54;
	v13 =	vld.idx.msk [tilespmem:v13+s22+$0x0], $0xffff  }
0x4c5: {  	v33 =	vadd.s32 s19, v40;
	v40 =	vadd.s32 s29, v40;
	v14 =	vld.idx.msk [tilespmem:v14+s22+$0x0], $0xffff  }
0x4c6: {  	v25 =	vadd.s32 s20, v48;
	v15 =	vld.idx.msk [tilespmem:v15+s22+$0x0], $0xffff  }
0x4c7: {  	v35 =	vadd.s32 s19, v53;
	v24 =	vadd.s32 s18, v54;
	v16 =	vld.idx.msk [tilespmem:v16+s22+$0x0], $0xffff  }
0x4c8: {  	v38 =	vadd.s32 s20, v53;
	v59 =	vadd.f32 v20, v19;
	v17 =	vld.idx.msk [tilespmem:v17+s22+$0x0], $0xffff;
	v6 =	vadd.f32 v8, v6  }
0x4c9: {  	v39 =	vadd.s32 s20, v54;
	v18 =	vld.idx.msk [tilespmem:v18+s22+$0x0], $0xffff;
	v1 =	vadd.f32 v1, v37;
	v2 =	vadd.f32 v3, v2  }
0x4ca: {  	v55 =	vadd.s32 s29, v52;
	v32 =	vld.idx.msk [tilespmem:v40+s22+$0x0], $0xffff;
	v47 =	vadd.f32 v5, v4;
	v62 =	vadd.f32 v10, v9  }
0x4cb: {  	v42 =	vadd.s32 s29, v53;
	v63 =	vld.idx.msk [tilespmem:v25+s22+$0x0], $0xffff;
	v57 =	vadd.f32 v12, v11;
	v60 =	vadd.f32 v22, v21  }
0x4cc: {  	v36 =	vld.idx.msk [tilespmem:v24+s22+$0x0], $0xffff;
	v24 =	vadd.s32 s19, v54;
	v20 =	vadd.f32 v28, v27;
	v19 =	vadd.f32 v30, v23  }
0x4cd: {  	v25 =	vadd.s32 s7, v50;
	v4 =	vld.idx.msk [tilespmem:v33+s22+$0x0], $0xffff;
	v14 =	vadd.f32 v14, v13;
	v16 =	vadd.f32 v16, v15  }
0x4ce: {  	v3 =	vld.idx.msk [tilespmem:v35+s22+$0x0], $0xffff;
	v35 =	vadd.s32 s29, v49;
	v0 =	vadd.f32 v2, v0;
	v61 =	vadd.f32 v7, v47  }
0x4cf: {  	v27 =	vadd.s32 s17, v50;
	v47 =	vadd.f32 v18, v17;
	v18 =	vadd.f32 v26, v31;
	v31 =	vld.idx.msk [tilespmem:v39+s22+$0x0], $0xffff  }
0x4d0: {  	v7 =	vadd.s32 s29, v48;
	v46 =	vadd.f32 v62, v6;
	v0 =	vadd.f32 v61, v0;
	v61 =	vld.idx.msk [tilespmem:v38+s22+$0x0], $0xffff  }
0x4d1: {  	v62 =	vadd.s32 s29, v54;
	v17 =	vadd.f32 v60, v59;
	v63 =	vadd.f32 v41, v63;
	v8 =	vld.idx.msk [tilespmem:v24+s22+$0x0], $0xffff  }
0x4d2: {  	v28 =	vadd.s32 s18, v50;
	v33 =	vld.idx.msk [tilespmem:v55+s22+$0x0], $0xffff;
	v2 =	vadd.f32 v58, v56;
	v51 =	vadd.f32 v16, v14  }
0x4d3: {  	v30 =	vadd.s32 s29, v50;
	v21 =	vadd.f32 v36, v29;
	v36 =	vld.idx.msk [tilespmem:v35+s22+$0x0], $0xffff;
	v4 =	vadd.f32 v34, v4  }
0x4d4: {  	v18 =	vadd.f32 v20, v18;
	v24 =	vadd.s32 s1, v50;
	v34 =	vld.idx.msk [tilespmem:v42+s22+$0x0], $0xffff;
	v0 =	vmul.f32 $1.428571490e-01, v0  }
0x4d5: {  	s17 =	simm.s32 $0x0;
	v26 =	vadd.s32 s19, v50;
	v22 =	vadd.f32 v2, v63;
	v38 =	vld.idx.msk [tilespmem:v7+s22+$0x0], $0xffff;
	v20 =	vadd.f32 v4, v1  }
0x4d6: {  	s7 =	simm.s32 $0x200;
	s18 =	simm.s32 $0x0;
	v29 =	vadd.s32 s20, v50;
	v35 =	vld.idx.msk [tilespmem:v62+s22+$0x0], $0xffff;
	[tilespmem:s17+$0xA090] =	vst v0;
	v31 =	vadd.f32 v31, v61;
	v23 =	vadd.f32 v8, v3  }
.LBB2_15:
0x4d7: {  	_ = 	snop  }
0x4d8: {  	v0 =	vld.idx.msk [tilespmem:v25+s22+$0x0], $0xffff  }
0x4d9: {  	s12 =	smax.u32 s7, $0x21;
	v43 =	vld.idx.msk [tilespmem:v24+s22+$0x0], $0xffff  }
0x4da: {  	v4 =	vld.idx.msk [tilespmem:v27+s22+$0x0], $0xffff;
	s12 =	sadd.s32 $0xFFFFFFDF, s12  }
0x4db: {  	v12 =	vld.idx.msk [tilespmem:v26+s22+$0x0], $0xffff;
	v26 =	vadd.s32 s12, v52  }
0x4dc: {  	v8 =	vld.idx.msk [tilespmem:v28+s22+$0x0], $0xffff;
	v27 =	vadd.s32 s12, v53  }
0x4dd: {  	s1 =	smax.u32 s7, $0x61;
	v16 =	vld [tilespmem:$0x1FFB0];
	v28 =	vadd.s32 s12, v54  }
0x4de: {  	v55 =	vld.idx.msk [tilespmem:v29+s22+$0x0], $0xffff;
	s19 =	sadd.s32 $0xFFFFFF9F, s1;
	v29 =	vadd.s32 s12, v50  }
0x4df: {  	s23 =	sadd.s32 $0x7F, s7;
	v58 =	vld.idx.msk [tilespmem:v30+s22+$0x0], $0xffff;
	v59 =	vadd.s32 s19, v53  }
0x4e0: {  	v42 =	vadd.s32 s23, v52;
	v26 =	vld.idx.msk [tilespmem:v26+s22+$0x0], $0xffff  }
0x4e1: {  	s20 =	smax.u32 s7, $0x81;
	v3 =	vadd.s32 s12, v48;
	v27 =	vld.idx.msk [tilespmem:v27+s22+$0x0], $0xffff  }
0x4e2: {  	s20 =	sadd.s32 $0xFFFFFF7F, s20;
	v7 =	vadd.s32 s12, v49;
	v28 =	vld.idx.msk [tilespmem:v28+s22+$0x0], $0xffff  }
0x4e3: {  	v5 =	vadd.s32 s20, v48;
	v12 =	vadd.f32 v12, v23;
	v29 =	vld.idx.msk [tilespmem:v29+s22+$0x0], $0xffff  }
0x4e4: {  	s6 =	smax.u32 s7, $0x41;
	v1 =	vadd.s32 s19, v48;
	v32 =	vadd.f32 v33, v32;
	v33 =	vld.idx.msk [tilespmem:v59+s22+$0x0], $0xffff  }
0x4e5: {  	s28 =	sadd.s32 $0xFFFFFFBF, s6;
	v2 =	vadd.s32 s19, v49;
	v12 =	vadd.f32 v12, v20;
	v20 =	vld.idx.msk [tilespmem:v42+s22+$0x0], $0xffff  }
0x4e6: {  	v61 =	vadd.s32 s28, v48;
	v3 =	vld.idx.msk [tilespmem:v3+s22+$0x0], $0xffff  }
0x4e7: {  	v7 =	vld.idx.msk [tilespmem:v7+s22+$0x0], $0xffff  }
0x4e8: {  	v62 =	vadd.s32 s28, v49;
	v30 =	vld.idx.msk [tilespmem:v5+s22+$0x0], $0xffff  }
0x4e9: {  	v44 =	vadd.f32 v36, v38;
	v36 =	vadd.s32 s28, v52;
	v1 =	vld.idx.msk [tilespmem:v1+s22+$0x0], $0xffff  }
0x4ea: {  	v13 =	vadd.s32 s23, v49;
	v2 =	vld.idx.msk [tilespmem:v2+s22+$0x0], $0xffff  }
0x4eb: {  	v34 =	vadd.f32 v35, v34;
	[tilespmem:$0x1FB80] =	vst v43;
	v11 =	vadd.s32 s12, v16;
	v35 =	vld.idx.msk [tilespmem:v61+s22+$0x0], $0xffff  }
0x4ec: {  	s21 =	sadd.s32 $0x9F, s7;
	v9 =	vadd.s32 s20, v16;
	v61 =	vld [tilespmem:$0x1FB80]  }
0x4ed: {  	v56 =	vadd.s32 s19, v16;
	v63 =	vadd.s32 s28, v16;
	v45 =	vadd.s32 s21, v16;
	[tilespmem:$0x1FB90] =	vst v44;
	v59 =	vld.idx.msk [tilespmem:v62+s22+$0x0], $0xffff  }
0x4ee: {  	v8 =	vadd.f32 v8, v21;
	v21 =	vadd.f32 v55, v31;
	[tilespmem:$0x1FBA0] =	vst v45;
	v45 =	vadd.s32 s21, v52;
	v31 =	vld.idx.msk [tilespmem:v36+s22+$0x0], $0xffff  }
0x4ef: {  	v6 =	vadd.s32 s20, v49;
	[tilespmem:$0x1FBB0] =	vst v45;
	v45 =	vadd.s32 s21, v53;
	v13 =	vld.idx.msk [tilespmem:v13+s22+$0x0], $0xffff  }
0x4f0: {  	s26 =	sadd.s32 $0xBF, s7;
	v25 =	vadd.s32 s20, v54;
	[tilespmem:$0x1FBC0] =	vst v45;
	v45 =	vadd.s32 s21, v54;
	v11 =	vld.idx.msk [tilespmem:v11+s22+$0x0], $0xffff  }
0x4f1: {  	v44 =	vadd.s32 s23, v53;
	[tilespmem:$0x1FBD0] =	vst v45;
	v45 =	vadd.s32 s26, v48;
	v15 =	vld.idx.msk [tilespmem:v9+s22+$0x0], $0xffff  }
0x4f2: {  	v5 =	vadd.s32 s26, v16;
	[tilespmem:$0x1FBE0] =	vst v45;
	v56 =	vld.idx.msk [tilespmem:v56+s22+$0x0], $0xffff  }
0x4f3: {  	v4 =	vadd.f32 v4, v19;
	v45 =	vadd.s32 s26, v49;
	[tilespmem:$0x1FC00] =	vst v5;
	v19 =	vld.idx.msk [tilespmem:v63+s22+$0x0], $0xffff  }
0x4f4: {  	s25 =	sadd.s32 $0xDF, s7;
	v10 =	vadd.s32 s20, v52;
	v5 =	vadd.s32 s26, v52;
	[tilespmem:$0x1FBF0] =	vst v45;
	v45 =	vld.idx.msk [tilespmem:v6+s22+$0x0], $0xffff  }
0x4f5: {  	v40 =	vadd.s32 s23, v48;
	v43 =	vadd.s32 s21, v48;
	[tilespmem:$0x1FC10] =	vst v5;
	v5 =	vadd.s32 s25, v48;
	v48 =	vld.idx.msk [tilespmem:v25+s22+$0x0], $0xffff  }
0x4f6: {  	v8 =	vadd.f32 v8, v18;
	v18 =	vadd.f32 v21, v22;
	v22 =	vld.idx.msk [tilespmem:v44+s22+$0x0], $0xffff  }
0x4f7: {  	[tilespmem:$0x1FB70] =	vst v0;
	v6 =	vadd.s32 s26, v53;
	v42 =	vld [tilespmem:$0x1FBE0]  }
0x4f8: {  	v24 =	vadd.s32 s20, v53;
	v55 =	vld [tilespmem:$0x1FC00];
	[tilespmem:$0x1FC20] =	vst v6  }
0x4f9: {  	v0 =	vmovc v57;
	v57 =	vadd.s32 s19, v52;
	[tilespmem:$0x1FC30] =	vst v5;
	v6 =	vadd.s32 s25, v49;
	v5 =	vmov v46;
	v46 =	vld.idx.msk [tilespmem:v10+s22+$0x0], $0xffff  }
0x4fa: {  	v34 =	vadd.f32 v58, v34;
	v28 =	vadd.f32 v28, v27;
	v44 =	vld [tilespmem:$0x1FBF0]  }
0x4fb: {  	v38 =	vadd.s32 s21, v49;
	[tilespmem:$0x1FC40] =	vst v6;
	v58 =	vld [tilespmem:$0x1FC20];
	v1 =	vadd.f32 v2, v1;
	v2 =	vadd.f32 v59, v35  }
0x4fc: {  	v35 =	vld.idx.msk [tilespmem:v43+s22+$0x0], $0xffff;
	v6 =	vmovc v17;
	v17 =	vmov v47;
	v47 =	vadd.f32 v7, v3;
	v26 =	vadd.f32 v26, v11  }
0x4fd: {  	v41 =	vadd.s32 s23, v16;
	v49 =	vadd.f32 v29, v28;
	v7 =	vadd.s32 s25, v16;
	v16 =	vld.idx.msk [tilespmem:v24+s22+$0x0], $0xffff  }
0x4fe: {  	v47 =	vadd.f32 v26, v47;
	v15 =	vadd.f32 v46, v15;
	v46 =	vld.idx.msk [tilespmem:v57+s22+$0x0], $0xffff  }
0x4ff: {  	v45 =	vadd.f32 v45, v30;
	v57 =	vld [tilespmem:$0x1FB70]  }
0x500: {  	v60 =	vadd.s32 s19, v54;
	v47 =	vadd.f32 v49, v47;
	v49 =	vld [tilespmem:$0x1FFA0]  }
0x501: {  	v37 =	vadd.s32 s28, v53;
	v15 =	vadd.f32 v15, v45;
	v45 =	vadd.f32 v61, v17;
	v17 =	vld [tilespmem:$0x1FB90]  }
0x502: {  	v39 =	vadd.s32 s28, v54;
	v61 =	vld.idx.msk [tilespmem:v41+s22+$0x0], $0xffff  }
0x503: {  	v41 =	vld [tilespmem:$0x1FBD0]  }
0x504: {  	v0 =	vadd.f32 v57, v0;
	v57 =	vadd.f32 v48, v16;
	v48 =	vld [tilespmem:$0x1FF90]  }
0x505: {  	v16 =	vld.idx.msk [tilespmem:v60+s22+$0x0], $0xffff  }
0x506: {  	v60 =	vld.idx.msk [tilespmem:v37+s22+$0x0], $0xffff  }
0x507: {  	v23 =	vadd.f32 v46, v56;
	v46 =	vmov v15;
	v15 =	vld.idx.msk [tilespmem:v39+s22+$0x0], $0xffff  }
0x508: {  	v14 =	vadd.s32 s23, v54;
	v37 =	vld.idx.msk [tilespmem:v38+s22+$0x0], $0xffff  }
0x509: {  	v38 =	vld [tilespmem:$0x1FBA0]  }
0x50a: {  	v47 =	vmul.f32 $1.428571490e-01, v47;
	v39 =	vld [tilespmem:$0x1FBB0]  }
0x50b: {  	s29 =	sshra.s32 s7, $0x2;
	v56 =	vld [tilespmem:$0x1FC10];
	v1 =	vadd.f32 v23, v1;
	v23 =	vadd.f32 v45, v51  }
0x50c: {  	[tilespmem:s29+$0xA090] =	vst v47;
	v32 =	vadd.f32 v32, v17;
	v47 =	vadd.f32 v16, v33;
	v16 =	vld.idx.msk [tilespmem:v40+s22+$0x0], $0xffff  }
0x50d: {  	v62 =	vmul.f32 $1.428571490e-01, v23;
	v33 =	vld.idx.msk [tilespmem:v14+s22+$0x0], $0xffff  }
0x50e: {  	v21 =	vadd.f32 v34, v32;
	v34 =	vmul.f32 $1.428571490e-01, v18;
	v40 =	vld [tilespmem:$0x1FBC0]  }
0x50f: {  	v17 =	vadd.f32 v31, v19;
	v19 =	vadd.f32 v15, v60;
	v60 =	vld [tilespmem:$0x1FC30];
	[tilespmem:s17+$0xA070] =	vst v62  }
0x510: {  	v4 =	vadd.f32 v4, v6;
	v32 =	vmul.f32 $1.428571490e-01, v12;
	[tilespmem:s17+$0xA0C0] =	vst v34;
	v62 =	vld [tilespmem:$0x1FC40]  }
0x511: {  	v9 =	vadd.s32 s26, v54;
	v17 =	vadd.f32 v17, v2;
	v2 =	vld.idx.msk [tilespmem:v42+s22+$0x0], $0xffff  }
0x512: {  	v4 =	vmul.f32 $1.428571490e-01, v4;
	[tilespmem:s17+$0xA0B0] =	vst v32;
	v45 =	vld.idx.msk [tilespmem:v44+s22+$0x0], $0xffff  }
0x513: {  	v63 =	vmul.f32 $1.428571490e-01, v8;
	v8 =	vld.idx.msk [tilespmem:v38+s22+$0x0], $0xffff  }
0x514: {  	[tilespmem:s17+$0xA080] =	vst v4;
	v36 =	vmul.f32 $1.428571490e-01, v21;
	v4 =	vld.idx.msk [tilespmem:v39+s22+$0x0], $0xffff  }
0x515: {  	v6 =	vld.idx.msk [tilespmem:v55+s22+$0x0], $0xffff  }
0x516: {  	v51 =	vmov v1;
	v1 =	vadd.f32 v20, v61;
	v59 =	vld.idx.msk [tilespmem:v9+s22+$0x0], $0xffff;
	[tilespmem:s17+$0xA0D0] =	vst v36;
	v13 =	vadd.f32 v13, v16  }
0x517: {  	v10 =	vadd.s32 s25, v53;
	v0 =	vadd.f32 v0, v5;
	v32 =	vld.idx.msk [tilespmem:v7+s22+$0x0], $0xffff  }
0x518: {  	v11 =	vadd.s32 s25, v54;
	v18 =	vadd.f32 v1, v13;
	v1 =	vld.idx.msk [tilespmem:v41+s22+$0x0], $0xffff  }
0x519: {  	v3 =	vadd.s32 s25, v52;
	v0 =	vmul.f32 $1.428571490e-01, v0;
	v4 =	vadd.f32 v4, v8;
	v8 =	vld.idx.msk [tilespmem:v56+s22+$0x0], $0xffff  }
0x51a: {  	s18 =	sadd.s32 $0x8, s18;
	v13 =	vld.idx.msk [tilespmem:v58+s22+$0x0], $0xffff  }
0x51b: {  	p0 =	slt.u32 s18, $0x78;
	[tilespmem:s17+$0xA060] =	vst v0;
	v0 =	vld.idx.msk [tilespmem:v40+s22+$0x0], $0xffff  }
.Ltmp6:
0x51c: {  	v25 =	vadd.s32 s20, v50;
	v27 =	vadd.s32 s28, v50;
	v28 =	vadd.s32 s23, v50;
	v34 =	vld.idx.msk [tilespmem:v10+s22+$0x0], $0xffff;
	(pc) =	sbr.rel @p0 .LBB2_15-.Ltmp6, $4  }
0x51d: {  	v29 =	vadd.s32 s26, v50;
	v43 =	vadd.f32 v37, v35;
	v35 =	vld.idx.msk [tilespmem:v11+s22+$0x0], $0xffff;
	v21 =	vadd.f32 v33, v22  }
0x51e: {  	v24 =	vadd.s32 s19, v50;
	[tilespmem:s17+$0xA0A0] =	vst v63;
	v33 =	vld.idx.msk [tilespmem:v3+s22+$0x0], $0xffff;
	v61 =	vadd.f32 v45, v2;
	v63 =	vadd.f32 v8, v6  }
0x51f: {  	v30 =	vadd.s32 s25, v50;
	v38 =	vld.idx.msk [tilespmem:v60+s22+$0x0], $0xffff;
	v20 =	vadd.f32 v4, v43;
	v31 =	vadd.f32 v59, v13  }
0x520: {  	s7 =	sadd.s32 $0x200, s7;
	v26 =	vadd.s32 s21, v50;
	s17 =	smov.u32 s29;
	v36 =	vld.idx.msk [tilespmem:v62+s22+$0x0], $0xffff;
	v23 =	vadd.f32 v1, v0;
	v22 =	vadd.f32 v63, v61  }
0x521: {  	_ =	sdelay $0x3  }
0x522: {  	v0 =	vld.idx.msk [tilespmem:v25+s22+$0x0], $0xffff  }
0x523: {  	v1 =	vld.idx.msk [tilespmem:v24+s22+$0x0], $0xffff  }
0x524: {  	v2 =	vld.idx.msk [tilespmem:v27+s22+$0x0], $0xffff  }
0x525: {  	v3 =	vld.idx.msk [tilespmem:v28+s22+$0x0], $0xffff  }
0x526: {  	v4 =	vld.idx.msk [tilespmem:v26+s22+$0x0], $0xffff  }
0x527: {  	v6 =	vld.idx.msk [tilespmem:v29+s22+$0x0], $0xffff;
	v8 =	vadd.f32 v35, v34;
	v7 =	vadd.f32 v33, v32  }
0x528: {  	v5 =	vadd.f32 v36, v38;
	v0 =	vadd.f32 v0, v57  }
0x529: {  	v9 =	vld.idx.msk [tilespmem:v30+s22+$0x0], $0xffff;
	v1 =	vadd.f32 v1, v47;
	v2 =	vadd.f32 v2, v19  }
0x52a: {  	v3 =	vadd.f32 v3, v21;
	v0 =	vadd.f32 v0, v46  }
0x52b: {  	v4 =	vadd.f32 v4, v23;
	v1 =	vadd.f32 v1, v51  }
0x52c: {  	v6 =	vadd.f32 v6, v31;
	v2 =	vadd.f32 v2, v17;
	v0 =	vmul.f32 $1.428571490e-01, v0  }
0x52d: {  	v5 =	vadd.f32 v7, v5;
	v3 =	vadd.f32 v3, v18;
	v1 =	vmul.f32 $1.428571490e-01, v1  }
0x52e: {  	v7 =	vadd.f32 v9, v8;
	v2 =	vmul.f32 $1.428571490e-01, v2;
	[tilespmem:s17+$0xA060] =	vst v0;
	v0 =	vadd.f32 v4, v20  }
0x52f: {  	v4 =	vadd.f32 v6, v22;
	[tilespmem:s17+$0xA070] =	vst v1;
	v1 =	vmul.f32 $1.428571490e-01, v3  }
0x530: {  	v3 =	vadd.f32 v7, v5;
	[tilespmem:s17+$0xA080] =	vst v2;
	v0 =	vmul.f32 $1.428571490e-01, v0  }
0x531: {  	v2 =	vmul.f32 $1.428571490e-01, v4;
	[tilespmem:s17+$0xA0A0] =	vst v1  }
0x532: {  	v1 =	vmul.f32 $1.428571490e-01, v3;
	[tilespmem:s17+$0xA0B0] =	vst v0  }
0x533: {  	[tilespmem:s17+$0xA0C0] =	vst v2  }
0x534: {  	[tilespmem:s17+$0xA0D0] =	vst v1  }
0x535: {  	v0 =	vld [tilespmem:$0x60]  }
0x536: {  	v1 =	vld [tilespmem:$0xC0]  }
0x537: {  	v2 =	vld [tilespmem:$0x120]  }
0x538: {  	v3 =	vld [tilespmem:$0x180]  }
0x539: {  	v4 =	vld [tilespmem:$0x1E0]  }
0x53a: {  	v5 =	vld [tilespmem:$0x240];
	_ =	sdelay $0x1  }
0x53b: {  	v6 =	vld [tilespmem:$0x2A0]  }
0x53c: {  	v0 =	vld.idx.msk [tilespmem:v0+s22+$0x0], $0xffff  }
0x53d: {  	v1 =	vld.idx.msk [tilespmem:v1+s22+$0x0], $0xffff  }
0x53e: {  	v2 =	vld.idx.msk [tilespmem:v2+s22+$0x0], $0xffff  }
0x53f: {  	v3 =	vld.idx.msk [tilespmem:v3+s22+$0x0], $0xffff  }
0x540: {  	v4 =	vld.idx.msk [tilespmem:v4+s22+$0x0], $0xffff  }
0x541: {  	v5 =	vld.idx.msk [tilespmem:v5+s22+$0x0], $0xffff;
	_ =	sdelay $0x1  }
0x542: {  	v6 =	vld.idx.msk [tilespmem:v6+s22+$0x0], $0xffff;
	_ =	sdelay $0x1  }
0x543: {  	v0 =	vadd.f32 v1, v0  }
0x544: {  	v1 =	vadd.f32 v3, v2;
	v2 =	vadd.f32 v5, v4;
	v3 =	vld [tilespmem:$0x300];
	_ =	sdelay $0x1  }
0x545: {  	v0 =	vadd.f32 v1, v0;
	v1 =	vadd.f32 v6, v2;
	_ =	sdelay $0x1  }
0x546: {  	v0 =	vadd.f32 v1, v0;
	_ =	sdelay $0x1  }
0x547: {  	v0 =	vmul.f32 $1.428571490e-01, v0;
	_ =	sdelay $0x1  }
0x548: {  	[tilespmem:v3+s11+$0x0] =	vst.idx.msk $0xffff, v0  }
0x549: {  	v0 =	vld [tilespmem:$0x70]  }
0x54a: {  	v1 =	vld [tilespmem:$0xD0]  }
0x54b: {  	v2 =	vld [tilespmem:$0x130]  }
0x54c: {  	v3 =	vld [tilespmem:$0x190]  }
0x54d: {  	v4 =	vld [tilespmem:$0x1F0]  }
0x54e: {  	v5 =	vld [tilespmem:$0x250];
	_ =	sdelay $0x1  }
0x54f: {  	v6 =	vld [tilespmem:$0x2B0]  }
0x550: {  	v0 =	vld.idx.msk [tilespmem:v0+s22+$0x0], $0xffff  }
0x551: {  	v1 =	vld.idx.msk [tilespmem:v1+s22+$0x0], $0xffff  }
0x552: {  	v2 =	vld.idx.msk [tilespmem:v2+s22+$0x0], $0xffff  }
0x553: {  	v3 =	vld.idx.msk [tilespmem:v3+s22+$0x0], $0xffff  }
0x554: {  	v4 =	vld.idx.msk [tilespmem:v4+s22+$0x0], $0xffff  }
0x555: {  	v5 =	vld.idx.msk [tilespmem:v5+s22+$0x0], $0xffff;
	_ =	sdelay $0x1  }
0x556: {  	v6 =	vld.idx.msk [tilespmem:v6+s22+$0x0], $0xffff;
	_ =	sdelay $0x1  }
0x557: {  	v0 =	vadd.f32 v1, v0  }
0x558: {  	v1 =	vadd.f32 v3, v2;
	v2 =	vadd.f32 v5, v4;
	v3 =	vld [tilespmem:$0x310];
	_ =	sdelay $0x1  }
0x559: {  	v0 =	vadd.f32 v1, v0;
	v1 =	vadd.f32 v6, v2;
	_ =	sdelay $0x1  }
0x55a: {  	v0 =	vadd.f32 v1, v0;
	_ =	sdelay $0x1  }
0x55b: {  	v0 =	vmul.f32 $1.428571490e-01, v0;
	_ =	sdelay $0x1  }
0x55c: {  	[tilespmem:v3+s11+$0x0] =	vst.idx.msk $0xffff, v0  }
0x55d: {  	v0 =	vld [tilespmem:$0x80]  }
0x55e: {  	v1 =	vld [tilespmem:$0xE0]  }
0x55f: {  	v2 =	vld [tilespmem:$0x140]  }
0x560: {  	v3 =	vld [tilespmem:$0x1A0]  }
0x561: {  	v4 =	vld [tilespmem:$0x200]  }
0x562: {  	v5 =	vld [tilespmem:$0x260];
	_ =	sdelay $0x1  }
0x563: {  	v6 =	vld [tilespmem:$0x2C0]  }
0x564: {  	v0 =	vld.idx.msk [tilespmem:v0+s22+$0x0], $0xffff  }
0x565: {  	v1 =	vld.idx.msk [tilespmem:v1+s22+$0x0], $0xffff  }
0x566: {  	v2 =	vld.idx.msk [tilespmem:v2+s22+$0x0], $0xffff  }
0x567: {  	v3 =	vld.idx.msk [tilespmem:v3+s22+$0x0], $0xffff  }
0x568: {  	v4 =	vld.idx.msk [tilespmem:v4+s22+$0x0], $0xffff  }
0x569: {  	v5 =	vld.idx.msk [tilespmem:v5+s22+$0x0], $0xffff;
	_ =	sdelay $0x1  }
0x56a: {  	v6 =	vld.idx.msk [tilespmem:v6+s22+$0x0], $0xffff;
	_ =	sdelay $0x1  }
0x56b: {  	v0 =	vadd.f32 v1, v0  }
0x56c: {  	v1 =	vadd.f32 v3, v2;
	v2 =	vadd.f32 v5, v4;
	v3 =	vld [tilespmem:$0x320];
	_ =	sdelay $0x1  }
0x56d: {  	v0 =	vadd.f32 v1, v0;
	v1 =	vadd.f32 v6, v2;
	_ =	sdelay $0x1  }
0x56e: {  	v0 =	vadd.f32 v1, v0;
	_ =	sdelay $0x1  }
0x56f: {  	v0 =	vmul.f32 $1.428571490e-01, v0;
	_ =	sdelay $0x1  }
0x570: {  	[tilespmem:v3+s11+$0x0] =	vst.idx.msk $0xffff, v0  }
0x571: {  	v0 =	vld [tilespmem:$0x90]  }
0x572: {  	v1 =	vld [tilespmem:$0xF0]  }
0x573: {  	v2 =	vld [tilespmem:$0x150]  }
0x574: {  	v3 =	vld [tilespmem:$0x1B0]  }
0x575: {  	v4 =	vld [tilespmem:$0x210]  }
0x576: {  	v5 =	vld [tilespmem:$0x270];
	_ =	sdelay $0x1  }
0x577: {  	v6 =	vld [tilespmem:$0x2D0]  }
0x578: {  	v0 =	vld.idx.msk [tilespmem:v0+s22+$0x0], $0xffff  }
0x579: {  	v1 =	vld.idx.msk [tilespmem:v1+s22+$0x0], $0xffff  }
0x57a: {  	v2 =	vld.idx.msk [tilespmem:v2+s22+$0x0], $0xffff  }
0x57b: {  	v3 =	vld.idx.msk [tilespmem:v3+s22+$0x0], $0xffff  }
0x57c: {  	v4 =	vld.idx.msk [tilespmem:v4+s22+$0x0], $0xffff  }
0x57d: {  	v5 =	vld.idx.msk [tilespmem:v5+s22+$0x0], $0xffff;
	_ =	sdelay $0x1  }
0x57e: {  	v6 =	vld.idx.msk [tilespmem:v6+s22+$0x0], $0xffff;
	_ =	sdelay $0x1  }
0x57f: {  	v0 =	vadd.f32 v1, v0  }
0x580: {  	v1 =	vadd.f32 v3, v2;
	v2 =	vadd.f32 v5, v4;
	v3 =	vld [tilespmem:$0x330];
	_ =	sdelay $0x1  }
0x581: {  	v0 =	vadd.f32 v1, v0;
	v1 =	vadd.f32 v6, v2;
	_ =	sdelay $0x1  }
0x582: {  	v0 =	vadd.f32 v1, v0;
	_ =	sdelay $0x1  }
0x583: {  	v0 =	vmul.f32 $1.428571490e-01, v0;
	_ =	sdelay $0x1  }
0x584: {  	[tilespmem:v3+s11+$0x0] =	vst.idx.msk $0xffff, v0  }
0x585: {  	v0 =	vld [tilespmem:$0xA0]  }
0x586: {  	v1 =	vld [tilespmem:$0x100]  }
0x587: {  	v2 =	vld [tilespmem:$0x160]  }
0x588: {  	v3 =	vld [tilespmem:$0x1C0]  }
0x589: {  	v4 =	vld [tilespmem:$0x220]  }
0x58a: {  	v5 =	vld [tilespmem:$0x280];
	_ =	sdelay $0x1  }
0x58b: {  	v6 =	vld [tilespmem:$0x2E0]  }
0x58c: {  	v0 =	vld.idx.msk [tilespmem:v0+s22+$0x0], $0xffff  }
0x58d: {  	v1 =	vld.idx.msk [tilespmem:v1+s22+$0x0], $0xffff  }
0x58e: {  	v2 =	vld.idx.msk [tilespmem:v2+s22+$0x0], $0xffff  }
0x58f: {  	v3 =	vld.idx.msk [tilespmem:v3+s22+$0x0], $0xffff  }
0x590: {  	v4 =	vld.idx.msk [tilespmem:v4+s22+$0x0], $0xffff  }
0x591: {  	v5 =	vld.idx.msk [tilespmem:v5+s22+$0x0], $0xffff;
	_ =	sdelay $0x1  }
0x592: {  	v6 =	vld.idx.msk [tilespmem:v6+s22+$0x0], $0xffff;
	_ =	sdelay $0x1  }
0x593: {  	v0 =	vadd.f32 v1, v0  }
0x594: {  	v1 =	vadd.f32 v3, v2;
	v2 =	vadd.f32 v5, v4;
	v3 =	vld [tilespmem:$0x340];
	_ =	sdelay $0x1  }
0x595: {  	v0 =	vadd.f32 v1, v0;
	v1 =	vadd.f32 v6, v2;
	_ =	sdelay $0x1  }
0x596: {  	v0 =	vadd.f32 v1, v0;
	_ =	sdelay $0x1  }
0x597: {  	v0 =	vmul.f32 $1.428571490e-01, v0;
	_ =	sdelay $0x1  }
0x598: {  	[tilespmem:v3+s11+$0x0] =	vst.idx.msk $0xffff, v0  }
0x599: {  	v0 =	vld [tilespmem:$0xB0]  }
0x59a: {  	v1 =	vld [tilespmem:$0x110]  }
0x59b: {  	v2 =	vld [tilespmem:$0x170]  }
0x59c: {  	v3 =	vld [tilespmem:$0x1D0]  }
0x59d: {  	v4 =	vld [tilespmem:$0x230]  }
0x59e: {  	v5 =	vld [tilespmem:$0x290];
	_ =	sdelay $0x1  }
0x59f: {  	v6 =	vld [tilespmem:$0x2F0]  }
0x5a0: {  	v0 =	vld.idx.msk [tilespmem:v0+s22+$0x0], $0xffff  }
0x5a1: {  	v1 =	vld.idx.msk [tilespmem:v1+s22+$0x0], $0xffff  }
0x5a2: {  	v2 =	vld.idx.msk [tilespmem:v2+s22+$0x0], $0xffff  }
0x5a3: {  	v3 =	vld.idx.msk [tilespmem:v3+s22+$0x0], $0xffff  }
0x5a4: {  	v4 =	vld.idx.msk [tilespmem:v4+s22+$0x0], $0xffff  }
0x5a5: {  	v5 =	vld.idx.msk [tilespmem:v5+s22+$0x0], $0xffff;
	_ =	sdelay $0x1  }
0x5a6: {  	v6 =	vld.idx.msk [tilespmem:v6+s22+$0x0], $0xffff;
	_ =	sdelay $0x1  }
0x5a7: {  	v0 =	vadd.f32 v1, v0  }
0x5a8: {  	v1 =	vadd.f32 v3, v2;
	v2 =	vadd.f32 v5, v4;
	v3 =	vld [tilespmem:$0x350];
	_ =	sdelay $0x1  }
0x5a9: {  	v0 =	vadd.f32 v1, v0;
	v1 =	vadd.f32 v6, v2;
	_ =	sdelay $0x1  }
0x5aa: {  	v0 =	vadd.f32 v1, v0;
	_ =	sdelay $0x1  }
0x5ab: {  	v0 =	vmul.f32 $1.428571490e-01, v0;
	_ =	sdelay $0x1  }
0x5ac: {  	[tilespmem:v3+s11+$0x0] =	vst.idx.msk $0xffff, v0;
	v0 =	vld [tilespmem:$0x1FF50];
	_ =	sdelay $0x2  }
0x5ad: {  	s15 =	sadd.s32 $0x1, s15  }
0x5ae: {  	p0 =	sne.s32 s15, $0x3C  }
.Ltmp7:
0x5af: {  	_ = 	snop;
	(pc) =	sbr.rel @p0 .LBB2_2-.Ltmp7, $4  }
0x5b0: {  	s1 =	sshll.u32 s16, $0x8  }
0x5b1: {  	s1 =	sand.u32 $0x1FFFFF00, s1;
	s6 =	rddreg [dreg:$0x5];
	v1 =	vimm.f32 $0.0e+00  }
0x5b2: {  	s1 =	sadd.s32 s6, s1;
	[tilespmem:v0+s11+$0x0] =	vst.idx.msk $0xffff, v1  }
0x5b3: {  	v57 =	vmov v50;
	v4 =	vmov v52;
	v5 =	vmov v53;
	v3 =	vld [tilespmem:$0x1FFB0];
	[hbm4b:s1+s5] =	stream.linear.scatter [tilespmem:s11], [sflag:$0x8], $0x800, $0x38  }
0x5b4: {  	s1 =	simm.s32 $0x5  }
0x5b5: {  	_ =	swait.ge [sflag:s1], $0x800  }
0x5b6: {  	[sflag:s1] =	ssyncset.done $0x0  }
0x5b7: {  	s26 =	simm.s32 $0x6;
	[sflag:s1] =	ssyncadd.s32 $0xFFFFF800  }
0x5b8: {  	_ =	swait.ge [sflag:s26], $0x800  }
0x5b9: {  	[sflag:s26] =	ssyncset.done $0x0  }
0x5ba: {  	s28 =	simm.s32 $0x7;
	[sflag:s26] =	ssyncadd.s32 $0xFFFFF800  }
0x5bb: {  	_ =	swait.ge [sflag:s28], $0x800  }
0x5bc: {  	[sflag:s28] =	ssyncset.done $0x0  }
0x5bd: {  	s6 =	simm.s32 $0x8;
	[sflag:s28] =	ssyncadd.s32 $0xFFFFF800  }
0x5be: {  	_ =	swait.ge [sflag:s6], $0x800  }
0x5bf: {  	s7 =	rddreg [dreg:$0x14]  }
0x5c0: {  	s29 =	rddreg [dreg:$0x13];
	s7 =	sadd.s32 $0x1, s7  }
0x5c1: {  	p0 =	sne.s32 s7, s29  }
.Ltmp8:
0x5c2: {  	_ = 	snop;
	(pc) =	sbr.rel @p0 .LBB2_1-.Ltmp8, $3  }
0x5c3: {  	_ =	sdelay $0x1  }
0x5c4: {  	[sflag:s6] =	ssyncset.done $0x0  }
0x5c5: {  	[sflag:s6] =	ssyncadd.s32 $0xFFFFF800  }
0x5c6: {  	_ =	sfence.sel $0x180000  }
0x5c7: {  	[bflag:$0x0] =	sbarrier.arrive $0xFFFF  }
0x5c8: {  	_ =	strace $0x90000047  }
0x5c9: {  	s0 =	stileid.u32;
	[bflag:$0x2] =	sbarrier.arrive $0xFFFF  }
0x5ca: {  	p0 =	sne.s32 s0, $0x0;
	s0 =	rddreg [dreg:$0x3]  }
0x5cb: {  	s0 =	sadd.s32 @!p0 $0x100000, s0  }
0x5cc: {  	[sflag:s0] =	ssyncadd.tile.s32 @!p0 $0x1;
	_ =	shalt  }
.Lfunc_end2:
_tile_overlayer_lowered:
.L_overlay_start_2:
0x5cd: {  	(tag) =	ssettag $0x2  }
0x5ce: {  	s0 =	rddreg [dreg:$0x0];
	s2 =	stileid.u32  }
0x5cf: {  	s1 =	rddreg [dreg:$0x1];
	p0 =	sne.s32 s2, $0x0  }
0x5d0: {  	s3 =	rddreg [dreg:$0x2];
	[bflag:$0x3] =	sbarrier.arrive $0xFFFF;
	s2 =	simm.s32 @!p0 $0x1C09  }
0x5d1: {  	[timem:s3], [sflag:s2] =	dma.local @!p0 [hbm:s0], s1  }
0x5d2: {  	s0 =	simm.s32 @!p0 $0x9  }
0x5d3: {  	_ =	swait.ge @!p0 [sflag:s0], s1  }
0x5d4: {  	s1 =	ssub.s32 @!p0 $0x0, s1;
	[sflag:s0] =	ssyncset.done @!p0 $0x0  }
0x5d5: {  	[sflag:s0] =	ssyncadd.s32 @!p0 s1  }
0x5d6: {  	[bflag:$0x3] =	sbarrier.arrive $0xFFFF  }
0x5d7: {  	_ =	shalt  }

</sc_bundles>
